<compile_context>
chip_gen: v7x
topology: tpu7x:2x2x1
jax: 0.10.2.dev20260603
libtpu: 0.0.44.dev20260713+nightly
codegen_flags: <defaults>
</compile_context>

<pallas_src>
import functools

import jax
import jax.numpy as jnp
from jax import lax
from jax.experimental import pallas as pl
from jax.experimental.pallas import tpu as pltpu
from jax.experimental.pallas import tpu_sc as plsc

_N = 10000
_E = 320000
_H = 128
_C = 2
_EPS = 1e-5

_NC = 2
_NS = 16
_NW = _NC * _NS
_L = 16

_K = 128
_G = 8
_BODY = 2 * _G
_NBODY = 5
_CPW = _BODY * _NBODY
_EPW = _CPW * _K
_EPAD = _NW * _EPW
_IROWS = _EPAD // _K
_ZR = _N // _NS
_ZROWS = 128
_NROWS = _N + _ZROWS

_mesh = plsc.VectorSubcoreMesh(core_axis_name="c", subcore_axis_name="s")


def _make_seg_sum(width, counts=False, g=_G):
  body_n = 2 * g
  nbody = _CPW // body_n
  out_type = jax.ShapeDtypeStruct((_NC * _N, width), jnp.float32)
  scratch = [
      pltpu.VMEM((g, _K), jnp.int32),
      pltpu.VMEM((g, _K), jnp.int32),
      pltpu.VMEM((g, _K), jnp.int32),
      pltpu.VMEM((g, _K), jnp.int32),
      pltpu.VMEM((_K, width), jnp.float32),
      pltpu.VMEM((_K, width), jnp.float32),
      pltpu.VMEM_SHARED((_N, width), jnp.float32),
      pltpu.SemaphoreType.DMA,
      pltpu.SemaphoreType.DMA,
      pltpu.SemaphoreType.DMA,
      pltpu.SemaphoreType.DMA,
      pltpu.SemaphoreType.DMA,
      pltpu.SemaphoreType.DMA,
  ]
  if counts:
    out_type = (out_type, jax.ShapeDtypeStruct((_NC * _N, 16), jnp.float32))
    scratch += [
        pltpu.VMEM((_K, 16), jnp.float32),
        pltpu.VMEM((_K, 16), jnp.float32),
        pltpu.VMEM_SHARED((_N, 16), jnp.float32),
        pltpu.SemaphoreType.DMA,
    ]

  @functools.partial(
      pl.kernel,
      out_type=out_type,
      mesh=_mesh,
      scratch_types=scratch,
      compiler_params=pltpu.CompilerParams(use_tc_tiling_on_sc=False),
  )
  def seg(h_hbm, src_hbm, dst_hbm, out_hbm, *rest):
    if counts:
      (cnt_hbm, srca, dsta, srcb, dstb, rows0, rows1, acc_sh, semg0, semg1,
       sems0, sems1, semia, semib, ones_v, zc_v, cnt_sh, semc) = rest
    else:
      (srca, dsta, srcb, dstb, rows0, rows1, acc_sh, semg0, semg1,
       sems0, sems1, semia, semib) = rest
    c = lax.axis_index("c")
    s = lax.axis_index("s")
    w = s * _NC + c
    rows = (rows0, rows1)
    semg = (semg0, semg1)
    sems = (sems0, sems1)

    row0 = w * _CPW
    pltpu.async_copy(src_hbm.at[pl.ds(row0, g)], srca, semia)
    pltpu.async_copy(dst_hbm.at[pl.ds(row0, g)], dsta, semia)

    def zrow(i, carry):
      for j in range(width // _L):
        rows0[i, pl.ds(j * _L, _L)] = jnp.zeros((_L,), jnp.float32)
      return carry
    lax.fori_loop(0, _K, zrow, 0)
    if counts:
      def orow(i, carry):
        ones_v[i, pl.ds(0, _L)] = jnp.ones((_L,), jnp.float32)
        zc_v[i, pl.ds(0, _L)] = jnp.zeros((_L,), jnp.float32)
        return carry
      lax.fori_loop(0, _K, orow, 0)
    zsizes = [_K] * (_ZR // _K) + ([_ZR % _K] if _ZR % _K else [])
    zdescs = []
    off = 0
    for sz in zsizes:
      zdescs.append(pltpu.async_copy(
          rows0.at[pl.ds(0, sz)], acc_sh.at[pl.ds(s * _ZR + off, sz)], sems0))
      if counts:
        zdescs.append(pltpu.async_copy(
            zc_v.at[pl.ds(0, sz)], cnt_sh.at[pl.ds(s * _ZR + off, sz)], sems0))
      off += sz
    for d in zdescs:
      d.wait()
    plsc.subcore_barrier()

    def body(m, carry):
      base = row0 + m * body_n
      pltpu.make_async_copy(src_hbm.at[pl.ds(base, g)], srca, semia).wait()
      pltpu.make_async_copy(dst_hbm.at[pl.ds(base, g)], dsta, semia).wait()
      pltpu.async_copy(src_hbm.at[pl.ds(base + g, g)], srcb, semib)
      pltpu.async_copy(dst_hbm.at[pl.ds(base + g, g)], dstb, semib)

      descs_g = [None] * body_n
      descs_s = [None] * body_n
      descs_c = [None] * body_n
      descs_g[0] = pltpu.async_copy(h_hbm.at[srca.at[0]], rows0, semg0)
      for j in range(body_n):
        sl = j % 2
        descs_g[j].wait()
        didx = dsta if j < g else dstb
        descs_s[j] = pltpu.async_copy(
            rows[sl], acc_sh.at[didx.at[j % g]], sems[sl], add=True)
        if counts:
          descs_c[j] = pltpu.async_copy(
              ones_v, cnt_sh.at[didx.at[j % g]], semc, add=True)
        if j + 1 < body_n:
          if j + 1 == g:
            pltpu.make_async_copy(
                src_hbm.at[pl.ds(base + g, g)], srcb, semib).wait()
            pltpu.make_async_copy(
                dst_hbm.at[pl.ds(base + g, g)], dstb, semib).wait()
          if j >= 1:
            descs_s[j - 1].wait()
          nsrc = srca if j + 1 < g else srcb
          descs_g[j + 1] = pltpu.async_copy(
              h_hbm.at[nsrc.at[(j + 1) % g]], rows[1 - sl], semg[1 - sl])
        if j == body_n - 1:
          nbase = lax.rem(base + body_n, _IROWS)
          pltpu.async_copy(src_hbm.at[pl.ds(nbase, g)], srca, semia)
          pltpu.async_copy(dst_hbm.at[pl.ds(nbase, g)], dsta, semia)
      descs_s[body_n - 2].wait()
      descs_s[body_n - 1].wait()
      if counts:
        for j in range(body_n):
          descs_c[j].wait()
      return carry

    lax.fori_loop(0, nbody, body, 0)
    pltpu.make_async_copy(src_hbm.at[pl.ds(row0, g)], srca, semia).wait()
    pltpu.make_async_copy(dst_hbm.at[pl.ds(row0, g)], dsta, semia).wait()
    plsc.subcore_barrier()

    odescs = []
    off = 0
    for sz in zsizes:
      odescs.append(pltpu.async_copy(
          acc_sh.at[pl.ds(s * _ZR + off, sz)],
          out_hbm.at[pl.ds(c * _N + s * _ZR + off, sz)], sems1))
      if counts:
        odescs.append(pltpu.async_copy(
            cnt_sh.at[pl.ds(s * _ZR + off, sz)],
            cnt_hbm.at[pl.ds(c * _N + s * _ZR + off, sz)], sems1))
      off += sz
    for d in odescs:
      d.wait()

  return seg


_seg_sum0 = _make_seg_sum(_H, counts=True, g=4)
_seg_sum = _make_seg_sum(_H)


def _bn_relu(t, g, b):
  mu = jnp.mean(t, axis=0, keepdims=True)
  d = t - mu
  var = jnp.mean(d * d, axis=0, keepdims=True)
  h = d * lax.rsqrt(var + _EPS) * g + b
  return jnp.maximum(h, 0.0)


def _tc_layer0(partials_ref, cnt_ref, x_ref, wl_ref, bl_ref, wr_ref, g_ref,
               b_ref, wproj_ref, h_out, icnt_out):
  p = partials_ref[...]
  psum = p[0:_N, :] + p[_N:2 * _N, :]
  cnt = cnt_ref[0:_N, 0:1] + cnt_ref[_N:2 * _N, 0:1]
  rowid = lax.broadcasted_iota(jnp.int32, (_N, 1), 0)
  cnt = cnt - jnp.where(rowid < _EPAD - _E, 1.0, 0.0)
  inv = 1.0 / jnp.maximum(cnt, 1.0)
  icnt_out[...] = inv
  mean = psum * inv
  x = x_ref[0:_N, 0:_H]
  t = (jnp.dot(mean, wl_ref[...], preferred_element_type=jnp.float32)
       + bl_ref[...]
       + jnp.dot(x, wr_ref[...], preferred_element_type=jnp.float32))
  h = _bn_relu(t, g_ref[...], b_ref[...])
  h = h + jnp.dot(x, wproj_ref[...], preferred_element_type=jnp.float32)
  h_out[0:_N, :] = h
  h_out[_N:_NROWS, :] = jnp.zeros((_ZROWS, _H), jnp.float32)


def _tc_layer1(partials_ref, h_ref, icnt_ref, wl_ref, bl_ref, wr_ref, g_ref,
               b_ref, h_out):
  p = partials_ref[...]
  psum = p[0:_N, :] + p[_N:2 * _N, :]
  mean = psum * icnt_ref[...]
  h_in = h_ref[0:_N, :]
  t = (jnp.dot(mean, wl_ref[...], preferred_element_type=jnp.float32)
       + bl_ref[...]
       + jnp.dot(h_in, wr_ref[...], preferred_element_type=jnp.float32))
  h = _bn_relu(t, g_ref[...], b_ref[...]) + h_in
  h_out[0:_N, :] = h
  h_out[_N:_NROWS, :] = jnp.zeros((_ZROWS, _H), jnp.float32)


def _tc_layer2(partials_ref, h_ref, icnt_ref, wl_ref, bl_ref, wr_ref, g_ref,
               b_ref, wcls_ref, bcls_ref, out_ref):
  p = partials_ref[...]
  psum = p[0:_N, :] + p[_N:2 * _N, :]
  mean = psum * icnt_ref[...]
  h_in = h_ref[0:_N, :]
  t = (jnp.dot(mean, wl_ref[...], preferred_element_type=jnp.float32)
       + bl_ref[...]
       + jnp.dot(h_in, wr_ref[...], preferred_element_type=jnp.float32))
  h = _bn_relu(t, g_ref[...], b_ref[...]) + h_in
  out_ref[...] = (jnp.dot(h, wcls_ref[...], preferred_element_type=jnp.float32)
                  + bcls_ref[...])


def kernel(x, edge_index, W_l0, b_l0, W_r0, gamma0, beta0, W_l1, b_l1, W_r1,
           gamma1, beta1, W_l2, b_l2, W_r2, gamma2, beta2, W_proj, W_cls,
           b_cls):
  src = edge_index[0]
  dst = edge_index[1]
  npad = _EPAD - _E
  pad_ids = jnp.arange(npad, dtype=jnp.int32)
  src_pad = jnp.concatenate([src, _N + pad_ids % _ZROWS]).reshape(_IROWS, _K)
  dst_pad = jnp.concatenate([dst, pad_ids % _N]).reshape(_IROWS, _K)

  x_pad = jnp.concatenate([x, jnp.zeros((_ZROWS, _H), jnp.float32)], axis=0)

  partials0, cnt = _seg_sum0(x_pad, src_pad, dst_pad)
  h1, inv_cnt = pl.pallas_call(
      _tc_layer0,
      out_shape=(jax.ShapeDtypeStruct((_NROWS, _H), jnp.float32),
                 jax.ShapeDtypeStruct((_N, 1), jnp.float32)),
  )(partials0, cnt, x_pad, W_l0, b_l0, W_r0, gamma0, beta0, W_proj)

  partials1 = _seg_sum(h1, src_pad, dst_pad)
  h2 = pl.pallas_call(
      _tc_layer1, out_shape=jax.ShapeDtypeStruct((_NROWS, _H), jnp.float32),
  )(partials1, h1, inv_cnt, W_l1, b_l1, W_r1, gamma1, beta1)

  partials2 = _seg_sum(h2, src_pad, dst_pad)
  out = pl.pallas_call(
      _tc_layer2, out_shape=jax.ShapeDtypeStruct((_N, _C), jnp.float32),
  )(partials2, h2, inv_cnt, W_l2, b_l2, W_r2, gamma2, beta2, W_cls, b_cls)
  return out

# --- scband reference (transcript-rebuilt; emitter-appended) ---
"""Pipeline reference for scband-graph-sagemodel-60790967107705 (READ-ONLY COPY).

The authoritative reference and input builder live on the scoring server;
editing this copy changes nothing except your own understanding.
"""

import jax, jax.numpy as jnp
import numpy as np

N = 10000
E = 320000
D = 128
H = 128
C = 2
NUM_LAYERS = 3
EPS = 1e-5


def setup_inputs(seed: int = 0) -> dict:
    key = jax.random.key(seed)
    ks = jax.random.split(key, 40)
    inp = {}
    inp['x'] = jax.random.normal(ks[0], (N, D), dtype=jnp.float32)
    inp['edge_index'] = jax.random.randint(ks[1], (2, E), 0, N, dtype=jnp.int32)
    k = 2
    for i in range(NUM_LAYERS):
        in_ch = D if i == 0 else H
        inp[f'W_l{i}'] = jax.random.normal(ks[k], (in_ch, H), dtype=jnp.float32) * 0.05; k += 1
        inp[f'b_l{i}'] = jnp.zeros((H,), dtype=jnp.float32)
        inp[f'W_r{i}'] = jax.random.normal(ks[k], (in_ch, H), dtype=jnp.float32) * 0.05; k += 1
        inp[f'gamma{i}'] = jnp.ones((H,), dtype=jnp.float32)
        inp[f'beta{i}'] = jnp.zeros((H,), dtype=jnp.float32)
    inp['W_proj'] = jax.random.normal(ks[k], (D, H), dtype=jnp.float32) * 0.05; k += 1
    inp['W_cls'] = jax.random.normal(ks[k], (H, C), dtype=jnp.float32) * 0.05; k += 1
    inp['b_cls'] = jnp.zeros((C,), dtype=jnp.float32)
    return inp


def _sage_conv(x, src, dst, W_l, b_l, W_r):
    # PyG SAGEConv (mean aggr): out = lin_l(mean_{j in N(i)} x_j) + lin_r(x_i)
    msgs = jnp.take(x, src, axis=0)
    agg = jax.ops.segment_sum(msgs, dst, num_segments=N)
    cnt = jax.ops.segment_sum(jnp.ones((src.shape[0],), dtype=x.dtype), dst, num_segments=N)
    mean = agg / jnp.clip(cnt, 1.0, None)[:, None]
    return mean @ W_l + b_l + x @ W_r


def _batchnorm(x, gamma, beta):
    mu = jnp.mean(x, axis=0)
    var = jnp.var(x, axis=0)
    return (x - mu) / jnp.sqrt(var + EPS) * gamma + beta


def reference(x, edge_index, W_l0, b_l0, W_r0, gamma0, beta0, W_l1, b_l1, W_r1, gamma1, beta1, W_l2, b_l2, W_r2, gamma2, beta2, W_proj, W_cls, b_cls):
    src = edge_index[0]
    dst = edge_index[1]
    Wls = [W_l0, W_l1, W_l2]
    bls = [b_l0, b_l1, b_l2]
    Wrs = [W_r0, W_r1, W_r2]
    gs = [gamma0, gamma1, gamma2]
    bs = [beta0, beta1, beta2]
    h = x
    for i in range(NUM_LAYERS):
        h_in = h
        h = _sage_conv(h, src, dst, Wls[i], bls[i], Wrs[i])
        h = _batchnorm(h, gs[i], bs[i])
        h = jax.nn.relu(h)
        if i == 0:
            h = h + h_in @ W_proj
        else:
            h = h + h_in
        # dropout: identity (eval-mode determinism)
    return h @ W_cls + b_cls

if __name__ == "__main__":
    import jax
    _d = setup_inputs()
    print(jax.jit(kernel)(*tuple(_d.values())))

</pallas_src>

<mosaic_0001>
#map = affine_map<(d0, d1) -> (0, 0)>
module attributes {stable_mosaic.version = 14 : i64} {
  func.func @seg(%arg0: i32, %arg1: i32, %arg2: memref<10128x128xf32, #tpu.memory_space<hbm>>, %arg3: memref<2560x128xi32, #tpu.memory_space<hbm>>, %arg4: memref<2560x128xi32, #tpu.memory_space<hbm>>, %arg5: memref<20000x128xf32, #tpu.memory_space<hbm>>, %arg6: memref<8x128xi32, #tpu.memory_space<vmem>>, %arg7: memref<8x128xi32, #tpu.memory_space<vmem>>, %arg8: memref<8x128xi32, #tpu.memory_space<vmem>>, %arg9: memref<8x128xi32, #tpu.memory_space<vmem>>, %arg10: memref<128x128xf32, #tpu.memory_space<vmem>>, %arg11: memref<128x128xf32, #tpu.memory_space<vmem>>, %arg12: memref<10000x128xf32, #tpu.memory_space<vmem_shared>>, %arg13: memref<!tpu.dma_semaphore, #tpu.memory_space<semaphore_mem>>, %arg14: memref<!tpu.dma_semaphore, #tpu.memory_space<semaphore_mem>>, %arg15: memref<!tpu.dma_semaphore, #tpu.memory_space<semaphore_mem>>, %arg16: memref<!tpu.dma_semaphore, #tpu.memory_space<semaphore_mem>>, %arg17: memref<!tpu.dma_semaphore, #tpu.memory_space<semaphore_mem>>, %arg18: memref<!tpu.dma_semaphore, #tpu.memory_space<semaphore_mem>>) attributes {dimension_semantics = [#tpu.dimension_semantics<core_parallel>, #tpu.dimension_semantics<subcore_parallel>], iteration_bounds = array<i64: 2, 16>, scalar_prefetch = 0 : i64, scratch_operands = 13 : i64, tpu.core_type = #tpu.core_type<sc_vector_subcore>, window_params = [{transform_indices = #map}, {transform_indices = #map}, {transform_indices = #map}, {transform_indices = #map}]} {
    %mul3A = arith.constant 2 : i32
    %mul3A_0 = arith.muli %arg1, %mul3A : i32
    %add3A = arith.addi %mul3A_0, %arg0 : i32
    %mul3A_1 = arith.constant 80 : i32
    %mul3A_2 = arith.muli %add3A, %mul3A_1 : i32
    %dma_start3A = arith.constant 0 : i32
    %dma_start3A_3 = tpu.memref_slice %arg3[%mul3A_2, %dma_start3A] : memref<2560x128xi32, #tpu.memory_space<hbm>> -> memref<8x128xi32, #tpu.memory_space<hbm>>
    %dma_start3A_4 = arith.constant 0 : i32
    %dma_start3A_5 = tpu.memref_slice %arg3[%mul3A_2, %dma_start3A_4] : memref<2560x128xi32, #tpu.memory_space<hbm>> -> memref<8x128xi32, #tpu.memory_space<hbm>>
    tpu.enqueue_dma source(%dma_start3A_5 : memref<8x128xi32, #tpu.memory_space<hbm>>) target(%arg6 : memref<8x128xi32, #tpu.memory_space<vmem>>) target_semaphore(%arg17 : memref<!tpu.dma_semaphore, #tpu.memory_space<semaphore_mem>>)
    %dma_start3A_6 = arith.constant 0 : i32
    %dma_start3A_7 = tpu.memref_slice %arg4[%mul3A_2, %dma_start3A_6] : memref<2560x128xi32, #tpu.memory_space<hbm>> -> memref<8x128xi32, #tpu.memory_space<hbm>>
    %dma_start3A_8 = arith.constant 0 : i32
    %dma_start3A_9 = tpu.memref_slice %arg4[%mul3A_2, %dma_start3A_8] : memref<2560x128xi32, #tpu.memory_space<hbm>> -> memref<8x128xi32, #tpu.memory_space<hbm>>
    tpu.enqueue_dma source(%dma_start3A_9 : memref<8x128xi32, #tpu.memory_space<hbm>>) target(%arg7 : memref<8x128xi32, #tpu.memory_space<vmem>>) target_semaphore(%arg17 : memref<!tpu.dma_semaphore, #tpu.memory_space<semaphore_mem>>)
    %scan3A = arith.constant 0 : i32
    %scan3A_10 = arith.constant 0 : i32
    %scan3A_11 = arith.constant 128 : i32
    %scan3A_12 = arith.addi %scan3A_10, %scan3A_11 : i32
    %scan3A_13 = arith.constant 1 : i32
    scf.for %scan3A_244 = %scan3A_10 to %scan3A_12 step %scan3A_13  : i32 {
      %broadcast_in_dim3A = arith.constant 0.000000e+00 : f32
      %broadcast_in_dim3A_245 = vector.broadcast %broadcast_in_dim3A : f32 to vector<16xf32>
      %swap3A = arith.index_cast %scan3A_244 : i32 to index
      %swap3A_246 = arith.constant 0 : index
      %swap3A_247 = tpu.vector_load %arg10[%swap3A, %swap3A_246] {strides = array<i32>} : memref<128x128xf32, #tpu.memory_space<vmem>>, vector<1x16xf32>,
      %swap3A_248 = vector.shape_cast %swap3A_247 : vector<1x16xf32> to vector<16xf32>
      %swap3A_249 = vector.shape_cast %broadcast_in_dim3A_245 : vector<16xf32> to vector<1x16xf32>
      tpu.vector_store %arg10[%swap3A, %swap3A_246], %swap3A_249 {strides = array<i32>} : memref<128x128xf32, #tpu.memory_space<vmem>>, vector<1x16xf32>,
      %broadcast_in_dim3A_250 = arith.constant 0.000000e+00 : f32
      %broadcast_in_dim3A_251 = vector.broadcast %broadcast_in_dim3A_250 : f32 to vector<16xf32>
      %swap3A_252 = arith.index_cast %scan3A_244 : i32 to index
      %swap3A_253 = arith.constant 16 : index
      %swap3A_254 = tpu.vector_load %arg10[%swap3A_252, %swap3A_253] {strides = array<i32>} : memref<128x128xf32, #tpu.memory_space<vmem>>, vector<1x16xf32>,
      %swap3A_255 = vector.shape_cast %swap3A_254 : vector<1x16xf32> to vector<16xf32>
      %swap3A_256 = vector.shape_cast %broadcast_in_dim3A_251 : vector<16xf32> to vector<1x16xf32>
      tpu.vector_store %arg10[%swap3A_252, %swap3A_253], %swap3A_256 {strides = array<i32>} : memref<128x128xf32, #tpu.memory_space<vmem>>, vector<1x16xf32>,
      %broadcast_in_dim3A_257 = arith.constant 0.000000e+00 : f32
      %broadcast_in_dim3A_258 = vector.broadcast %broadcast_in_dim3A_257 : f32 to vector<16xf32>
      %swap3A_259 = arith.index_cast %scan3A_244 : i32 to index
      %swap3A_260 = arith.constant 32 : index
      %swap3A_261 = tpu.vector_load %arg10[%swap3A_259, %swap3A_260] {strides = array<i32>} : memref<128x128xf32, #tpu.memory_space<vmem>>, vector<1x16xf32>,
      %swap3A_262 = vector.shape_cast %swap3A_261 : vector<1x16xf32> to vector<16xf32>
      %swap3A_263 = vector.shape_cast %broadcast_in_dim3A_258 : vector<16xf32> to vector<1x16xf32>
      tpu.vector_store %arg10[%swap3A_259, %swap3A_260], %swap3A_263 {strides = array<i32>} : memref<128x128xf32, #tpu.memory_space<vmem>>, vector<1x16xf32>,
      %broadcast_in_dim3A_264 = arith.constant 0.000000e+00 : f32
      %broadcast_in_dim3A_265 = vector.broadcast %broadcast_in_dim3A_264 : f32 to vector<16xf32>
      %swap3A_266 = arith.index_cast %scan3A_244 : i32 to index
      %swap3A_267 = arith.constant 48 : index
      %swap3A_268 = tpu.vector_load %arg10[%swap3A_266, %swap3A_267] {strides = array<i32>} : memref<128x128xf32, #tpu.memory_space<vmem>>, vector<1x16xf32>,
      %swap3A_269 = vector.shape_cast %swap3A_268 : vector<1x16xf32> to vector<16xf32>
      %swap3A_270 = vector.shape_cast %broadcast_in_dim3A_265 : vector<16xf32> to vector<1x16xf32>
      tpu.vector_store %arg10[%swap3A_266, %swap3A_267], %swap3A_270 {strides = array<i32>} : memref<128x128xf32, #tpu.memory_space<vmem>>, vector<1x16xf32>,
      %broadcast_in_dim3A_271 = arith.constant 0.000000e+00 : f32
      %broadcast_in_dim3A_272 = vector.broadcast %broadcast_in_dim3A_271 : f32 to vector<16xf32>
      %swap3A_273 = arith.index_cast %scan3A_244 : i32 to index
      %swap3A_274 = arith.constant 64 : index
      %swap3A_275 = tpu.vector_load %arg10[%swap3A_273, %swap3A_274] {strides = array<i32>} : memref<128x128xf32, #tpu.memory_space<vmem>>, vector<1x16xf32>,
      %swap3A_276 = vector.shape_cast %swap3A_275 : vector<1x16xf32> to vector<16xf32>
      %swap3A_277 = vector.shape_cast %broadcast_in_dim3A_272 : vector<16xf32> to vector<1x16xf32>
      tpu.vector_store %arg10[%swap3A_273, %swap3A_274], %swap3A_277 {strides = array<i32>} : memref<128x128xf32, #tpu.memory_space<vmem>>, vector<1x16xf32>,
      %broadcast_in_dim3A_278 = arith.constant 0.000000e+00 : f32
      %broadcast_in_dim3A_279 = vector.broadcast %broadcast_in_dim3A_278 : f32 to vector<16xf32>
      %swap3A_280 = arith.index_cast %scan3A_244 : i32 to index
      %swap3A_281 = arith.constant 80 : index
      %swap3A_282 = tpu.vector_load %arg10[%swap3A_280, %swap3A_281] {strides = array<i32>} : memref<128x128xf32, #tpu.memory_space<vmem>>, vector<1x16xf32>,
      %swap3A_283 = vector.shape_cast %swap3A_282 : vector<1x16xf32> to vector<16xf32>
      %swap3A_284 = vector.shape_cast %broadcast_in_dim3A_279 : vector<16xf32> to vector<1x16xf32>
      tpu.vector_store %arg10[%swap3A_280, %swap3A_281], %swap3A_284 {strides = array<i32>} : memref<128x128xf32, #tpu.memory_space<vmem>>, vector<1x16xf32>,
      %broadcast_in_dim3A_285 = arith.constant 0.000000e+00 : f32
      %broadcast_in_dim3A_286 = vector.broadcast %broadcast_in_dim3A_285 : f32 to vector<16xf32>
      %swap3A_287 = arith.index_cast %scan3A_244 : i32 to index
      %swap3A_288 = arith.constant 96 : index
      %swap3A_289 = tpu.vector_load %arg10[%swap3A_287, %swap3A_288] {strides = array<i32>} : memref<128x128xf32, #tpu.memory_space<vmem>>, vector<1x16xf32>,
      %swap3A_290 = vector.shape_cast %swap3A_289 : vector<1x16xf32> to vector<16xf32>
      %swap3A_291 = vector.shape_cast %broadcast_in_dim3A_286 : vector<16xf32> to vector<1x16xf32>
      tpu.vector_store %arg10[%swap3A_287, %swap3A_288], %swap3A_291 {strides = array<i32>} : memref<128x128xf32, #tpu.memory_space<vmem>>, vector<1x16xf32>,
      %broadcast_in_dim3A_292 = arith.constant 0.000000e+00 : f32
      %broadcast_in_dim3A_293 = vector.broadcast %broadcast_in_dim3A_292 : f32 to vector<16xf32>
      %swap3A_294 = arith.index_cast %scan3A_244 : i32 to index
      %swap3A_295 = arith.constant 112 : index
      %swap3A_296 = tpu.vector_load %arg10[%swap3A_294, %swap3A_295] {strides = array<i32>} : memref<128x128xf32, #tpu.memory_space<vmem>>, vector<1x16xf32>,
      %swap3A_297 = vector.shape_cast %swap3A_296 : vector<1x16xf32> to vector<16xf32>
      %swap3A_298 = vector.shape_cast %broadcast_in_dim3A_293 : vector<16xf32> to vector<1x16xf32>
      tpu.vector_store %arg10[%swap3A_294, %swap3A_295], %swap3A_298 {strides = array<i32>} : memref<128x128xf32, #tpu.memory_space<vmem>>, vector<1x16xf32>,
    }
    %scan3A_14 = arith.constant 128 : i32
    %mul3A_15 = arith.constant 625 : i32
    %mul3A_16 = arith.muli %arg1, %mul3A_15 : i32
    %add3A_17 = arith.constant 0 : i32
    %add3A_18 = arith.addi %mul3A_16, %add3A_17 : i32
    %dma_start3A_19 = arith.constant 0 : i32
    %dma_start3A_20 = arith.constant 0 : i32
    %dma_start3A_21 = tpu.memref_slice %arg10[%dma_start3A_19, %dma_start3A_20] : memref<128x128xf32, #tpu.memory_space<vmem>> -> memref<128x128xf32, #tpu.memory_space<vmem>>
    %dma_start3A_22 = arith.constant 0 : i32
    %dma_start3A_23 = tpu.memref_slice %arg12[%add3A_18, %dma_start3A_22] : memref<10000x128xf32, #tpu.memory_space<vmem_shared>> -> memref<128x128xf32, #tpu.memory_space<vmem_shared>>
    %dma_start3A_24 = arith.constant 0 : i32
    %dma_start3A_25 = tpu.memref_slice %arg12[%add3A_18, %dma_start3A_24] : memref<10000x128xf32, #tpu.memory_space<vmem_shared>> -> memref<128x128xf32, #tpu.memory_space<vmem_shared>>
    %dma_start3A_26 = arith.constant 0 : i32
    %dma_start3A_27 = arith.constant 0 : i32
    %dma_start3A_28 = tpu.memref_slice %arg10[%dma_start3A_26, %dma_start3A_27] : memref<128x128xf32, #tpu.memory_space<vmem>> -> memref<128x128xf32, #tpu.memory_space<vmem>>
    tpu.enqueue_dma source(%dma_start3A_28 : memref<128x128xf32, #tpu.memory_space<vmem>>) target(%dma_start3A_25 : memref<128x128xf32, #tpu.memory_space<vmem_shared>>) target_semaphore(%arg15 : memref<!tpu.dma_semaphore, #tpu.memory_space<semaphore_mem>>)
    %mul3A_29 = arith.constant 625 : i32
    %mul3A_30 = arith.muli %arg1, %mul3A_29 : i32
    %add3A_31 = arith.constant 128 : i32
    %add3A_32 = arith.addi %mul3A_30, %add3A_31 : i32
    %dma_start3A_33 = arith.constant 0 : i32
    %dma_start3A_34 = arith.constant 0 : i32
    %dma_start3A_35 = tpu.memref_slice %arg10[%dma_start3A_33, %dma_start3A_34] : memref<128x128xf32, #tpu.memory_space<vmem>> -> memref<128x128xf32, #tpu.memory_space<vmem>>
    %dma_start3A_36 = arith.constant 0 : i32
    %dma_start3A_37 = tpu.memref_slice %arg12[%add3A_32, %dma_start3A_36] : memref<10000x128xf32, #tpu.memory_space<vmem_shared>> -> memref<128x128xf32, #tpu.memory_space<vmem_shared>>
    %dma_start3A_38 = arith.constant 0 : i32
    %dma_start3A_39 = tpu.memref_slice %arg12[%add3A_32, %dma_start3A_38] : memref<10000x128xf32, #tpu.memory_space<vmem_shared>> -> memref<128x128xf32, #tpu.memory_space<vmem_shared>>
    %dma_start3A_40 = arith.constant 0 : i32
    %dma_start3A_41 = arith.constant 0 : i32
    %dma_start3A_42 = tpu.memref_slice %arg10[%dma_start3A_40, %dma_start3A_41] : memref<128x128xf32, #tpu.memory_space<vmem>> -> memref<128x128xf32, #tpu.memory_space<vmem>>
    tpu.enqueue_dma source(%dma_start3A_42 : memref<128x128xf32, #tpu.memory_space<vmem>>) target(%dma_start3A_39 : memref<128x128xf32, #tpu.memory_space<vmem_shared>>) target_semaphore(%arg15 : memref<!tpu.dma_semaphore, #tpu.memory_space<semaphore_mem>>)
    %mul3A_43 = arith.constant 625 : i32
    %mul3A_44 = arith.muli %arg1, %mul3A_43 : i32
    %add3A_45 = arith.constant 256 : i32
    %add3A_46 = arith.addi %mul3A_44, %add3A_45 : i32
    %dma_start3A_47 = arith.constant 0 : i32
    %dma_start3A_48 = arith.constant 0 : i32
    %dma_start3A_49 = tpu.memref_slice %arg10[%dma_start3A_47, %dma_start3A_48] : memref<128x128xf32, #tpu.memory_space<vmem>> -> memref<128x128xf32, #tpu.memory_space<vmem>>
    %dma_start3A_50 = arith.constant 0 : i32
    %dma_start3A_51 = tpu.memref_slice %arg12[%add3A_46, %dma_start3A_50] : memref<10000x128xf32, #tpu.memory_space<vmem_shared>> -> memref<128x128xf32, #tpu.memory_space<vmem_shared>>
    %dma_start3A_52 = arith.constant 0 : i32
    %dma_start3A_53 = tpu.memref_slice %arg12[%add3A_46, %dma_start3A_52] : memref<10000x128xf32, #tpu.memory_space<vmem_shared>> -> memref<128x128xf32, #tpu.memory_space<vmem_shared>>
    %dma_start3A_54 = arith.constant 0 : i32
    %dma_start3A_55 = arith.constant 0 : i32
    %dma_start3A_56 = tpu.memref_slice %arg10[%dma_start3A_54, %dma_start3A_55] : memref<128x128xf32, #tpu.memory_space<vmem>> -> memref<128x128xf32, #tpu.memory_space<vmem>>
    tpu.enqueue_dma source(%dma_start3A_56 : memref<128x128xf32, #tpu.memory_space<vmem>>) target(%dma_start3A_53 : memref<128x128xf32, #tpu.memory_space<vmem_shared>>) target_semaphore(%arg15 : memref<!tpu.dma_semaphore, #tpu.memory_space<semaphore_mem>>)
    %mul3A_57 = arith.constant 625 : i32
    %mul3A_58 = arith.muli %arg1, %mul3A_57 : i32
    %add3A_59 = arith.constant 384 : i32
    %add3A_60 = arith.addi %mul3A_58, %add3A_59 : i32
    %dma_start3A_61 = arith.constant 0 : i32
    %dma_start3A_62 = arith.constant 0 : i32
    %dma_start3A_63 = tpu.memref_slice %arg10[%dma_start3A_61, %dma_start3A_62] : memref<128x128xf32, #tpu.memory_space<vmem>> -> memref<128x128xf32, #tpu.memory_space<vmem>>
    %dma_start3A_64 = arith.constant 0 : i32
    %dma_start3A_65 = tpu.memref_slice %arg12[%add3A_60, %dma_start3A_64] : memref<10000x128xf32, #tpu.memory_space<vmem_shared>> -> memref<128x128xf32, #tpu.memory_space<vmem_shared>>
    %dma_start3A_66 = arith.constant 0 : i32
    %dma_start3A_67 = tpu.memref_slice %arg12[%add3A_60, %dma_start3A_66] : memref<10000x128xf32, #tpu.memory_space<vmem_shared>> -> memref<128x128xf32, #tpu.memory_space<vmem_shared>>
    %dma_start3A_68 = arith.constant 0 : i32
    %dma_start3A_69 = arith.constant 0 : i32
    %dma_start3A_70 = tpu.memref_slice %arg10[%dma_start3A_68, %dma_start3A_69] : memref<128x128xf32, #tpu.memory_space<vmem>> -> memref<128x128xf32, #tpu.memory_space<vmem>>
    tpu.enqueue_dma source(%dma_start3A_70 : memref<128x128xf32, #tpu.memory_space<vmem>>) target(%dma_start3A_67 : memref<128x128xf32, #tpu.memory_space<vmem_shared>>) target_semaphore(%arg15 : memref<!tpu.dma_semaphore, #tpu.memory_space<semaphore_mem>>)
    %mul3A_71 = arith.constant 625 : i32
    %mul3A_72 = arith.muli %arg1, %mul3A_71 : i32
    %add3A_73 = arith.constant 512 : i32
    %add3A_74 = arith.addi %mul3A_72, %add3A_73 : i32
    %dma_start3A_75 = arith.constant 0 : i32
    %dma_start3A_76 = arith.constant 0 : i32
    %dma_start3A_77 = tpu.memref_slice %arg10[%dma_start3A_75, %dma_start3A_76] : memref<128x128xf32, #tpu.memory_space<vmem>> -> memref<113x128xf32, #tpu.memory_space<vmem>>
    %dma_start3A_78 = arith.constant 0 : i32
    %dma_start3A_79 = tpu.memref_slice %arg12[%add3A_74, %dma_start3A_78] : memref<10000x128xf32, #tpu.memory_space<vmem_shared>> -> memref<113x128xf32, #tpu.memory_space<vmem_shared>>
    %dma_start3A_80 = arith.constant 0 : i32
    %dma_start3A_81 = tpu.memref_slice %arg12[%add3A_74, %dma_start3A_80] : memref<10000x128xf32, #tpu.memory_space<vmem_shared>> -> memref<113x128xf32, #tpu.memory_space<vmem_shared>>
    %dma_start3A_82 = arith.constant 0 : i32
    %dma_start3A_83 = arith.constant 0 : i32
    %dma_start3A_84 = tpu.memref_slice %arg10[%dma_start3A_82, %dma_start3A_83] : memref<128x128xf32, #tpu.memory_space<vmem>> -> memref<113x128xf32, #tpu.memory_space<vmem>>
    tpu.enqueue_dma source(%dma_start3A_84 : memref<113x128xf32, #tpu.memory_space<vmem>>) target(%dma_start3A_81 : memref<113x128xf32, #tpu.memory_space<vmem_shared>>) target_semaphore(%arg15 : memref<!tpu.dma_semaphore, #tpu.memory_space<semaphore_mem>>)
    %dma_wait3A = arith.constant 0 : i32
    %dma_wait3A_85 = arith.constant 0 : i32
    %dma_wait3A_86 = tpu.memref_slice %arg10[%dma_wait3A, %dma_wait3A_85] : memref<128x128xf32, #tpu.memory_space<vmem>> -> memref<128x128xf32, #tpu.memory_space<vmem>>
    %dma_wait3A_87 = arith.constant 0 : i32
    %dma_wait3A_88 = tpu.memref_slice %arg12[%add3A_18, %dma_wait3A_87] : memref<10000x128xf32, #tpu.memory_space<vmem_shared>> -> memref<128x128xf32, #tpu.memory_space<vmem_shared>>
    %dma_wait3A_89 = arith.constant 0 : i32
    %dma_wait3A_90 = tpu.memref_slice %arg12[%add3A_18, %dma_wait3A_89] : memref<10000x128xf32, #tpu.memory_space<vmem_shared>> -> memref<128x128xf32, #tpu.memory_space<vmem_shared>>
    %dma_wait3A_91 = arith.constant 0 : i32
    %dma_wait3A_92 = arith.constant 0 : i32
    %dma_wait3A_93 = tpu.memref_slice %arg10[%dma_wait3A_91, %dma_wait3A_92] : memref<128x128xf32, #tpu.memory_space<vmem>> -> memref<128x128xf32, #tpu.memory_space<vmem>>
    tpu.wait_dma2 semaphore(%arg15 : memref<!tpu.dma_semaphore, #tpu.memory_space<semaphore_mem>>) src(%dma_wait3A_93 : memref<128x128xf32, #tpu.memory_space<vmem>>) dst(%dma_wait3A_90 : memref<128x128xf32, #tpu.memory_space<vmem_shared>>)
    %dma_wait3A_94 = arith.constant 0 : i32
    %dma_wait3A_95 = arith.constant 0 : i32
    %dma_wait3A_96 = tpu.memref_slice %arg10[%dma_wait3A_94, %dma_wait3A_95] : memref<128x128xf32, #tpu.memory_space<vmem>> -> memref<128x128xf32, #tpu.memory_space<vmem>>
    %dma_wait3A_97 = arith.constant 0 : i32
    %dma_wait3A_98 = tpu.memref_slice %arg12[%add3A_32, %dma_wait3A_97] : memref<10000x128xf32, #tpu.memory_space<vmem_shared>> -> memref<128x128xf32, #tpu.memory_space<vmem_shared>>
    %dma_wait3A_99 = arith.constant 0 : i32
    %dma_wait3A_100 = tpu.memref_slice %arg12[%add3A_32, %dma_wait3A_99] : memref<10000x128xf32, #tpu.memory_space<vmem_shared>> -> memref<128x128xf32, #tpu.memory_space<vmem_shared>>
    %dma_wait3A_101 = arith.constant 0 : i32
    %dma_wait3A_102 = arith.constant 0 : i32
    %dma_wait3A_103 = tpu.memref_slice %arg10[%dma_wait3A_101, %dma_wait3A_102] : memref<128x128xf32, #tpu.memory_space<vmem>> -> memref<128x128xf32, #tpu.memory_space<vmem>>
    tpu.wait_dma2 semaphore(%arg15 : memref<!tpu.dma_semaphore, #tpu.memory_space<semaphore_mem>>) src(%dma_wait3A_103 : memref<128x128xf32, #tpu.memory_space<vmem>>) dst(%dma_wait3A_100 : memref<128x128xf32, #tpu.memory_space<vmem_shared>>)
    %dma_wait3A_104 = arith.constant 0 : i32
    %dma_wait3A_105 = arith.constant 0 : i32
    %dma_wait3A_106 = tpu.memref_slice %arg10[%dma_wait3A_104, %dma_wait3A_105] : memref<128x128xf32, #tpu.memory_space<vmem>> -> memref<128x128xf32, #tpu.memory_space<vmem>>
    %dma_wait3A_107 = arith.constant 0 : i32
    %dma_wait3A_108 = tpu.memref_slice %arg12[%add3A_46, %dma_wait3A_107] : memref<10000x128xf32, #tpu.memory_space<vmem_shared>> -> memref<128x128xf32, #tpu.memory_space<vmem_shared>>
    %dma_wait3A_109 = arith.constant 0 : i32
    %dma_wait3A_110 = tpu.memref_slice %arg12[%add3A_46, %dma_wait3A_109] : memref<10000x128xf32, #tpu.memory_space<vmem_shared>> -> memref<128x128xf32, #tpu.memory_space<vmem_shared>>
    %dma_wait3A_111 = arith.constant 0 : i32
    %dma_wait3A_112 = arith.constant 0 : i32
    %dma_wait3A_113 = tpu.memref_slice %arg10[%dma_wait3A_111, %dma_wait3A_112] : memref<128x128xf32, #tpu.memory_space<vmem>> -> memref<128x128xf32, #tpu.memory_space<vmem>>
    tpu.wait_dma2 semaphore(%arg15 : memref<!tpu.dma_semaphore, #tpu.memory_space<semaphore_mem>>) src(%dma_wait3A_113 : memref<128x128xf32, #tpu.memory_space<vmem>>) dst(%dma_wait3A_110 : memref<128x128xf32, #tpu.memory_space<vmem_shared>>)
    %dma_wait3A_114 = arith.constant 0 : i32
    %dma_wait3A_115 = arith.constant 0 : i32
    %dma_wait3A_116 = tpu.memref_slice %arg10[%dma_wait3A_114, %dma_wait3A_115] : memref<128x128xf32, #tpu.memory_space<vmem>> -> memref<128x128xf32, #tpu.memory_space<vmem>>
    %dma_wait3A_117 = arith.constant 0 : i32
    %dma_wait3A_118 = tpu.memref_slice %arg12[%add3A_60, %dma_wait3A_117] : memref<10000x128xf32, #tpu.memory_space<vmem_shared>> -> memref<128x128xf32, #tpu.memory_space<vmem_shared>>
    %dma_wait3A_119 = arith.constant 0 : i32
    %dma_wait3A_120 = tpu.memref_slice %arg12[%add3A_60, %dma_wait3A_119] : memref<10000x128xf32, #tpu.memory_space<vmem_shared>> -> memref<128x128xf32, #tpu.memory_space<vmem_shared>>
    %dma_wait3A_121 = arith.constant 0 : i32
    %dma_wait3A_122 = arith.constant 0 : i32
    %dma_wait3A_123 = tpu.memref_slice %arg10[%dma_wait3A_121, %dma_wait3A_122] : memref<128x128xf32, #tpu.memory_space<vmem>> -> memref<128x128xf32, #tpu.memory_space<vmem>>
    tpu.wait_dma2 semaphore(%arg15 : memref<!tpu.dma_semaphore, #tpu.memory_space<semaphore_mem>>) src(%dma_wait3A_123 : memref<128x128xf32, #tpu.memory_space<vmem>>) dst(%dma_wait3A_120 : memref<128x128xf32, #tpu.memory_space<vmem_shared>>)
    %dma_wait3A_124 = arith.constant 0 : i32
    %dma_wait3A_125 = arith.constant 0 : i32
    %dma_wait3A_126 = tpu.memref_slice %arg10[%dma_wait3A_124, %dma_wait3A_125] : memref<128x128xf32, #tpu.memory_space<vmem>> -> memref<113x128xf32, #tpu.memory_space<vmem>>
    %dma_wait3A_127 = arith.constant 0 : i32
    %dma_wait3A_128 = tpu.memref_slice %arg12[%add3A_74, %dma_wait3A_127] : memref<10000x128xf32, #tpu.memory_space<vmem_shared>> -> memref<113x128xf32, #tpu.memory_space<vmem_shared>>
    %dma_wait3A_129 = arith.constant 0 : i32
    %dma_wait3A_130 = tpu.memref_slice %arg12[%add3A_74, %dma_wait3A_129] : memref<10000x128xf32, #tpu.memory_space<vmem_shared>> -> memref<113x128xf32, #tpu.memory_space<vmem_shared>>
    %dma_wait3A_131 = arith.constant 0 : i32
    %dma_wait3A_132 = arith.constant 0 : i32
    %dma_wait3A_133 = tpu.memref_slice %arg10[%dma_wait3A_131, %dma_wait3A_132] : memref<128x128xf32, #tpu.memory_space<vmem>> -> memref<113x128xf32, #tpu.memory_space<vmem>>
    tpu.wait_dma2 semaphore(%arg15 : memref<!tpu.dma_semaphore, #tpu.memory_space<semaphore_mem>>) src(%dma_wait3A_133 : memref<113x128xf32, #tpu.memory_space<vmem>>) dst(%dma_wait3A_130 : memref<113x128xf32, #tpu.memory_space<vmem_shared>>)
    %barrier3A = arith.constant 0 : index
    tpu.barrier barrier_id(%barrier3A)
    %scan3A_134 = arith.constant 0 : i32
    %scan3A_135 = arith.constant 0 : i32
    %scan3A_136 = arith.constant 5 : i32
    %scan3A_137 = arith.addi %scan3A_135, %scan3A_136 : i32
    %scan3A_138 = arith.constant 1 : i32
    scf.for %scan3A_244 = %scan3A_135 to %scan3A_137 step %scan3A_138  : i32 {
      %mul3A_245 = arith.constant 16 : i32
      %mul3A_246 = arith.muli %scan3A_244, %mul3A_245 : i32
      %add3A_247 = arith.addi %mul3A_2, %mul3A_246 : i32
      %dma_wait3A_248 = arith.constant 0 : i32
      %dma_wait3A_249 = tpu.memref_slice %arg3[%add3A_247, %dma_wait3A_248] : memref<2560x128xi32, #tpu.memory_space<hbm>> -> memref<8x128xi32, #tpu.memory_space<hbm>>
      %dma_wait3A_250 = arith.constant 0 : i32
      %dma_wait3A_251 = tpu.memref_slice %arg3[%add3A_247, %dma_wait3A_250] : memref<2560x128xi32, #tpu.memory_space<hbm>> -> memref<8x128xi32, #tpu.memory_space<hbm>>
      tpu.wait_dma2 semaphore(%arg17 : memref<!tpu.dma_semaphore, #tpu.memory_space<semaphore_mem>>) src(%dma_wait3A_251 : memref<8x128xi32, #tpu.memory_space<hbm>>) dst(%arg6 : memref<8x128xi32, #tpu.memory_space<vmem>>)
      %dma_wait3A_252 = arith.constant 0 : i32
      %dma_wait3A_253 = tpu.memref_slice %arg4[%add3A_247, %dma_wait3A_252] : memref<2560x128xi32, #tpu.memory_space<hbm>> -> memref<8x128xi32, #tpu.memory_space<hbm>>
      %dma_wait3A_254 = arith.constant 0 : i32
      %dma_wait3A_255 = tpu.memref_slice %arg4[%add3A_247, %dma_wait3A_254] : memref<2560x128xi32, #tpu.memory_space<hbm>> -> memref<8x128xi32, #tpu.memory_space<hbm>>
      tpu.wait_dma2 semaphore(%arg17 : memref<!tpu.dma_semaphore, #tpu.memory_space<semaphore_mem>>) src(%dma_wait3A_255 : memref<8x128xi32, #tpu.memory_space<hbm>>) dst(%arg7 : memref<8x128xi32, #tpu.memory_space<vmem>>)
      %add3A_256 = arith.constant 8 : i32
      %add3A_257 = arith.addi %add3A_247, %add3A_256 : i32
      %dma_start3A_258 = arith.constant 0 : i32
      %dma_start3A_259 = tpu.memref_slice %arg3[%add3A_257, %dma_start3A_258] : memref<2560x128xi32, #tpu.memory_space<hbm>> -> memref<8x128xi32, #tpu.memory_space<hbm>>
      %dma_start3A_260 = arith.constant 0 : i32
      %dma_start3A_261 = tpu.memref_slice %arg3[%add3A_257, %dma_start3A_260] : memref<2560x128xi32, #tpu.memory_space<hbm>> -> memref<8x128xi32, #tpu.memory_space<hbm>>
      tpu.enqueue_dma source(%dma_start3A_261 : memref<8x128xi32, #tpu.memory_space<hbm>>) target(%arg8 : memref<8x128xi32, #tpu.memory_space<vmem>>) target_semaphore(%arg18 : memref<!tpu.dma_semaphore, #tpu.memory_space<semaphore_mem>>)
      %add3A_262 = arith.constant 8 : i32
      %add3A_263 = arith.addi %add3A_247, %add3A_262 : i32
      %dma_start3A_264 = arith.constant 0 : i32
      %dma_start3A_265 = tpu.memref_slice %arg4[%add3A_263, %dma_start3A_264] : memref<2560x128xi32, #tpu.memory_space<hbm>> -> memref<8x128xi32, #tpu.memory_space<hbm>>
      %dma_start3A_266 = arith.constant 0 : i32
      %dma_start3A_267 = tpu.memref_slice %arg4[%add3A_263, %dma_start3A_266] : memref<2560x128xi32, #tpu.memory_space<hbm>> -> memref<8x128xi32, #tpu.memory_space<hbm>>
      tpu.enqueue_dma source(%dma_start3A_267 : memref<8x128xi32, #tpu.memory_space<hbm>>) target(%arg9 : memref<8x128xi32, #tpu.memory_space<vmem>>) target_semaphore(%arg18 : memref<!tpu.dma_semaphore, #tpu.memory_space<semaphore_mem>>)
      %dma_start3A_268 = arith.constant 0 : i32
      %dma_start3A_269 = arith.constant 0 : i32
      %dma_start3A_270 = tpu.memref_slice %arg6[%dma_start3A_268, %dma_start3A_269] : memref<8x128xi32, #tpu.memory_space<vmem>> -> memref<1x128xi32, #tpu.memory_space<vmem>>
      %dma_start3A_271 = tpu.memref_squeeze %dma_start3A_270 : memref<1x128xi32, #tpu.memory_space<vmem>> -> memref<128xi32, #tpu.memory_space<vmem>>
      %dma_start3A_272 = arith.constant 0 : i32
      %dma_start3A_273 = arith.constant 0 : i32
      %dma_start3A_274 = tpu.memref_slice %arg2[%dma_start3A_272, %dma_start3A_273] : memref<10128x128xf32, #tpu.memory_space<hbm>> -> memref<10128x128xf32, #tpu.memory_space<hbm>>
      tpu.enqueue_indirect_dma source(%dma_start3A_274 : memref<10128x128xf32, #tpu.memory_space<hbm>>) target(%arg10 : memref<128x128xf32, #tpu.memory_space<vmem>>) offsets(%dma_start3A_271 : memref<128xi32, #tpu.memory_space<vmem>>) semaphore(%arg13 : memref<!tpu.dma_semaphore, #tpu.memory_space<semaphore_mem>>)
      %dma_wait3A_275 = arith.constant 0 : i32
      %dma_wait3A_276 = arith.constant 0 : i32
      %dma_wait3A_277 = tpu.memref_slice %arg6[%dma_wait3A_275, %dma_wait3A_276] : memref<8x128xi32, #tpu.memory_space<vmem>> -> memref<1x128xi32, #tpu.memory_space<vmem>>
      %dma_wait3A_278 = tpu.memref_squeeze %dma_wait3A_277 : memref<1x128xi32, #tpu.memory_space<vmem>> -> memref<128xi32, #tpu.memory_space<vmem>>
      %dma_wait3A_279 = arith.constant 0 : i32
      %dma_wait3A_280 = arith.constant 0 : i32
      %dma_wait3A_281 = tpu.memref_slice %arg2[%dma_wait3A_279, %dma_wait3A_280] : memref<10128x128xf32, #tpu.memory_space<hbm>> -> memref<10128x128xf32, #tpu.memory_space<hbm>>
      tpu.wait_indirect_dma semaphore(%arg13 : memref<!tpu.dma_semaphore, #tpu.memory_space<semaphore_mem>>) src(%dma_wait3A_281 : memref<10128x128xf32, #tpu.memory_space<hbm>>) dst(%arg10 : memref<128x128xf32, #tpu.memory_space<vmem>>)
      %dma_start3A_282 = arith.constant 0 : i32
      %dma_start3A_283 = arith.constant 0 : i32
      %dma_start3A_284 = tpu.memref_slice %arg7[%dma_start3A_282, %dma_start3A_283] : memref<8x128xi32, #tpu.memory_space<vmem>> -> memref<1x128xi32, #tpu.memory_space<vmem>>
      %dma_start3A_285 = tpu.memref_squeeze %dma_start3A_284 : memref<1x128xi32, #tpu.memory_space<vmem>> -> memref<128xi32, #tpu.memory_space<vmem>>
      %dma_start3A_286 = arith.constant 0 : i32
      %dma_start3A_287 = arith.constant 0 : i32
      %dma_start3A_288 = tpu.memref_slice %arg12[%dma_start3A_286, %dma_start3A_287] : memref<10000x128xf32, #tpu.memory_space<vmem_shared>> -> memref<10000x128xf32, #tpu.memory_space<vmem_shared>>
      tpu.enqueue_indirect_dma source(%arg10 : memref<128x128xf32, #tpu.memory_space<vmem>>) target(%dma_start3A_288 : memref<10000x128xf32, #tpu.memory_space<vmem_shared>>) offsets(%dma_start3A_285 : memref<128xi32, #tpu.memory_space<vmem>>) semaphore(%arg15 : memref<!tpu.dma_semaphore, #tpu.memory_space<semaphore_mem>>) {add = true}
      %dma_start3A_289 = arith.constant 1 : i32
      %dma_start3A_290 = arith.constant 0 : i32
      %dma_start3A_291 = tpu.memref_slice %arg6[%dma_start3A_289, %dma_start3A_290] : memref<8x128xi32, #tpu.memory_space<vmem>> -> memref<1x128xi32, #tpu.memory_space<vmem>>
      %dma_start3A_292 = tpu.memref_squeeze %dma_start3A_291 : memref<1x128xi32, #tpu.memory_space<vmem>> -> memref<128xi32, #tpu.memory_space<vmem>>
      %dma_start3A_293 = arith.constant 0 : i32
      %dma_start3A_294 = arith.constant 0 : i32
      %dma_start3A_295 = tpu.memref_slice %arg2[%dma_start3A_293, %dma_start3A_294] : memref<10128x128xf32, #tpu.memory_space<hbm>> -> memref<10128x128xf32, #tpu.memory_space<hbm>>
      tpu.enqueue_indirect_dma source(%dma_start3A_295 : memref<10128x128xf32, #tpu.memory_space<hbm>>) target(%arg11 : memref<128x128xf32, #tpu.memory_space<vmem>>) offsets(%dma_start3A_292 : memref<128xi32, #tpu.memory_space<vmem>>) semaphore(%arg14 : memref<!tpu.dma_semaphore, #tpu.memory_space<semaphore_mem>>)
      %dma_wait3A_296 = arith.constant 1 : i32
      %dma_wait3A_297 = arith.constant 0 : i32
      %dma_wait3A_298 = tpu.memref_slice %arg6[%dma_wait3A_296, %dma_wait3A_297] : memref<8x128xi32, #tpu.memory_space<vmem>> -> memref<1x128xi32, #tpu.memory_space<vmem>>
      %dma_wait3A_299 = tpu.memref_squeeze %dma_wait3A_298 : memref<1x128xi32, #tpu.memory_space<vmem>> -> memref<128xi32, #tpu.memory_space<vmem>>
      %dma_wait3A_300 = arith.constant 0 : i32
      %dma_wait3A_301 = arith.constant 0 : i32
      %dma_wait3A_302 = tpu.memref_slice %arg2[%dma_wait3A_300, %dma_wait3A_301] : memref<10128x128xf32, #tpu.memory_space<hbm>> -> memref<10128x128xf32, #tpu.memory_space<hbm>>
      tpu.wait_indirect_dma semaphore(%arg14 : memref<!tpu.dma_semaphore, #tpu.memory_space<semaphore_mem>>) src(%dma_wait3A_302 : memref<10128x128xf32, #tpu.memory_space<hbm>>) dst(%arg11 : memref<128x128xf32, #tpu.memory_space<vmem>>)
      %dma_start3A_303 = arith.constant 1 : i32
      %dma_start3A_304 = arith.constant 0 : i32
      %dma_start3A_305 = tpu.memref_slice %arg7[%dma_start3A_303, %dma_start3A_304] : memref<8x128xi32, #tpu.memory_space<vmem>> -> memref<1x128xi32, #tpu.memory_space<vmem>>
      %dma_start3A_306 = tpu.memref_squeeze %dma_start3A_305 : memref<1x128xi32, #tpu.memory_space<vmem>> -> memref<128xi32, #tpu.memory_space<vmem>>
      %dma_start3A_307 = arith.constant 0 : i32
      %dma_start3A_308 = arith.constant 0 : i32
      %dma_start3A_309 = tpu.memref_slice %arg12[%dma_start3A_307, %dma_start3A_308] : memref<10000x128xf32, #tpu.memory_space<vmem_shared>> -> memref<10000x128xf32, #tpu.memory_space<vmem_shared>>
      tpu.enqueue_indirect_dma source(%arg11 : memref<128x128xf32, #tpu.memory_space<vmem>>) target(%dma_start3A_309 : memref<10000x128xf32, #tpu.memory_space<vmem_shared>>) offsets(%dma_start3A_306 : memref<128xi32, #tpu.memory_space<vmem>>) semaphore(%arg16 : memref<!tpu.dma_semaphore, #tpu.memory_space<semaphore_mem>>) {add = true}
      %dma_wait3A_310 = arith.constant 0 : i32
      %dma_wait3A_311 = arith.constant 0 : i32
      %dma_wait3A_312 = tpu.memref_slice %arg7[%dma_wait3A_310, %dma_wait3A_311] : memref<8x128xi32, #tpu.memory_space<vmem>> -> memref<1x128xi32, #tpu.memory_space<vmem>>
      %dma_wait3A_313 = tpu.memref_squeeze %dma_wait3A_312 : memref<1x128xi32, #tpu.memory_space<vmem>> -> memref<128xi32, #tpu.memory_space<vmem>>
      %dma_wait3A_314 = arith.constant 0 : i32
      %dma_wait3A_315 = arith.constant 0 : i32
      %dma_wait3A_316 = tpu.memref_slice %arg12[%dma_wait3A_314, %dma_wait3A_315] : memref<10000x128xf32, #tpu.memory_space<vmem_shared>> -> memref<10000x128xf32, #tpu.memory_space<vmem_shared>>
      tpu.wait_indirect_dma semaphore(%arg15 : memref<!tpu.dma_semaphore, #tpu.memory_space<semaphore_mem>>) src(%arg10 : memref<128x128xf32, #tpu.memory_space<vmem>>) dst(%dma_wait3A_316 : memref<10000x128xf32, #tpu.memory_space<vmem_shared>>)
      %dma_start3A_317 = arith.constant 2 : i32
      %dma_start3A_318 = arith.constant 0 : i32
      %dma_start3A_319 = tpu.memref_slice %arg6[%dma_start3A_317, %dma_start3A_318] : memref<8x128xi32, #tpu.memory_space<vmem>> -> memref<1x128xi32, #tpu.memory_space<vmem>>
      %dma_start3A_320 = tpu.memref_squeeze %dma_start3A_319 : memref<1x128xi32, #tpu.memory_space<vmem>> -> memref<128xi32, #tpu.memory_space<vmem>>
      %dma_start3A_321 = arith.constant 0 : i32
      %dma_start3A_322 = arith.constant 0 : i32
      %dma_start3A_323 = tpu.memref_slice %arg2[%dma_start3A_321, %dma_start3A_322] : memref<10128x128xf32, #tpu.memory_space<hbm>> -> memref<10128x128xf32, #tpu.memory_space<hbm>>
      tpu.enqueue_indirect_dma source(%dma_start3A_323 : memref<10128x128xf32, #tpu.memory_space<hbm>>) target(%arg10 : memref<128x128xf32, #tpu.memory_space<vmem>>) offsets(%dma_start3A_320 : memref<128xi32, #tpu.memory_space<vmem>>) semaphore(%arg13 : memref<!tpu.dma_semaphore, #tpu.memory_space<semaphore_mem>>)
      %dma_wait3A_324 = arith.constant 2 : i32
      %dma_wait3A_325 = arith.constant 0 : i32
      %dma_wait3A_326 = tpu.memref_slice %arg6[%dma_wait3A_324, %dma_wait3A_325] : memref<8x128xi32, #tpu.memory_space<vmem>> -> memref<1x128xi32, #tpu.memory_space<vmem>>
      %dma_wait3A_327 = tpu.memref_squeeze %dma_wait3A_326 : memref<1x128xi32, #tpu.memory_space<vmem>> -> memref<128xi32, #tpu.memory_space<vmem>>
      %dma_wait3A_328 = arith.constant 0 : i32
      %dma_wait3A_329 = arith.constant 0 : i32
      %dma_wait3A_330 = tpu.memref_slice %arg2[%dma_wait3A_328, %dma_wait3A_329] : memref<10128x128xf32, #tpu.memory_space<hbm>> -> memref<10128x128xf32, #tpu.memory_space<hbm>>
      tpu.wait_indirect_dma semaphore(%arg13 : memref<!tpu.dma_semaphore, #tpu.memory_space<semaphore_mem>>) src(%dma_wait3A_330 : memref<10128x128xf32, #tpu.memory_space<hbm>>) dst(%arg10 : memref<128x128xf32, #tpu.memory_space<vmem>>)
      %dma_start3A_331 = arith.constant 2 : i32
      %dma_start3A_332 = arith.constant 0 : i32
      %dma_start3A_333 = tpu.memref_slice %arg7[%dma_start3A_331, %dma_start3A_332] : memref<8x128xi32, #tpu.memory_space<vmem>> -> memref<1x128xi32, #tpu.memory_space<vmem>>
      %dma_start3A_334 = tpu.memref_squeeze %dma_start3A_333 : memref<1x128xi32, #tpu.memory_space<vmem>> -> memref<128xi32, #tpu.memory_space<vmem>>
      %dma_start3A_335 = arith.constant 0 : i32
      %dma_start3A_336 = arith.constant 0 : i32
      %dma_start3A_337 = tpu.memref_slice %arg12[%dma_start3A_335, %dma_start3A_336] : memref<10000x128xf32, #tpu.memory_space<vmem_shared>> -> memref<10000x128xf32, #tpu.memory_space<vmem_shared>>
      tpu.enqueue_indirect_dma source(%arg10 : memref<128x128xf32, #tpu.memory_space<vmem>>) target(%dma_start3A_337 : memref<10000x128xf32, #tpu.memory_space<vmem_shared>>) offsets(%dma_start3A_334 : memref<128xi32, #tpu.memory_space<vmem>>) semaphore(%arg15 : memref<!tpu.dma_semaphore, #tpu.memory_space<semaphore_mem>>) {add = true}
      %dma_wait3A_338 = arith.constant 1 : i32
      %dma_wait3A_339 = arith.constant 0 : i32
      %dma_wait3A_340 = tpu.memref_slice %arg7[%dma_wait3A_338, %dma_wait3A_339] : memref<8x128xi32, #tpu.memory_space<vmem>> -> memref<1x128xi32, #tpu.memory_space<vmem>>
      %dma_wait3A_341 = tpu.memref_squeeze %dma_wait3A_340 : memref<1x128xi32, #tpu.memory_space<vmem>> -> memref<128xi32, #tpu.memory_space<vmem>>
      %dma_wait3A_342 = arith.constant 0 : i32
      %dma_wait3A_343 = arith.constant 0 : i32
      %dma_wait3A_344 = tpu.memref_slice %arg12[%dma_wait3A_342, %dma_wait3A_343] : memref<10000x128xf32, #tpu.memory_space<vmem_shared>> -> memref<10000x128xf32, #tpu.memory_space<vmem_shared>>
      tpu.wait_indirect_dma semaphore(%arg16 : memref<!tpu.dma_semaphore, #tpu.memory_space<semaphore_mem>>) src(%arg11 : memref<128x128xf32, #tpu.memory_space<vmem>>) dst(%dma_wait3A_344 : memref<10000x128xf32, #tpu.memory_space<vmem_shared>>)
      %dma_start3A_345 = arith.constant 3 : i32
      %dma_start3A_346 = arith.constant 0 : i32
      %dma_start3A_347 = tpu.memref_slice %arg6[%dma_start3A_345, %dma_start3A_346] : memref<8x128xi32, #tpu.memory_space<vmem>> -> memref<1x128xi32, #tpu.memory_space<vmem>>
      %dma_start3A_348 = tpu.memref_squeeze %dma_start3A_347 : memref<1x128xi32, #tpu.memory_space<vmem>> -> memref<128xi32, #tpu.memory_space<vmem>>
      %dma_start3A_349 = arith.constant 0 : i32
      %dma_start3A_350 = arith.constant 0 : i32
      %dma_start3A_351 = tpu.memref_slice %arg2[%dma_start3A_349, %dma_start3A_350] : memref<10128x128xf32, #tpu.memory_space<hbm>> -> memref<10128x128xf32, #tpu.memory_space<hbm>>
      tpu.enqueue_indirect_dma source(%dma_start3A_351 : memref<10128x128xf32, #tpu.memory_space<hbm>>) target(%arg11 : memref<128x128xf32, #tpu.memory_space<vmem>>) offsets(%dma_start3A_348 : memref<128xi32, #tpu.memory_space<vmem>>) semaphore(%arg14 : memref<!tpu.dma_semaphore, #tpu.memory_space<semaphore_mem>>)
      %dma_wait3A_352 = arith.constant 3 : i32
      %dma_wait3A_353 = arith.constant 0 : i32
      %dma_wait3A_354 = tpu.memref_slice %arg6[%dma_wait3A_352, %dma_wait3A_353] : memref<8x128xi32, #tpu.memory_space<vmem>> -> memref<1x128xi32, #tpu.memory_space<vmem>>
      %dma_wait3A_355 = tpu.memref_squeeze %dma_wait3A_354 : memref<1x128xi32, #tpu.memory_space<vmem>> -> memref<128xi32, #tpu.memory_space<vmem>>
      %dma_wait3A_356 = arith.constant 0 : i32
      %dma_wait3A_357 = arith.constant 0 : i32
      %dma_wait3A_358 = tpu.memref_slice %arg2[%dma_wait3A_356, %dma_wait3A_357] : memref<10128x128xf32, #tpu.memory_space<hbm>> -> memref<10128x128xf32, #tpu.memory_space<hbm>>
      tpu.wait_indirect_dma semaphore(%arg14 : memref<!tpu.dma_semaphore, #tpu.memory_space<semaphore_mem>>) src(%dma_wait3A_358 : memref<10128x128xf32, #tpu.memory_space<hbm>>) dst(%arg11 : memref<128x128xf32, #tpu.memory_space<vmem>>)
      %dma_start3A_359 = arith.constant 3 : i32
      %dma_start3A_360 = arith.constant 0 : i32
      %dma_start3A_361 = tpu.memref_slice %arg7[%dma_start3A_359, %dma_start3A_360] : memref<8x128xi32, #tpu.memory_space<vmem>> -> memref<1x128xi32, #tpu.memory_space<vmem>>
      %dma_start3A_362 = tpu.memref_squeeze %dma_start3A_361 : memref<1x128xi32, #tpu.memory_space<vmem>> -> memref<128xi32, #tpu.memory_space<vmem>>
      %dma_start3A_363 = arith.constant 0 : i32
      %dma_start3A_364 = arith.constant 0 : i32
      %dma_start3A_365 = tpu.memref_slice %arg12[%dma_start3A_363, %dma_start3A_364] : memref<10000x128xf32, #tpu.memory_space<vmem_shared>> -> memref<10000x128xf32, #tpu.memory_space<vmem_shared>>
      tpu.enqueue_indirect_dma source(%arg11 : memref<128x128xf32, #tpu.memory_space<vmem>>) target(%dma_start3A_365 : memref<10000x128xf32, #tpu.memory_space<vmem_shared>>) offsets(%dma_start3A_362 : memref<128xi32, #tpu.memory_space<vmem>>) semaphore(%arg16 : memref<!tpu.dma_semaphore, #tpu.memory_space<semaphore_mem>>) {add = true}
      %dma_wait3A_366 = arith.constant 2 : i32
      %dma_wait3A_367 = arith.constant 0 : i32
      %dma_wait3A_368 = tpu.memref_slice %arg7[%dma_wait3A_366, %dma_wait3A_367] : memref<8x128xi32, #tpu.memory_space<vmem>> -> memref<1x128xi32, #tpu.memory_space<vmem>>
      %dma_wait3A_369 = tpu.memref_squeeze %dma_wait3A_368 : memref<1x128xi32, #tpu.memory_space<vmem>> -> memref<128xi32, #tpu.memory_space<vmem>>
      %dma_wait3A_370 = arith.constant 0 : i32
      %dma_wait3A_371 = arith.constant 0 : i32
      %dma_wait3A_372 = tpu.memref_slice %arg12[%dma_wait3A_370, %dma_wait3A_371] : memref<10000x128xf32, #tpu.memory_space<vmem_shared>> -> memref<10000x128xf32, #tpu.memory_space<vmem_shared>>
      tpu.wait_indirect_dma semaphore(%arg15 : memref<!tpu.dma_semaphore, #tpu.memory_space<semaphore_mem>>) src(%arg10 : memref<128x128xf32, #tpu.memory_space<vmem>>) dst(%dma_wait3A_372 : memref<10000x128xf32, #tpu.memory_space<vmem_shared>>)
      %dma_start3A_373 = arith.constant 4 : i32
      %dma_start3A_374 = arith.constant 0 : i32
      %dma_start3A_375 = tpu.memref_slice %arg6[%dma_start3A_373, %dma_start3A_374] : memref<8x128xi32, #tpu.memory_space<vmem>> -> memref<1x128xi32, #tpu.memory_space<vmem>>
      %dma_start3A_376 = tpu.memref_squeeze %dma_start3A_375 : memref<1x128xi32, #tpu.memory_space<vmem>> -> memref<128xi32, #tpu.memory_space<vmem>>
      %dma_start3A_377 = arith.constant 0 : i32
      %dma_start3A_378 = arith.constant 0 : i32
      %dma_start3A_379 = tpu.memref_slice %arg2[%dma_start3A_377, %dma_start3A_378] : memref<10128x128xf32, #tpu.memory_space<hbm>> -> memref<10128x128xf32, #tpu.memory_space<hbm>>
      tpu.enqueue_indirect_dma source(%dma_start3A_379 : memref<10128x128xf32, #tpu.memory_space<hbm>>) target(%arg10 : memref<128x128xf32, #tpu.memory_space<vmem>>) offsets(%dma_start3A_376 : memref<128xi32, #tpu.memory_space<vmem>>) semaphore(%arg13 : memref<!tpu.dma_semaphore, #tpu.memory_space<semaphore_mem>>)
      %dma_wait3A_380 = arith.constant 4 : i32
      %dma_wait3A_381 = arith.constant 0 : i32
      %dma_wait3A_382 = tpu.memref_slice %arg6[%dma_wait3A_380, %dma_wait3A_381] : memref<8x128xi32, #tpu.memory_space<vmem>> -> memref<1x128xi32, #tpu.memory_space<vmem>>
      %dma_wait3A_383 = tpu.memref_squeeze %dma_wait3A_382 : memref<1x128xi32, #tpu.memory_space<vmem>> -> memref<128xi32, #tpu.memory_space<vmem>>
      %dma_wait3A_384 = arith.constant 0 : i32
      %dma_wait3A_385 = arith.constant 0 : i32
      %dma_wait3A_386 = tpu.memref_slice %arg2[%dma_wait3A_384, %dma_wait3A_385] : memref<10128x128xf32, #tpu.memory_space<hbm>> -> memref<10128x128xf32, #tpu.memory_space<hbm>>
      tpu.wait_indirect_dma semaphore(%arg13 : memref<!tpu.dma_semaphore, #tpu.memory_space<semaphore_mem>>) src(%dma_wait3A_386 : memref<10128x128xf32, #tpu.memory_space<hbm>>) dst(%arg10 : memref<128x128xf32, #tpu.memory_space<vmem>>)
      %dma_start3A_387 = arith.constant 4 : i32
      %dma_start3A_388 = arith.constant 0 : i32
      %dma_start3A_389 = tpu.memref_slice %arg7[%dma_start3A_387, %dma_start3A_388] : memref<8x128xi32, #tpu.memory_space<vmem>> -> memref<1x128xi32, #tpu.memory_space<vmem>>
      %dma_start3A_390 = tpu.memref_squeeze %dma_start3A_389 : memref<1x128xi32, #tpu.memory_space<vmem>> -> memref<128xi32, #tpu.memory_space<vmem>>
      %dma_start3A_391 = arith.constant 0 : i32
      %dma_start3A_392 = arith.constant 0 : i32
      %dma_start3A_393 = tpu.memref_slice %arg12[%dma_start3A_391, %dma_start3A_392] : memref<10000x128xf32, #tpu.memory_space<vmem_shared>> -> memref<10000x128xf32, #tpu.memory_space<vmem_shared>>
      tpu.enqueue_indirect_dma source(%arg10 : memref<128x128xf32, #tpu.memory_space<vmem>>) target(%dma_start3A_393 : memref<10000x128xf32, #tpu.memory_space<vmem_shared>>) offsets(%dma_start3A_390 : memref<128xi32, #tpu.memory_space<vmem>>) semaphore(%arg15 : memref<!tpu.dma_semaphore, #tpu.memory_space<semaphore_mem>>) {add = true}
      %dma_wait3A_394 = arith.constant 3 : i32
      %dma_wait3A_395 = arith.constant 0 : i32
      %dma_wait3A_396 = tpu.memref_slice %arg7[%dma_wait3A_394, %dma_wait3A_395] : memref<8x128xi32, #tpu.memory_space<vmem>> -> memref<1x128xi32, #tpu.memory_space<vmem>>
      %dma_wait3A_397 = tpu.memref_squeeze %dma_wait3A_396 : memref<1x128xi32, #tpu.memory_space<vmem>> -> memref<128xi32, #tpu.memory_space<vmem>>
      %dma_wait3A_398 = arith.constant 0 : i32
      %dma_wait3A_399 = arith.constant 0 : i32
      %dma_wait3A_400 = tpu.memref_slice %arg12[%dma_wait3A_398, %dma_wait3A_399] : memref<10000x128xf32, #tpu.memory_space<vmem_shared>> -> memref<10000x128xf32, #tpu.memory_space<vmem_shared>>
      tpu.wait_indirect_dma semaphore(%arg16 : memref<!tpu.dma_semaphore, #tpu.memory_space<semaphore_mem>>) src(%arg11 : memref<128x128xf32, #tpu.memory_space<vmem>>) dst(%dma_wait3A_400 : memref<10000x128xf32, #tpu.memory_space<vmem_shared>>)
      %dma_start3A_401 = arith.constant 5 : i32
      %dma_start3A_402 = arith.constant 0 : i32
      %dma_start3A_403 = tpu.memref_slice %arg6[%dma_start3A_401, %dma_start3A_402] : memref<8x128xi32, #tpu.memory_space<vmem>> -> memref<1x128xi32, #tpu.memory_space<vmem>>
      %dma_start3A_404 = tpu.memref_squeeze %dma_start3A_403 : memref<1x128xi32, #tpu.memory_space<vmem>> -> memref<128xi32, #tpu.memory_space<vmem>>
      %dma_start3A_405 = arith.constant 0 : i32
      %dma_start3A_406 = arith.constant 0 : i32
      %dma_start3A_407 = tpu.memref_slice %arg2[%dma_start3A_405, %dma_start3A_406] : memref<10128x128xf32, #tpu.memory_space<hbm>> -> memref<10128x128xf32, #tpu.memory_space<hbm>>
      tpu.enqueue_indirect_dma source(%dma_start3A_407 : memref<10128x128xf32, #tpu.memory_space<hbm>>) target(%arg11 : memref<128x128xf32, #tpu.memory_space<vmem>>) offsets(%dma_start3A_404 : memref<128xi32, #tpu.memory_space<vmem>>) semaphore(%arg14 : memref<!tpu.dma_semaphore, #tpu.memory_space<semaphore_mem>>)
      %dma_wait3A_408 = arith.constant 5 : i32
      %dma_wait3A_409 = arith.constant 0 : i32
      %dma_wait3A_410 = tpu.memref_slice %arg6[%dma_wait3A_408, %dma_wait3A_409] : memref<8x128xi32, #tpu.memory_space<vmem>> -> memref<1x128xi32, #tpu.memory_space<vmem>>
      %dma_wait3A_411 = tpu.memref_squeeze %dma_wait3A_410 : memref<1x128xi32, #tpu.memory_space<vmem>> -> memref<128xi32, #tpu.memory_space<vmem>>
      %dma_wait3A_412 = arith.constant 0 : i32
      %dma_wait3A_413 = arith.constant 0 : i32
      %dma_wait3A_414 = tpu.memref_slice %arg2[%dma_wait3A_412, %dma_wait3A_413] : memref<10128x128xf32, #tpu.memory_space<hbm>> -> memref<10128x128xf32, #tpu.memory_space<hbm>>
      tpu.wait_indirect_dma semaphore(%arg14 : memref<!tpu.dma_semaphore, #tpu.memory_space<semaphore_mem>>) src(%dma_wait3A_414 : memref<10128x128xf32, #tpu.memory_space<hbm>>) dst(%arg11 : memref<128x128xf32, #tpu.memory_space<vmem>>)
      %dma_start3A_415 = arith.constant 5 : i32
      %dma_start3A_416 = arith.constant 0 : i32
      %dma_start3A_417 = tpu.memref_slice %arg7[%dma_start3A_415, %dma_start3A_416] : memref<8x128xi32, #tpu.memory_space<vmem>> -> memref<1x128xi32, #tpu.memory_space<vmem>>
      %dma_start3A_418 = tpu.memref_squeeze %dma_start3A_417 : memref<1x128xi32, #tpu.memory_space<vmem>> -> memref<128xi32, #tpu.memory_space<vmem>>
      %dma_start3A_419 = arith.constant 0 : i32
      %dma_start3A_420 = arith.constant 0 : i32
      %dma_start3A_421 = tpu.memref_slice %arg12[%dma_start3A_419, %dma_start3A_420] : memref<10000x128xf32, #tpu.memory_space<vmem_shared>> -> memref<10000x128xf32, #tpu.memory_space<vmem_shared>>
      tpu.enqueue_indirect_dma source(%arg11 : memref<128x128xf32, #tpu.memory_space<vmem>>) target(%dma_start3A_421 : memref<10000x128xf32, #tpu.memory_space<vmem_shared>>) offsets(%dma_start3A_418 : memref<128xi32, #tpu.memory_space<vmem>>) semaphore(%arg16 : memref<!tpu.dma_semaphore, #tpu.memory_space<semaphore_mem>>) {add = true}
      %dma_wait3A_422 = arith.constant 4 : i32
      %dma_wait3A_423 = arith.constant 0 : i32
      %dma_wait3A_424 = tpu.memref_slice %arg7[%dma_wait3A_422, %dma_wait3A_423] : memref<8x128xi32, #tpu.memory_space<vmem>> -> memref<1x128xi32, #tpu.memory_space<vmem>>
      %dma_wait3A_425 = tpu.memref_squeeze %dma_wait3A_424 : memref<1x128xi32, #tpu.memory_space<vmem>> -> memref<128xi32, #tpu.memory_space<vmem>>
      %dma_wait3A_426 = arith.constant 0 : i32
      %dma_wait3A_427 = arith.constant 0 : i32
      %dma_wait3A_428 = tpu.memref_slice %arg12[%dma_wait3A_426, %dma_wait3A_427] : memref<10000x128xf32, #tpu.memory_space<vmem_shared>> -> memref<10000x128xf32, #tpu.memory_space<vmem_shared>>
      tpu.wait_indirect_dma semaphore(%arg15 : memref<!tpu.dma_semaphore, #tpu.memory_space<semaphore_mem>>) src(%arg10 : memref<128x128xf32, #tpu.memory_space<vmem>>) dst(%dma_wait3A_428 : memref<10000x128xf32, #tpu.memory_space<vmem_shared>>)
      %dma_start3A_429 = arith.constant 6 : i32
      %dma_start3A_430 = arith.constant 0 : i32
      %dma_start3A_431 = tpu.memref_slice %arg6[%dma_start3A_429, %dma_start3A_430] : memref<8x128xi32, #tpu.memory_space<vmem>> -> memref<1x128xi32, #tpu.memory_space<vmem>>
      %dma_start3A_432 = tpu.memref_squeeze %dma_start3A_431 : memref<1x128xi32, #tpu.memory_space<vmem>> -> memref<128xi32, #tpu.memory_space<vmem>>
      %dma_start3A_433 = arith.constant 0 : i32
      %dma_start3A_434 = arith.constant 0 : i32
      %dma_start3A_435 = tpu.memref_slice %arg2[%dma_start3A_433, %dma_start3A_434] : memref<10128x128xf32, #tpu.memory_space<hbm>> -> memref<10128x128xf32, #tpu.memory_space<hbm>>
      tpu.enqueue_indirect_dma source(%dma_start3A_435 : memref<10128x128xf32, #tpu.memory_space<hbm>>) target(%arg10 : memref<128x128xf32, #tpu.memory_space<vmem>>) offsets(%dma_start3A_432 : memref<128xi32, #tpu.memory_space<vmem>>) semaphore(%arg13 : memref<!tpu.dma_semaphore, #tpu.memory_space<semaphore_mem>>)
      %dma_wait3A_436 = arith.constant 6 : i32
      %dma_wait3A_437 = arith.constant 0 : i32
      %dma_wait3A_438 = tpu.memref_slice %arg6[%dma_wait3A_436, %dma_wait3A_437] : memref<8x128xi32, #tpu.memory_space<vmem>> -> memref<1x128xi32, #tpu.memory_space<vmem>>
      %dma_wait3A_439 = tpu.memref_squeeze %dma_wait3A_438 : memref<1x128xi32, #tpu.memory_space<vmem>> -> memref<128xi32, #tpu.memory_space<vmem>>
      %dma_wait3A_440 = arith.constant 0 : i32
      %dma_wait3A_441 = arith.constant 0 : i32
      %dma_wait3A_442 = tpu.memref_slice %arg2[%dma_wait3A_440, %dma_wait3A_441] : memref<10128x128xf32, #tpu.memory_space<hbm>> -> memref<10128x128xf32, #tpu.memory_space<hbm>>
      tpu.wait_indirect_dma semaphore(%arg13 : memref<!tpu.dma_semaphore, #tpu.memory_space<semaphore_mem>>) src(%dma_wait3A_442 : memref<10128x128xf32, #tpu.memory_space<hbm>>) dst(%arg10 : memref<128x128xf32, #tpu.memory_space<vmem>>)
      %dma_start3A_443 = arith.constant 6 : i32
      %dma_start3A_444 = arith.constant 0 : i32
      %dma_start3A_445 = tpu.memref_slice %arg7[%dma_start3A_443, %dma_start3A_444] : memref<8x128xi32, #tpu.memory_space<vmem>> -> memref<1x128xi32, #tpu.memory_space<vmem>>
      %dma_start3A_446 = tpu.memref_squeeze %dma_start3A_445 : memref<1x128xi32, #tpu.memory_space<vmem>> -> memref<128xi32, #tpu.memory_space<vmem>>
      %dma_start3A_447 = arith.constant 0 : i32
      %dma_start3A_448 = arith.constant 0 : i32
      %dma_start3A_449 = tpu.memref_slice %arg12[%dma_start3A_447, %dma_start3A_448] : memref<10000x128xf32, #tpu.memory_space<vmem_shared>> -> memref<10000x128xf32, #tpu.memory_space<vmem_shared>>
      tpu.enqueue_indirect_dma source(%arg10 : memref<128x128xf32, #tpu.memory_space<vmem>>) target(%dma_start3A_449 : memref<10000x128xf32, #tpu.memory_space<vmem_shared>>) offsets(%dma_start3A_446 : memref<128xi32, #tpu.memory_space<vmem>>) semaphore(%arg15 : memref<!tpu.dma_semaphore, #tpu.memory_space<semaphore_mem>>) {add = true}
      %dma_wait3A_450 = arith.constant 5 : i32
      %dma_wait3A_451 = arith.constant 0 : i32
      %dma_wait3A_452 = tpu.memref_slice %arg7[%dma_wait3A_450, %dma_wait3A_451] : memref<8x128xi32, #tpu.memory_space<vmem>> -> memref<1x128xi32, #tpu.memory_space<vmem>>
      %dma_wait3A_453 = tpu.memref_squeeze %dma_wait3A_452 : memref<1x128xi32, #tpu.memory_space<vmem>> -> memref<128xi32, #tpu.memory_space<vmem>>
      %dma_wait3A_454 = arith.constant 0 : i32
      %dma_wait3A_455 = arith.constant 0 : i32
      %dma_wait3A_456 = tpu.memref_slice %arg12[%dma_wait3A_454, %dma_wait3A_455] : memref<10000x128xf32, #tpu.memory_space<vmem_shared>> -> memref<10000x128xf32, #tpu.memory_space<vmem_shared>>
      tpu.wait_indirect_dma semaphore(%arg16 : memref<!tpu.dma_semaphore, #tpu.memory_space<semaphore_mem>>) src(%arg11 : memref<128x128xf32, #tpu.memory_space<vmem>>) dst(%dma_wait3A_456 : memref<10000x128xf32, #tpu.memory_space<vmem_shared>>)
      %dma_start3A_457 = arith.constant 7 : i32
      %dma_start3A_458 = arith.constant 0 : i32
      %dma_start3A_459 = tpu.memref_slice %arg6[%dma_start3A_457, %dma_start3A_458] : memref<8x128xi32, #tpu.memory_space<vmem>> -> memref<1x128xi32, #tpu.memory_space<vmem>>
      %dma_start3A_460 = tpu.memref_squeeze %dma_start3A_459 : memref<1x128xi32, #tpu.memory_space<vmem>> -> memref<128xi32, #tpu.memory_space<vmem>>
      %dma_start3A_461 = arith.constant 0 : i32
      %dma_start3A_462 = arith.constant 0 : i32
      %dma_start3A_463 = tpu.memref_slice %arg2[%dma_start3A_461, %dma_start3A_462] : memref<10128x128xf32, #tpu.memory_space<hbm>> -> memref<10128x128xf32, #tpu.memory_space<hbm>>
      tpu.enqueue_indirect_dma source(%dma_start3A_463 : memref<10128x128xf32, #tpu.memory_space<hbm>>) target(%arg11 : memref<128x128xf32, #tpu.memory_space<vmem>>) offsets(%dma_start3A_460 : memref<128xi32, #tpu.memory_space<vmem>>) semaphore(%arg14 : memref<!tpu.dma_semaphore, #tpu.memory_space<semaphore_mem>>)
      %dma_wait3A_464 = arith.constant 7 : i32
      %dma_wait3A_465 = arith.constant 0 : i32
      %dma_wait3A_466 = tpu.memref_slice %arg6[%dma_wait3A_464, %dma_wait3A_465] : memref<8x128xi32, #tpu.memory_space<vmem>> -> memref<1x128xi32, #tpu.memory_space<vmem>>
      %dma_wait3A_467 = tpu.memref_squeeze %dma_wait3A_466 : memref<1x128xi32, #tpu.memory_space<vmem>> -> memref<128xi32, #tpu.memory_space<vmem>>
      %dma_wait3A_468 = arith.constant 0 : i32
      %dma_wait3A_469 = arith.constant 0 : i32
      %dma_wait3A_470 = tpu.memref_slice %arg2[%dma_wait3A_468, %dma_wait3A_469] : memref<10128x128xf32, #tpu.memory_space<hbm>> -> memref<10128x128xf32, #tpu.memory_space<hbm>>
      tpu.wait_indirect_dma semaphore(%arg14 : memref<!tpu.dma_semaphore, #tpu.memory_space<semaphore_mem>>) src(%dma_wait3A_470 : memref<10128x128xf32, #tpu.memory_space<hbm>>) dst(%arg11 : memref<128x128xf32, #tpu.memory_space<vmem>>)
      %dma_start3A_471 = arith.constant 7 : i32
      %dma_start3A_472 = arith.constant 0 : i32
      %dma_start3A_473 = tpu.memref_slice %arg7[%dma_start3A_471, %dma_start3A_472] : memref<8x128xi32, #tpu.memory_space<vmem>> -> memref<1x128xi32, #tpu.memory_space<vmem>>
      %dma_start3A_474 = tpu.memref_squeeze %dma_start3A_473 : memref<1x128xi32, #tpu.memory_space<vmem>> -> memref<128xi32, #tpu.memory_space<vmem>>
      %dma_start3A_475 = arith.constant 0 : i32
      %dma_start3A_476 = arith.constant 0 : i32
      %dma_start3A_477 = tpu.memref_slice %arg12[%dma_start3A_475, %dma_start3A_476] : memref<10000x128xf32, #tpu.memory_space<vmem_shared>> -> memref<10000x128xf32, #tpu.memory_space<vmem_shared>>
      tpu.enqueue_indirect_dma source(%arg11 : memref<128x128xf32, #tpu.memory_space<vmem>>) target(%dma_start3A_477 : memref<10000x128xf32, #tpu.memory_space<vmem_shared>>) offsets(%dma_start3A_474 : memref<128xi32, #tpu.memory_space<vmem>>) semaphore(%arg16 : memref<!tpu.dma_semaphore, #tpu.memory_space<semaphore_mem>>) {add = true}
      %add3A_478 = arith.constant 8 : i32
      %add3A_479 = arith.addi %add3A_247, %add3A_478 : i32
      %dma_wait3A_480 = arith.constant 0 : i32
      %dma_wait3A_481 = tpu.memref_slice %arg3[%add3A_479, %dma_wait3A_480] : memref<2560x128xi32, #tpu.memory_space<hbm>> -> memref<8x128xi32, #tpu.memory_space<hbm>>
      %dma_wait3A_482 = arith.constant 0 : i32
      %dma_wait3A_483 = tpu.memref_slice %arg3[%add3A_479, %dma_wait3A_482] : memref<2560x128xi32, #tpu.memory_space<hbm>> -> memref<8x128xi32, #tpu.memory_space<hbm>>
      tpu.wait_dma2 semaphore(%arg18 : memref<!tpu.dma_semaphore, #tpu.memory_space<semaphore_mem>>) src(%dma_wait3A_483 : memref<8x128xi32, #tpu.memory_space<hbm>>) dst(%arg8 : memref<8x128xi32, #tpu.memory_space<vmem>>)
      %add3A_484 = arith.constant 8 : i32
      %add3A_485 = arith.addi %add3A_247, %add3A_484 : i32
      %dma_wait3A_486 = arith.constant 0 : i32
      %dma_wait3A_487 = tpu.memref_slice %arg4[%add3A_485, %dma_wait3A_486] : memref<2560x128xi32, #tpu.memory_space<hbm>> -> memref<8x128xi32, #tpu.memory_space<hbm>>
      %dma_wait3A_488 = arith.constant 0 : i32
      %dma_wait3A_489 = tpu.memref_slice %arg4[%add3A_485, %dma_wait3A_488] : memref<2560x128xi32, #tpu.memory_space<hbm>> -> memref<8x128xi32, #tpu.memory_space<hbm>>
      tpu.wait_dma2 semaphore(%arg18 : memref<!tpu.dma_semaphore, #tpu.memory_space<semaphore_mem>>) src(%dma_wait3A_489 : memref<8x128xi32, #tpu.memory_space<hbm>>) dst(%arg9 : memref<8x128xi32, #tpu.memory_space<vmem>>)
      %dma_wait3A_490 = arith.constant 6 : i32
      %dma_wait3A_491 = arith.constant 0 : i32
      %dma_wait3A_492 = tpu.memref_slice %arg7[%dma_wait3A_490, %dma_wait3A_491] : memref<8x128xi32, #tpu.memory_space<vmem>> -> memref<1x128xi32, #tpu.memory_space<vmem>>
      %dma_wait3A_493 = tpu.memref_squeeze %dma_wait3A_492 : memref<1x128xi32, #tpu.memory_space<vmem>> -> memref<128xi32, #tpu.memory_space<vmem>>
      %dma_wait3A_494 = arith.constant 0 : i32
      %dma_wait3A_495 = arith.constant 0 : i32
      %dma_wait3A_496 = tpu.memref_slice %arg12[%dma_wait3A_494, %dma_wait3A_495] : memref<10000x128xf32, #tpu.memory_space<vmem_shared>> -> memref<10000x128xf32, #tpu.memory_space<vmem_shared>>
      tpu.wait_indirect_dma semaphore(%arg15 : memref<!tpu.dma_semaphore, #tpu.memory_space<semaphore_mem>>) src(%arg10 : memref<128x128xf32, #tpu.memory_space<vmem>>) dst(%dma_wait3A_496 : memref<10000x128xf32, #tpu.memory_space<vmem_shared>>)
      %dma_start3A_497 = arith.constant 0 : i32
      %dma_start3A_498 = arith.constant 0 : i32
      %dma_start3A_499 = tpu.memref_slice %arg8[%dma_start3A_497, %dma_start3A_498] : memref<8x128xi32, #tpu.memory_space<vmem>> -> memref<1x128xi32, #tpu.memory_space<vmem>>
      %dma_start3A_500 = tpu.memref_squeeze %dma_start3A_499 : memref<1x128xi32, #tpu.memory_space<vmem>> -> memref<128xi32, #tpu.memory_space<vmem>>
      %dma_start3A_501 = arith.constant 0 : i32
      %dma_start3A_502 = arith.constant 0 : i32
      %dma_start3A_503 = tpu.memref_slice %arg2[%dma_start3A_501, %dma_start3A_502] : memref<10128x128xf32, #tpu.memory_space<hbm>> -> memref<10128x128xf32, #tpu.memory_space<hbm>>
      tpu.enqueue_indirect_dma source(%dma_start3A_503 : memref<10128x128xf32, #tpu.memory_space<hbm>>) target(%arg10 : memref<128x128xf32, #tpu.memory_space<vmem>>) offsets(%dma_start3A_500 : memref<128xi32, #tpu.memory_space<vmem>>) semaphore(%arg13 : memref<!tpu.dma_semaphore, #tpu.memory_space<semaphore_mem>>)
      %dma_wait3A_504 = arith.constant 0 : i32
      %dma_wait3A_505 = arith.constant 0 : i32
      %dma_wait3A_506 = tpu.memref_slice %arg8[%dma_wait3A_504, %dma_wait3A_505] : memref<8x128xi32, #tpu.memory_space<vmem>> -> memref<1x128xi32, #tpu.memory_space<vmem>>
      %dma_wait3A_507 = tpu.memref_squeeze %dma_wait3A_506 : memref<1x128xi32, #tpu.memory_space<vmem>> -> memref<128xi32, #tpu.memory_space<vmem>>
      %dma_wait3A_508 = arith.constant 0 : i32
      %dma_wait3A_509 = arith.constant 0 : i32
      %dma_wait3A_510 = tpu.memref_slice %arg2[%dma_wait3A_508, %dma_wait3A_509] : memref<10128x128xf32, #tpu.memory_space<hbm>> -> memref<10128x128xf32, #tpu.memory_space<hbm>>
      tpu.wait_indirect_dma semaphore(%arg13 : memref<!tpu.dma_semaphore, #tpu.memory_space<semaphore_mem>>) src(%dma_wait3A_510 : memref<10128x128xf32, #tpu.memory_space<hbm>>) dst(%arg10 : memref<128x128xf32, #tpu.memory_space<vmem>>)
      %dma_start3A_511 = arith.constant 0 : i32
      %dma_start3A_512 = arith.constant 0 : i32
      %dma_start3A_513 = tpu.memref_slice %arg9[%dma_start3A_511, %dma_start3A_512] : memref<8x128xi32, #tpu.memory_space<vmem>> -> memref<1x128xi32, #tpu.memory_space<vmem>>
      %dma_start3A_514 = tpu.memref_squeeze %dma_start3A_513 : memref<1x128xi32, #tpu.memory_space<vmem>> -> memref<128xi32, #tpu.memory_space<vmem>>
      %dma_start3A_515 = arith.constant 0 : i32
      %dma_start3A_516 = arith.constant 0 : i32
      %dma_start3A_517 = tpu.memref_slice %arg12[%dma_start3A_515, %dma_start3A_516] : memref<10000x128xf32, #tpu.memory_space<vmem_shared>> -> memref<10000x128xf32, #tpu.memory_space<vmem_shared>>
      tpu.enqueue_indirect_dma source(%arg10 : memref<128x128xf32, #tpu.memory_space<vmem>>) target(%dma_start3A_517 : memref<10000x128xf32, #tpu.memory_space<vmem_shared>>) offsets(%dma_start3A_514 : memref<128xi32, #tpu.memory_space<vmem>>) semaphore(%arg15 : memref<!tpu.dma_semaphore, #tpu.memory_space<semaphore_mem>>) {add = true}
      %dma_wait3A_518 = arith.constant 7 : i32
      %dma_wait3A_519 = arith.constant 0 : i32
      %dma_wait3A_520 = tpu.memref_slice %arg7[%dma_wait3A_518, %dma_wait3A_519] : memref<8x128xi32, #tpu.memory_space<vmem>> -> memref<1x128xi32, #tpu.memory_space<vmem>>
      %dma_wait3A_521 = tpu.memref_squeeze %dma_wait3A_520 : memref<1x128xi32, #tpu.memory_space<vmem>> -> memref<128xi32, #tpu.memory_space<vmem>>
      %dma_wait3A_522 = arith.constant 0 : i32
      %dma_wait3A_523 = arith.constant 0 : i32
      %dma_wait3A_524 = tpu.memref_slice %arg12[%dma_wait3A_522, %dma_wait3A_523] : memref<10000x128xf32, #tpu.memory_space<vmem_shared>> -> memref<10000x128xf32, #tpu.memory_space<vmem_shared>>
      tpu.wait_indirect_dma semaphore(%arg16 : memref<!tpu.dma_semaphore, #tpu.memory_space<semaphore_mem>>) src(%arg11 : memref<128x128xf32, #tpu.memory_space<vmem>>) dst(%dma_wait3A_524 : memref<10000x128xf32, #tpu.memory_space<vmem_shared>>)
      %dma_start3A_525 = arith.constant 1 : i32
      %dma_start3A_526 = arith.constant 0 : i32
      %dma_start3A_527 = tpu.memref_slice %arg8[%dma_start3A_525, %dma_start3A_526] : memref<8x128xi32, #tpu.memory_space<vmem>> -> memref<1x128xi32, #tpu.memory_space<vmem>>
      %dma_start3A_528 = tpu.memref_squeeze %dma_start3A_527 : memref<1x128xi32, #tpu.memory_space<vmem>> -> memref<128xi32, #tpu.memory_space<vmem>>
      %dma_start3A_529 = arith.constant 0 : i32
      %dma_start3A_530 = arith.constant 0 : i32
      %dma_start3A_531 = tpu.memref_slice %arg2[%dma_start3A_529, %dma_start3A_530] : memref<10128x128xf32, #tpu.memory_space<hbm>> -> memref<10128x128xf32, #tpu.memory_space<hbm>>
      tpu.enqueue_indirect_dma source(%dma_start3A_531 : memref<10128x128xf32, #tpu.memory_space<hbm>>) target(%arg11 : memref<128x128xf32, #tpu.memory_space<vmem>>) offsets(%dma_start3A_528 : memref<128xi32, #tpu.memory_space<vmem>>) semaphore(%arg14 : memref<!tpu.dma_semaphore, #tpu.memory_space<semaphore_mem>>)
      %dma_wait3A_532 = arith.constant 1 : i32
      %dma_wait3A_533 = arith.constant 0 : i32
      %dma_wait3A_534 = tpu.memref_slice %arg8[%dma_wait3A_532, %dma_wait3A_533] : memref<8x128xi32, #tpu.memory_space<vmem>> -> memref<1x128xi32, #tpu.memory_space<vmem>>
      %dma_wait3A_535 = tpu.memref_squeeze %dma_wait3A_534 : memref<1x128xi32, #tpu.memory_space<vmem>> -> memref<128xi32, #tpu.memory_space<vmem>>
      %dma_wait3A_536 = arith.constant 0 : i32
      %dma_wait3A_537 = arith.constant 0 : i32
      %dma_wait3A_538 = tpu.memref_slice %arg2[%dma_wait3A_536, %dma_wait3A_537] : memref<10128x128xf32, #tpu.memory_space<hbm>> -> memref<10128x128xf32, #tpu.memory_space<hbm>>
      tpu.wait_indirect_dma semaphore(%arg14 : memref<!tpu.dma_semaphore, #tpu.memory_space<semaphore_mem>>) src(%dma_wait3A_538 : memref<10128x128xf32, #tpu.memory_space<hbm>>) dst(%arg11 : memref<128x128xf32, #tpu.memory_space<vmem>>)
      %dma_start3A_539 = arith.constant 1 : i32
      %dma_start3A_540 = arith.constant 0 : i32
      %dma_start3A_541 = tpu.memref_slice %arg9[%dma_start3A_539, %dma_start3A_540] : memref<8x128xi32, #tpu.memory_space<vmem>> -> memref<1x128xi32, #tpu.memory_space<vmem>>
      %dma_start3A_542 = tpu.memref_squeeze %dma_start3A_541 : memref<1x128xi32, #tpu.memory_space<vmem>> -> memref<128xi32, #tpu.memory_space<vmem>>
      %dma_start3A_543 = arith.constant 0 : i32
      %dma_start3A_544 = arith.constant 0 : i32
      %dma_start3A_545 = tpu.memref_slice %arg12[%dma_start3A_543, %dma_start3A_544] : memref<10000x128xf32, #tpu.memory_space<vmem_shared>> -> memref<10000x128xf32, #tpu.memory_space<vmem_shared>>
      tpu.enqueue_indirect_dma source(%arg11 : memref<128x128xf32, #tpu.memory_space<vmem>>) target(%dma_start3A_545 : memref<10000x128xf32, #tpu.memory_space<vmem_shared>>) offsets(%dma_start3A_542 : memref<128xi32, #tpu.memory_space<vmem>>) semaphore(%arg16 : memref<!tpu.dma_semaphore, #tpu.memory_space<semaphore_mem>>) {add = true}
      %dma_wait3A_546 = arith.constant 0 : i32
      %dma_wait3A_547 = arith.constant 0 : i32
      %dma_wait3A_548 = tpu.memref_slice %arg9[%dma_wait3A_546, %dma_wait3A_547] : memref<8x128xi32, #tpu.memory_space<vmem>> -> memref<1x128xi32, #tpu.memory_space<vmem>>
      %dma_wait3A_549 = tpu.memref_squeeze %dma_wait3A_548 : memref<1x128xi32, #tpu.memory_space<vmem>> -> memref<128xi32, #tpu.memory_space<vmem>>
      %dma_wait3A_550 = arith.constant 0 : i32
      %dma_wait3A_551 = arith.constant 0 : i32
      %dma_wait3A_552 = tpu.memref_slice %arg12[%dma_wait3A_550, %dma_wait3A_551] : memref<10000x128xf32, #tpu.memory_space<vmem_shared>> -> memref<10000x128xf32, #tpu.memory_space<vmem_shared>>
      tpu.wait_indirect_dma semaphore(%arg15 : memref<!tpu.dma_semaphore, #tpu.memory_space<semaphore_mem>>) src(%arg10 : memref<128x128xf32, #tpu.memory_space<vmem>>) dst(%dma_wait3A_552 : memref<10000x128xf32, #tpu.memory_space<vmem_shared>>)
      %dma_start3A_553 = arith.constant 2 : i32
      %dma_start3A_554 = arith.constant 0 : i32
      %dma_start3A_555 = tpu.memref_slice %arg8[%dma_start3A_553, %dma_start3A_554] : memref<8x128xi32, #tpu.memory_space<vmem>> -> memref<1x128xi32, #tpu.memory_space<vmem>>
      %dma_start3A_556 = tpu.memref_squeeze %dma_start3A_555 : memref<1x128xi32, #tpu.memory_space<vmem>> -> memref<128xi32, #tpu.memory_space<vmem>>
      %dma_start3A_557 = arith.constant 0 : i32
      %dma_start3A_558 = arith.constant 0 : i32
      %dma_start3A_559 = tpu.memref_slice %arg2[%dma_start3A_557, %dma_start3A_558] : memref<10128x128xf32, #tpu.memory_space<hbm>> -> memref<10128x128xf32, #tpu.memory_space<hbm>>
      tpu.enqueue_indirect_dma source(%dma_start3A_559 : memref<10128x128xf32, #tpu.memory_space<hbm>>) target(%arg10 : memref<128x128xf32, #tpu.memory_space<vmem>>) offsets(%dma_start3A_556 : memref<128xi32, #tpu.memory_space<vmem>>) semaphore(%arg13 : memref<!tpu.dma_semaphore, #tpu.memory_space<semaphore_mem>>)
      %dma_wait3A_560 = arith.constant 2 : i32
      %dma_wait3A_561 = arith.constant 0 : i32
      %dma_wait3A_562 = tpu.memref_slice %arg8[%dma_wait3A_560, %dma_wait3A_561] : memref<8x128xi32, #tpu.memory_space<vmem>> -> memref<1x128xi32, #tpu.memory_space<vmem>>
      %dma_wait3A_563 = tpu.memref_squeeze %dma_wait3A_562 : memref<1x128xi32, #tpu.memory_space<vmem>> -> memref<128xi32, #tpu.memory_space<vmem>>
      %dma_wait3A_564 = arith.constant 0 : i32
      %dma_wait3A_565 = arith.constant 0 : i32
      %dma_wait3A_566 = tpu.memref_slice %arg2[%dma_wait3A_564, %dma_wait3A_565] : memref<10128x128xf32, #tpu.memory_space<hbm>> -> memref<10128x128xf32, #tpu.memory_space<hbm>>
      tpu.wait_indirect_dma semaphore(%arg13 : memref<!tpu.dma_semaphore, #tpu.memory_space<semaphore_mem>>) src(%dma_wait3A_566 : memref<10128x128xf32, #tpu.memory_space<hbm>>) dst(%arg10 : memref<128x128xf32, #tpu.memory_space<vmem>>)
      %dma_start3A_567 = arith.constant 2 : i32
      %dma_start3A_568 = arith.constant 0 : i32
      %dma_start3A_569 = tpu.memref_slice %arg9[%dma_start3A_567, %dma_start3A_568] : memref<8x128xi32, #tpu.memory_space<vmem>> -> memref<1x128xi32, #tpu.memory_space<vmem>>
      %dma_start3A_570 = tpu.memref_squeeze %dma_start3A_569 : memref<1x128xi32, #tpu.memory_space<vmem>> -> memref<128xi32, #tpu.memory_space<vmem>>
      %dma_start3A_571 = arith.constant 0 : i32
      %dma_start3A_572 = arith.constant 0 : i32
      %dma_start3A_573 = tpu.memref_slice %arg12[%dma_start3A_571, %dma_start3A_572] : memref<10000x128xf32, #tpu.memory_space<vmem_shared>> -> memref<10000x128xf32, #tpu.memory_space<vmem_shared>>
      tpu.enqueue_indirect_dma source(%arg10 : memref<128x128xf32, #tpu.memory_space<vmem>>) target(%dma_start3A_573 : memref<10000x128xf32, #tpu.memory_space<vmem_shared>>) offsets(%dma_start3A_570 : memref<128xi32, #tpu.memory_space<vmem>>) semaphore(%arg15 : memref<!tpu.dma_semaphore, #tpu.memory_space<semaphore_mem>>) {add = true}
      %dma_wait3A_574 = arith.constant 1 : i32
      %dma_wait3A_575 = arith.constant 0 : i32
      %dma_wait3A_576 = tpu.memref_slice %arg9[%dma_wait3A_574, %dma_wait3A_575] : memref<8x128xi32, #tpu.memory_space<vmem>> -> memref<1x128xi32, #tpu.memory_space<vmem>>
      %dma_wait3A_577 = tpu.memref_squeeze %dma_wait3A_576 : memref<1x128xi32, #tpu.memory_space<vmem>> -> memref<128xi32, #tpu.memory_space<vmem>>
      %dma_wait3A_578 = arith.constant 0 : i32
      %dma_wait3A_579 = arith.constant 0 : i32
      %dma_wait3A_580 = tpu.memref_slice %arg12[%dma_wait3A_578, %dma_wait3A_579] : memref<10000x128xf32, #tpu.memory_space<vmem_shared>> -> memref<10000x128xf32, #tpu.memory_space<vmem_shared>>
      tpu.wait_indirect_dma semaphore(%arg16 : memref<!tpu.dma_semaphore, #tpu.memory_space<semaphore_mem>>) src(%arg11 : memref<128x128xf32, #tpu.memory_space<vmem>>) dst(%dma_wait3A_580 : memref<10000x128xf32, #tpu.memory_space<vmem_shared>>)
      %dma_start3A_581 = arith.constant 3 : i32
      %dma_start3A_582 = arith.constant 0 : i32
      %dma_start3A_583 = tpu.memref_slice %arg8[%dma_start3A_581, %dma_start3A_582] : memref<8x128xi32, #tpu.memory_space<vmem>> -> memref<1x128xi32, #tpu.memory_space<vmem>>
      %dma_start3A_584 = tpu.memref_squeeze %dma_start3A_583 : memref<1x128xi32, #tpu.memory_space<vmem>> -> memref<128xi32, #tpu.memory_space<vmem>>
      %dma_start3A_585 = arith.constant 0 : i32
      %dma_start3A_586 = arith.constant 0 : i32
      %dma_start3A_587 = tpu.memref_slice %arg2[%dma_start3A_585, %dma_start3A_586] : memref<10128x128xf32, #tpu.memory_space<hbm>> -> memref<10128x128xf32, #tpu.memory_space<hbm>>
      tpu.enqueue_indirect_dma source(%dma_start3A_587 : memref<10128x128xf32, #tpu.memory_space<hbm>>) target(%arg11 : memref<128x128xf32, #tpu.memory_space<vmem>>) offsets(%dma_start3A_584 : memref<128xi32, #tpu.memory_space<vmem>>) semaphore(%arg14 : memref<!tpu.dma_semaphore, #tpu.memory_space<semaphore_mem>>)
      %dma_wait3A_588 = arith.constant 3 : i32
      %dma_wait3A_589 = arith.constant 0 : i32
      %dma_wait3A_590 = tpu.memref_slice %arg8[%dma_wait3A_588, %dma_wait3A_589] : memref<8x128xi32, #tpu.memory_space<vmem>> -> memref<1x128xi32, #tpu.memory_space<vmem>>
      %dma_wait3A_591 = tpu.memref_squeeze %dma_wait3A_590 : memref<1x128xi32, #tpu.memory_space<vmem>> -> memref<128xi32, #tpu.memory_space<vmem>>
      %dma_wait3A_592 = arith.constant 0 : i32
      %dma_wait3A_593 = arith.constant 0 : i32
      %dma_wait3A_594 = tpu.memref_slice %arg2[%dma_wait3A_592, %dma_wait3A_593] : memref<10128x128xf32, #tpu.memory_space<hbm>> -> memref<10128x128xf32, #tpu.memory_space<hbm>>
      tpu.wait_indirect_dma semaphore(%arg14 : memref<!tpu.dma_semaphore, #tpu.memory_space<semaphore_mem>>) src(%dma_wait3A_594 : memref<10128x128xf32, #tpu.memory_space<hbm>>) dst(%arg11 : memref<128x128xf32, #tpu.memory_space<vmem>>)
      %dma_start3A_595 = arith.constant 3 : i32
      %dma_start3A_596 = arith.constant 0 : i32
      %dma_start3A_597 = tpu.memref_slice %arg9[%dma_start3A_595, %dma_start3A_596] : memref<8x128xi32, #tpu.memory_space<vmem>> -> memref<1x128xi32, #tpu.memory_space<vmem>>
      %dma_start3A_598 = tpu.memref_squeeze %dma_start3A_597 : memref<1x128xi32, #tpu.memory_space<vmem>> -> memref<128xi32, #tpu.memory_space<vmem>>
      %dma_start3A_599 = arith.constant 0 : i32
      %dma_start3A_600 = arith.constant 0 : i32
      %dma_start3A_601 = tpu.memref_slice %arg12[%dma_start3A_599, %dma_start3A_600] : memref<10000x128xf32, #tpu.memory_space<vmem_shared>> -> memref<10000x128xf32, #tpu.memory_space<vmem_shared>>
      tpu.enqueue_indirect_dma source(%arg11 : memref<128x128xf32, #tpu.memory_space<vmem>>) target(%dma_start3A_601 : memref<10000x128xf32, #tpu.memory_space<vmem_shared>>) offsets(%dma_start3A_598 : memref<128xi32, #tpu.memory_space<vmem>>) semaphore(%arg16 : memref<!tpu.dma_semaphore, #tpu.memory_space<semaphore_mem>>) {add = true}
      %dma_wait3A_602 = arith.constant 2 : i32
      %dma_wait3A_603 = arith.constant 0 : i32
      %dma_wait3A_604 = tpu.memref_slice %arg9[%dma_wait3A_602, %dma_wait3A_603] : memref<8x128xi32, #tpu.memory_space<vmem>> -> memref<1x128xi32, #tpu.memory_space<vmem>>
      %dma_wait3A_605 = tpu.memref_squeeze %dma_wait3A_604 : memref<1x128xi32, #tpu.memory_space<vmem>> -> memref<128xi32, #tpu.memory_space<vmem>>
      %dma_wait3A_606 = arith.constant 0 : i32
      %dma_wait3A_607 = arith.constant 0 : i32
      %dma_wait3A_608 = tpu.memref_slice %arg12[%dma_wait3A_606, %dma_wait3A_607] : memref<10000x128xf32, #tpu.memory_space<vmem_shared>> -> memref<10000x128xf32, #tpu.memory_space<vmem_shared>>
      tpu.wait_indirect_dma semaphore(%arg15 : memref<!tpu.dma_semaphore, #tpu.memory_space<semaphore_mem>>) src(%arg10 : memref<128x128xf32, #tpu.memory_space<vmem>>) dst(%dma_wait3A_608 : memref<10000x128xf32, #tpu.memory_space<vmem_shared>>)
      %dma_start3A_609 = arith.constant 4 : i32
      %dma_start3A_610 = arith.constant 0 : i32
      %dma_start3A_611 = tpu.memref_slice %arg8[%dma_start3A_609, %dma_start3A_610] : memref<8x128xi32, #tpu.memory_space<vmem>> -> memref<1x128xi32, #tpu.memory_space<vmem>>
      %dma_start3A_612 = tpu.memref_squeeze %dma_start3A_611 : memref<1x128xi32, #tpu.memory_space<vmem>> -> memref<128xi32, #tpu.memory_space<vmem>>
      %dma_start3A_613 = arith.constant 0 : i32
      %dma_start3A_614 = arith.constant 0 : i32
      %dma_start3A_615 = tpu.memref_slice %arg2[%dma_start3A_613, %dma_start3A_614] : memref<10128x128xf32, #tpu.memory_space<hbm>> -> memref<10128x128xf32, #tpu.memory_space<hbm>>
      tpu.enqueue_indirect_dma source(%dma_start3A_615 : memref<10128x128xf32, #tpu.memory_space<hbm>>) target(%arg10 : memref<128x128xf32, #tpu.memory_space<vmem>>) offsets(%dma_start3A_612 : memref<128xi32, #tpu.memory_space<vmem>>) semaphore(%arg13 : memref<!tpu.dma_semaphore, #tpu.memory_space<semaphore_mem>>)
      %dma_wait3A_616 = arith.constant 4 : i32
      %dma_wait3A_617 = arith.constant 0 : i32
      %dma_wait3A_618 = tpu.memref_slice %arg8[%dma_wait3A_616, %dma_wait3A_617] : memref<8x128xi32, #tpu.memory_space<vmem>> -> memref<1x128xi32, #tpu.memory_space<vmem>>
      %dma_wait3A_619 = tpu.memref_squeeze %dma_wait3A_618 : memref<1x128xi32, #tpu.memory_space<vmem>> -> memref<128xi32, #tpu.memory_space<vmem>>
      %dma_wait3A_620 = arith.constant 0 : i32
      %dma_wait3A_621 = arith.constant 0 : i32
      %dma_wait3A_622 = tpu.memref_slice %arg2[%dma_wait3A_620, %dma_wait3A_621] : memref<10128x128xf32, #tpu.memory_space<hbm>> -> memref<10128x128xf32, #tpu.memory_space<hbm>>
      tpu.wait_indirect_dma semaphore(%arg13 : memref<!tpu.dma_semaphore, #tpu.memory_space<semaphore_mem>>) src(%dma_wait3A_622 : memref<10128x128xf32, #tpu.memory_space<hbm>>) dst(%arg10 : memref<128x128xf32, #tpu.memory_space<vmem>>)
      %dma_start3A_623 = arith.constant 4 : i32
      %dma_start3A_624 = arith.constant 0 : i32
      %dma_start3A_625 = tpu.memref_slice %arg9[%dma_start3A_623, %dma_start3A_624] : memref<8x128xi32, #tpu.memory_space<vmem>> -> memref<1x128xi32, #tpu.memory_space<vmem>>
      %dma_start3A_626 = tpu.memref_squeeze %dma_start3A_625 : memref<1x128xi32, #tpu.memory_space<vmem>> -> memref<128xi32, #tpu.memory_space<vmem>>
      %dma_start3A_627 = arith.constant 0 : i32
      %dma_start3A_628 = arith.constant 0 : i32
      %dma_start3A_629 = tpu.memref_slice %arg12[%dma_start3A_627, %dma_start3A_628] : memref<10000x128xf32, #tpu.memory_space<vmem_shared>> -> memref<10000x128xf32, #tpu.memory_space<vmem_shared>>
      tpu.enqueue_indirect_dma source(%arg10 : memref<128x128xf32, #tpu.memory_space<vmem>>) target(%dma_start3A_629 : memref<10000x128xf32, #tpu.memory_space<vmem_shared>>) offsets(%dma_start3A_626 : memref<128xi32, #tpu.memory_space<vmem>>) semaphore(%arg15 : memref<!tpu.dma_semaphore, #tpu.memory_space<semaphore_mem>>) {add = true}
      %dma_wait3A_630 = arith.constant 3 : i32
      %dma_wait3A_631 = arith.constant 0 : i32
      %dma_wait3A_632 = tpu.memref_slice %arg9[%dma_wait3A_630, %dma_wait3A_631] : memref<8x128xi32, #tpu.memory_space<vmem>> -> memref<1x128xi32, #tpu.memory_space<vmem>>
      %dma_wait3A_633 = tpu.memref_squeeze %dma_wait3A_632 : memref<1x128xi32, #tpu.memory_space<vmem>> -> memref<128xi32, #tpu.memory_space<vmem>>
      %dma_wait3A_634 = arith.constant 0 : i32
      %dma_wait3A_635 = arith.constant 0 : i32
      %dma_wait3A_636 = tpu.memref_slice %arg12[%dma_wait3A_634, %dma_wait3A_635] : memref<10000x128xf32, #tpu.memory_space<vmem_shared>> -> memref<10000x128xf32, #tpu.memory_space<vmem_shared>>
      tpu.wait_indirect_dma semaphore(%arg16 : memref<!tpu.dma_semaphore, #tpu.memory_space<semaphore_mem>>) src(%arg11 : memref<128x128xf32, #tpu.memory_space<vmem>>) dst(%dma_wait3A_636 : memref<10000x128xf32, #tpu.memory_space<vmem_shared>>)
      %dma_start3A_637 = arith.constant 5 : i32
      %dma_start3A_638 = arith.constant 0 : i32
      %dma_start3A_639 = tpu.memref_slice %arg8[%dma_start3A_637, %dma_start3A_638] : memref<8x128xi32, #tpu.memory_space<vmem>> -> memref<1x128xi32, #tpu.memory_space<vmem>>
      %dma_start3A_640 = tpu.memref_squeeze %dma_start3A_639 : memref<1x128xi32, #tpu.memory_space<vmem>> -> memref<128xi32, #tpu.memory_space<vmem>>
      %dma_start3A_641 = arith.constant 0 : i32
      %dma_start3A_642 = arith.constant 0 : i32
      %dma_start3A_643 = tpu.memref_slice %arg2[%dma_start3A_641, %dma_start3A_642] : memref<10128x128xf32, #tpu.memory_space<hbm>> -> memref<10128x128xf32, #tpu.memory_space<hbm>>
      tpu.enqueue_indirect_dma source(%dma_start3A_643 : memref<10128x128xf32, #tpu.memory_space<hbm>>) target(%arg11 : memref<128x128xf32, #tpu.memory_space<vmem>>) offsets(%dma_start3A_640 : memref<128xi32, #tpu.memory_space<vmem>>) semaphore(%arg14 : memref<!tpu.dma_semaphore, #tpu.memory_space<semaphore_mem>>)
      %dma_wait3A_644 = arith.constant 5 : i32
      %dma_wait3A_645 = arith.constant 0 : i32
      %dma_wait3A_646 = tpu.memref_slice %arg8[%dma_wait3A_644, %dma_wait3A_645] : memref<8x128xi32, #tpu.memory_space<vmem>> -> memref<1x128xi32, #tpu.memory_space<vmem>>
      %dma_wait3A_647 = tpu.memref_squeeze %dma_wait3A_646 : memref<1x128xi32, #tpu.memory_space<vmem>> -> memref<128xi32, #tpu.memory_space<vmem>>
      %dma_wait3A_648 = arith.constant 0 : i32
      %dma_wait3A_649 = arith.constant 0 : i32
      %dma_wait3A_650 = tpu.memref_slice %arg2[%dma_wait3A_648, %dma_wait3A_649] : memref<10128x128xf32, #tpu.memory_space<hbm>> -> memref<10128x128xf32, #tpu.memory_space<hbm>>
      tpu.wait_indirect_dma semaphore(%arg14 : memref<!tpu.dma_semaphore, #tpu.memory_space<semaphore_mem>>) src(%dma_wait3A_650 : memref<10128x128xf32, #tpu.memory_space<hbm>>) dst(%arg11 : memref<128x128xf32, #tpu.memory_space<vmem>>)
      %dma_start3A_651 = arith.constant 5 : i32
      %dma_start3A_652 = arith.constant 0 : i32
      %dma_start3A_653 = tpu.memref_slice %arg9[%dma_start3A_651, %dma_start3A_652] : memref<8x128xi32, #tpu.memory_space<vmem>> -> memref<1x128xi32, #tpu.memory_space<vmem>>
      %dma_start3A_654 = tpu.memref_squeeze %dma_start3A_653 : memref<1x128xi32, #tpu.memory_space<vmem>> -> memref<128xi32, #tpu.memory_space<vmem>>
      %dma_start3A_655 = arith.constant 0 : i32
      %dma_start3A_656 = arith.constant 0 : i32
      %dma_start3A_657 = tpu.memref_slice %arg12[%dma_start3A_655, %dma_start3A_656] : memref<10000x128xf32, #tpu.memory_space<vmem_shared>> -> memref<10000x128xf32, #tpu.memory_space<vmem_shared>>
      tpu.enqueue_indirect_dma source(%arg11 : memref<128x128xf32, #tpu.memory_space<vmem>>) target(%dma_start3A_657 : memref<10000x128xf32, #tpu.memory_space<vmem_shared>>) offsets(%dma_start3A_654 : memref<128xi32, #tpu.memory_space<vmem>>) semaphore(%arg16 : memref<!tpu.dma_semaphore, #tpu.memory_space<semaphore_mem>>) {add = true}
      %dma_wait3A_658 = arith.constant 4 : i32
      %dma_wait3A_659 = arith.constant 0 : i32
      %dma_wait3A_660 = tpu.memref_slice %arg9[%dma_wait3A_658, %dma_wait3A_659] : memref<8x128xi32, #tpu.memory_space<vmem>> -> memref<1x128xi32, #tpu.memory_space<vmem>>
      %dma_wait3A_661 = tpu.memref_squeeze %dma_wait3A_660 : memref<1x128xi32, #tpu.memory_space<vmem>> -> memref<128xi32, #tpu.memory_space<vmem>>
      %dma_wait3A_662 = arith.constant 0 : i32
      %dma_wait3A_663 = arith.constant 0 : i32
      %dma_wait3A_664 = tpu.memref_slice %arg12[%dma_wait3A_662, %dma_wait3A_663] : memref<10000x128xf32, #tpu.memory_space<vmem_shared>> -> memref<10000x128xf32, #tpu.memory_space<vmem_shared>>
      tpu.wait_indirect_dma semaphore(%arg15 : memref<!tpu.dma_semaphore, #tpu.memory_space<semaphore_mem>>) src(%arg10 : memref<128x128xf32, #tpu.memory_space<vmem>>) dst(%dma_wait3A_664 : memref<10000x128xf32, #tpu.memory_space<vmem_shared>>)
      %dma_start3A_665 = arith.constant 6 : i32
      %dma_start3A_666 = arith.constant 0 : i32
      %dma_start3A_667 = tpu.memref_slice %arg8[%dma_start3A_665, %dma_start3A_666] : memref<8x128xi32, #tpu.memory_space<vmem>> -> memref<1x128xi32, #tpu.memory_space<vmem>>
      %dma_start3A_668 = tpu.memref_squeeze %dma_start3A_667 : memref<1x128xi32, #tpu.memory_space<vmem>> -> memref<128xi32, #tpu.memory_space<vmem>>
      %dma_start3A_669 = arith.constant 0 : i32
      %dma_start3A_670 = arith.constant 0 : i32
      %dma_start3A_671 = tpu.memref_slice %arg2[%dma_start3A_669, %dma_start3A_670] : memref<10128x128xf32, #tpu.memory_space<hbm>> -> memref<10128x128xf32, #tpu.memory_space<hbm>>
      tpu.enqueue_indirect_dma source(%dma_start3A_671 : memref<10128x128xf32, #tpu.memory_space<hbm>>) target(%arg10 : memref<128x128xf32, #tpu.memory_space<vmem>>) offsets(%dma_start3A_668 : memref<128xi32, #tpu.memory_space<vmem>>) semaphore(%arg13 : memref<!tpu.dma_semaphore, #tpu.memory_space<semaphore_mem>>)
      %dma_wait3A_672 = arith.constant 6 : i32
      %dma_wait3A_673 = arith.constant 0 : i32
      %dma_wait3A_674 = tpu.memref_slice %arg8[%dma_wait3A_672, %dma_wait3A_673] : memref<8x128xi32, #tpu.memory_space<vmem>> -> memref<1x128xi32, #tpu.memory_space<vmem>>
      %dma_wait3A_675 = tpu.memref_squeeze %dma_wait3A_674 : memref<1x128xi32, #tpu.memory_space<vmem>> -> memref<128xi32, #tpu.memory_space<vmem>>
      %dma_wait3A_676 = arith.constant 0 : i32
      %dma_wait3A_677 = arith.constant 0 : i32
      %dma_wait3A_678 = tpu.memref_slice %arg2[%dma_wait3A_676, %dma_wait3A_677] : memref<10128x128xf32, #tpu.memory_space<hbm>> -> memref<10128x128xf32, #tpu.memory_space<hbm>>
      tpu.wait_indirect_dma semaphore(%arg13 : memref<!tpu.dma_semaphore, #tpu.memory_space<semaphore_mem>>) src(%dma_wait3A_678 : memref<10128x128xf32, #tpu.memory_space<hbm>>) dst(%arg10 : memref<128x128xf32, #tpu.memory_space<vmem>>)
      %dma_start3A_679 = arith.constant 6 : i32
      %dma_start3A_680 = arith.constant 0 : i32
      %dma_start3A_681 = tpu.memref_slice %arg9[%dma_start3A_679, %dma_start3A_680] : memref<8x128xi32, #tpu.memory_space<vmem>> -> memref<1x128xi32, #tpu.memory_space<vmem>>
      %dma_start3A_682 = tpu.memref_squeeze %dma_start3A_681 : memref<1x128xi32, #tpu.memory_space<vmem>> -> memref<128xi32, #tpu.memory_space<vmem>>
      %dma_start3A_683 = arith.constant 0 : i32
      %dma_start3A_684 = arith.constant 0 : i32
      %dma_start3A_685 = tpu.memref_slice %arg12[%dma_start3A_683, %dma_start3A_684] : memref<10000x128xf32, #tpu.memory_space<vmem_shared>> -> memref<10000x128xf32, #tpu.memory_space<vmem_shared>>
      tpu.enqueue_indirect_dma source(%arg10 : memref<128x128xf32, #tpu.memory_space<vmem>>) target(%dma_start3A_685 : memref<10000x128xf32, #tpu.memory_space<vmem_shared>>) offsets(%dma_start3A_682 : memref<128xi32, #tpu.memory_space<vmem>>) semaphore(%arg15 : memref<!tpu.dma_semaphore, #tpu.memory_space<semaphore_mem>>) {add = true}
      %dma_wait3A_686 = arith.constant 5 : i32
      %dma_wait3A_687 = arith.constant 0 : i32
      %dma_wait3A_688 = tpu.memref_slice %arg9[%dma_wait3A_686, %dma_wait3A_687] : memref<8x128xi32, #tpu.memory_space<vmem>> -> memref<1x128xi32, #tpu.memory_space<vmem>>
      %dma_wait3A_689 = tpu.memref_squeeze %dma_wait3A_688 : memref<1x128xi32, #tpu.memory_space<vmem>> -> memref<128xi32, #tpu.memory_space<vmem>>
      %dma_wait3A_690 = arith.constant 0 : i32
      %dma_wait3A_691 = arith.constant 0 : i32
      %dma_wait3A_692 = tpu.memref_slice %arg12[%dma_wait3A_690, %dma_wait3A_691] : memref<10000x128xf32, #tpu.memory_space<vmem_shared>> -> memref<10000x128xf32, #tpu.memory_space<vmem_shared>>
      tpu.wait_indirect_dma semaphore(%arg16 : memref<!tpu.dma_semaphore, #tpu.memory_space<semaphore_mem>>) src(%arg11 : memref<128x128xf32, #tpu.memory_space<vmem>>) dst(%dma_wait3A_692 : memref<10000x128xf32, #tpu.memory_space<vmem_shared>>)
      %dma_start3A_693 = arith.constant 7 : i32
      %dma_start3A_694 = arith.constant 0 : i32
      %dma_start3A_695 = tpu.memref_slice %arg8[%dma_start3A_693, %dma_start3A_694] : memref<8x128xi32, #tpu.memory_space<vmem>> -> memref<1x128xi32, #tpu.memory_space<vmem>>
      %dma_start3A_696 = tpu.memref_squeeze %dma_start3A_695 : memref<1x128xi32, #tpu.memory_space<vmem>> -> memref<128xi32, #tpu.memory_space<vmem>>
      %dma_start3A_697 = arith.constant 0 : i32
      %dma_start3A_698 = arith.constant 0 : i32
      %dma_start3A_699 = tpu.memref_slice %arg2[%dma_start3A_697, %dma_start3A_698] : memref<10128x128xf32, #tpu.memory_space<hbm>> -> memref<10128x128xf32, #tpu.memory_space<hbm>>
      tpu.enqueue_indirect_dma source(%dma_start3A_699 : memref<10128x128xf32, #tpu.memory_space<hbm>>) target(%arg11 : memref<128x128xf32, #tpu.memory_space<vmem>>) offsets(%dma_start3A_696 : memref<128xi32, #tpu.memory_space<vmem>>) semaphore(%arg14 : memref<!tpu.dma_semaphore, #tpu.memory_space<semaphore_mem>>)
      %dma_wait3A_700 = arith.constant 7 : i32
      %dma_wait3A_701 = arith.constant 0 : i32
      %dma_wait3A_702 = tpu.memref_slice %arg8[%dma_wait3A_700, %dma_wait3A_701] : memref<8x128xi32, #tpu.memory_space<vmem>> -> memref<1x128xi32, #tpu.memory_space<vmem>>
      %dma_wait3A_703 = tpu.memref_squeeze %dma_wait3A_702 : memref<1x128xi32, #tpu.memory_space<vmem>> -> memref<128xi32, #tpu.memory_space<vmem>>
      %dma_wait3A_704 = arith.constant 0 : i32
      %dma_wait3A_705 = arith.constant 0 : i32
      %dma_wait3A_706 = tpu.memref_slice %arg2[%dma_wait3A_704, %dma_wait3A_705] : memref<10128x128xf32, #tpu.memory_space<hbm>> -> memref<10128x128xf32, #tpu.memory_space<hbm>>
      tpu.wait_indirect_dma semaphore(%arg14 : memref<!tpu.dma_semaphore, #tpu.memory_space<semaphore_mem>>) src(%dma_wait3A_706 : memref<10128x128xf32, #tpu.memory_space<hbm>>) dst(%arg11 : memref<128x128xf32, #tpu.memory_space<vmem>>)
      %dma_start3A_707 = arith.constant 7 : i32
      %dma_start3A_708 = arith.constant 0 : i32
      %dma_start3A_709 = tpu.memref_slice %arg9[%dma_start3A_707, %dma_start3A_708] : memref<8x128xi32, #tpu.memory_space<vmem>> -> memref<1x128xi32, #tpu.memory_space<vmem>>
      %dma_start3A_710 = tpu.memref_squeeze %dma_start3A_709 : memref<1x128xi32, #tpu.memory_space<vmem>> -> memref<128xi32, #tpu.memory_space<vmem>>
      %dma_start3A_711 = arith.constant 0 : i32
      %dma_start3A_712 = arith.constant 0 : i32
      %dma_start3A_713 = tpu.memref_slice %arg12[%dma_start3A_711, %dma_start3A_712] : memref<10000x128xf32, #tpu.memory_space<vmem_shared>> -> memref<10000x128xf32, #tpu.memory_space<vmem_shared>>
      tpu.enqueue_indirect_dma source(%arg11 : memref<128x128xf32, #tpu.memory_space<vmem>>) target(%dma_start3A_713 : memref<10000x128xf32, #tpu.memory_space<vmem_shared>>) offsets(%dma_start3A_710 : memref<128xi32, #tpu.memory_space<vmem>>) semaphore(%arg16 : memref<!tpu.dma_semaphore, #tpu.memory_space<semaphore_mem>>) {add = true}
      %add3A_714 = arith.constant 16 : i32
      %add3A_715 = arith.addi %add3A_247, %add3A_714 : i32
      %rem3A = arith.constant 2560 : i32
      %rem3A_716 = arith.remsi %add3A_715, %rem3A : i32
      %dma_start3A_717 = arith.constant 0 : i32
      %dma_start3A_718 = tpu.memref_slice %arg3[%rem3A_716, %dma_start3A_717] : memref<2560x128xi32, #tpu.memory_space<hbm>> -> memref<8x128xi32, #tpu.memory_space<hbm>>
      %dma_start3A_719 = arith.constant 0 : i32
      %dma_start3A_720 = tpu.memref_slice %arg3[%rem3A_716, %dma_start3A_719] : memref<2560x128xi32, #tpu.memory_space<hbm>> -> memref<8x128xi32, #tpu.memory_space<hbm>>
      tpu.enqueue_dma source(%dma_start3A_720 : memref<8x128xi32, #tpu.memory_space<hbm>>) target(%arg6 : memref<8x128xi32, #tpu.memory_space<vmem>>) target_semaphore(%arg17 : memref<!tpu.dma_semaphore, #tpu.memory_space<semaphore_mem>>)
      %dma_start3A_721 = arith.constant 0 : i32
      %dma_start3A_722 = tpu.memref_slice %arg4[%rem3A_716, %dma_start3A_721] : memref<2560x128xi32, #tpu.memory_space<hbm>> -> memref<8x128xi32, #tpu.memory_space<hbm>>
      %dma_start3A_723 = arith.constant 0 : i32
      %dma_start3A_724 = tpu.memref_slice %arg4[%rem3A_716, %dma_start3A_723] : memref<2560x128xi32, #tpu.memory_space<hbm>> -> memref<8x128xi32, #tpu.memory_space<hbm>>
      tpu.enqueue_dma source(%dma_start3A_724 : memref<8x128xi32, #tpu.memory_space<hbm>>) target(%arg7 : memref<8x128xi32, #tpu.memory_space<vmem>>) target_semaphore(%arg17 : memref<!tpu.dma_semaphore, #tpu.memory_space<semaphore_mem>>)
      %dma_wait3A_725 = arith.constant 6 : i32
      %dma_wait3A_726 = arith.constant 0 : i32
      %dma_wait3A_727 = tpu.memref_slice %arg9[%dma_wait3A_725, %dma_wait3A_726] : memref<8x128xi32, #tpu.memory_space<vmem>> -> memref<1x128xi32, #tpu.memory_space<vmem>>
      %dma_wait3A_728 = tpu.memref_squeeze %dma_wait3A_727 : memref<1x128xi32, #tpu.memory_space<vmem>> -> memref<128xi32, #tpu.memory_space<vmem>>
      %dma_wait3A_729 = arith.constant 0 : i32
      %dma_wait3A_730 = arith.constant 0 : i32
      %dma_wait3A_731 = tpu.memref_slice %arg12[%dma_wait3A_729, %dma_wait3A_730] : memref<10000x128xf32, #tpu.memory_space<vmem_shared>> -> memref<10000x128xf32, #tpu.memory_space<vmem_shared>>
      tpu.wait_indirect_dma semaphore(%arg15 : memref<!tpu.dma_semaphore, #tpu.memory_space<semaphore_mem>>) src(%arg10 : memref<128x128xf32, #tpu.memory_space<vmem>>) dst(%dma_wait3A_731 : memref<10000x128xf32, #tpu.memory_space<vmem_shared>>)
      %dma_wait3A_732 = arith.constant 7 : i32
      %dma_wait3A_733 = arith.constant 0 : i32
      %dma_wait3A_734 = tpu.memref_slice %arg9[%dma_wait3A_732, %dma_wait3A_733] : memref<8x128xi32, #tpu.memory_space<vmem>> -> memref<1x128xi32, #tpu.memory_space<vmem>>
      %dma_wait3A_735 = tpu.memref_squeeze %dma_wait3A_734 : memref<1x128xi32, #tpu.memory_space<vmem>> -> memref<128xi32, #tpu.memory_space<vmem>>
      %dma_wait3A_736 = arith.constant 0 : i32
      %dma_wait3A_737 = arith.constant 0 : i32
      %dma_wait3A_738 = tpu.memref_slice %arg12[%dma_wait3A_736, %dma_wait3A_737] : memref<10000x128xf32, #tpu.memory_space<vmem_shared>> -> memref<10000x128xf32, #tpu.memory_space<vmem_shared>>
      tpu.wait_indirect_dma semaphore(%arg16 : memref<!tpu.dma_semaphore, #tpu.memory_space<semaphore_mem>>) src(%arg11 : memref<128x128xf32, #tpu.memory_space<vmem>>) dst(%dma_wait3A_738 : memref<10000x128xf32, #tpu.memory_space<vmem_shared>>)
    }
    %scan3A_139 = arith.constant 5 : i32
    %dma_wait3A_140 = arith.constant 0 : i32
    %dma_wait3A_141 = tpu.memref_slice %arg3[%mul3A_2, %dma_wait3A_140] : memref<2560x128xi32, #tpu.memory_space<hbm>> -> memref<8x128xi32, #tpu.memory_space<hbm>>
    %dma_wait3A_142 = arith.constant 0 : i32
    %dma_wait3A_143 = tpu.memref_slice %arg3[%mul3A_2, %dma_wait3A_142] : memref<2560x128xi32, #tpu.memory_space<hbm>> -> memref<8x128xi32, #tpu.memory_space<hbm>>
    tpu.wait_dma2 semaphore(%arg17 : memref<!tpu.dma_semaphore, #tpu.memory_space<semaphore_mem>>) src(%dma_wait3A_143 : memref<8x128xi32, #tpu.memory_space<hbm>>) dst(%arg6 : memref<8x128xi32, #tpu.memory_space<vmem>>)
    %dma_wait3A_144 = arith.constant 0 : i32
    %dma_wait3A_145 = tpu.memref_slice %arg4[%mul3A_2, %dma_wait3A_144] : memref<2560x128xi32, #tpu.memory_space<hbm>> -> memref<8x128xi32, #tpu.memory_space<hbm>>
    %dma_wait3A_146 = arith.constant 0 : i32
    %dma_wait3A_147 = tpu.memref_slice %arg4[%mul3A_2, %dma_wait3A_146] : memref<2560x128xi32, #tpu.memory_space<hbm>> -> memref<8x128xi32, #tpu.memory_space<hbm>>
    tpu.wait_dma2 semaphore(%arg17 : memref<!tpu.dma_semaphore, #tpu.memory_space<semaphore_mem>>) src(%dma_wait3A_147 : memref<8x128xi32, #tpu.memory_space<hbm>>) dst(%arg7 : memref<8x128xi32, #tpu.memory_space<vmem>>)
    %barrier3A_148 = arith.constant 0 : index
    tpu.barrier barrier_id(%barrier3A_148)
    %mul3A_149 = arith.constant 625 : i32
    %mul3A_150 = arith.muli %arg1, %mul3A_149 : i32
    %add3A_151 = arith.constant 0 : i32
    %add3A_152 = arith.addi %mul3A_150, %add3A_151 : i32
    %mul3A_153 = arith.constant 10000 : i32
    %mul3A_154 = arith.muli %arg0, %mul3A_153 : i32
    %mul3A_155 = arith.constant 625 : i32
    %mul3A_156 = arith.muli %arg1, %mul3A_155 : i32
    %add3A_157 = arith.addi %mul3A_154, %mul3A_156 : i32
    %add3A_158 = arith.constant 0 : i32
    %add3A_159 = arith.addi %add3A_157, %add3A_158 : i32
    %dma_start3A_160 = arith.constant 0 : i32
    %dma_start3A_161 = tpu.memref_slice %arg5[%add3A_159, %dma_start3A_160] : memref<20000x128xf32, #tpu.memory_space<hbm>> -> memref<128x128xf32, #tpu.memory_space<hbm>>
    %dma_start3A_162 = arith.constant 0 : i32
    %dma_start3A_163 = tpu.memref_slice %arg12[%add3A_152, %dma_start3A_162] : memref<10000x128xf32, #tpu.memory_space<vmem_shared>> -> memref<128x128xf32, #tpu.memory_space<vmem_shared>>
    tpu.enqueue_dma source(%dma_start3A_163 : memref<128x128xf32, #tpu.memory_space<vmem_shared>>) target(%dma_start3A_161 : memref<128x128xf32, #tpu.memory_space<hbm>>) target_semaphore(%arg16 : memref<!tpu.dma_semaphore, #tpu.memory_space<semaphore_mem>>)
    %mul3A_164 = arith.constant 625 : i32
    %mul3A_165 = arith.muli %arg1, %mul3A_164 : i32
    %add3A_166 = arith.constant 128 : i32
    %add3A_167 = arith.addi %mul3A_165, %add3A_166 : i32
    %mul3A_168 = arith.constant 10000 : i32
    %mul3A_169 = arith.muli %arg0, %mul3A_168 : i32
    %mul3A_170 = arith.constant 625 : i32
    %mul3A_171 = arith.muli %arg1, %mul3A_170 : i32
    %add3A_172 = arith.addi %mul3A_169, %mul3A_171 : i32
    %add3A_173 = arith.constant 128 : i32
    %add3A_174 = arith.addi %add3A_172, %add3A_173 : i32
    %dma_start3A_175 = arith.constant 0 : i32
    %dma_start3A_176 = tpu.memref_slice %arg5[%add3A_174, %dma_start3A_175] : memref<20000x128xf32, #tpu.memory_space<hbm>> -> memref<128x128xf32, #tpu.memory_space<hbm>>
    %dma_start3A_177 = arith.constant 0 : i32
    %dma_start3A_178 = tpu.memref_slice %arg12[%add3A_167, %dma_start3A_177] : memref<10000x128xf32, #tpu.memory_space<vmem_shared>> -> memref<128x128xf32, #tpu.memory_space<vmem_shared>>
    tpu.enqueue_dma source(%dma_start3A_178 : memref<128x128xf32, #tpu.memory_space<vmem_shared>>) target(%dma_start3A_176 : memref<128x128xf32, #tpu.memory_space<hbm>>) target_semaphore(%arg16 : memref<!tpu.dma_semaphore, #tpu.memory_space<semaphore_mem>>)
    %mul3A_179 = arith.constant 625 : i32
    %mul3A_180 = arith.muli %arg1, %mul3A_179 : i32
    %add3A_181 = arith.constant 256 : i32
    %add3A_182 = arith.addi %mul3A_180, %add3A_181 : i32
    %mul3A_183 = arith.constant 10000 : i32
    %mul3A_184 = arith.muli %arg0, %mul3A_183 : i32
    %mul3A_185 = arith.constant 625 : i32
    %mul3A_186 = arith.muli %arg1, %mul3A_185 : i32
    %add3A_187 = arith.addi %mul3A_184, %mul3A_186 : i32
    %add3A_188 = arith.constant 256 : i32
    %add3A_189 = arith.addi %add3A_187, %add3A_188 : i32
    %dma_start3A_190 = arith.constant 0 : i32
    %dma_start3A_191 = tpu.memref_slice %arg5[%add3A_189, %dma_start3A_190] : memref<20000x128xf32, #tpu.memory_space<hbm>> -> memref<128x128xf32, #tpu.memory_space<hbm>>
    %dma_start3A_192 = arith.constant 0 : i32
    %dma_start3A_193 = tpu.memref_slice %arg12[%add3A_182, %dma_start3A_192] : memref<10000x128xf32, #tpu.memory_space<vmem_shared>> -> memref<128x128xf32, #tpu.memory_space<vmem_shared>>
    tpu.enqueue_dma source(%dma_start3A_193 : memref<128x128xf32, #tpu.memory_space<vmem_shared>>) target(%dma_start3A_191 : memref<128x128xf32, #tpu.memory_space<hbm>>) target_semaphore(%arg16 : memref<!tpu.dma_semaphore, #tpu.memory_space<semaphore_mem>>)
    %mul3A_194 = arith.constant 625 : i32
    %mul3A_195 = arith.muli %arg1, %mul3A_194 : i32
    %add3A_196 = arith.constant 384 : i32
    %add3A_197 = arith.addi %mul3A_195, %add3A_196 : i32
    %mul3A_198 = arith.constant 10000 : i32
    %mul3A_199 = arith.muli %arg0, %mul3A_198 : i32
    %mul3A_200 = arith.constant 625 : i32
    %mul3A_201 = arith.muli %arg1, %mul3A_200 : i32
    %add3A_202 = arith.addi %mul3A_199, %mul3A_201 : i32
    %add3A_203 = arith.constant 384 : i32
    %add3A_204 = arith.addi %add3A_202, %add3A_203 : i32
    %dma_start3A_205 = arith.constant 0 : i32
    %dma_start3A_206 = tpu.memref_slice %arg5[%add3A_204, %dma_start3A_205] : memref<20000x128xf32, #tpu.memory_space<hbm>> -> memref<128x128xf32, #tpu.memory_space<hbm>>
    %dma_start3A_207 = arith.constant 0 : i32
    %dma_start3A_208 = tpu.memref_slice %arg12[%add3A_197, %dma_start3A_207] : memref<10000x128xf32, #tpu.memory_space<vmem_shared>> -> memref<128x128xf32, #tpu.memory_space<vmem_shared>>
    tpu.enqueue_dma source(%dma_start3A_208 : memref<128x128xf32, #tpu.memory_space<vmem_shared>>) target(%dma_start3A_206 : memref<128x128xf32, #tpu.memory_space<hbm>>) target_semaphore(%arg16 : memref<!tpu.dma_semaphore, #tpu.memory_space<semaphore_mem>>)
    %mul3A_209 = arith.constant 625 : i32
    %mul3A_210 = arith.muli %arg1, %mul3A_209 : i32
    %add3A_211 = arith.constant 512 : i32
    %add3A_212 = arith.addi %mul3A_210, %add3A_211 : i32
    %mul3A_213 = arith.constant 10000 : i32
    %mul3A_214 = arith.muli %arg0, %mul3A_213 : i32
    %mul3A_215 = arith.constant 625 : i32
    %mul3A_216 = arith.muli %arg1, %mul3A_215 : i32
    %add3A_217 = arith.addi %mul3A_214, %mul3A_216 : i32
    %add3A_218 = arith.constant 512 : i32
    %add3A_219 = arith.addi %add3A_217, %add3A_218 : i32
    %dma_start3A_220 = arith.constant 0 : i32
    %dma_start3A_221 = tpu.memref_slice %arg5[%add3A_219, %dma_start3A_220] : memref<20000x128xf32, #tpu.memory_space<hbm>> -> memref<113x128xf32, #tpu.memory_space<hbm>>
    %dma_start3A_222 = arith.constant 0 : i32
    %dma_start3A_223 = tpu.memref_slice %arg12[%add3A_212, %dma_start3A_222] : memref<10000x128xf32, #tpu.memory_space<vmem_shared>> -> memref<113x128xf32, #tpu.memory_space<vmem_shared>>
    tpu.enqueue_dma source(%dma_start3A_223 : memref<113x128xf32, #tpu.memory_space<vmem_shared>>) target(%dma_start3A_221 : memref<113x128xf32, #tpu.memory_space<hbm>>) target_semaphore(%arg16 : memref<!tpu.dma_semaphore, #tpu.memory_space<semaphore_mem>>)
    %dma_wait3A_224 = arith.constant 0 : i32
    %dma_wait3A_225 = tpu.memref_slice %arg5[%add3A_159, %dma_wait3A_224] : memref<20000x128xf32, #tpu.memory_space<hbm>> -> memref<128x128xf32, #tpu.memory_space<hbm>>
    %dma_wait3A_226 = arith.constant 0 : i32
    %dma_wait3A_227 = tpu.memref_slice %arg12[%add3A_152, %dma_wait3A_226] : memref<10000x128xf32, #tpu.memory_space<vmem_shared>> -> memref<128x128xf32, #tpu.memory_space<vmem_shared>>
    tpu.wait_dma2 semaphore(%arg16 : memref<!tpu.dma_semaphore, #tpu.memory_space<semaphore_mem>>) src(%dma_wait3A_227 : memref<128x128xf32, #tpu.memory_space<vmem_shared>>) dst(%dma_wait3A_225 : memref<128x128xf32, #tpu.memory_space<hbm>>)
    %dma_wait3A_228 = arith.constant 0 : i32
    %dma_wait3A_229 = tpu.memref_slice %arg5[%add3A_174, %dma_wait3A_228] : memref<20000x128xf32, #tpu.memory_space<hbm>> -> memref<128x128xf32, #tpu.memory_space<hbm>>
    %dma_wait3A_230 = arith.constant 0 : i32
    %dma_wait3A_231 = tpu.memref_slice %arg12[%add3A_167, %dma_wait3A_230] : memref<10000x128xf32, #tpu.memory_space<vmem_shared>> -> memref<128x128xf32, #tpu.memory_space<vmem_shared>>
    tpu.wait_dma2 semaphore(%arg16 : memref<!tpu.dma_semaphore, #tpu.memory_space<semaphore_mem>>) src(%dma_wait3A_231 : memref<128x128xf32, #tpu.memory_space<vmem_shared>>) dst(%dma_wait3A_229 : memref<128x128xf32, #tpu.memory_space<hbm>>)
    %dma_wait3A_232 = arith.constant 0 : i32
    %dma_wait3A_233 = tpu.memref_slice %arg5[%add3A_189, %dma_wait3A_232] : memref<20000x128xf32, #tpu.memory_space<hbm>> -> memref<128x128xf32, #tpu.memory_space<hbm>>
    %dma_wait3A_234 = arith.constant 0 : i32
    %dma_wait3A_235 = tpu.memref_slice %arg12[%add3A_182, %dma_wait3A_234] : memref<10000x128xf32, #tpu.memory_space<vmem_shared>> -> memref<128x128xf32, #tpu.memory_space<vmem_shared>>
    tpu.wait_dma2 semaphore(%arg16 : memref<!tpu.dma_semaphore, #tpu.memory_space<semaphore_mem>>) src(%dma_wait3A_235 : memref<128x128xf32, #tpu.memory_space<vmem_shared>>) dst(%dma_wait3A_233 : memref<128x128xf32, #tpu.memory_space<hbm>>)
    %dma_wait3A_236 = arith.constant 0 : i32
    %dma_wait3A_237 = tpu.memref_slice %arg5[%add3A_204, %dma_wait3A_236] : memref<20000x128xf32, #tpu.memory_space<hbm>> -> memref<128x128xf32, #tpu.memory_space<hbm>>
    %dma_wait3A_238 = arith.constant 0 : i32
    %dma_wait3A_239 = tpu.memref_slice %arg12[%add3A_197, %dma_wait3A_238] : memref<10000x128xf32, #tpu.memory_space<vmem_shared>> -> memref<128x128xf32, #tpu.memory_space<vmem_shared>>
    tpu.wait_dma2 semaphore(%arg16 : memref<!tpu.dma_semaphore, #tpu.memory_space<semaphore_mem>>) src(%dma_wait3A_239 : memref<128x128xf32, #tpu.memory_space<vmem_shared>>) dst(%dma_wait3A_237 : memref<128x128xf32, #tpu.memory_space<hbm>>)
    %dma_wait3A_240 = arith.constant 0 : i32
    %dma_wait3A_241 = tpu.memref_slice %arg5[%add3A_219, %dma_wait3A_240] : memref<20000x128xf32, #tpu.memory_space<hbm>> -> memref<113x128xf32, #tpu.memory_space<hbm>>
    %dma_wait3A_242 = arith.constant 0 : i32
    %dma_wait3A_243 = tpu.memref_slice %arg12[%add3A_212, %dma_wait3A_242] : memref<10000x128xf32, #tpu.memory_space<vmem_shared>> -> memref<113x128xf32, #tpu.memory_space<vmem_shared>>
    tpu.wait_dma2 semaphore(%arg16 : memref<!tpu.dma_semaphore, #tpu.memory_space<semaphore_mem>>) src(%dma_wait3A_243 : memref<113x128xf32, #tpu.memory_space<vmem_shared>>) dst(%dma_wait3A_241 : memref<113x128xf32, #tpu.memory_space<hbm>>)
    return
  }
}

#map = affine_map<(d0, d1) -> (0, 0)>
module attributes {stable_mosaic.version = 14 : i64} {
  func.func @seg(%arg0: i32, %arg1: i32, %arg2: memref<10128x128xf32, #tpu.memory_space<hbm>>, %arg3: memref<2560x128xi32, #tpu.memory_space<hbm>>, %arg4: memref<2560x128xi32, #tpu.memory_space<hbm>>, %arg5: memref<20000x128xf32, #tpu.memory_space<hbm>>, %arg6: memref<8x128xi32, #tpu.memory_space<vmem>>, %arg7: memref<8x128xi32, #tpu.memory_space<vmem>>, %arg8: memref<8x128xi32, #tpu.memory_space<vmem>>, %arg9: memref<8x128xi32, #tpu.memory_space<vmem>>, %arg10: memref<128x128xf32, #tpu.memory_space<vmem>>, %arg11: memref<128x128xf32, #tpu.memory_space<vmem>>, %arg12: memref<10000x128xf32, #tpu.memory_space<vmem_shared>>, %arg13: memref<!tpu.dma_semaphore, #tpu.memory_space<semaphore_mem>>, %arg14: memref<!tpu.dma_semaphore, #tpu.memory_space<semaphore_mem>>, %arg15: memref<!tpu.dma_semaphore, #tpu.memory_space<semaphore_mem>>, %arg16: memref<!tpu.dma_semaphore, #tpu.memory_space<semaphore_mem>>, %arg17: memref<!tpu.dma_semaphore, #tpu.memory_space<semaphore_mem>>, %arg18: memref<!tpu.dma_semaphore, #tpu.memory_space<semaphore_mem>>) attributes {dimension_semantics = [#tpu.dimension_semantics<core_parallel>, #tpu.dimension_semantics<subcore_parallel>], iteration_bounds = array<i64: 2, 16>, scalar_prefetch = 0 : i64, scratch_operands = 13 : i64, tpu.core_type = #tpu.core_type<sc_vector_subcore>, window_params = [{transform_indices = #map}, {transform_indices = #map}, {transform_indices = #map}, {transform_indices = #map}]} {
    %mul3A = arith.constant 2 : i32
    %mul3A_0 = arith.muli %arg1, %mul3A : i32
    %add3A = arith.addi %mul3A_0, %arg0 : i32
    %mul3A_1 = arith.constant 80 : i32
    %mul3A_2 = arith.muli %add3A, %mul3A_1 : i32
    %dma_start3A = arith.constant 0 : i32
    %dma_start3A_3 = tpu.memref_slice %arg3[%mul3A_2, %dma_start3A] : memref<2560x128xi32, #tpu.memory_space<hbm>> -> memref<8x128xi32, #tpu.memory_space<hbm>>
    %dma_start3A_4 = arith.constant 0 : i32
    %dma_start3A_5 = tpu.memref_slice %arg3[%mul3A_2, %dma_start3A_4] : memref<2560x128xi32, #tpu.memory_space<hbm>> -> memref<8x128xi32, #tpu.memory_space<hbm>>
    tpu.enqueue_dma source(%dma_start3A_5 : memref<8x128xi32, #tpu.memory_space<hbm>>) target(%arg6 : memref<8x128xi32, #tpu.memory_space<vmem>>) target_semaphore(%arg17 : memref<!tpu.dma_semaphore, #tpu.memory_space<semaphore_mem>>)
    %dma_start3A_6 = arith.constant 0 : i32
    %dma_start3A_7 = tpu.memref_slice %arg4[%mul3A_2, %dma_start3A_6] : memref<2560x128xi32, #tpu.memory_space<hbm>> -> memref<8x128xi32, #tpu.memory_space<hbm>>
    %dma_start3A_8 = arith.constant 0 : i32
    %dma_start3A_9 = tpu.memref_slice %arg4[%mul3A_2, %dma_start3A_8] : memref<2560x128xi32, #tpu.memory_space<hbm>> -> memref<8x128xi32, #tpu.memory_space<hbm>>
    tpu.enqueue_dma source(%dma_start3A_9 : memref<8x128xi32, #tpu.memory_space<hbm>>) target(%arg7 : memref<8x128xi32, #tpu.memory_space<vmem>>) target_semaphore(%arg17 : memref<!tpu.dma_semaphore, #tpu.memory_space<semaphore_mem>>)
    %scan3A = arith.constant 0 : i32
    %scan3A_10 = arith.constant 0 : i32
    %scan3A_11 = arith.constant 128 : i32
    %scan3A_12 = arith.addi %scan3A_10, %scan3A_11 : i32
    %scan3A_13 = arith.constant 1 : i32
    scf.for %scan3A_244 = %scan3A_10 to %scan3A_12 step %scan3A_13  : i32 {
      %broadcast_in_dim3A = arith.constant 0.000000e+00 : f32
      %broadcast_in_dim3A_245 = vector.broadcast %broadcast_in_dim3A : f32 to vector<16xf32>
      %swap3A = arith.index_cast %scan3A_244 : i32 to index
      %swap3A_246 = arith.constant 0 : index
      %swap3A_247 = tpu.vector_load %arg10[%swap3A, %swap3A_246] {strides = array<i32>} : memref<128x128xf32, #tpu.memory_space<vmem>>, vector<1x16xf32>,
      %swap3A_248 = vector.shape_cast %swap3A_247 : vector<1x16xf32> to vector<16xf32>
      %swap3A_249 = vector.shape_cast %broadcast_in_dim3A_245 : vector<16xf32> to vector<1x16xf32>
      tpu.vector_store %arg10[%swap3A, %swap3A_246], %swap3A_249 {strides = array<i32>} : memref<128x128xf32, #tpu.memory_space<vmem>>, vector<1x16xf32>,
      %broadcast_in_dim3A_250 = arith.constant 0.000000e+00 : f32
      %broadcast_in_dim3A_251 = vector.broadcast %broadcast_in_dim3A_250 : f32 to vector<16xf32>
      %swap3A_252 = arith.index_cast %scan3A_244 : i32 to index
      %swap3A_253 = arith.constant 16 : index
      %swap3A_254 = tpu.vector_load %arg10[%swap3A_252, %swap3A_253] {strides = array<i32>} : memref<128x128xf32, #tpu.memory_space<vmem>>, vector<1x16xf32>,
      %swap3A_255 = vector.shape_cast %swap3A_254 : vector<1x16xf32> to vector<16xf32>
      %swap3A_256 = vector.shape_cast %broadcast_in_dim3A_251 : vector<16xf32> to vector<1x16xf32>
      tpu.vector_store %arg10[%swap3A_252, %swap3A_253], %swap3A_256 {strides = array<i32>} : memref<128x128xf32, #tpu.memory_space<vmem>>, vector<1x16xf32>,
      %broadcast_in_dim3A_257 = arith.constant 0.000000e+00 : f32
      %broadcast_in_dim3A_258 = vector.broadcast %broadcast_in_dim3A_257 : f32 to vector<16xf32>
      %swap3A_259 = arith.index_cast %scan3A_244 : i32 to index
      %swap3A_260 = arith.constant 32 : index
      %swap3A_261 = tpu.vector_load %arg10[%swap3A_259, %swap3A_260] {strides = array<i32>} : memref<128x128xf32, #tpu.memory_space<vmem>>, vector<1x16xf32>,
      %swap3A_262 = vector.shape_cast %swap3A_261 : vector<1x16xf32> to vector<16xf32>
      %swap3A_263 = vector.shape_cast %broadcast_in_dim3A_258 : vector<16xf32> to vector<1x16xf32>
      tpu.vector_store %arg10[%swap3A_259, %swap3A_260], %swap3A_263 {strides = array<i32>} : memref<128x128xf32, #tpu.memory_space<vmem>>, vector<1x16xf32>,
      %broadcast_in_dim3A_264 = arith.constant 0.000000e+00 : f32
      %broadcast_in_dim3A_265 = vector.broadcast %broadcast_in_dim3A_264 : f32 to vector<16xf32>
      %swap3A_266 = arith.index_cast %scan3A_244 : i32 to index
      %swap3A_267 = arith.constant 48 : index
      %swap3A_268 = tpu.vector_load %arg10[%swap3A_266, %swap3A_267] {strides = array<i32>} : memref<128x128xf32, #tpu.memory_space<vmem>>, vector<1x16xf32>,
      %swap3A_269 = vector.shape_cast %swap3A_268 : vector<1x16xf32> to vector<16xf32>
      %swap3A_270 = vector.shape_cast %broadcast_in_dim3A_265 : vector<16xf32> to vector<1x16xf32>
      tpu.vector_store %arg10[%swap3A_266, %swap3A_267], %swap3A_270 {strides = array<i32>} : memref<128x128xf32, #tpu.memory_space<vmem>>, vector<1x16xf32>,
      %broadcast_in_dim3A_271 = arith.constant 0.000000e+00 : f32
      %broadcast_in_dim3A_272 = vector.broadcast %broadcast_in_dim3A_271 : f32 to vector<16xf32>
      %swap3A_273 = arith.index_cast %scan3A_244 : i32 to index
      %swap3A_274 = arith.constant 64 : index
      %swap3A_275 = tpu.vector_load %arg10[%swap3A_273, %swap3A_274] {strides = array<i32>} : memref<128x128xf32, #tpu.memory_space<vmem>>, vector<1x16xf32>,
      %swap3A_276 = vector.shape_cast %swap3A_275 : vector<1x16xf32> to vector<16xf32>
      %swap3A_277 = vector.shape_cast %broadcast_in_dim3A_272 : vector<16xf32> to vector<1x16xf32>
      tpu.vector_store %arg10[%swap3A_273, %swap3A_274], %swap3A_277 {strides = array<i32>} : memref<128x128xf32, #tpu.memory_space<vmem>>, vector<1x16xf32>,
      %broadcast_in_dim3A_278 = arith.constant 0.000000e+00 : f32
      %broadcast_in_dim3A_279 = vector.broadcast %broadcast_in_dim3A_278 : f32 to vector<16xf32>
      %swap3A_280 = arith.index_cast %scan3A_244 : i32 to index
      %swap3A_281 = arith.constant 80 : index
      %swap3A_282 = tpu.vector_load %arg10[%swap3A_280, %swap3A_281] {strides = array<i32>} : memref<128x128xf32, #tpu.memory_space<vmem>>, vector<1x16xf32>,
      %swap3A_283 = vector.shape_cast %swap3A_282 : vector<1x16xf32> to vector<16xf32>
      %swap3A_284 = vector.shape_cast %broadcast_in_dim3A_279 : vector<16xf32> to vector<1x16xf32>
      tpu.vector_store %arg10[%swap3A_280, %swap3A_281], %swap3A_284 {strides = array<i32>} : memref<128x128xf32, #tpu.memory_space<vmem>>, vector<1x16xf32>,
      %broadcast_in_dim3A_285 = arith.constant 0.000000e+00 : f32
      %broadcast_in_dim3A_286 = vector.broadcast %broadcast_in_dim3A_285 : f32 to vector<16xf32>
      %swap3A_287 = arith.index_cast %scan3A_244 : i32 to index
      %swap3A_288 = arith.constant 96 : index
      %swap3A_289 = tpu.vector_load %arg10[%swap3A_287, %swap3A_288] {strides = array<i32>} : memref<128x128xf32, #tpu.memory_space<vmem>>, vector<1x16xf32>,
      %swap3A_290 = vector.shape_cast %swap3A_289 : vector<1x16xf32> to vector<16xf32>
      %swap3A_291 = vector.shape_cast %broadcast_in_dim3A_286 : vector<16xf32> to vector<1x16xf32>
      tpu.vector_store %arg10[%swap3A_287, %swap3A_288], %swap3A_291 {strides = array<i32>} : memref<128x128xf32, #tpu.memory_space<vmem>>, vector<1x16xf32>,
      %broadcast_in_dim3A_292 = arith.constant 0.000000e+00 : f32
      %broadcast_in_dim3A_293 = vector.broadcast %broadcast_in_dim3A_292 : f32 to vector<16xf32>
      %swap3A_294 = arith.index_cast %scan3A_244 : i32 to index
      %swap3A_295 = arith.constant 112 : index
      %swap3A_296 = tpu.vector_load %arg10[%swap3A_294, %swap3A_295] {strides = array<i32>} : memref<128x128xf32, #tpu.memory_space<vmem>>, vector<1x16xf32>,
      %swap3A_297 = vector.shape_cast %swap3A_296 : vector<1x16xf32> to vector<16xf32>
      %swap3A_298 = vector.shape_cast %broadcast_in_dim3A_293 : vector<16xf32> to vector<1x16xf32>
      tpu.vector_store %arg10[%swap3A_294, %swap3A_295], %swap3A_298 {strides = array<i32>} : memref<128x128xf32, #tpu.memory_space<vmem>>, vector<1x16xf32>,
    }
    %scan3A_14 = arith.constant 128 : i32
    %mul3A_15 = arith.constant 625 : i32
    %mul3A_16 = arith.muli %arg1, %mul3A_15 : i32
    %add3A_17 = arith.constant 0 : i32
    %add3A_18 = arith.addi %mul3A_16, %add3A_17 : i32
    %dma_start3A_19 = arith.constant 0 : i32
    %dma_start3A_20 = arith.constant 0 : i32
    %dma_start3A_21 = tpu.memref_slice %arg10[%dma_start3A_19, %dma_start3A_20] : memref<128x128xf32, #tpu.memory_space<vmem>> -> memref<128x128xf32, #tpu.memory_space<vmem>>
    %dma_start3A_22 = arith.constant 0 : i32
    %dma_start3A_23 = tpu.memref_slice %arg12[%add3A_18, %dma_start3A_22] : memref<10000x128xf32, #tpu.memory_space<vmem_shared>> -> memref<128x128xf32, #tpu.memory_space<vmem_shared>>
    %dma_start3A_24 = arith.constant 0 : i32
    %dma_start3A_25 = tpu.memref_slice %arg12[%add3A_18, %dma_start3A_24] : memref<10000x128xf32, #tpu.memory_space<vmem_shared>> -> memref<128x128xf32, #tpu.memory_space<vmem_shared>>
    %dma_start3A_26 = arith.constant 0 : i32
    %dma_start3A_27 = arith.constant 0 : i32
    %dma_start3A_28 = tpu.memref_slice %arg10[%dma_start3A_26, %dma_start3A_27] : memref<128x128xf32, #tpu.memory_space<vmem>> -> memref<128x128xf32, #tpu.memory_space<vmem>>
    tpu.enqueue_dma source(%dma_start3A_28 : memref<128x128xf32, #tpu.memory_space<vmem>>) target(%dma_start3A_25 : memref<128x128xf32, #tpu.memory_space<vmem_shared>>) target_semaphore(%arg15 : memref<!tpu.dma_semaphore, #tpu.memory_space<semaphore_mem>>)
    %mul3A_29 = arith.constant 625 : i32
    %mul3A_30 = arith.muli %arg1, %mul3A_29 : i32
    %add3A_31 = arith.constant 128 : i32
    %add3A_32 = arith.addi %mul3A_30, %add3A_31 : i32
    %dma_start3A_33 = arith.constant 0 : i32
    %dma_start3A_34 = arith.constant 0 : i32
    %dma_start3A_35 = tpu.memref_slice %arg10[%dma_start3A_33, %dma_start3A_34] : memref<128x128xf32, #tpu.memory_space<vmem>> -> memref<128x128xf32, #tpu.memory_space<vmem>>
    %dma_start3A_36 = arith.constant 0 : i32
    %dma_start3A_37 = tpu.memref_slice %arg12[%add3A_32, %dma_start3A_36] : memref<10000x128xf32, #tpu.memory_space<vmem_shared>> -> memref<128x128xf32, #tpu.memory_space<vmem_shared>>
    %dma_start3A_38 = arith.constant 0 : i32
    %dma_start3A_39 = tpu.memref_slice %arg12[%add3A_32, %dma_start3A_38] : memref<10000x128xf32, #tpu.memory_space<vmem_shared>> -> memref<128x128xf32, #tpu.memory_space<vmem_shared>>
    %dma_start3A_40 = arith.constant 0 : i32
    %dma_start3A_41 = arith.constant 0 : i32
    %dma_start3A_42 = tpu.memref_slice %arg10[%dma_start3A_40, %dma_start3A_41] : memref<128x128xf32, #tpu.memory_space<vmem>> -> memref<128x128xf32, #tpu.memory_space<vmem>>
    tpu.enqueue_dma source(%dma_start3A_42 : memref<128x128xf32, #tpu.memory_space<vmem>>) target(%dma_start3A_39 : memref<128x128xf32, #tpu.memory_space<vmem_shared>>) target_semaphore(%arg15 : memref<!tpu.dma_semaphore, #tpu.memory_space<semaphore_mem>>)
    %mul3A_43 = arith.constant 625 : i32
    %mul3A_44 = arith.muli %arg1, %mul3A_43 : i32
    %add3A_45 = arith.constant 256 : i32
    %add3A_46 = arith.addi %mul3A_44, %add3A_45 : i32
    %dma_start3A_47 = arith.constant 0 : i32
    %dma_start3A_48 = arith.constant 0 : i32
    %dma_start3A_49 = tpu.memref_slice %arg10[%dma_start3A_47, %dma_start3A_48] : memref<128x128xf32, #tpu.memory_space<vmem>> -> memref<128x128xf32, #tpu.memory_space<vmem>>
    %dma_start3A_50 = arith.constant 0 : i32
    %dma_start3A_51 = tpu.memref_slice %arg12[%add3A_46, %dma_start3A_50] : memref<10000x128xf32, #tpu.memory_space<vmem_shared>> -> memref<128x128xf32, #tpu.memory_space<vmem_shared>>
    %dma_start3A_52 = arith.constant 0 : i32
    %dma_start3A_53 = tpu.memref_slice %arg12[%add3A_46, %dma_start3A_52] : memref<10000x128xf32, #tpu.memory_space<vmem_shared>> -> memref<128x128xf32, #tpu.memory_space<vmem_shared>>
    %dma_start3A_54 = arith.constant 0 : i32
    %dma_start3A_55 = arith.constant 0 : i32
    %dma_start3A_56 = tpu.memref_slice %arg10[%dma_start3A_54, %dma_start3A_55] : memref<128x128xf32, #tpu.memory_space<vmem>> -> memref<128x128xf32, #tpu.memory_space<vmem>>
    tpu.enqueue_dma source(%dma_start3A_56 : memref<128x128xf32, #tpu.memory_space<vmem>>) target(%dma_start3A_53 : memref<128x128xf32, #tpu.memory_space<vmem_shared>>) target_semaphore(%arg15 : memref<!tpu.dma_semaphore, #tpu.memory_space<semaphore_mem>>)
    %mul3A_57 = arith.constant 625 : i32
    %mul3A_58 = arith.muli %arg1, %mul3A_57 : i32
    %add3A_59 = arith.constant 384 : i32
    %add3A_60 = arith.addi %mul3A_58, %add3A_59 : i32
    %dma_start3A_61 = arith.constant 0 : i32
    %dma_start3A_62 = arith.constant 0 : i32
    %dma_start3A_63 = tpu.memref_slice %arg10[%dma_start3A_61, %dma_start3A_62] : memref<128x128xf32, #tpu.memory_space<vmem>> -> memref<128x128xf32, #tpu.memory_space<vmem>>
    %dma_start3A_64 = arith.constant 0 : i32
    %dma_start3A_65 = tpu.memref_slice %arg12[%add3A_60, %dma_start3A_64] : memref<10000x128xf32, #tpu.memory_space<vmem_shared>> -> memref<128x128xf32, #tpu.memory_space<vmem_shared>>
    %dma_start3A_66 = arith.constant 0 : i32
    %dma_start3A_67 = tpu.memref_slice %arg12[%add3A_60, %dma_start3A_66] : memref<10000x128xf32, #tpu.memory_space<vmem_shared>> -> memref<128x128xf32, #tpu.memory_space<vmem_shared>>
    %dma_start3A_68 = arith.constant 0 : i32
    %dma_start3A_69 = arith.constant 0 : i32
    %dma_start3A_70 = tpu.memref_slice %arg10[%dma_start3A_68, %dma_start3A_69] : memref<128x128xf32, #tpu.memory_space<vmem>> -> memref<128x128xf32, #tpu.memory_space<vmem>>
    tpu.enqueue_dma source(%dma_start3A_70 : memref<128x128xf32, #tpu.memory_space<vmem>>) target(%dma_start3A_67 : memref<128x128xf32, #tpu.memory_space<vmem_shared>>) target_semaphore(%arg15 : memref<!tpu.dma_semaphore, #tpu.memory_space<semaphore_mem>>)
    %mul3A_71 = arith.constant 625 : i32
    %mul3A_72 = arith.muli %arg1, %mul3A_71 : i32
    %add3A_73 = arith.constant 512 : i32
    %add3A_74 = arith.addi %mul3A_72, %add3A_73 : i32
    %dma_start3A_75 = arith.constant 0 : i32
    %dma_start3A_76 = arith.constant 0 : i32
    %dma_start3A_77 = tpu.memref_slice %arg10[%dma_start3A_75, %dma_start3A_76] : memref<128x128xf32, #tpu.memory_space<vmem>> -> memref<113x128xf32, #tpu.memory_space<vmem>>
    %dma_start3A_78 = arith.constant 0 : i32
    %dma_start3A_79 = tpu.memref_slice %arg12[%add3A_74, %dma_start3A_78] : memref<10000x128xf32, #tpu.memory_space<vmem_shared>> -> memref<113x128xf32, #tpu.memory_space<vmem_shared>>
    %dma_start3A_80 = arith.constant 0 : i32
    %dma_start3A_81 = tpu.memref_slice %arg12[%add3A_74, %dma_start3A_80] : memref<10000x128xf32, #tpu.memory_space<vmem_shared>> -> memref<113x128xf32, #tpu.memory_space<vmem_shared>>
    %dma_start3A_82 = arith.constant 0 : i32
    %dma_start3A_83 = arith.constant 0 : i32
    %dma_start3A_84 = tpu.memref_slice %arg10[%dma_start3A_82, %dma_start3A_83] : memref<128x128xf32, #tpu.memory_space<vmem>> -> memref<113x128xf32, #tpu.memory_space<vmem>>
    tpu.enqueue_dma source(%dma_start3A_84 : memref<113x128xf32, #tpu.memory_space<vmem>>) target(%dma_start3A_81 : memref<113x128xf32, #tpu.memory_space<vmem_shared>>) target_semaphore(%arg15 : memref<!tpu.dma_semaphore, #tpu.memory_space<semaphore_mem>>)
    %dma_wait3A = arith.constant 0 : i32
    %dma_wait3A_85 = arith.constant 0 : i32
    %dma_wait3A_86 = tpu.memref_slice %arg10[%dma_wait3A, %dma_wait3A_85] : memref<128x128xf32, #tpu.memory_space<vmem>> -> memref<128x128xf32, #tpu.memory_space<vmem>>
    %dma_wait3A_87 = arith.constant 0 : i32
    %dma_wait3A_88 = tpu.memref_slice %arg12[%add3A_18, %dma_wait3A_87] : memref<10000x128xf32, #tpu.memory_space<vmem_shared>> -> memref<128x128xf32, #tpu.memory_space<vmem_shared>>
    %dma_wait3A_89 = arith.constant 0 : i32
    %dma_wait3A_90 = tpu.memref_slice %arg12[%add3A_18, %dma_wait3A_89] : memref<10000x128xf32, #tpu.memory_space<vmem_shared>> -> memref<128x128xf32, #tpu.memory_space<vmem_shared>>
    %dma_wait3A_91 = arith.constant 0 : i32
    %dma_wait3A_92 = arith.constant 0 : i32
    %dma_wait3A_93 = tpu.memref_slice %arg10[%dma_wait3A_91, %dma_wait3A_92] : memref<128x128xf32, #tpu.memory_space<vmem>> -> memref<128x128xf32, #tpu.memory_space<vmem>>
    tpu.wait_dma2 semaphore(%arg15 : memref<!tpu.dma_semaphore, #tpu.memory_space<semaphore_mem>>) src(%dma_wait3A_93 : memref<128x128xf32, #tpu.memory_space<vmem>>) dst(%dma_wait3A_90 : memref<128x128xf32, #tpu.memory_space<vmem_shared>>)
    %dma_wait3A_94 = arith.constant 0 : i32
    %dma_wait3A_95 = arith.constant 0 : i32
    %dma_wait3A_96 = tpu.memref_slice %arg10[%dma_wait3A_94, %dma_wait3A_95] : memref<128x128xf32, #tpu.memory_space<vmem>> -> memref<128x128xf32, #tpu.memory_space<vmem>>
    %dma_wait3A_97 = arith.constant 0 : i32
    %dma_wait3A_98 = tpu.memref_slice %arg12[%add3A_32, %dma_wait3A_97] : memref<10000x128xf32, #tpu.memory_space<vmem_shared>> -> memref<128x128xf32, #tpu.memory_space<vmem_shared>>
    %dma_wait3A_99 = arith.constant 0 : i32
    %dma_wait3A_100 = tpu.memref_slice %arg12[%add3A_32, %dma_wait3A_99] : memref<10000x128xf32, #tpu.memory_space<vmem_shared>> -> memref<128x128xf32, #tpu.memory_space<vmem_shared>>
    %dma_wait3A_101 = arith.constant 0 : i32
    %dma_wait3A_102 = arith.constant 0 : i32
    %dma_wait3A_103 = tpu.memref_slice %arg10[%dma_wait3A_101, %dma_wait3A_102] : memref<128x128xf32, #tpu.memory_space<vmem>> -> memref<128x128xf32, #tpu.memory_space<vmem>>
    tpu.wait_dma2 semaphore(%arg15 : memref<!tpu.dma_semaphore, #tpu.memory_space<semaphore_mem>>) src(%dma_wait3A_103 : memref<128x128xf32, #tpu.memory_space<vmem>>) dst(%dma_wait3A_100 : memref<128x128xf32, #tpu.memory_space<vmem_shared>>)
    %dma_wait3A_104 = arith.constant 0 : i32
    %dma_wait3A_105 = arith.constant 0 : i32
    %dma_wait3A_106 = tpu.memref_slice %arg10[%dma_wait3A_104, %dma_wait3A_105] : memref<128x128xf32, #tpu.memory_space<vmem>> -> memref<128x128xf32, #tpu.memory_space<vmem>>
    %dma_wait3A_107 = arith.constant 0 : i32
    %dma_wait3A_108 = tpu.memref_slice %arg12[%add3A_46, %dma_wait3A_107] : memref<10000x128xf32, #tpu.memory_space<vmem_shared>> -> memref<128x128xf32, #tpu.memory_space<vmem_shared>>
    %dma_wait3A_109 = arith.constant 0 : i32
    %dma_wait3A_110 = tpu.memref_slice %arg12[%add3A_46, %dma_wait3A_109] : memref<10000x128xf32, #tpu.memory_space<vmem_shared>> -> memref<128x128xf32, #tpu.memory_space<vmem_shared>>
    %dma_wait3A_111 = arith.constant 0 : i32
    %dma_wait3A_112 = arith.constant 0 : i32
    %dma_wait3A_113 = tpu.memref_slice %arg10[%dma_wait3A_111, %dma_wait3A_112] : memref<128x128xf32, #tpu.memory_space<vmem>> -> memref<128x128xf32, #tpu.memory_space<vmem>>
    tpu.wait_dma2 semaphore(%arg15 : memref<!tpu.dma_semaphore, #tpu.memory_space<semaphore_mem>>) src(%dma_wait3A_113 : memref<128x128xf32, #tpu.memory_space<vmem>>) dst(%dma_wait3A_110 : memref<128x128xf32, #tpu.memory_space<vmem_shared>>)
    %dma_wait3A_114 = arith.constant 0 : i32
    %dma_wait3A_115 = arith.constant 0 : i32
    %dma_wait3A_116 = tpu.memref_slice %arg10[%dma_wait3A_114, %dma_wait3A_115] : memref<128x128xf32, #tpu.memory_space<vmem>> -> memref<128x128xf32, #tpu.memory_space<vmem>>
    %dma_wait3A_117 = arith.constant 0 : i32
    %dma_wait3A_118 = tpu.memref_slice %arg12[%add3A_60, %dma_wait3A_117] : memref<10000x128xf32, #tpu.memory_space<vmem_shared>> -> memref<128x128xf32, #tpu.memory_space<vmem_shared>>
    %dma_wait3A_119 = arith.constant 0 : i32
    %dma_wait3A_120 = tpu.memref_slice %arg12[%add3A_60, %dma_wait3A_119] : memref<10000x128xf32, #tpu.memory_space<vmem_shared>> -> memref<128x128xf32, #tpu.memory_space<vmem_shared>>
    %dma_wait3A_121 = arith.constant 0 : i32
    %dma_wait3A_122 = arith.constant 0 : i32
    %dma_wait3A_123 = tpu.memref_slice %arg10[%dma_wait3A_121, %dma_wait3A_122] : memref<128x128xf32, #tpu.memory_space<vmem>> -> memref<128x128xf32, #tpu.memory_space<vmem>>
    tpu.wait_dma2 semaphore(%arg15 : memref<!tpu.dma_semaphore, #tpu.memory_space<semaphore_mem>>) src(%dma_wait3A_123 : memref<128x128xf32, #tpu.memory_space<vmem>>) dst(%dma_wait3A_120 : memref<128x128xf32, #tpu.memory_space<vmem_shared>>)
    %dma_wait3A_124 = arith.constant 0 : i32
    %dma_wait3A_125 = arith.constant 0 : i32
    %dma_wait3A_126 = tpu.memref_slice %arg10[%dma_wait3A_124, %dma_wait3A_125] : memref<128x128xf32, #tpu.memory_space<vmem>> -> memref<113x128xf32, #tpu.memory_space<vmem>>
    %dma_wait3A_127 = arith.constant 0 : i32
    %dma_wait3A_128 = tpu.memref_slice %arg12[%add3A_74, %dma_wait3A_127] : memref<10000x128xf32, #tpu.memory_space<vmem_shared>> -> memref<113x128xf32, #tpu.memory_space<vmem_shared>>
    %dma_wait3A_129 = arith.constant 0 : i32
    %dma_wait3A_130 = tpu.memref_slice %arg12[%add3A_74, %dma_wait3A_129] : memref<10000x128xf32, #tpu.memory_space<vmem_shared>> -> memref<113x128xf32, #tpu.memory_space<vmem_shared>>
    %dma_wait3A_131 = arith.constant 0 : i32
    %dma_wait3A_132 = arith.constant 0 : i32
    %dma_wait3A_133 = tpu.memref_slice %arg10[%dma_wait3A_131, %dma_wait3A_132] : memref<128x128xf32, #tpu.memory_space<vmem>> -> memref<113x128xf32, #tpu.memory_space<vmem>>
    tpu.wait_dma2 semaphore(%arg15 : memref<!tpu.dma_semaphore, #tpu.memory_space<semaphore_mem>>) src(%dma_wait3A_133 : memref<113x128xf32, #tpu.memory_space<vmem>>) dst(%dma_wait3A_130 : memref<113x128xf32, #tpu.memory_space<vmem_shared>>)
    %barrier3A = arith.constant 0 : index
    tpu.barrier barrier_id(%barrier3A)
    %scan3A_134 = arith.constant 0 : i32
    %scan3A_135 = arith.constant 0 : i32
    %scan3A_136 = arith.constant 5 : i32
    %scan3A_137 = arith.addi %scan3A_135, %scan3A_136 : i32
    %scan3A_138 = arith.constant 1 : i32
    scf.for %scan3A_244 = %scan3A_135 to %scan3A_137 step %scan3A_138  : i32 {
      %mul3A_245 = arith.constant 16 : i32
      %mul3A_246 = arith.muli %scan3A_244, %mul3A_245 : i32
      %add3A_247 = arith.addi %mul3A_2, %mul3A_246 : i32
      %dma_wait3A_248 = arith.constant 0 : i32
      %dma_wait3A_249 = tpu.memref_slice %arg3[%add3A_247, %dma_wait3A_248] : memref<2560x128xi32, #tpu.memory_space<hbm>> -> memref<8x128xi32, #tpu.memory_space<hbm>>
      %dma_wait3A_250 = arith.constant 0 : i32
      %dma_wait3A_251 = tpu.memref_slice %arg3[%add3A_247, %dma_wait3A_250] : memref<2560x128xi32, #tpu.memory_space<hbm>> -> memref<8x128xi32, #tpu.memory_space<hbm>>
      tpu.wait_dma2 semaphore(%arg17 : memref<!tpu.dma_semaphore, #tpu.memory_space<semaphore_mem>>) src(%dma_wait3A_251 : memref<8x128xi32, #tpu.memory_space<hbm>>) dst(%arg6 : memref<8x128xi32, #tpu.memory_space<vmem>>)
      %dma_wait3A_252 = arith.constant 0 : i32
      %dma_wait3A_253 = tpu.memref_slice %arg4[%add3A_247, %dma_wait3A_252] : memref<2560x128xi32, #tpu.memory_space<hbm>> -> memref<8x128xi32, #tpu.memory_space<hbm>>
      %dma_wait3A_254 = arith.constant 0 : i32
      %dma_wait3A_255 = tpu.memref_slice %arg4[%add3A_247, %dma_wait3A_254] : memref<2560x128xi32, #tpu.memory_space<hbm>> -> memref<8x128xi32, #tpu.memory_space<hbm>>
      tpu.wait_dma2 semaphore(%arg17 : memref<!tpu.dma_semaphore, #tpu.memory_space<semaphore_mem>>) src(%dma_wait3A_255 : memref<8x128xi32, #tpu.memory_space<hbm>>) dst(%arg7 : memref<8x128xi32, #tpu.memory_space<vmem>>)
      %add3A_256 = arith.constant 8 : i32
      %add3A_257 = arith.addi %add3A_247, %add3A_256 : i32
      %dma_start3A_258 = arith.constant 0 : i32
      %dma_start3A_259 = tpu.memref_slice %arg3[%add3A_257, %dma_start3A_258] : memref<2560x128xi32, #tpu.memory_space<hbm>> -> memref<8x128xi32, #tpu.memory_space<hbm>>
      %dma_start3A_260 = arith.constant 0 : i32
      %dma_start3A_261 = tpu.memref_slice %arg3[%add3A_257, %dma_start3A_260] : memref<2560x128xi32, #tpu.memory_space<hbm>> -> memref<8x128xi32, #tpu.memory_space<hbm>>
      tpu.enqueue_dma source(%dma_start3A_261 : memref<8x128xi32, #tpu.memory_space<hbm>>) target(%arg8 : memref<8x128xi32, #tpu.memory_space<vmem>>) target_semaphore(%arg18 : memref<!tpu.dma_semaphore, #tpu.memory_space<semaphore_mem>>)
      %add3A_262 = arith.constant 8 : i32
      %add3A_263 = arith.addi %add3A_247, %add3A_262 : i32
      %dma_start3A_264 = arith.constant 0 : i32
      %dma_start3A_265 = tpu.memref_slice %arg4[%add3A_263, %dma_start3A_264] : memref<2560x128xi32, #tpu.memory_space<hbm>> -> memref<8x128xi32, #tpu.memory_space<hbm>>
      %dma_start3A_266 = arith.constant 0 : i32
      %dma_start3A_267 = tpu.memref_slice %arg4[%add3A_263, %dma_start3A_266] : memref<2560x128xi32, #tpu.memory_space<hbm>> -> memref<8x128xi32, #tpu.memory_space<hbm>>
      tpu.enqueue_dma source(%dma_start3A_267 : memref<8x128xi32, #tpu.memory_space<hbm>>) target(%arg9 : memref<8x128xi32, #tpu.memory_space<vmem>>) target_semaphore(%arg18 : memref<!tpu.dma_semaphore, #tpu.memory_space<semaphore_mem>>)
      %dma_start3A_268 = arith.constant 0 : i32
      %dma_start3A_269 = arith.constant 0 : i32
      %dma_start3A_270 = tpu.memref_slice %arg6[%dma_start3A_268, %dma_start3A_269] : memref<8x128xi32, #tpu.memory_space<vmem>> -> memref<1x128xi32, #tpu.memory_space<vmem>>
      %dma_start3A_271 = tpu.memref_squeeze %dma_start3A_270 : memref<1x128xi32, #tpu.memory_space<vmem>> -> memref<128xi32, #tpu.memory_space<vmem>>
      %dma_start3A_272 = arith.constant 0 : i32
      %dma_start3A_273 = arith.constant 0 : i32
      %dma_start3A_274 = tpu.memref_slice %arg2[%dma_start3A_272, %dma_start3A_273] : memref<10128x128xf32, #tpu.memory_space<hbm>> -> memref<10128x128xf32, #tpu.memory_space<hbm>>
      tpu.enqueue_indirect_dma source(%dma_start3A_274 : memref<10128x128xf32, #tpu.memory_space<hbm>>) target(%arg10 : memref<128x128xf32, #tpu.memory_space<vmem>>) offsets(%dma_start3A_271 : memref<128xi32, #tpu.memory_space<vmem>>) semaphore(%arg13 : memref<!tpu.dma_semaphore, #tpu.memory_space<semaphore_mem>>)
      %dma_wait3A_275 = arith.constant 0 : i32
      %dma_wait3A_276 = arith.constant 0 : i32
      %dma_wait3A_277 = tpu.memref_slice %arg6[%dma_wait3A_275, %dma_wait3A_276] : memref<8x128xi32, #tpu.memory_space<vmem>> -> memref<1x128xi32, #tpu.memory_space<vmem>>
      %dma_wait3A_278 = tpu.memref_squeeze %dma_wait3A_277 : memref<1x128xi32, #tpu.memory_space<vmem>> -> memref<128xi32, #tpu.memory_space<vmem>>
      %dma_wait3A_279 = arith.constant 0 : i32
      %dma_wait3A_280 = arith.constant 0 : i32
      %dma_wait3A_281 = tpu.memref_slice %arg2[%dma_wait3A_279, %dma_wait3A_280] : memref<10128x128xf32, #tpu.memory_space<hbm>> -> memref<10128x128xf32, #tpu.memory_space<hbm>>
      tpu.wait_indirect_dma semaphore(%arg13 : memref<!tpu.dma_semaphore, #tpu.memory_space<semaphore_mem>>) src(%dma_wait3A_281 : memref<10128x128xf32, #tpu.memory_space<hbm>>) dst(%arg10 : memref<128x128xf32, #tpu.memory_space<vmem>>)
      %dma_start3A_282 = arith.constant 0 : i32
      %dma_start3A_283 = arith.constant 0 : i32
      %dma_start3A_284 = tpu.memref_slice %arg7[%dma_start3A_282, %dma_start3A_283] : memref<8x128xi32, #tpu.memory_space<vmem>> -> memref<1x128xi32, #tpu.memory_space<vmem>>
      %dma_start3A_285 = tpu.memref_squeeze %dma_start3A_284 : memref<1x128xi32, #tpu.memory_space<vmem>> -> memref<128xi32, #tpu.memory_space<vmem>>
      %dma_start3A_286 = arith.constant 0 : i32
      %dma_start3A_287 = arith.constant 0 : i32
      %dma_start3A_288 = tpu.memref_slice %arg12[%dma_start3A_286, %dma_start3A_287] : memref<10000x128xf32, #tpu.memory_space<vmem_shared>> -> memref<10000x128xf32, #tpu.memory_space<vmem_shared>>
      tpu.enqueue_indirect_dma source(%arg10 : memref<128x128xf32, #tpu.memory_space<vmem>>) target(%dma_start3A_288 : memref<10000x128xf32, #tpu.memory_space<vmem_shared>>) offsets(%dma_start3A_285 : memref<128xi32, #tpu.memory_space<vmem>>) semaphore(%arg15 : memref<!tpu.dma_semaphore, #tpu.memory_space<semaphore_mem>>) {add = true}
      %dma_start3A_289 = arith.constant 1 : i32
      %dma_start3A_290 = arith.constant 0 : i32
      %dma_start3A_291 = tpu.memref_slice %arg6[%dma_start3A_289, %dma_start3A_290] : memref<8x128xi32, #tpu.memory_space<vmem>> -> memref<1x128xi32, #tpu.memory_space<vmem>>
      %dma_start3A_292 = tpu.memref_squeeze %dma_start3A_291 : memref<1x128xi32, #tpu.memory_space<vmem>> -> memref<128xi32, #tpu.memory_space<vmem>>
      %dma_start3A_293 = arith.constant 0 : i32
      %dma_start3A_294 = arith.constant 0 : i32
      %dma_start3A_295 = tpu.memref_slice %arg2[%dma_start3A_293, %dma_start3A_294] : memref<10128x128xf32, #tpu.memory_space<hbm>> -> memref<10128x128xf32, #tpu.memory_space<hbm>>
      tpu.enqueue_indirect_dma source(%dma_start3A_295 : memref<10128x128xf32, #tpu.memory_space<hbm>>) target(%arg11 : memref<128x128xf32, #tpu.memory_space<vmem>>) offsets(%dma_start3A_292 : memref<128xi32, #tpu.memory_space<vmem>>) semaphore(%arg14 : memref<!tpu.dma_semaphore, #tpu.memory_space<semaphore_mem>>)
      %dma_wait3A_296 = arith.constant 1 : i32
      %dma_wait3A_297 = arith.constant 0 : i32
      %dma_wait3A_298 = tpu.memref_slice %arg6[%dma_wait3A_296, %dma_wait3A_297] : memref<8x128xi32, #tpu.memory_space<vmem>> -> memref<1x128xi32, #tpu.memory_space<vmem>>
      %dma_wait3A_299 = tpu.memref_squeeze %dma_wait3A_298 : memref<1x128xi32, #tpu.memory_space<vmem>> -> memref<128xi32, #tpu.memory_space<vmem>>
      %dma_wait3A_300 = arith.constant 0 : i32
      %dma_wait3A_301 = arith.constant 0 : i32
      %dma_wait3A_302 = tpu.memref_slice %arg2[%dma_wait3A_300, %dma_wait3A_301] : memref<10128x128xf32, #tpu.memory_space<hbm>> -> memref<10128x128xf32, #tpu.memory_space<hbm>>
      tpu.wait_indirect_dma semaphore(%arg14 : memref<!tpu.dma_semaphore, #tpu.memory_space<semaphore_mem>>) src(%dma_wait3A_302 : memref<10128x128xf32, #tpu.memory_space<hbm>>) dst(%arg11 : memref<128x128xf32, #tpu.memory_space<vmem>>)
      %dma_start3A_303 = arith.constant 1 : i32
      %dma_start3A_304 = arith.constant 0 : i32
      %dma_start3A_305 = tpu.memref_slice %arg7[%dma_start3A_303, %dma_start3A_304] : memref<8x128xi32, #tpu.memory_space<vmem>> -> memref<1x128xi32, #tpu.memory_space<vmem>>
      %dma_start3A_306 = tpu.memref_squeeze %dma_start3A_305 : memref<1x128xi32, #tpu.memory_space<vmem>> -> memref<128xi32, #tpu.memory_space<vmem>>
      %dma_start3A_307 = arith.constant 0 : i32
      %dma_start3A_308 = arith.constant 0 : i32
      %dma_start3A_309 = tpu.memref_slice %arg12[%dma_start3A_307, %dma_start3A_308] : memref<10000x128xf32, #tpu.memory_space<vmem_shared>> -> memref<10000x128xf32, #tpu.memory_space<vmem_shared>>
      tpu.enqueue_indirect_dma source(%arg11 : memref<128x128xf32, #tpu.memory_space<vmem>>) target(%dma_start3A_309 : memref<10000x128xf32, #tpu.memory_space<vmem_shared>>) offsets(%dma_start3A_306 : memref<128xi32, #tpu.memory_space<vmem>>) semaphore(%arg16 : memref<!tpu.dma_semaphore, #tpu.memory_space<semaphore_mem>>) {add = true}
      %dma_wait3A_310 = arith.constant 0 : i32
      %dma_wait3A_311 = arith.constant 0 : i32
      %dma_wait3A_312 = tpu.memref_slice %arg7[%dma_wait3A_310, %dma_wait3A_311] : memref<8x128xi32, #tpu.memory_space<vmem>> -> memref<1x128xi32, #tpu.memory_space<vmem>>
      %dma_wait3A_313 = tpu.memref_squeeze %dma_wait3A_312 : memref<1x128xi32, #tpu.memory_space<vmem>> -> memref<128xi32, #tpu.memory_space<vmem>>
      %dma_wait3A_314 = arith.constant 0 : i32
      %dma_wait3A_315 = arith.constant 0 : i32
      %dma_wait3A_316 = tpu.memref_slice %arg12[%dma_wait3A_314, %dma_wait3A_315] : memref<10000x128xf32, #tpu.memory_space<vmem_shared>> -> memref<10000x128xf32, #tpu.memory_space<vmem_shared>>
      tpu.wait_indirect_dma semaphore(%arg15 : memref<!tpu.dma_semaphore, #tpu.memory_space<semaphore_mem>>) src(%arg10 : memref<128x128xf32, #tpu.memory_space<vmem>>) dst(%dma_wait3A_316 : memref<10000x128xf32, #tpu.memory_space<vmem_shared>>)
      %dma_start3A_317 = arith.constant 2 : i32
      %dma_start3A_318 = arith.constant 0 : i32
      %dma_start3A_319 = tpu.memref_slice %arg6[%dma_start3A_317, %dma_start3A_318] : memref<8x128xi32, #tpu.memory_space<vmem>> -> memref<1x128xi32, #tpu.memory_space<vmem>>
      %dma_start3A_320 = tpu.memref_squeeze %dma_start3A_319 : memref<1x128xi32, #tpu.memory_space<vmem>> -> memref<128xi32, #tpu.memory_space<vmem>>
      %dma_start3A_321 = arith.constant 0 : i32
      %dma_start3A_322 = arith.constant 0 : i32
      %dma_start3A_323 = tpu.memref_slice %arg2[%dma_start3A_321, %dma_start3A_322] : memref<10128x128xf32, #tpu.memory_space<hbm>> -> memref<10128x128xf32, #tpu.memory_space<hbm>>
      tpu.enqueue_indirect_dma source(%dma_start3A_323 : memref<10128x128xf32, #tpu.memory_space<hbm>>) target(%arg10 : memref<128x128xf32, #tpu.memory_space<vmem>>) offsets(%dma_start3A_320 : memref<128xi32, #tpu.memory_space<vmem>>) semaphore(%arg13 : memref<!tpu.dma_semaphore, #tpu.memory_space<semaphore_mem>>)
      %dma_wait3A_324 = arith.constant 2 : i32
      %dma_wait3A_325 = arith.constant 0 : i32
      %dma_wait3A_326 = tpu.memref_slice %arg6[%dma_wait3A_324, %dma_wait3A_325] : memref<8x128xi32, #tpu.memory_space<vmem>> -> memref<1x128xi32, #tpu.memory_space<vmem>>
      %dma_wait3A_327 = tpu.memref_squeeze %dma_wait3A_326 : memref<1x128xi32, #tpu.memory_space<vmem>> -> memref<128xi32, #tpu.memory_space<vmem>>
      %dma_wait3A_328 = arith.constant 0 : i32
      %dma_wait3A_329 = arith.constant 0 : i32
      %dma_wait3A_330 = tpu.memref_slice %arg2[%dma_wait3A_328, %dma_wait3A_329] : memref<10128x128xf32, #tpu.memory_space<hbm>> -> memref<10128x128xf32, #tpu.memory_space<hbm>>
      tpu.wait_indirect_dma semaphore(%arg13 : memref<!tpu.dma_semaphore, #tpu.memory_space<semaphore_mem>>) src(%dma_wait3A_330 : memref<10128x128xf32, #tpu.memory_space<hbm>>) dst(%arg10 : memref<128x128xf32, #tpu.memory_space<vmem>>)
      %dma_start3A_331 = arith.constant 2 : i32
      %dma_start3A_332 = arith.constant 0 : i32
      %dma_start3A_333 = tpu.memref_slice %arg7[%dma_start3A_331, %dma_start3A_332] : memref<8x128xi32, #tpu.memory_space<vmem>> -> memref<1x128xi32, #tpu.memory_space<vmem>>
      %dma_start3A_334 = tpu.memref_squeeze %dma_start3A_333 : memref<1x128xi32, #tpu.memory_space<vmem>> -> memref<128xi32, #tpu.memory_space<vmem>>
      %dma_start3A_335 = arith.constant 0 : i32
      %dma_start3A_336 = arith.constant 0 : i32
      %dma_start3A_337 = tpu.memref_slice %arg12[%dma_start3A_335, %dma_start3A_336] : memref<10000x128xf32, #tpu.memory_space<vmem_shared>> -> memref<10000x128xf32, #tpu.memory_space<vmem_shared>>
      tpu.enqueue_indirect_dma source(%arg10 : memref<128x128xf32, #tpu.memory_space<vmem>>) target(%dma_start3A_337 : memref<10000x128xf32, #tpu.memory_space<vmem_shared>>) offsets(%dma_start3A_334 : memref<128xi32, #tpu.memory_space<vmem>>) semaphore(%arg15 : memref<!tpu.dma_semaphore, #tpu.memory_space<semaphore_mem>>) {add = true}
      %dma_wait3A_338 = arith.constant 1 : i32
      %dma_wait3A_339 = arith.constant 0 : i32
      %dma_wait3A_340 = tpu.memref_slice %arg7[%dma_wait3A_338, %dma_wait3A_339] : memref<8x128xi32, #tpu.memory_space<vmem>> -> memref<1x128xi32, #tpu.memory_space<vmem>>
      %dma_wait3A_341 = tpu.memref_squeeze %dma_wait3A_340 : memref<1x128xi32, #tpu.memory_space<vmem>> -> memref<128xi32, #tpu.memory_space<vmem>>
      %dma_wait3A_342 = arith.constant 0 : i32
      %dma_wait3A_343 = arith.constant 0 : i32
      %dma_wait3A_344 = tpu.memref_slice %arg12[%dma_wait3A_342, %dma_wait3A_343] : memref<10000x128xf32, #tpu.memory_space<vmem_shared>> -> memref<10000x128xf32, #tpu.memory_space<vmem_shared>>
      tpu.wait_indirect_dma semaphore(%arg16 : memref<!tpu.dma_semaphore, #tpu.memory_space<semaphore_mem>>) src(%arg11 : memref<128x128xf32, #tpu.memory_space<vmem>>) dst(%dma_wait3A_344 : memref<10000x128xf32, #tpu.memory_space<vmem_shared>>)
      %dma_start3A_345 = arith.constant 3 : i32
      %dma_start3A_346 = arith.constant 0 : i32
      %dma_start3A_347 = tpu.memref_slice %arg6[%dma_start3A_345, %dma_start3A_346] : memref<8x128xi32, #tpu.memory_space<vmem>> -> memref<1x128xi32, #tpu.memory_space<vmem>>
      %dma_start3A_348 = tpu.memref_squeeze %dma_start3A_347 : memref<1x128xi32, #tpu.memory_space<vmem>> -> memref<128xi32, #tpu.memory_space<vmem>>
      %dma_start3A_349 = arith.constant 0 : i32
      %dma_start3A_350 = arith.constant 0 : i32
      %dma_start3A_351 = tpu.memref_slice %arg2[%dma_start3A_349, %dma_start3A_350] : memref<10128x128xf32, #tpu.memory_space<hbm>> -> memref<10128x128xf32, #tpu.memory_space<hbm>>
      tpu.enqueue_indirect_dma source(%dma_start3A_351 : memref<10128x128xf32, #tpu.memory_space<hbm>>) target(%arg11 : memref<128x128xf32, #tpu.memory_space<vmem>>) offsets(%dma_start3A_348 : memref<128xi32, #tpu.memory_space<vmem>>) semaphore(%arg14 : memref<!tpu.dma_semaphore, #tpu.memory_space<semaphore_mem>>)
      %dma_wait3A_352 = arith.constant 3 : i32
      %dma_wait3A_353 = arith.constant 0 : i32
      %dma_wait3A_354 = tpu.memref_slice %arg6[%dma_wait3A_352, %dma_wait3A_353] : memref<8x128xi32, #tpu.memory_space<vmem>> -> memref<1x128xi32, #tpu.memory_space<vmem>>
      %dma_wait3A_355 = tpu.memref_squeeze %dma_wait3A_354 : memref<1x128xi32, #tpu.memory_space<vmem>> -> memref<128xi32, #tpu.memory_space<vmem>>
      %dma_wait3A_356 = arith.constant 0 : i32
      %dma_wait3A_357 = arith.constant 0 : i32
      %dma_wait3A_358 = tpu.memref_slice %arg2[%dma_wait3A_356, %dma_wait3A_357] : memref<10128x128xf32, #tpu.memory_space<hbm>> -> memref<10128x128xf32, #tpu.memory_space<hbm>>
      tpu.wait_indirect_dma semaphore(%arg14 : memref<!tpu.dma_semaphore, #tpu.memory_space<semaphore_mem>>) src(%dma_wait3A_358 : memref<10128x128xf32, #tpu.memory_space<hbm>>) dst(%arg11 : memref<128x128xf32, #tpu.memory_space<vmem>>)
      %dma_start3A_359 = arith.constant 3 : i32
      %dma_start3A_360 = arith.constant 0 : i32
      %dma_start3A_361 = tpu.memref_slice %arg7[%dma_start3A_359, %dma_start3A_360] : memref<8x128xi32, #tpu.memory_space<vmem>> -> memref<1x128xi32, #tpu.memory_space<vmem>>
      %dma_start3A_362 = tpu.memref_squeeze %dma_start3A_361 : memref<1x128xi32, #tpu.memory_space<vmem>> -> memref<128xi32, #tpu.memory_space<vmem>>
      %dma_start3A_363 = arith.constant 0 : i32
      %dma_start3A_364 = arith.constant 0 : i32
      %dma_start3A_365 = tpu.memref_slice %arg12[%dma_start3A_363, %dma_start3A_364] : memref<10000x128xf32, #tpu.memory_space<vmem_shared>> -> memref<10000x128xf32, #tpu.memory_space<vmem_shared>>
      tpu.enqueue_indirect_dma source(%arg11 : memref<128x128xf32, #tpu.memory_space<vmem>>) target(%dma_start3A_365 : memref<10000x128xf32, #tpu.memory_space<vmem_shared>>) offsets(%dma_start3A_362 : memref<128xi32, #tpu.memory_space<vmem>>) semaphore(%arg16 : memref<!tpu.dma_semaphore, #tpu.memory_space<semaphore_mem>>) {add = true}
      %dma_wait3A_366 = arith.constant 2 : i32
      %dma_wait3A_367 = arith.constant 0 : i32
      %dma_wait3A_368 = tpu.memref_slice %arg7[%dma_wait3A_366, %dma_wait3A_367] : memref<8x128xi32, #tpu.memory_space<vmem>> -> memref<1x128xi32, #tpu.memory_space<vmem>>
      %dma_wait3A_369 = tpu.memref_squeeze %dma_wait3A_368 : memref<1x128xi32, #tpu.memory_space<vmem>> -> memref<128xi32, #tpu.memory_space<vmem>>
      %dma_wait3A_370 = arith.constant 0 : i32
      %dma_wait3A_371 = arith.constant 0 : i32
      %dma_wait3A_372 = tpu.memref_slice %arg12[%dma_wait3A_370, %dma_wait3A_371] : memref<10000x128xf32, #tpu.memory_space<vmem_shared>> -> memref<10000x128xf32, #tpu.memory_space<vmem_shared>>
      tpu.wait_indirect_dma semaphore(%arg15 : memref<!tpu.dma_semaphore, #tpu.memory_space<semaphore_mem>>) src(%arg10 : memref<128x128xf32, #tpu.memory_space<vmem>>) dst(%dma_wait3A_372 : memref<10000x128xf32, #tpu.memory_space<vmem_shared>>)
      %dma_start3A_373 = arith.constant 4 : i32
      %dma_start3A_374 = arith.constant 0 : i32
      %dma_start3A_375 = tpu.memref_slice %arg6[%dma_start3A_373, %dma_start3A_374] : memref<8x128xi32, #tpu.memory_space<vmem>> -> memref<1x128xi32, #tpu.memory_space<vmem>>
      %dma_start3A_376 = tpu.memref_squeeze %dma_start3A_375 : memref<1x128xi32, #tpu.memory_space<vmem>> -> memref<128xi32, #tpu.memory_space<vmem>>
      %dma_start3A_377 = arith.constant 0 : i32
      %dma_start3A_378 = arith.constant 0 : i32
      %dma_start3A_379 = tpu.memref_slice %arg2[%dma_start3A_377, %dma_start3A_378] : memref<10128x128xf32, #tpu.memory_space<hbm>> -> memref<10128x128xf32, #tpu.memory_space<hbm>>
      tpu.enqueue_indirect_dma source(%dma_start3A_379 : memref<10128x128xf32, #tpu.memory_space<hbm>>) target(%arg10 : memref<128x128xf32, #tpu.memory_space<vmem>>) offsets(%dma_start3A_376 : memref<128xi32, #tpu.memory_space<vmem>>) semaphore(%arg13 : memref<!tpu.dma_semaphore, #tpu.memory_space<semaphore_mem>>)
      %dma_wait3A_380 = arith.constant 4 : i32
      %dma_wait3A_381 = arith.constant 0 : i32
      %dma_wait3A_382 = tpu.memref_slice %arg6[%dma_wait3A_380, %dma_wait3A_381] : memref<8x128xi32, #tpu.memory_space<vmem>> -> memref<1x128xi32, #tpu.memory_space<vmem>>
      %dma_wait3A_383 = tpu.memref_squeeze %dma_wait3A_382 : memref<1x128xi32, #tpu.memory_space<vmem>> -> memref<128xi32, #tpu.memory_space<vmem>>
      %dma_wait3A_384 = arith.constant 0 : i32
      %dma_wait3A_385 = arith.constant 0 : i32
      %dma_wait3A_386 = tpu.memref_slice %arg2[%dma_wait3A_384, %dma_wait3A_385] : memref<10128x128xf32, #tpu.memory_space<hbm>> -> memref<10128x128xf32, #tpu.memory_space<hbm>>
      tpu.wait_indirect_dma semaphore(%arg13 : memref<!tpu.dma_semaphore, #tpu.memory_space<semaphore_mem>>) src(%dma_wait3A_386 : memref<10128x128xf32, #tpu.memory_space<hbm>>) dst(%arg10 : memref<128x128xf32, #tpu.memory_space<vmem>>)
      %dma_start3A_387 = arith.constant 4 : i32
      %dma_start3A_388 = arith.constant 0 : i32
      %dma_start3A_389 = tpu.memref_slice %arg7[%dma_start3A_387, %dma_start3A_388] : memref<8x128xi32, #tpu.memory_space<vmem>> -> memref<1x128xi32, #tpu.memory_space<vmem>>
      %dma_start3A_390 = tpu.memref_squeeze %dma_start3A_389 : memref<1x128xi32, #tpu.memory_space<vmem>> -> memref<128xi32, #tpu.memory_space<vmem>>
      %dma_start3A_391 = arith.constant 0 : i32
      %dma_start3A_392 = arith.constant 0 : i32
      %dma_start3A_393 = tpu.memref_slice %arg12[%dma_start3A_391, %dma_start3A_392] : memref<10000x128xf32, #tpu.memory_space<vmem_shared>> -> memref<10000x128xf32, #tpu.memory_space<vmem_shared>>
      tpu.enqueue_indirect_dma source(%arg10 : memref<128x128xf32, #tpu.memory_space<vmem>>) target(%dma_start3A_393 : memref<10000x128xf32, #tpu.memory_space<vmem_shared>>) offsets(%dma_start3A_390 : memref<128xi32, #tpu.memory_space<vmem>>) semaphore(%arg15 : memref<!tpu.dma_semaphore, #tpu.memory_space<semaphore_mem>>) {add = true}
      %dma_wait3A_394 = arith.constant 3 : i32
      %dma_wait3A_395 = arith.constant 0 : i32
      %dma_wait3A_396 = tpu.memref_slice %arg7[%dma_wait3A_394, %dma_wait3A_395] : memref<8x128xi32, #tpu.memory_space<vmem>> -> memref<1x128xi32, #tpu.memory_space<vmem>>
      %dma_wait3A_397 = tpu.memref_squeeze %dma_wait3A_396 : memref<1x128xi32, #tpu.memory_space<vmem>> -> memref<128xi32, #tpu.memory_space<vmem>>
      %dma_wait3A_398 = arith.constant 0 : i32
      %dma_wait3A_399 = arith.constant 0 : i32
      %dma_wait3A_400 = tpu.memref_slice %arg12[%dma_wait3A_398, %dma_wait3A_399] : memref<10000x128xf32, #tpu.memory_space<vmem_shared>> -> memref<10000x128xf32, #tpu.memory_space<vmem_shared>>
      tpu.wait_indirect_dma semaphore(%arg16 : memref<!tpu.dma_semaphore, #tpu.memory_space<semaphore_mem>>) src(%arg11 : memref<128x128xf32, #tpu.memory_space<vmem>>) dst(%dma_wait3A_400 : memref<10000x128xf32, #tpu.memory_space<vmem_shared>>)
      %dma_start3A_401 = arith.constant 5 : i32
      %dma_start3A_402 = arith.constant 0 : i32
      %dma_start3A_403 = tpu.memref_slice %arg6[%dma_start3A_401, %dma_start3A_402] : memref<8x128xi32, #tpu.memory_space<vmem>> -> memref<1x128xi32, #tpu.memory_space<vmem>>
      %dma_start3A_404 = tpu.memref_squeeze %dma_start3A_403 : memref<1x128xi32, #tpu.memory_space<vmem>> -> memref<128xi32, #tpu.memory_space<vmem>>
      %dma_start3A_405 = arith.constant 0 : i32
      %dma_start3A_406 = arith.constant 0 : i32
      %dma_start3A_407 = tpu.memref_slice %arg2[%dma_start3A_405, %dma_start3A_406] : memref<10128x128xf32, #tpu.memory_space<hbm>> -> memref<10128x128xf32, #tpu.memory_space<hbm>>
      tpu.enqueue_indirect_dma source(%dma_start3A_407 : memref<10128x128xf32, #tpu.memory_space<hbm>>) target(%arg11 : memref<128x128xf32, #tpu.memory_space<vmem>>) offsets(%dma_start3A_404 : memref<128xi32, #tpu.memory_space<vmem>>) semaphore(%arg14 : memref<!tpu.dma_semaphore, #tpu.memory_space<semaphore_mem>>)
      %dma_wait3A_408 = arith.constant 5 : i32
      %dma_wait3A_409 = arith.constant 0 : i32
      %dma_wait3A_410 = tpu.memref_slice %arg6[%dma_wait3A_408, %dma_wait3A_409] : memref<8x128xi32, #tpu.memory_space<vmem>> -> memref<1x128xi32, #tpu.memory_space<vmem>>
      %dma_wait3A_411 = tpu.memref_squeeze %dma_wait3A_410 : memref<1x128xi32, #tpu.memory_space<vmem>> -> memref<128xi32, #tpu.memory_space<vmem>>
      %dma_wait3A_412 = arith.constant 0 : i32
      %dma_wait3A_413 = arith.constant 0 : i32
      %dma_wait3A_414 = tpu.memref_slice %arg2[%dma_wait3A_412, %dma_wait3A_413] : memref<10128x128xf32, #tpu.memory_space<hbm>> -> memref<10128x128xf32, #tpu.memory_space<hbm>>
      tpu.wait_indirect_dma semaphore(%arg14 : memref<!tpu.dma_semaphore, #tpu.memory_space<semaphore_mem>>) src(%dma_wait3A_414 : memref<10128x128xf32, #tpu.memory_space<hbm>>) dst(%arg11 : memref<128x128xf32, #tpu.memory_space<vmem>>)
      %dma_start3A_415 = arith.constant 5 : i32
      %dma_start3A_416 = arith.constant 0 : i32
      %dma_start3A_417 = tpu.memref_slice %arg7[%dma_start3A_415, %dma_start3A_416] : memref<8x128xi32, #tpu.memory_space<vmem>> -> memref<1x128xi32, #tpu.memory_space<vmem>>
      %dma_start3A_418 = tpu.memref_squeeze %dma_start3A_417 : memref<1x128xi32, #tpu.memory_space<vmem>> -> memref<128xi32, #tpu.memory_space<vmem>>
      %dma_start3A_419 = arith.constant 0 : i32
      %dma_start3A_420 = arith.constant 0 : i32
      %dma_start3A_421 = tpu.memref_slice %arg12[%dma_start3A_419, %dma_start3A_420] : memref<10000x128xf32, #tpu.memory_space<vmem_shared>> -> memref<10000x128xf32, #tpu.memory_space<vmem_shared>>
      tpu.enqueue_indirect_dma source(%arg11 : memref<128x128xf32, #tpu.memory_space<vmem>>) target(%dma_start3A_421 : memref<10000x128xf32, #tpu.memory_space<vmem_shared>>) offsets(%dma_start3A_418 : memref<128xi32, #tpu.memory_space<vmem>>) semaphore(%arg16 : memref<!tpu.dma_semaphore, #tpu.memory_space<semaphore_mem>>) {add = true}
      %dma_wait3A_422 = arith.constant 4 : i32
      %dma_wait3A_423 = arith.constant 0 : i32
      %dma_wait3A_424 = tpu.memref_slice %arg7[%dma_wait3A_422, %dma_wait3A_423] : memref<8x128xi32, #tpu.memory_space<vmem>> -> memref<1x128xi32, #tpu.memory_space<vmem>>
      %dma_wait3A_425 = tpu.memref_squeeze %dma_wait3A_424 : memref<1x128xi32, #tpu.memory_space<vmem>> -> memref<128xi32, #tpu.memory_space<vmem>>
      %dma_wait3A_426 = arith.constant 0 : i32
      %dma_wait3A_427 = arith.constant 0 : i32
      %dma_wait3A_428 = tpu.memref_slice %arg12[%dma_wait3A_426, %dma_wait3A_427] : memref<10000x128xf32, #tpu.memory_space<vmem_shared>> -> memref<10000x128xf32, #tpu.memory_space<vmem_shared>>
      tpu.wait_indirect_dma semaphore(%arg15 : memref<!tpu.dma_semaphore, #tpu.memory_space<semaphore_mem>>) src(%arg10 : memref<128x128xf32, #tpu.memory_space<vmem>>) dst(%dma_wait3A_428 : memref<10000x128xf32, #tpu.memory_space<vmem_shared>>)
      %dma_start3A_429 = arith.constant 6 : i32
      %dma_start3A_430 = arith.constant 0 : i32
      %dma_start3A_431 = tpu.memref_slice %arg6[%dma_start3A_429, %dma_start3A_430] : memref<8x128xi32, #tpu.memory_space<vmem>> -> memref<1x128xi32, #tpu.memory_space<vmem>>
      %dma_start3A_432 = tpu.memref_squeeze %dma_start3A_431 : memref<1x128xi32, #tpu.memory_space<vmem>> -> memref<128xi32, #tpu.memory_space<vmem>>
      %dma_start3A_433 = arith.constant 0 : i32
      %dma_start3A_434 = arith.constant 0 : i32
      %dma_start3A_435 = tpu.memref_slice %arg2[%dma_start3A_433, %dma_start3A_434] : memref<10128x128xf32, #tpu.memory_space<hbm>> -> memref<10128x128xf32, #tpu.memory_space<hbm>>
      tpu.enqueue_indirect_dma source(%dma_start3A_435 : memref<10128x128xf32, #tpu.memory_space<hbm>>) target(%arg10 : memref<128x128xf32, #tpu.memory_space<vmem>>) offsets(%dma_start3A_432 : memref<128xi32, #tpu.memory_space<vmem>>) semaphore(%arg13 : memref<!tpu.dma_semaphore, #tpu.memory_space<semaphore_mem>>)
      %dma_wait3A_436 = arith.constant 6 : i32
      %dma_wait3A_437 = arith.constant 0 : i32
      %dma_wait3A_438 = tpu.memref_slice %arg6[%dma_wait3A_436, %dma_wait3A_437] : memref<8x128xi32, #tpu.memory_space<vmem>> -> memref<1x128xi32, #tpu.memory_space<vmem>>
      %dma_wait3A_439 = tpu.memref_squeeze %dma_wait3A_438 : memref<1x128xi32, #tpu.memory_space<vmem>> -> memref<128xi32, #tpu.memory_space<vmem>>
      %dma_wait3A_440 = arith.constant 0 : i32
      %dma_wait3A_441 = arith.constant 0 : i32
      %dma_wait3A_442 = tpu.memref_slice %arg2[%dma_wait3A_440, %dma_wait3A_441] : memref<10128x128xf32, #tpu.memory_space<hbm>> -> memref<10128x128xf32, #tpu.memory_space<hbm>>
      tpu.wait_indirect_dma semaphore(%arg13 : memref<!tpu.dma_semaphore, #tpu.memory_space<semaphore_mem>>) src(%dma_wait3A_442 : memref<10128x128xf32, #tpu.memory_space<hbm>>) dst(%arg10 : memref<128x128xf32, #tpu.memory_space<vmem>>)
      %dma_start3A_443 = arith.constant 6 : i32
      %dma_start3A_444 = arith.constant 0 : i32
      %dma_start3A_445 = tpu.memref_slice %arg7[%dma_start3A_443, %dma_start3A_444] : memref<8x128xi32, #tpu.memory_space<vmem>> -> memref<1x128xi32, #tpu.memory_space<vmem>>
      %dma_start3A_446 = tpu.memref_squeeze %dma_start3A_445 : memref<1x128xi32, #tpu.memory_space<vmem>> -> memref<128xi32, #tpu.memory_space<vmem>>
      %dma_start3A_447 = arith.constant 0 : i32
      %dma_start3A_448 = arith.constant 0 : i32
      %dma_start3A_449 = tpu.memref_slice %arg12[%dma_start3A_447, %dma_start3A_448] : memref<10000x128xf32, #tpu.memory_space<vmem_shared>> -> memref<10000x128xf32, #tpu.memory_space<vmem_shared>>
      tpu.enqueue_indirect_dma source(%arg10 : memref<128x128xf32, #tpu.memory_space<vmem>>) target(%dma_start3A_449 : memref<10000x128xf32, #tpu.memory_space<vmem_shared>>) offsets(%dma_start3A_446 : memref<128xi32, #tpu.memory_space<vmem>>) semaphore(%arg15 : memref<!tpu.dma_semaphore, #tpu.memory_space<semaphore_mem>>) {add = true}
      %dma_wait3A_450 = arith.constant 5 : i32
      %dma_wait3A_451 = arith.constant 0 : i32
      %dma_wait3A_452 = tpu.memref_slice %arg7[%dma_wait3A_450, %dma_wait3A_451] : memref<8x128xi32, #tpu.memory_space<vmem>> -> memref<1x128xi32, #tpu.memory_space<vmem>>
      %dma_wait3A_453 = tpu.memref_squeeze %dma_wait3A_452 : memref<1x128xi32, #tpu.memory_space<vmem>> -> memref<128xi32, #tpu.memory_space<vmem>>
      %dma_wait3A_454 = arith.constant 0 : i32
      %dma_wait3A_455 = arith.constant 0 : i32
      %dma_wait3A_456 = tpu.memref_slice %arg12[%dma_wait3A_454, %dma_wait3A_455] : memref<10000x128xf32, #tpu.memory_space<vmem_shared>> -> memref<10000x128xf32, #tpu.memory_space<vmem_shared>>
      tpu.wait_indirect_dma semaphore(%arg16 : memref<!tpu.dma_semaphore, #tpu.memory_space<semaphore_mem>>) src(%arg11 : memref<128x128xf32, #tpu.memory_space<vmem>>) dst(%dma_wait3A_456 : memref<10000x128xf32, #tpu.memory_space<vmem_shared>>)
      %dma_start3A_457 = arith.constant 7 : i32
      %dma_start3A_458 = arith.constant 0 : i32
      %dma_start3A_459 = tpu.memref_slice %arg6[%dma_start3A_457, %dma_start3A_458] : memref<8x128xi32, #tpu.memory_space<vmem>> -> memref<1x128xi32, #tpu.memory_space<vmem>>
      %dma_start3A_460 = tpu.memref_squeeze %dma_start3A_459 : memref<1x128xi32, #tpu.memory_space<vmem>> -> memref<128xi32, #tpu.memory_space<vmem>>
      %dma_start3A_461 = arith.constant 0 : i32
      %dma_start3A_462 = arith.constant 0 : i32
      %dma_start3A_463 = tpu.memref_slice %arg2[%dma_start3A_461, %dma_start3A_462] : memref<10128x128xf32, #tpu.memory_space<hbm>> -> memref<10128x128xf32, #tpu.memory_space<hbm>>
      tpu.enqueue_indirect_dma source(%dma_start3A_463 : memref<10128x128xf32, #tpu.memory_space<hbm>>) target(%arg11 : memref<128x128xf32, #tpu.memory_space<vmem>>) offsets(%dma_start3A_460 : memref<128xi32, #tpu.memory_space<vmem>>) semaphore(%arg14 : memref<!tpu.dma_semaphore, #tpu.memory_space<semaphore_mem>>)
      %dma_wait3A_464 = arith.constant 7 : i32
      %dma_wait3A_465 = arith.constant 0 : i32
      %dma_wait3A_466 = tpu.memref_slice %arg6[%dma_wait3A_464, %dma_wait3A_465] : memref<8x128xi32, #tpu.memory_space<vmem>> -> memref<1x128xi32, #tpu.memory_space<vmem>>
      %dma_wait3A_467 = tpu.memref_squeeze %dma_wait3A_466 : memref<1x128xi32, #tpu.memory_space<vmem>> -> memref<128xi32, #tpu.memory_space<vmem>>
      %dma_wait3A_468 = arith.constant 0 : i32
      %dma_wait3A_469 = arith.constant 0 : i32
      %dma_wait3A_470 = tpu.memref_slice %arg2[%dma_wait3A_468, %dma_wait3A_469] : memref<10128x128xf32, #tpu.memory_space<hbm>> -> memref<10128x128xf32, #tpu.memory_space<hbm>>
      tpu.wait_indirect_dma semaphore(%arg14 : memref<!tpu.dma_semaphore, #tpu.memory_space<semaphore_mem>>) src(%dma_wait3A_470 : memref<10128x128xf32, #tpu.memory_space<hbm>>) dst(%arg11 : memref<128x128xf32, #tpu.memory_space<vmem>>)
      %dma_start3A_471 = arith.constant 7 : i32
      %dma_start3A_472 = arith.constant 0 : i32
      %dma_start3A_473 = tpu.memref_slice %arg7[%dma_start3A_471, %dma_start3A_472] : memref<8x128xi32, #tpu.memory_space<vmem>> -> memref<1x128xi32, #tpu.memory_space<vmem>>
      %dma_start3A_474 = tpu.memref_squeeze %dma_start3A_473 : memref<1x128xi32, #tpu.memory_space<vmem>> -> memref<128xi32, #tpu.memory_space<vmem>>
      %dma_start3A_475 = arith.constant 0 : i32
      %dma_start3A_476 = arith.constant 0 : i32
      %dma_start3A_477 = tpu.memref_slice %arg12[%dma_start3A_475, %dma_start3A_476] : memref<10000x128xf32, #tpu.memory_space<vmem_shared>> -> memref<10000x128xf32, #tpu.memory_space<vmem_shared>>
      tpu.enqueue_indirect_dma source(%arg11 : memref<128x128xf32, #tpu.memory_space<vmem>>) target(%dma_start3A_477 : memref<10000x128xf32, #tpu.memory_space<vmem_shared>>) offsets(%dma_start3A_474 : memref<128xi32, #tpu.memory_space<vmem>>) semaphore(%arg16 : memref<!tpu.dma_semaphore, #tpu.memory_space<semaphore_mem>>) {add = true}
      %add3A_478 = arith.constant 8 : i32
      %add3A_479 = arith.addi %add3A_247, %add3A_478 : i32
      %dma_wait3A_480 = arith.constant 0 : i32
      %dma_wait3A_481 = tpu.memref_slice %arg3[%add3A_479, %dma_wait3A_480] : memref<2560x128xi32, #tpu.memory_space<hbm>> -> memref<8x128xi32, #tpu.memory_space<hbm>>
      %dma_wait3A_482 = arith.constant 0 : i32
      %dma_wait3A_483 = tpu.memref_slice %arg3[%add3A_479, %dma_wait3A_482] : memref<2560x128xi32, #tpu.memory_space<hbm>> -> memref<8x128xi32, #tpu.memory_space<hbm>>
      tpu.wait_dma2 semaphore(%arg18 : memref<!tpu.dma_semaphore, #tpu.memory_space<semaphore_mem>>) src(%dma_wait3A_483 : memref<8x128xi32, #tpu.memory_space<hbm>>) dst(%arg8 : memref<8x128xi32, #tpu.memory_space<vmem>>)
      %add3A_484 = arith.constant 8 : i32
      %add3A_485 = arith.addi %add3A_247, %add3A_484 : i32
      %dma_wait3A_486 = arith.constant 0 : i32
      %dma_wait3A_487 = tpu.memref_slice %arg4[%add3A_485, %dma_wait3A_486] : memref<2560x128xi32, #tpu.memory_space<hbm>> -> memref<8x128xi32, #tpu.memory_space<hbm>>
      %dma_wait3A_488 = arith.constant 0 : i32
      %dma_wait3A_489 = tpu.memref_slice %arg4[%add3A_485, %dma_wait3A_488] : memref<2560x128xi32, #tpu.memory_space<hbm>> -> memref<8x128xi32, #tpu.memory_space<hbm>>
      tpu.wait_dma2 semaphore(%arg18 : memref<!tpu.dma_semaphore, #tpu.memory_space<semaphore_mem>>) src(%dma_wait3A_489 : memref<8x128xi32, #tpu.memory_space<hbm>>) dst(%arg9 : memref<8x128xi32, #tpu.memory_space<vmem>>)
      %dma_wait3A_490 = arith.constant 6 : i32
      %dma_wait3A_491 = arith.constant 0 : i32
      %dma_wait3A_492 = tpu.memref_slice %arg7[%dma_wait3A_490, %dma_wait3A_491] : memref<8x128xi32, #tpu.memory_space<vmem>> -> memref<1x128xi32, #tpu.memory_space<vmem>>
      %dma_wait3A_493 = tpu.memref_squeeze %dma_wait3A_492 : memref<1x128xi32, #tpu.memory_space<vmem>> -> memref<128xi32, #tpu.memory_space<vmem>>
      %dma_wait3A_494 = arith.constant 0 : i32
      %dma_wait3A_495 = arith.constant 0 : i32
      %dma_wait3A_496 = tpu.memref_slice %arg12[%dma_wait3A_494, %dma_wait3A_495] : memref<10000x128xf32, #tpu.memory_space<vmem_shared>> -> memref<10000x128xf32, #tpu.memory_space<vmem_shared>>
      tpu.wait_indirect_dma semaphore(%arg15 : memref<!tpu.dma_semaphore, #tpu.memory_space<semaphore_mem>>) src(%arg10 : memref<128x128xf32, #tpu.memory_space<vmem>>) dst(%dma_wait3A_496 : memref<10000x128xf32, #tpu.memory_space<vmem_shared>>)
      %dma_start3A_497 = arith.constant 0 : i32
      %dma_start3A_498 = arith.constant 0 : i32
      %dma_start3A_499 = tpu.memref_slice %arg8[%dma_start3A_497, %dma_start3A_498] : memref<8x128xi32, #tpu.memory_space<vmem>> -> memref<1x128xi32, #tpu.memory_space<vmem>>
      %dma_start3A_500 = tpu.memref_squeeze %dma_start3A_499 : memref<1x128xi32, #tpu.memory_space<vmem>> -> memref<128xi32, #tpu.memory_space<vmem>>
      %dma_start3A_501 = arith.constant 0 : i32
      %dma_start3A_502 = arith.constant 0 : i32
      %dma_start3A_503 = tpu.memref_slice %arg2[%dma_start3A_501, %dma_start3A_502] : memref<10128x128xf32, #tpu.memory_space<hbm>> -> memref<10128x128xf32, #tpu.memory_space<hbm>>
      tpu.enqueue_indirect_dma source(%dma_start3A_503 : memref<10128x128xf32, #tpu.memory_space<hbm>>) target(%arg10 : memref<128x128xf32, #tpu.memory_space<vmem>>) offsets(%dma_start3A_500 : memref<128xi32, #tpu.memory_space<vmem>>) semaphore(%arg13 : memref<!tpu.dma_semaphore, #tpu.memory_space<semaphore_mem>>)
      %dma_wait3A_504 = arith.constant 0 : i32
      %dma_wait3A_505 = arith.constant 0 : i32
      %dma_wait3A_506 = tpu.memref_slice %arg8[%dma_wait3A_504, %dma_wait3A_505] : memref<8x128xi32, #tpu.memory_space<vmem>> -> memref<1x128xi32, #tpu.memory_space<vmem>>
      %dma_wait3A_507 = tpu.memref_squeeze %dma_wait3A_506 : memref<1x128xi32, #tpu.memory_space<vmem>> -> memref<128xi32, #tpu.memory_space<vmem>>
      %dma_wait3A_508 = arith.constant 0 : i32
      %dma_wait3A_509 = arith.constant 0 : i32
      %dma_wait3A_510 = tpu.memref_slice %arg2[%dma_wait3A_508, %dma_wait3A_509] : memref<10128x128xf32, #tpu.memory_space<hbm>> -> memref<10128x128xf32, #tpu.memory_space<hbm>>
      tpu.wait_indirect_dma semaphore(%arg13 : memref<!tpu.dma_semaphore, #tpu.memory_space<semaphore_mem>>) src(%dma_wait3A_510 : memref<10128x128xf32, #tpu.memory_space<hbm>>) dst(%arg10 : memref<128x128xf32, #tpu.memory_space<vmem>>)
      %dma_start3A_511 = arith.constant 0 : i32
      %dma_start3A_512 = arith.constant 0 : i32
      %dma_start3A_513 = tpu.memref_slice %arg9[%dma_start3A_511, %dma_start3A_512] : memref<8x128xi32, #tpu.memory_space<vmem>> -> memref<1x128xi32, #tpu.memory_space<vmem>>
      %dma_start3A_514 = tpu.memref_squeeze %dma_start3A_513 : memref<1x128xi32, #tpu.memory_space<vmem>> -> memref<128xi32, #tpu.memory_space<vmem>>
      %dma_start3A_515 = arith.constant 0 : i32
      %dma_start3A_516 = arith.constant 0 : i32
      %dma_start3A_517 = tpu.memref_slice %arg12[%dma_start3A_515, %dma_start3A_516] : memref<10000x128xf32, #tpu.memory_space<vmem_shared>> -> memref<10000x128xf32, #tpu.memory_space<vmem_shared>>
      tpu.enqueue_indirect_dma source(%arg10 : memref<128x128xf32, #tpu.memory_space<vmem>>) target(%dma_start3A_517 : memref<10000x128xf32, #tpu.memory_space<vmem_shared>>) offsets(%dma_start3A_514 : memref<128xi32, #tpu.memory_space<vmem>>) semaphore(%arg15 : memref<!tpu.dma_semaphore, #tpu.memory_space<semaphore_mem>>) {add = true}
      %dma_wait3A_518 = arith.constant 7 : i32
      %dma_wait3A_519 = arith.constant 0 : i32
      %dma_wait3A_520 = tpu.memref_slice %arg7[%dma_wait3A_518, %dma_wait3A_519] : memref<8x128xi32, #tpu.memory_space<vmem>> -> memref<1x128xi32, #tpu.memory_space<vmem>>
      %dma_wait3A_521 = tpu.memref_squeeze %dma_wait3A_520 : memref<1x128xi32, #tpu.memory_space<vmem>> -> memref<128xi32, #tpu.memory_space<vmem>>
      %dma_wait3A_522 = arith.constant 0 : i32
      %dma_wait3A_523 = arith.constant 0 : i32
      %dma_wait3A_524 = tpu.memref_slice %arg12[%dma_wait3A_522, %dma_wait3A_523] : memref<10000x128xf32, #tpu.memory_space<vmem_shared>> -> memref<10000x128xf32, #tpu.memory_space<vmem_shared>>
      tpu.wait_indirect_dma semaphore(%arg16 : memref<!tpu.dma_semaphore, #tpu.memory_space<semaphore_mem>>) src(%arg11 : memref<128x128xf32, #tpu.memory_space<vmem>>) dst(%dma_wait3A_524 : memref<10000x128xf32, #tpu.memory_space<vmem_shared>>)
      %dma_start3A_525 = arith.constant 1 : i32
      %dma_start3A_526 = arith.constant 0 : i32
      %dma_start3A_527 = tpu.memref_slice %arg8[%dma_start3A_525, %dma_start3A_526] : memref<8x128xi32, #tpu.memory_space<vmem>> -> memref<1x128xi32, #tpu.memory_space<vmem>>
      %dma_start3A_528 = tpu.memref_squeeze %dma_start3A_527 : memref<1x128xi32, #tpu.memory_space<vmem>> -> memref<128xi32, #tpu.memory_space<vmem>>
      %dma_start3A_529 = arith.constant 0 : i32
      %dma_start3A_530 = arith.constant 0 : i32
      %dma_start3A_531 = tpu.memref_slice %arg2[%dma_start3A_529, %dma_start3A_530] : memref<10128x128xf32, #tpu.memory_space<hbm>> -> memref<10128x128xf32, #tpu.memory_space<hbm>>
      tpu.enqueue_indirect_dma source(%dma_start3A_531 : memref<10128x128xf32, #tpu.memory_space<hbm>>) target(%arg11 : memref<128x128xf32, #tpu.memory_space<vmem>>) offsets(%dma_start3A_528 : memref<128xi32, #tpu.memory_space<vmem>>) semaphore(%arg14 : memref<!tpu.dma_semaphore, #tpu.memory_space<semaphore_mem>>)
      %dma_wait3A_532 = arith.constant 1 : i32
      %dma_wait3A_533 = arith.constant 0 : i32
      %dma_wait3A_534 = tpu.memref_slice %arg8[%dma_wait3A_532, %dma_wait3A_533] : memref<8x128xi32, #tpu.memory_space<vmem>> -> memref<1x128xi32, #tpu.memory_space<vmem>>
      %dma_wait3A_535 = tpu.memref_squeeze %dma_wait3A_534 : memref<1x128xi32, #tpu.memory_space<vmem>> -> memref<128xi32, #tpu.memory_space<vmem>>
      %dma_wait3A_536 = arith.constant 0 : i32
      %dma_wait3A_537 = arith.constant 0 : i32
      %dma_wait3A_538 = tpu.memref_slice %arg2[%dma_wait3A_536, %dma_wait3A_537] : memref<10128x128xf32, #tpu.memory_space<hbm>> -> memref<10128x128xf32, #tpu.memory_space<hbm>>
      tpu.wait_indirect_dma semaphore(%arg14 : memref<!tpu.dma_semaphore, #tpu.memory_space<semaphore_mem>>) src(%dma_wait3A_538 : memref<10128x128xf32, #tpu.memory_space<hbm>>) dst(%arg11 : memref<128x128xf32, #tpu.memory_space<vmem>>)
      %dma_start3A_539 = arith.constant 1 : i32
      %dma_start3A_540 = arith.constant 0 : i32
      %dma_start3A_541 = tpu.memref_slice %arg9[%dma_start3A_539, %dma_start3A_540] : memref<8x128xi32, #tpu.memory_space<vmem>> -> memref<1x128xi32, #tpu.memory_space<vmem>>
      %dma_start3A_542 = tpu.memref_squeeze %dma_start3A_541 : memref<1x128xi32, #tpu.memory_space<vmem>> -> memref<128xi32, #tpu.memory_space<vmem>>
      %dma_start3A_543 = arith.constant 0 : i32
      %dma_start3A_544 = arith.constant 0 : i32
      %dma_start3A_545 = tpu.memref_slice %arg12[%dma_start3A_543, %dma_start3A_544] : memref<10000x128xf32, #tpu.memory_space<vmem_shared>> -> memref<10000x128xf32, #tpu.memory_space<vmem_shared>>
      tpu.enqueue_indirect_dma source(%arg11 : memref<128x128xf32, #tpu.memory_space<vmem>>) target(%dma_start3A_545 : memref<10000x128xf32, #tpu.memory_space<vmem_shared>>) offsets(%dma_start3A_542 : memref<128xi32, #tpu.memory_space<vmem>>) semaphore(%arg16 : memref<!tpu.dma_semaphore, #tpu.memory_space<semaphore_mem>>) {add = true}
      %dma_wait3A_546 = arith.constant 0 : i32
      %dma_wait3A_547 = arith.constant 0 : i32
      %dma_wait3A_548 = tpu.memref_slice %arg9[%dma_wait3A_546, %dma_wait3A_547] : memref<8x128xi32, #tpu.memory_space<vmem>> -> memref<1x128xi32, #tpu.memory_space<vmem>>
      %dma_wait3A_549 = tpu.memref_squeeze %dma_wait3A_548 : memref<1x128xi32, #tpu.memory_space<vmem>> -> memref<128xi32, #tpu.memory_space<vmem>>
      %dma_wait3A_550 = arith.constant 0 : i32
      %dma_wait3A_551 = arith.constant 0 : i32
      %dma_wait3A_552 = tpu.memref_slice %arg12[%dma_wait3A_550, %dma_wait3A_551] : memref<10000x128xf32, #tpu.memory_space<vmem_shared>> -> memref<10000x128xf32, #tpu.memory_space<vmem_shared>>
      tpu.wait_indirect_dma semaphore(%arg15 : memref<!tpu.dma_semaphore, #tpu.memory_space<semaphore_mem>>) src(%arg10 : memref<128x128xf32, #tpu.memory_space<vmem>>) dst(%dma_wait3A_552 : memref<10000x128xf32, #tpu.memory_space<vmem_shared>>)
      %dma_start3A_553 = arith.constant 2 : i32
      %dma_start3A_554 = arith.constant 0 : i32
      %dma_start3A_555 = tpu.memref_slice %arg8[%dma_start3A_553, %dma_start3A_554] : memref<8x128xi32, #tpu.memory_space<vmem>> -> memref<1x128xi32, #tpu.memory_space<vmem>>
      %dma_start3A_556 = tpu.memref_squeeze %dma_start3A_555 : memref<1x128xi32, #tpu.memory_space<vmem>> -> memref<128xi32, #tpu.memory_space<vmem>>
      %dma_start3A_557 = arith.constant 0 : i32
      %dma_start3A_558 = arith.constant 0 : i32
      %dma_start3A_559 = tpu.memref_slice %arg2[%dma_start3A_557, %dma_start3A_558] : memref<10128x128xf32, #tpu.memory_space<hbm>> -> memref<10128x128xf32, #tpu.memory_space<hbm>>
      tpu.enqueue_indirect_dma source(%dma_start3A_559 : memref<10128x128xf32, #tpu.memory_space<hbm>>) target(%arg10 : memref<128x128xf32, #tpu.memory_space<vmem>>) offsets(%dma_start3A_556 : memref<128xi32, #tpu.memory_space<vmem>>) semaphore(%arg13 : memref<!tpu.dma_semaphore, #tpu.memory_space<semaphore_mem>>)
      %dma_wait3A_560 = arith.constant 2 : i32
      %dma_wait3A_561 = arith.constant 0 : i32
      %dma_wait3A_562 = tpu.memref_slice %arg8[%dma_wait3A_560, %dma_wait3A_561] : memref<8x128xi32, #tpu.memory_space<vmem>> -> memref<1x128xi32, #tpu.memory_space<vmem>>
      %dma_wait3A_563 = tpu.memref_squeeze %dma_wait3A_562 : memref<1x128xi32, #tpu.memory_space<vmem>> -> memref<128xi32, #tpu.memory_space<vmem>>
      %dma_wait3A_564 = arith.constant 0 : i32
      %dma_wait3A_565 = arith.constant 0 : i32
      %dma_wait3A_566 = tpu.memref_slice %arg2[%dma_wait3A_564, %dma_wait3A_565] : memref<10128x128xf32, #tpu.memory_space<hbm>> -> memref<10128x128xf32, #tpu.memory_space<hbm>>
      tpu.wait_indirect_dma semaphore(%arg13 : memref<!tpu.dma_semaphore, #tpu.memory_space<semaphore_mem>>) src(%dma_wait3A_566 : memref<10128x128xf32, #tpu.memory_space<hbm>>) dst(%arg10 : memref<128x128xf32, #tpu.memory_space<vmem>>)
      %dma_start3A_567 = arith.constant 2 : i32
      %dma_start3A_568 = arith.constant 0 : i32
      %dma_start3A_569 = tpu.memref_slice %arg9[%dma_start3A_567, %dma_start3A_568] : memref<8x128xi32, #tpu.memory_space<vmem>> -> memref<1x128xi32, #tpu.memory_space<vmem>>
      %dma_start3A_570 = tpu.memref_squeeze %dma_start3A_569 : memref<1x128xi32, #tpu.memory_space<vmem>> -> memref<128xi32, #tpu.memory_space<vmem>>
      %dma_start3A_571 = arith.constant 0 : i32
      %dma_start3A_572 = arith.constant 0 : i32
      %dma_start3A_573 = tpu.memref_slice %arg12[%dma_start3A_571, %dma_start3A_572] : memref<10000x128xf32, #tpu.memory_space<vmem_shared>> -> memref<10000x128xf32, #tpu.memory_space<vmem_shared>>
      tpu.enqueue_indirect_dma source(%arg10 : memref<128x128xf32, #tpu.memory_space<vmem>>) target(%dma_start3A_573 : memref<10000x128xf32, #tpu.memory_space<vmem_shared>>) offsets(%dma_start3A_570 : memref<128xi32, #tpu.memory_space<vmem>>) semaphore(%arg15 : memref<!tpu.dma_semaphore, #tpu.memory_space<semaphore_mem>>) {add = true}
      %dma_wait3A_574 = arith.constant 1 : i32
      %dma_wait3A_575 = arith.constant 0 : i32
      %dma_wait3A_576 = tpu.memref_slice %arg9[%dma_wait3A_574, %dma_wait3A_575] : memref<8x128xi32, #tpu.memory_space<vmem>> -> memref<1x128xi32, #tpu.memory_space<vmem>>
      %dma_wait3A_577 = tpu.memref_squeeze %dma_wait3A_576 : memref<1x128xi32, #tpu.memory_space<vmem>> -> memref<128xi32, #tpu.memory_space<vmem>>
      %dma_wait3A_578 = arith.constant 0 : i32
      %dma_wait3A_579 = arith.constant 0 : i32
      %dma_wait3A_580 = tpu.memref_slice %arg12[%dma_wait3A_578, %dma_wait3A_579] : memref<10000x128xf32, #tpu.memory_space<vmem_shared>> -> memref<10000x128xf32, #tpu.memory_space<vmem_shared>>
      tpu.wait_indirect_dma semaphore(%arg16 : memref<!tpu.dma_semaphore, #tpu.memory_space<semaphore_mem>>) src(%arg11 : memref<128x128xf32, #tpu.memory_space<vmem>>) dst(%dma_wait3A_580 : memref<10000x128xf32, #tpu.memory_space<vmem_shared>>)
      %dma_start3A_581 = arith.constant 3 : i32
      %dma_start3A_582 = arith.constant 0 : i32
      %dma_start3A_583 = tpu.memref_slice %arg8[%dma_start3A_581, %dma_start3A_582] : memref<8x128xi32, #tpu.memory_space<vmem>> -> memref<1x128xi32, #tpu.memory_space<vmem>>
      %dma_start3A_584 = tpu.memref_squeeze %dma_start3A_583 : memref<1x128xi32, #tpu.memory_space<vmem>> -> memref<128xi32, #tpu.memory_space<vmem>>
      %dma_start3A_585 = arith.constant 0 : i32
      %dma_start3A_586 = arith.constant 0 : i32
      %dma_start3A_587 = tpu.memref_slice %arg2[%dma_start3A_585, %dma_start3A_586] : memref<10128x128xf32, #tpu.memory_space<hbm>> -> memref<10128x128xf32, #tpu.memory_space<hbm>>
      tpu.enqueue_indirect_dma source(%dma_start3A_587 : memref<10128x128xf32, #tpu.memory_space<hbm>>) target(%arg11 : memref<128x128xf32, #tpu.memory_space<vmem>>) offsets(%dma_start3A_584 : memref<128xi32, #tpu.memory_space<vmem>>) semaphore(%arg14 : memref<!tpu.dma_semaphore, #tpu.memory_space<semaphore_mem>>)
      %dma_wait3A_588 = arith.constant 3 : i32
      %dma_wait3A_589 = arith.constant 0 : i32
      %dma_wait3A_590 = tpu.memref_slice %arg8[%dma_wait3A_588, %dma_wait3A_589] : memref<8x128xi32, #tpu.memory_space<vmem>> -> memref<1x128xi32, #tpu.memory_space<vmem>>
      %dma_wait3A_591 = tpu.memref_squeeze %dma_wait3A_590 : memref<1x128xi32, #tpu.memory_space<vmem>> -> memref<128xi32, #tpu.memory_space<vmem>>
      %dma_wait3A_592 = arith.constant 0 : i32
      %dma_wait3A_593 = arith.constant 0 : i32
      %dma_wait3A_594 = tpu.memref_slice %arg2[%dma_wait3A_592, %dma_wait3A_593] : memref<10128x128xf32, #tpu.memory_space<hbm>> -> memref<10128x128xf32, #tpu.memory_space<hbm>>
      tpu.wait_indirect_dma semaphore(%arg14 : memref<!tpu.dma_semaphore, #tpu.memory_space<semaphore_mem>>) src(%dma_wait3A_594 : memref<10128x128xf32, #tpu.memory_space<hbm>>) dst(%arg11 : memref<128x128xf32, #tpu.memory_space<vmem>>)
      %dma_start3A_595 = arith.constant 3 : i32
      %dma_start3A_596 = arith.constant 0 : i32
      %dma_start3A_597 = tpu.memref_slice %arg9[%dma_start3A_595, %dma_start3A_596] : memref<8x128xi32, #tpu.memory_space<vmem>> -> memref<1x128xi32, #tpu.memory_space<vmem>>
      %dma_start3A_598 = tpu.memref_squeeze %dma_start3A_597 : memref<1x128xi32, #tpu.memory_space<vmem>> -> memref<128xi32, #tpu.memory_space<vmem>>
      %dma_start3A_599 = arith.constant 0 : i32
      %dma_start3A_600 = arith.constant 0 : i32
      %dma_start3A_601 = tpu.memref_slice %arg12[%dma_start3A_599, %dma_start3A_600] : memref<10000x128xf32, #tpu.memory_space<vmem_shared>> -> memref<10000x128xf32, #tpu.memory_space<vmem_shared>>
      tpu.enqueue_indirect_dma source(%arg11 : memref<128x128xf32, #tpu.memory_space<vmem>>) target(%dma_start3A_601 : memref<10000x128xf32, #tpu.memory_space<vmem_shared>>) offsets(%dma_start3A_598 : memref<128xi32, #tpu.memory_space<vmem>>) semaphore(%arg16 : memref<!tpu.dma_semaphore, #tpu.memory_space<semaphore_mem>>) {add = true}
      %dma_wait3A_602 = arith.constant 2 : i32
      %dma_wait3A_603 = arith.constant 0 : i32
      %dma_wait3A_604 = tpu.memref_slice %arg9[%dma_wait3A_602, %dma_wait3A_603] : memref<8x128xi32, #tpu.memory_space<vmem>> -> memref<1x128xi32, #tpu.memory_space<vmem>>
      %dma_wait3A_605 = tpu.memref_squeeze %dma_wait3A_604 : memref<1x128xi32, #tpu.memory_space<vmem>> -> memref<128xi32, #tpu.memory_space<vmem>>
      %dma_wait3A_606 = arith.constant 0 : i32
      %dma_wait3A_607 = arith.constant 0 : i32
      %dma_wait3A_608 = tpu.memref_slice %arg12[%dma_wait3A_606, %dma_wait3A_607] : memref<10000x128xf32, #tpu.memory_space<vmem_shared>> -> memref<10000x128xf32, #tpu.memory_space<vmem_shared>>
      tpu.wait_indirect_dma semaphore(%arg15 : memref<!tpu.dma_semaphore, #tpu.memory_space<semaphore_mem>>) src(%arg10 : memref<128x128xf32, #tpu.memory_space<vmem>>) dst(%dma_wait3A_608 : memref<10000x128xf32, #tpu.memory_space<vmem_shared>>)
      %dma_start3A_609 = arith.constant 4 : i32
      %dma_start3A_610 = arith.constant 0 : i32
      %dma_start3A_611 = tpu.memref_slice %arg8[%dma_start3A_609, %dma_start3A_610] : memref<8x128xi32, #tpu.memory_space<vmem>> -> memref<1x128xi32, #tpu.memory_space<vmem>>
      %dma_start3A_612 = tpu.memref_squeeze %dma_start3A_611 : memref<1x128xi32, #tpu.memory_space<vmem>> -> memref<128xi32, #tpu.memory_space<vmem>>
      %dma_start3A_613 = arith.constant 0 : i32
      %dma_start3A_614 = arith.constant 0 : i32
      %dma_start3A_615 = tpu.memref_slice %arg2[%dma_start3A_613, %dma_start3A_614] : memref<10128x128xf32, #tpu.memory_space<hbm>> -> memref<10128x128xf32, #tpu.memory_space<hbm>>
      tpu.enqueue_indirect_dma source(%dma_start3A_615 : memref<10128x128xf32, #tpu.memory_space<hbm>>) target(%arg10 : memref<128x128xf32, #tpu.memory_space<vmem>>) offsets(%dma_start3A_612 : memref<128xi32, #tpu.memory_space<vmem>>) semaphore(%arg13 : memref<!tpu.dma_semaphore, #tpu.memory_space<semaphore_mem>>)
      %dma_wait3A_616 = arith.constant 4 : i32
      %dma_wait3A_617 = arith.constant 0 : i32
      %dma_wait3A_618 = tpu.memref_slice %arg8[%dma_wait3A_616, %dma_wait3A_617] : memref<8x128xi32, #tpu.memory_space<vmem>> -> memref<1x128xi32, #tpu.memory_space<vmem>>
      %dma_wait3A_619 = tpu.memref_squeeze %dma_wait3A_618 : memref<1x128xi32, #tpu.memory_space<vmem>> -> memref<128xi32, #tpu.memory_space<vmem>>
      %dma_wait3A_620 = arith.constant 0 : i32
      %dma_wait3A_621 = arith.constant 0 : i32
      %dma_wait3A_622 = tpu.memref_slice %arg2[%dma_wait3A_620, %dma_wait3A_621] : memref<10128x128xf32, #tpu.memory_space<hbm>> -> memref<10128x128xf32, #tpu.memory_space<hbm>>
      tpu.wait_indirect_dma semaphore(%arg13 : memref<!tpu.dma_semaphore, #tpu.memory_space<semaphore_mem>>) src(%dma_wait3A_622 : memref<10128x128xf32, #tpu.memory_space<hbm>>) dst(%arg10 : memref<128x128xf32, #tpu.memory_space<vmem>>)
      %dma_start3A_623 = arith.constant 4 : i32
      %dma_start3A_624 = arith.constant 0 : i32
      %dma_start3A_625 = tpu.memref_slice %arg9[%dma_start3A_623, %dma_start3A_624] : memref<8x128xi32, #tpu.memory_space<vmem>> -> memref<1x128xi32, #tpu.memory_space<vmem>>
      %dma_start3A_626 = tpu.memref_squeeze %dma_start3A_625 : memref<1x128xi32, #tpu.memory_space<vmem>> -> memref<128xi32, #tpu.memory_space<vmem>>
      %dma_start3A_627 = arith.constant 0 : i32
      %dma_start3A_628 = arith.constant 0 : i32
      %dma_start3A_629 = tpu.memref_slice %arg12[%dma_start3A_627, %dma_start3A_628] : memref<10000x128xf32, #tpu.memory_space<vmem_shared>> -> memref<10000x128xf32, #tpu.memory_space<vmem_shared>>
      tpu.enqueue_indirect_dma source(%arg10 : memref<128x128xf32, #tpu.memory_space<vmem>>) target(%dma_start3A_629 : memref<10000x128xf32, #tpu.memory_space<vmem_shared>>) offsets(%dma_start3A_626 : memref<128xi32, #tpu.memory_space<vmem>>) semaphore(%arg15 : memref<!tpu.dma_semaphore, #tpu.memory_space<semaphore_mem>>) {add = true}
      %dma_wait3A_630 = arith.constant 3 : i32
      %dma_wait3A_631 = arith.constant 0 : i32
      %dma_wait3A_632 = tpu.memref_slice %arg9[%dma_wait3A_630, %dma_wait3A_631] : memref<8x128xi32, #tpu.memory_space<vmem>> -> memref<1x128xi32, #tpu.memory_space<vmem>>
      %dma_wait3A_633 = tpu.memref_squeeze %dma_wait3A_632 : memref<1x128xi32, #tpu.memory_space<vmem>> -> memref<128xi32, #tpu.memory_space<vmem>>
      %dma_wait3A_634 = arith.constant 0 : i32
      %dma_wait3A_635 = arith.constant 0 : i32
      %dma_wait3A_636 = tpu.memref_slice %arg12[%dma_wait3A_634, %dma_wait3A_635] : memref<10000x128xf32, #tpu.memory_space<vmem_shared>> -> memref<10000x128xf32, #tpu.memory_space<vmem_shared>>
      tpu.wait_indirect_dma semaphore(%arg16 : memref<!tpu.dma_semaphore, #tpu.memory_space<semaphore_mem>>) src(%arg11 : memref<128x128xf32, #tpu.memory_space<vmem>>) dst(%dma_wait3A_636 : memref<10000x128xf32, #tpu.memory_space<vmem_shared>>)
      %dma_start3A_637 = arith.constant 5 : i32
      %dma_start3A_638 = arith.constant 0 : i32
      %dma_start3A_639 = tpu.memref_slice %arg8[%dma_start3A_637, %dma_start3A_638] : memref<8x128xi32, #tpu.memory_space<vmem>> -> memref<1x128xi32, #tpu.memory_space<vmem>>
      %dma_start3A_640 = tpu.memref_squeeze %dma_start3A_639 : memref<1x128xi32, #tpu.memory_space<vmem>> -> memref<128xi32, #tpu.memory_space<vmem>>
      %dma_start3A_641 = arith.constant 0 : i32
      %dma_start3A_642 = arith.constant 0 : i32
      %dma_start3A_643 = tpu.memref_slice %arg2[%dma_start3A_641, %dma_start3A_642] : memref<10128x128xf32, #tpu.memory_space<hbm>> -> memref<10128x128xf32, #tpu.memory_space<hbm>>
      tpu.enqueue_indirect_dma source(%dma_start3A_643 : memref<10128x128xf32, #tpu.memory_space<hbm>>) target(%arg11 : memref<128x128xf32, #tpu.memory_space<vmem>>) offsets(%dma_start3A_640 : memref<128xi32, #tpu.memory_space<vmem>>) semaphore(%arg14 : memref<!tpu.dma_semaphore, #tpu.memory_space<semaphore_mem>>)
      %dma_wait3A_644 = arith.constant 5 : i32
      %dma_wait3A_645 = arith.constant 0 : i32
      %dma_wait3A_646 = tpu.memref_slice %arg8[%dma_wait3A_644, %dma_wait3A_645] : memref<8x128xi32, #tpu.memory_space<vmem>> -> memref<1x128xi32, #tpu.memory_space<vmem>>
      %dma_wait3A_647 = tpu.memref_squeeze %dma_wait3A_646 : memref<1x128xi32, #tpu.memory_space<vmem>> -> memref<128xi32, #tpu.memory_space<vmem>>
      %dma_wait3A_648 = arith.constant 0 : i32
      %dma_wait3A_649 = arith.constant 0 : i32
      %dma_wait3A_650 = tpu.memref_slice %arg2[%dma_wait3A_648, %dma_wait3A_649] : memref<10128x128xf32, #tpu.memory_space<hbm>> -> memref<10128x128xf32, #tpu.memory_space<hbm>>
      tpu.wait_indirect_dma semaphore(%arg14 : memref<!tpu.dma_semaphore, #tpu.memory_space<semaphore_mem>>) src(%dma_wait3A_650 : memref<10128x128xf32, #tpu.memory_space<hbm>>) dst(%arg11 : memref<128x128xf32, #tpu.memory_space<vmem>>)
      %dma_start3A_651 = arith.constant 5 : i32
      %dma_start3A_652 = arith.constant 0 : i32
      %dma_start3A_653 = tpu.memref_slice %arg9[%dma_start3A_651, %dma_start3A_652] : memref<8x128xi32, #tpu.memory_space<vmem>> -> memref<1x128xi32, #tpu.memory_space<vmem>>
      %dma_start3A_654 = tpu.memref_squeeze %dma_start3A_653 : memref<1x128xi32, #tpu.memory_space<vmem>> -> memref<128xi32, #tpu.memory_space<vmem>>
      %dma_start3A_655 = arith.constant 0 : i32
      %dma_start3A_656 = arith.constant 0 : i32
      %dma_start3A_657 = tpu.memref_slice %arg12[%dma_start3A_655, %dma_start3A_656] : memref<10000x128xf32, #tpu.memory_space<vmem_shared>> -> memref<10000x128xf32, #tpu.memory_space<vmem_shared>>
      tpu.enqueue_indirect_dma source(%arg11 : memref<128x128xf32, #tpu.memory_space<vmem>>) target(%dma_start3A_657 : memref<10000x128xf32, #tpu.memory_space<vmem_shared>>) offsets(%dma_start3A_654 : memref<128xi32, #tpu.memory_space<vmem>>) semaphore(%arg16 : memref<!tpu.dma_semaphore, #tpu.memory_space<semaphore_mem>>) {add = true}
      %dma_wait3A_658 = arith.constant 4 : i32
      %dma_wait3A_659 = arith.constant 0 : i32
      %dma_wait3A_660 = tpu.memref_slice %arg9[%dma_wait3A_658, %dma_wait3A_659] : memref<8x128xi32, #tpu.memory_space<vmem>> -> memref<1x128xi32, #tpu.memory_space<vmem>>
      %dma_wait3A_661 = tpu.memref_squeeze %dma_wait3A_660 : memref<1x128xi32, #tpu.memory_space<vmem>> -> memref<128xi32, #tpu.memory_space<vmem>>
      %dma_wait3A_662 = arith.constant 0 : i32
      %dma_wait3A_663 = arith.constant 0 : i32
      %dma_wait3A_664 = tpu.memref_slice %arg12[%dma_wait3A_662, %dma_wait3A_663] : memref<10000x128xf32, #tpu.memory_space<vmem_shared>> -> memref<10000x128xf32, #tpu.memory_space<vmem_shared>>
      tpu.wait_indirect_dma semaphore(%arg15 : memref<!tpu.dma_semaphore, #tpu.memory_space<semaphore_mem>>) src(%arg10 : memref<128x128xf32, #tpu.memory_space<vmem>>) dst(%dma_wait3A_664 : memref<10000x128xf32, #tpu.memory_space<vmem_shared>>)
      %dma_start3A_665 = arith.constant 6 : i32
      %dma_start3A_666 = arith.constant 0 : i32
      %dma_start3A_667 = tpu.memref_slice %arg8[%dma_start3A_665, %dma_start3A_666] : memref<8x128xi32, #tpu.memory_space<vmem>> -> memref<1x128xi32, #tpu.memory_space<vmem>>
      %dma_start3A_668 = tpu.memref_squeeze %dma_start3A_667 : memref<1x128xi32, #tpu.memory_space<vmem>> -> memref<128xi32, #tpu.memory_space<vmem>>
      %dma_start3A_669 = arith.constant 0 : i32
      %dma_start3A_670 = arith.constant 0 : i32
      %dma_start3A_671 = tpu.memref_slice %arg2[%dma_start3A_669, %dma_start3A_670] : memref<10128x128xf32, #tpu.memory_space<hbm>> -> memref<10128x128xf32, #tpu.memory_space<hbm>>
      tpu.enqueue_indirect_dma source(%dma_start3A_671 : memref<10128x128xf32, #tpu.memory_space<hbm>>) target(%arg10 : memref<128x128xf32, #tpu.memory_space<vmem>>) offsets(%dma_start3A_668 : memref<128xi32, #tpu.memory_space<vmem>>) semaphore(%arg13 : memref<!tpu.dma_semaphore, #tpu.memory_space<semaphore_mem>>)
      %dma_wait3A_672 = arith.constant 6 : i32
      %dma_wait3A_673 = arith.constant 0 : i32
      %dma_wait3A_674 = tpu.memref_slice %arg8[%dma_wait3A_672, %dma_wait3A_673] : memref<8x128xi32, #tpu.memory_space<vmem>> -> memref<1x128xi32, #tpu.memory_space<vmem>>
      %dma_wait3A_675 = tpu.memref_squeeze %dma_wait3A_674 : memref<1x128xi32, #tpu.memory_space<vmem>> -> memref<128xi32, #tpu.memory_space<vmem>>
      %dma_wait3A_676 = arith.constant 0 : i32
      %dma_wait3A_677 = arith.constant 0 : i32
      %dma_wait3A_678 = tpu.memref_slice %arg2[%dma_wait3A_676, %dma_wait3A_677] : memref<10128x128xf32, #tpu.memory_space<hbm>> -> memref<10128x128xf32, #tpu.memory_space<hbm>>
      tpu.wait_indirect_dma semaphore(%arg13 : memref<!tpu.dma_semaphore, #tpu.memory_space<semaphore_mem>>) src(%dma_wait3A_678 : memref<10128x128xf32, #tpu.memory_space<hbm>>) dst(%arg10 : memref<128x128xf32, #tpu.memory_space<vmem>>)
      %dma_start3A_679 = arith.constant 6 : i32
      %dma_start3A_680 = arith.constant 0 : i32
      %dma_start3A_681 = tpu.memref_slice %arg9[%dma_start3A_679, %dma_start3A_680] : memref<8x128xi32, #tpu.memory_space<vmem>> -> memref<1x128xi32, #tpu.memory_space<vmem>>
      %dma_start3A_682 = tpu.memref_squeeze %dma_start3A_681 : memref<1x128xi32, #tpu.memory_space<vmem>> -> memref<128xi32, #tpu.memory_space<vmem>>
      %dma_start3A_683 = arith.constant 0 : i32
      %dma_start3A_684 = arith.constant 0 : i32
      %dma_start3A_685 = tpu.memref_slice %arg12[%dma_start3A_683, %dma_start3A_684] : memref<10000x128xf32, #tpu.memory_space<vmem_shared>> -> memref<10000x128xf32, #tpu.memory_space<vmem_shared>>
      tpu.enqueue_indirect_dma source(%arg10 : memref<128x128xf32, #tpu.memory_space<vmem>>) target(%dma_start3A_685 : memref<10000x128xf32, #tpu.memory_space<vmem_shared>>) offsets(%dma_start3A_682 : memref<128xi32, #tpu.memory_space<vmem>>) semaphore(%arg15 : memref<!tpu.dma_semaphore, #tpu.memory_space<semaphore_mem>>) {add = true}
      %dma_wait3A_686 = arith.constant 5 : i32
      %dma_wait3A_687 = arith.constant 0 : i32
      %dma_wait3A_688 = tpu.memref_slice %arg9[%dma_wait3A_686, %dma_wait3A_687] : memref<8x128xi32, #tpu.memory_space<vmem>> -> memref<1x128xi32, #tpu.memory_space<vmem>>
      %dma_wait3A_689 = tpu.memref_squeeze %dma_wait3A_688 : memref<1x128xi32, #tpu.memory_space<vmem>> -> memref<128xi32, #tpu.memory_space<vmem>>
      %dma_wait3A_690 = arith.constant 0 : i32
      %dma_wait3A_691 = arith.constant 0 : i32
      %dma_wait3A_692 = tpu.memref_slice %arg12[%dma_wait3A_690, %dma_wait3A_691] : memref<10000x128xf32, #tpu.memory_space<vmem_shared>> -> memref<10000x128xf32, #tpu.memory_space<vmem_shared>>
      tpu.wait_indirect_dma semaphore(%arg16 : memref<!tpu.dma_semaphore, #tpu.memory_space<semaphore_mem>>) src(%arg11 : memref<128x128xf32, #tpu.memory_space<vmem>>) dst(%dma_wait3A_692 : memref<10000x128xf32, #tpu.memory_space<vmem_shared>>)
      %dma_start3A_693 = arith.constant 7 : i32
      %dma_start3A_694 = arith.constant 0 : i32
      %dma_start3A_695 = tpu.memref_slice %arg8[%dma_start3A_693, %dma_start3A_694] : memref<8x128xi32, #tpu.memory_space<vmem>> -> memref<1x128xi32, #tpu.memory_space<vmem>>
      %dma_start3A_696 = tpu.memref_squeeze %dma_start3A_695 : memref<1x128xi32, #tpu.memory_space<vmem>> -> memref<128xi32, #tpu.memory_space<vmem>>
      %dma_start3A_697 = arith.constant 0 : i32
      %dma_start3A_698 = arith.constant 0 : i32
      %dma_start3A_699 = tpu.memref_slice %arg2[%dma_start3A_697, %dma_start3A_698] : memref<10128x128xf32, #tpu.memory_space<hbm>> -> memref<10128x128xf32, #tpu.memory_space<hbm>>
      tpu.enqueue_indirect_dma source(%dma_start3A_699 : memref<10128x128xf32, #tpu.memory_space<hbm>>) target(%arg11 : memref<128x128xf32, #tpu.memory_space<vmem>>) offsets(%dma_start3A_696 : memref<128xi32, #tpu.memory_space<vmem>>) semaphore(%arg14 : memref<!tpu.dma_semaphore, #tpu.memory_space<semaphore_mem>>)
      %dma_wait3A_700 = arith.constant 7 : i32
      %dma_wait3A_701 = arith.constant 0 : i32
      %dma_wait3A_702 = tpu.memref_slice %arg8[%dma_wait3A_700, %dma_wait3A_701] : memref<8x128xi32, #tpu.memory_space<vmem>> -> memref<1x128xi32, #tpu.memory_space<vmem>>
      %dma_wait3A_703 = tpu.memref_squeeze %dma_wait3A_702 : memref<1x128xi32, #tpu.memory_space<vmem>> -> memref<128xi32, #tpu.memory_space<vmem>>
      %dma_wait3A_704 = arith.constant 0 : i32
      %dma_wait3A_705 = arith.constant 0 : i32
      %dma_wait3A_706 = tpu.memref_slice %arg2[%dma_wait3A_704, %dma_wait3A_705] : memref<10128x128xf32, #tpu.memory_space<hbm>> -> memref<10128x128xf32, #tpu.memory_space<hbm>>
      tpu.wait_indirect_dma semaphore(%arg14 : memref<!tpu.dma_semaphore, #tpu.memory_space<semaphore_mem>>) src(%dma_wait3A_706 : memref<10128x128xf32, #tpu.memory_space<hbm>>) dst(%arg11 : memref<128x128xf32, #tpu.memory_space<vmem>>)
      %dma_start3A_707 = arith.constant 7 : i32
      %dma_start3A_708 = arith.constant 0 : i32
      %dma_start3A_709 = tpu.memref_slice %arg9[%dma_start3A_707, %dma_start3A_708] : memref<8x128xi32, #tpu.memory_space<vmem>> -> memref<1x128xi32, #tpu.memory_space<vmem>>
      %dma_start3A_710 = tpu.memref_squeeze %dma_start3A_709 : memref<1x128xi32, #tpu.memory_space<vmem>> -> memref<128xi32, #tpu.memory_space<vmem>>
      %dma_start3A_711 = arith.constant 0 : i32
      %dma_start3A_712 = arith.constant 0 : i32
      %dma_start3A_713 = tpu.memref_slice %arg12[%dma_start3A_711, %dma_start3A_712] : memref<10000x128xf32, #tpu.memory_space<vmem_shared>> -> memref<10000x128xf32, #tpu.memory_space<vmem_shared>>
      tpu.enqueue_indirect_dma source(%arg11 : memref<128x128xf32, #tpu.memory_space<vmem>>) target(%dma_start3A_713 : memref<10000x128xf32, #tpu.memory_space<vmem_shared>>) offsets(%dma_start3A_710 : memref<128xi32, #tpu.memory_space<vmem>>) semaphore(%arg16 : memref<!tpu.dma_semaphore, #tpu.memory_space<semaphore_mem>>) {add = true}
      %add3A_714 = arith.constant 16 : i32
      %add3A_715 = arith.addi %add3A_247, %add3A_714 : i32
      %rem3A = arith.constant 2560 : i32
      %rem3A_716 = arith.remsi %add3A_715, %rem3A : i32
      %dma_start3A_717 = arith.constant 0 : i32
      %dma_start3A_718 = tpu.memref_slice %arg3[%rem3A_716, %dma_start3A_717] : memref<2560x128xi32, #tpu.memory_space<hbm>> -> memref<8x128xi32, #tpu.memory_space<hbm>>
      %dma_start3A_719 = arith.constant 0 : i32
      %dma_start3A_720 = tpu.memref_slice %arg3[%rem3A_716, %dma_start3A_719] : memref<2560x128xi32, #tpu.memory_space<hbm>> -> memref<8x128xi32, #tpu.memory_space<hbm>>
      tpu.enqueue_dma source(%dma_start3A_720 : memref<8x128xi32, #tpu.memory_space<hbm>>) target(%arg6 : memref<8x128xi32, #tpu.memory_space<vmem>>) target_semaphore(%arg17 : memref<!tpu.dma_semaphore, #tpu.memory_space<semaphore_mem>>)
      %dma_start3A_721 = arith.constant 0 : i32
      %dma_start3A_722 = tpu.memref_slice %arg4[%rem3A_716, %dma_start3A_721] : memref<2560x128xi32, #tpu.memory_space<hbm>> -> memref<8x128xi32, #tpu.memory_space<hbm>>
      %dma_start3A_723 = arith.constant 0 : i32
      %dma_start3A_724 = tpu.memref_slice %arg4[%rem3A_716, %dma_start3A_723] : memref<2560x128xi32, #tpu.memory_space<hbm>> -> memref<8x128xi32, #tpu.memory_space<hbm>>
      tpu.enqueue_dma source(%dma_start3A_724 : memref<8x128xi32, #tpu.memory_space<hbm>>) target(%arg7 : memref<8x128xi32, #tpu.memory_space<vmem>>) target_semaphore(%arg17 : memref<!tpu.dma_semaphore, #tpu.memory_space<semaphore_mem>>)
      %dma_wait3A_725 = arith.constant 6 : i32
      %dma_wait3A_726 = arith.constant 0 : i32
      %dma_wait3A_727 = tpu.memref_slice %arg9[%dma_wait3A_725, %dma_wait3A_726] : memref<8x128xi32, #tpu.memory_space<vmem>> -> memref<1x128xi32, #tpu.memory_space<vmem>>
      %dma_wait3A_728 = tpu.memref_squeeze %dma_wait3A_727 : memref<1x128xi32, #tpu.memory_space<vmem>> -> memref<128xi32, #tpu.memory_space<vmem>>
      %dma_wait3A_729 = arith.constant 0 : i32
      %dma_wait3A_730 = arith.constant 0 : i32
      %dma_wait3A_731 = tpu.memref_slice %arg12[%dma_wait3A_729, %dma_wait3A_730] : memref<10000x128xf32, #tpu.memory_space<vmem_shared>> -> memref<10000x128xf32, #tpu.memory_space<vmem_shared>>
      tpu.wait_indirect_dma semaphore(%arg15 : memref<!tpu.dma_semaphore, #tpu.memory_space<semaphore_mem>>) src(%arg10 : memref<128x128xf32, #tpu.memory_space<vmem>>) dst(%dma_wait3A_731 : memref<10000x128xf32, #tpu.memory_space<vmem_shared>>)
      %dma_wait3A_732 = arith.constant 7 : i32
      %dma_wait3A_733 = arith.constant 0 : i32
      %dma_wait3A_734 = tpu.memref_slice %arg9[%dma_wait3A_732, %dma_wait3A_733] : memref<8x128xi32, #tpu.memory_space<vmem>> -> memref<1x128xi32, #tpu.memory_space<vmem>>
      %dma_wait3A_735 = tpu.memref_squeeze %dma_wait3A_734 : memref<1x128xi32, #tpu.memory_space<vmem>> -> memref<128xi32, #tpu.memory_space<vmem>>
      %dma_wait3A_736 = arith.constant 0 : i32
      %dma_wait3A_737 = arith.constant 0 : i32
      %dma_wait3A_738 = tpu.memref_slice %arg12[%dma_wait3A_736, %dma_wait3A_737] : memref<10000x128xf32, #tpu.memory_space<vmem_shared>> -> memref<10000x128xf32, #tpu.memory_space<vmem_shared>>
      tpu.wait_indirect_dma semaphore(%arg16 : memref<!tpu.dma_semaphore, #tpu.memory_space<semaphore_mem>>) src(%arg11 : memref<128x128xf32, #tpu.memory_space<vmem>>) dst(%dma_wait3A_738 : memref<10000x128xf32, #tpu.memory_space<vmem_shared>>)
    }
    %scan3A_139 = arith.constant 5 : i32
    %dma_wait3A_140 = arith.constant 0 : i32
    %dma_wait3A_141 = tpu.memref_slice %arg3[%mul3A_2, %dma_wait3A_140] : memref<2560x128xi32, #tpu.memory_space<hbm>> -> memref<8x128xi32, #tpu.memory_space<hbm>>
    %dma_wait3A_142 = arith.constant 0 : i32
    %dma_wait3A_143 = tpu.memref_slice %arg3[%mul3A_2, %dma_wait3A_142] : memref<2560x128xi32, #tpu.memory_space<hbm>> -> memref<8x128xi32, #tpu.memory_space<hbm>>
    tpu.wait_dma2 semaphore(%arg17 : memref<!tpu.dma_semaphore, #tpu.memory_space<semaphore_mem>>) src(%dma_wait3A_143 : memref<8x128xi32, #tpu.memory_space<hbm>>) dst(%arg6 : memref<8x128xi32, #tpu.memory_space<vmem>>)
    %dma_wait3A_144 = arith.constant 0 : i32
    %dma_wait3A_145 = tpu.memref_slice %arg4[%mul3A_2, %dma_wait3A_144] : memref<2560x128xi32, #tpu.memory_space<hbm>> -> memref<8x128xi32, #tpu.memory_space<hbm>>
    %dma_wait3A_146 = arith.constant 0 : i32
    %dma_wait3A_147 = tpu.memref_slice %arg4[%mul3A_2, %dma_wait3A_146] : memref<2560x128xi32, #tpu.memory_space<hbm>> -> memref<8x128xi32, #tpu.memory_space<hbm>>
    tpu.wait_dma2 semaphore(%arg17 : memref<!tpu.dma_semaphore, #tpu.memory_space<semaphore_mem>>) src(%dma_wait3A_147 : memref<8x128xi32, #tpu.memory_space<hbm>>) dst(%arg7 : memref<8x128xi32, #tpu.memory_space<vmem>>)
    %barrier3A_148 = arith.constant 0 : index
    tpu.barrier barrier_id(%barrier3A_148)
    %mul3A_149 = arith.constant 625 : i32
    %mul3A_150 = arith.muli %arg1, %mul3A_149 : i32
    %add3A_151 = arith.constant 0 : i32
    %add3A_152 = arith.addi %mul3A_150, %add3A_151 : i32
    %mul3A_153 = arith.constant 10000 : i32
    %mul3A_154 = arith.muli %arg0, %mul3A_153 : i32
    %mul3A_155 = arith.constant 625 : i32
    %mul3A_156 = arith.muli %arg1, %mul3A_155 : i32
    %add3A_157 = arith.addi %mul3A_154, %mul3A_156 : i32
    %add3A_158 = arith.constant 0 : i32
    %add3A_159 = arith.addi %add3A_157, %add3A_158 : i32
    %dma_start3A_160 = arith.constant 0 : i32
    %dma_start3A_161 = tpu.memref_slice %arg5[%add3A_159, %dma_start3A_160] : memref<20000x128xf32, #tpu.memory_space<hbm>> -> memref<128x128xf32, #tpu.memory_space<hbm>>
    %dma_start3A_162 = arith.constant 0 : i32
    %dma_start3A_163 = tpu.memref_slice %arg12[%add3A_152, %dma_start3A_162] : memref<10000x128xf32, #tpu.memory_space<vmem_shared>> -> memref<128x128xf32, #tpu.memory_space<vmem_shared>>
    tpu.enqueue_dma source(%dma_start3A_163 : memref<128x128xf32, #tpu.memory_space<vmem_shared>>) target(%dma_start3A_161 : memref<128x128xf32, #tpu.memory_space<hbm>>) target_semaphore(%arg16 : memref<!tpu.dma_semaphore, #tpu.memory_space<semaphore_mem>>)
    %mul3A_164 = arith.constant 625 : i32
    %mul3A_165 = arith.muli %arg1, %mul3A_164 : i32
    %add3A_166 = arith.constant 128 : i32
    %add3A_167 = arith.addi %mul3A_165, %add3A_166 : i32
    %mul3A_168 = arith.constant 10000 : i32
    %mul3A_169 = arith.muli %arg0, %mul3A_168 : i32
    %mul3A_170 = arith.constant 625 : i32
    %mul3A_171 = arith.muli %arg1, %mul3A_170 : i32
    %add3A_172 = arith.addi %mul3A_169, %mul3A_171 : i32
    %add3A_173 = arith.constant 128 : i32
    %add3A_174 = arith.addi %add3A_172, %add3A_173 : i32
    %dma_start3A_175 = arith.constant 0 : i32
    %dma_start3A_176 = tpu.memref_slice %arg5[%add3A_174, %dma_start3A_175] : memref<20000x128xf32, #tpu.memory_space<hbm>> -> memref<128x128xf32, #tpu.memory_space<hbm>>
    %dma_start3A_177 = arith.constant 0 : i32
    %dma_start3A_178 = tpu.memref_slice %arg12[%add3A_167, %dma_start3A_177] : memref<10000x128xf32, #tpu.memory_space<vmem_shared>> -> memref<128x128xf32, #tpu.memory_space<vmem_shared>>
    tpu.enqueue_dma source(%dma_start3A_178 : memref<128x128xf32, #tpu.memory_space<vmem_shared>>) target(%dma_start3A_176 : memref<128x128xf32, #tpu.memory_space<hbm>>) target_semaphore(%arg16 : memref<!tpu.dma_semaphore, #tpu.memory_space<semaphore_mem>>)
    %mul3A_179 = arith.constant 625 : i32
    %mul3A_180 = arith.muli %arg1, %mul3A_179 : i32
    %add3A_181 = arith.constant 256 : i32
    %add3A_182 = arith.addi %mul3A_180, %add3A_181 : i32
    %mul3A_183 = arith.constant 10000 : i32
    %mul3A_184 = arith.muli %arg0, %mul3A_183 : i32
    %mul3A_185 = arith.constant 625 : i32
    %mul3A_186 = arith.muli %arg1, %mul3A_185 : i32
    %add3A_187 = arith.addi %mul3A_184, %mul3A_186 : i32
    %add3A_188 = arith.constant 256 : i32
    %add3A_189 = arith.addi %add3A_187, %add3A_188 : i32
    %dma_start3A_190 = arith.constant 0 : i32
    %dma_start3A_191 = tpu.memref_slice %arg5[%add3A_189, %dma_start3A_190] : memref<20000x128xf32, #tpu.memory_space<hbm>> -> memref<128x128xf32, #tpu.memory_space<hbm>>
    %dma_start3A_192 = arith.constant 0 : i32
    %dma_start3A_193 = tpu.memref_slice %arg12[%add3A_182, %dma_start3A_192] : memref<10000x128xf32, #tpu.memory_space<vmem_shared>> -> memref<128x128xf32, #tpu.memory_space<vmem_shared>>
    tpu.enqueue_dma source(%dma_start3A_193 : memref<128x128xf32, #tpu.memory_space<vmem_shared>>) target(%dma_start3A_191 : memref<128x128xf32, #tpu.memory_space<hbm>>) target_semaphore(%arg16 : memref<!tpu.dma_semaphore, #tpu.memory_space<semaphore_mem>>)
    %mul3A_194 = arith.constant 625 : i32
    %mul3A_195 = arith.muli %arg1, %mul3A_194 : i32
    %add3A_196 = arith.constant 384 : i32
    %add3A_197 = arith.addi %mul3A_195, %add3A_196 : i32
    %mul3A_198 = arith.constant 10000 : i32
    %mul3A_199 = arith.muli %arg0, %mul3A_198 : i32
    %mul3A_200 = arith.constant 625 : i32
    %mul3A_201 = arith.muli %arg1, %mul3A_200 : i32
    %add3A_202 = arith.addi %mul3A_199, %mul3A_201 : i32
    %add3A_203 = arith.constant 384 : i32
    %add3A_204 = arith.addi %add3A_202, %add3A_203 : i32
    %dma_start3A_205 = arith.constant 0 : i32
    %dma_start3A_206 = tpu.memref_slice %arg5[%add3A_204, %dma_start3A_205] : memref<20000x128xf32, #tpu.memory_space<hbm>> -> memref<128x128xf32, #tpu.memory_space<hbm>>
    %dma_start3A_207 = arith.constant 0 : i32
    %dma_start3A_208 = tpu.memref_slice %arg12[%add3A_197, %dma_start3A_207] : memref<10000x128xf32, #tpu.memory_space<vmem_shared>> -> memref<128x128xf32, #tpu.memory_space<vmem_shared>>
    tpu.enqueue_dma source(%dma_start3A_208 : memref<128x128xf32, #tpu.memory_space<vmem_shared>>) target(%dma_start3A_206 : memref<128x128xf32, #tpu.memory_space<hbm>>) target_semaphore(%arg16 : memref<!tpu.dma_semaphore, #tpu.memory_space<semaphore_mem>>)
    %mul3A_209 = arith.constant 625 : i32
    %mul3A_210 = arith.muli %arg1, %mul3A_209 : i32
    %add3A_211 = arith.constant 512 : i32
    %add3A_212 = arith.addi %mul3A_210, %add3A_211 : i32
    %mul3A_213 = arith.constant 10000 : i32
    %mul3A_214 = arith.muli %arg0, %mul3A_213 : i32
    %mul3A_215 = arith.constant 625 : i32
    %mul3A_216 = arith.muli %arg1, %mul3A_215 : i32
    %add3A_217 = arith.addi %mul3A_214, %mul3A_216 : i32
    %add3A_218 = arith.constant 512 : i32
    %add3A_219 = arith.addi %add3A_217, %add3A_218 : i32
    %dma_start3A_220 = arith.constant 0 : i32
    %dma_start3A_221 = tpu.memref_slice %arg5[%add3A_219, %dma_start3A_220] : memref<20000x128xf32, #tpu.memory_space<hbm>> -> memref<113x128xf32, #tpu.memory_space<hbm>>
    %dma_start3A_222 = arith.constant 0 : i32
    %dma_start3A_223 = tpu.memref_slice %arg12[%add3A_212, %dma_start3A_222] : memref<10000x128xf32, #tpu.memory_space<vmem_shared>> -> memref<113x128xf32, #tpu.memory_space<vmem_shared>>
    tpu.enqueue_dma source(%dma_start3A_223 : memref<113x128xf32, #tpu.memory_space<vmem_shared>>) target(%dma_start3A_221 : memref<113x128xf32, #tpu.memory_space<hbm>>) target_semaphore(%arg16 : memref<!tpu.dma_semaphore, #tpu.memory_space<semaphore_mem>>)
    %dma_wait3A_224 = arith.constant 0 : i32
    %dma_wait3A_225 = tpu.memref_slice %arg5[%add3A_159, %dma_wait3A_224] : memref<20000x128xf32, #tpu.memory_space<hbm>> -> memref<128x128xf32, #tpu.memory_space<hbm>>
    %dma_wait3A_226 = arith.constant 0 : i32
    %dma_wait3A_227 = tpu.memref_slice %arg12[%add3A_152, %dma_wait3A_226] : memref<10000x128xf32, #tpu.memory_space<vmem_shared>> -> memref<128x128xf32, #tpu.memory_space<vmem_shared>>
    tpu.wait_dma2 semaphore(%arg16 : memref<!tpu.dma_semaphore, #tpu.memory_space<semaphore_mem>>) src(%dma_wait3A_227 : memref<128x128xf32, #tpu.memory_space<vmem_shared>>) dst(%dma_wait3A_225 : memref<128x128xf32, #tpu.memory_space<hbm>>)
    %dma_wait3A_228 = arith.constant 0 : i32
    %dma_wait3A_229 = tpu.memref_slice %arg5[%add3A_174, %dma_wait3A_228] : memref<20000x128xf32, #tpu.memory_space<hbm>> -> memref<128x128xf32, #tpu.memory_space<hbm>>
    %dma_wait3A_230 = arith.constant 0 : i32
    %dma_wait3A_231 = tpu.memref_slice %arg12[%add3A_167, %dma_wait3A_230] : memref<10000x128xf32, #tpu.memory_space<vmem_shared>> -> memref<128x128xf32, #tpu.memory_space<vmem_shared>>
    tpu.wait_dma2 semaphore(%arg16 : memref<!tpu.dma_semaphore, #tpu.memory_space<semaphore_mem>>) src(%dma_wait3A_231 : memref<128x128xf32, #tpu.memory_space<vmem_shared>>) dst(%dma_wait3A_229 : memref<128x128xf32, #tpu.memory_space<hbm>>)
    %dma_wait3A_232 = arith.constant 0 : i32
    %dma_wait3A_233 = tpu.memref_slice %arg5[%add3A_189, %dma_wait3A_232] : memref<20000x128xf32, #tpu.memory_space<hbm>> -> memref<128x128xf32, #tpu.memory_space<hbm>>
    %dma_wait3A_234 = arith.constant 0 : i32
    %dma_wait3A_235 = tpu.memref_slice %arg12[%add3A_182, %dma_wait3A_234] : memref<10000x128xf32, #tpu.memory_space<vmem_shared>> -> memref<128x128xf32, #tpu.memory_space<vmem_shared>>
    tpu.wait_dma2 semaphore(%arg16 : memref<!tpu.dma_semaphore, #tpu.memory_space<semaphore_mem>>) src(%dma_wait3A_235 : memref<128x128xf32, #tpu.memory_space<vmem_shared>>) dst(%dma_wait3A_233 : memref<128x128xf32, #tpu.memory_space<hbm>>)
    %dma_wait3A_236 = arith.constant 0 : i32
    %dma_wait3A_237 = tpu.memref_slice %arg5[%add3A_204, %dma_wait3A_236] : memref<20000x128xf32, #tpu.memory_space<hbm>> -> memref<128x128xf32, #tpu.memory_space<hbm>>
    %dma_wait3A_238 = arith.constant 0 : i32
    %dma_wait3A_239 = tpu.memref_slice %arg12[%add3A_197, %dma_wait3A_238] : memref<10000x128xf32, #tpu.memory_space<vmem_shared>> -> memref<128x128xf32, #tpu.memory_space<vmem_shared>>
    tpu.wait_dma2 semaphore(%arg16 : memref<!tpu.dma_semaphore, #tpu.memory_space<semaphore_mem>>) src(%dma_wait3A_239 : memref<128x128xf32, #tpu.memory_space<vmem_shared>>) dst(%dma_wait3A_237 : memref<128x128xf32, #tpu.memory_space<hbm>>)
    %dma_wait3A_240 = arith.constant 0 : i32
    %dma_wait3A_241 = tpu.memref_slice %arg5[%add3A_219, %dma_wait3A_240] : memref<20000x128xf32, #tpu.memory_space<hbm>> -> memref<113x128xf32, #tpu.memory_space<hbm>>
    %dma_wait3A_242 = arith.constant 0 : i32
    %dma_wait3A_243 = tpu.memref_slice %arg12[%add3A_212, %dma_wait3A_242] : memref<10000x128xf32, #tpu.memory_space<vmem_shared>> -> memref<113x128xf32, #tpu.memory_space<vmem_shared>>
    tpu.wait_dma2 semaphore(%arg16 : memref<!tpu.dma_semaphore, #tpu.memory_space<semaphore_mem>>) src(%dma_wait3A_243 : memref<113x128xf32, #tpu.memory_space<vmem_shared>>) dst(%dma_wait3A_241 : memref<113x128xf32, #tpu.memory_space<hbm>>)
    return
  }
}

#map = affine_map<(d0, d1) -> (0, 0)>
module attributes {stable_mosaic.version = 14 : i64} {
  func.func @seg(%arg0: i32, %arg1: i32, %arg2: memref<10128x128xf32, #tpu.memory_space<hbm>>, %arg3: memref<2560x128xi32, #tpu.memory_space<hbm>>, %arg4: memref<2560x128xi32, #tpu.memory_space<hbm>>, %arg5: memref<20000x128xf32, #tpu.memory_space<hbm>>, %arg6: memref<20000x16xf32, #tpu.memory_space<hbm>>, %arg7: memref<4x128xi32, #tpu.memory_space<vmem>>, %arg8: memref<4x128xi32, #tpu.memory_space<vmem>>, %arg9: memref<4x128xi32, #tpu.memory_space<vmem>>, %arg10: memref<4x128xi32, #tpu.memory_space<vmem>>, %arg11: memref<128x128xf32, #tpu.memory_space<vmem>>, %arg12: memref<128x128xf32, #tpu.memory_space<vmem>>, %arg13: memref<10000x128xf32, #tpu.memory_space<vmem_shared>>, %arg14: memref<!tpu.dma_semaphore, #tpu.memory_space<semaphore_mem>>, %arg15: memref<!tpu.dma_semaphore, #tpu.memory_space<semaphore_mem>>, %arg16: memref<!tpu.dma_semaphore, #tpu.memory_space<semaphore_mem>>, %arg17: memref<!tpu.dma_semaphore, #tpu.memory_space<semaphore_mem>>, %arg18: memref<!tpu.dma_semaphore, #tpu.memory_space<semaphore_mem>>, %arg19: memref<!tpu.dma_semaphore, #tpu.memory_space<semaphore_mem>>, %arg20: memref<128x16xf32, #tpu.memory_space<vmem>>, %arg21: memref<128x16xf32, #tpu.memory_space<vmem>>, %arg22: memref<10000x16xf32, #tpu.memory_space<vmem_shared>>, %arg23: memref<!tpu.dma_semaphore, #tpu.memory_space<semaphore_mem>>) attributes {dimension_semantics = [#tpu.dimension_semantics<core_parallel>, #tpu.dimension_semantics<subcore_parallel>], iteration_bounds = array<i64: 2, 16>, scalar_prefetch = 0 : i64, scratch_operands = 17 : i64, tpu.core_type = #tpu.core_type<sc_vector_subcore>, window_params = [{transform_indices = #map}, {transform_indices = #map}, {transform_indices = #map}, {transform_indices = #map}, {transform_indices = #map}]} {
    %mul3A = arith.constant 2 : i32
    %mul3A_0 = arith.muli %arg1, %mul3A : i32
    %add3A = arith.addi %mul3A_0, %arg0 : i32
    %mul3A_1 = arith.constant 80 : i32
    %mul3A_2 = arith.muli %add3A, %mul3A_1 : i32
    %dma_start3A = arith.constant 0 : i32
    %dma_start3A_3 = tpu.memref_slice %arg3[%mul3A_2, %dma_start3A] : memref<2560x128xi32, #tpu.memory_space<hbm>> -> memref<4x128xi32, #tpu.memory_space<hbm>>
    %dma_start3A_4 = arith.constant 0 : i32
    %dma_start3A_5 = tpu.memref_slice %arg3[%mul3A_2, %dma_start3A_4] : memref<2560x128xi32, #tpu.memory_space<hbm>> -> memref<4x128xi32, #tpu.memory_space<hbm>>
    tpu.enqueue_dma source(%dma_start3A_5 : memref<4x128xi32, #tpu.memory_space<hbm>>) target(%arg7 : memref<4x128xi32, #tpu.memory_space<vmem>>) target_semaphore(%arg18 : memref<!tpu.dma_semaphore, #tpu.memory_space<semaphore_mem>>)
    %dma_start3A_6 = arith.constant 0 : i32
    %dma_start3A_7 = tpu.memref_slice %arg4[%mul3A_2, %dma_start3A_6] : memref<2560x128xi32, #tpu.memory_space<hbm>> -> memref<4x128xi32, #tpu.memory_space<hbm>>
    %dma_start3A_8 = arith.constant 0 : i32
    %dma_start3A_9 = tpu.memref_slice %arg4[%mul3A_2, %dma_start3A_8] : memref<2560x128xi32, #tpu.memory_space<hbm>> -> memref<4x128xi32, #tpu.memory_space<hbm>>
    tpu.enqueue_dma source(%dma_start3A_9 : memref<4x128xi32, #tpu.memory_space<hbm>>) target(%arg8 : memref<4x128xi32, #tpu.memory_space<vmem>>) target_semaphore(%arg18 : memref<!tpu.dma_semaphore, #tpu.memory_space<semaphore_mem>>)
    %scan3A = arith.constant 0 : i32
    %scan3A_10 = arith.constant 0 : i32
    %scan3A_11 = arith.constant 128 : i32
    %scan3A_12 = arith.addi %scan3A_10, %scan3A_11 : i32
    %scan3A_13 = arith.constant 1 : i32
    scf.for %scan3A_465 = %scan3A_10 to %scan3A_12 step %scan3A_13  : i32 {
      %broadcast_in_dim3A = arith.constant 0.000000e+00 : f32
      %broadcast_in_dim3A_466 = vector.broadcast %broadcast_in_dim3A : f32 to vector<16xf32>
      %swap3A = arith.index_cast %scan3A_465 : i32 to index
      %swap3A_467 = arith.constant 0 : index
      %swap3A_468 = tpu.vector_load %arg11[%swap3A, %swap3A_467] {strides = array<i32>} : memref<128x128xf32, #tpu.memory_space<vmem>>, vector<1x16xf32>,
      %swap3A_469 = vector.shape_cast %swap3A_468 : vector<1x16xf32> to vector<16xf32>
      %swap3A_470 = vector.shape_cast %broadcast_in_dim3A_466 : vector<16xf32> to vector<1x16xf32>
      tpu.vector_store %arg11[%swap3A, %swap3A_467], %swap3A_470 {strides = array<i32>} : memref<128x128xf32, #tpu.memory_space<vmem>>, vector<1x16xf32>,
      %broadcast_in_dim3A_471 = arith.constant 0.000000e+00 : f32
      %broadcast_in_dim3A_472 = vector.broadcast %broadcast_in_dim3A_471 : f32 to vector<16xf32>
      %swap3A_473 = arith.index_cast %scan3A_465 : i32 to index
      %swap3A_474 = arith.constant 16 : index
      %swap3A_475 = tpu.vector_load %arg11[%swap3A_473, %swap3A_474] {strides = array<i32>} : memref<128x128xf32, #tpu.memory_space<vmem>>, vector<1x16xf32>,
      %swap3A_476 = vector.shape_cast %swap3A_475 : vector<1x16xf32> to vector<16xf32>
      %swap3A_477 = vector.shape_cast %broadcast_in_dim3A_472 : vector<16xf32> to vector<1x16xf32>
      tpu.vector_store %arg11[%swap3A_473, %swap3A_474], %swap3A_477 {strides = array<i32>} : memref<128x128xf32, #tpu.memory_space<vmem>>, vector<1x16xf32>,
      %broadcast_in_dim3A_478 = arith.constant 0.000000e+00 : f32
      %broadcast_in_dim3A_479 = vector.broadcast %broadcast_in_dim3A_478 : f32 to vector<16xf32>
      %swap3A_480 = arith.index_cast %scan3A_465 : i32 to index
      %swap3A_481 = arith.constant 32 : index
      %swap3A_482 = tpu.vector_load %arg11[%swap3A_480, %swap3A_481] {strides = array<i32>} : memref<128x128xf32, #tpu.memory_space<vmem>>, vector<1x16xf32>,
      %swap3A_483 = vector.shape_cast %swap3A_482 : vector<1x16xf32> to vector<16xf32>
      %swap3A_484 = vector.shape_cast %broadcast_in_dim3A_479 : vector<16xf32> to vector<1x16xf32>
      tpu.vector_store %arg11[%swap3A_480, %swap3A_481], %swap3A_484 {strides = array<i32>} : memref<128x128xf32, #tpu.memory_space<vmem>>, vector<1x16xf32>,
      %broadcast_in_dim3A_485 = arith.constant 0.000000e+00 : f32
      %broadcast_in_dim3A_486 = vector.broadcast %broadcast_in_dim3A_485 : f32 to vector<16xf32>
      %swap3A_487 = arith.index_cast %scan3A_465 : i32 to index
      %swap3A_488 = arith.constant 48 : index
      %swap3A_489 = tpu.vector_load %arg11[%swap3A_487, %swap3A_488] {strides = array<i32>} : memref<128x128xf32, #tpu.memory_space<vmem>>, vector<1x16xf32>,
      %swap3A_490 = vector.shape_cast %swap3A_489 : vector<1x16xf32> to vector<16xf32>
      %swap3A_491 = vector.shape_cast %broadcast_in_dim3A_486 : vector<16xf32> to vector<1x16xf32>
      tpu.vector_store %arg11[%swap3A_487, %swap3A_488], %swap3A_491 {strides = array<i32>} : memref<128x128xf32, #tpu.memory_space<vmem>>, vector<1x16xf32>,
      %broadcast_in_dim3A_492 = arith.constant 0.000000e+00 : f32
      %broadcast_in_dim3A_493 = vector.broadcast %broadcast_in_dim3A_492 : f32 to vector<16xf32>
      %swap3A_494 = arith.index_cast %scan3A_465 : i32 to index
      %swap3A_495 = arith.constant 64 : index
      %swap3A_496 = tpu.vector_load %arg11[%swap3A_494, %swap3A_495] {strides = array<i32>} : memref<128x128xf32, #tpu.memory_space<vmem>>, vector<1x16xf32>,
      %swap3A_497 = vector.shape_cast %swap3A_496 : vector<1x16xf32> to vector<16xf32>
      %swap3A_498 = vector.shape_cast %broadcast_in_dim3A_493 : vector<16xf32> to vector<1x16xf32>
      tpu.vector_store %arg11[%swap3A_494, %swap3A_495], %swap3A_498 {strides = array<i32>} : memref<128x128xf32, #tpu.memory_space<vmem>>, vector<1x16xf32>,
      %broadcast_in_dim3A_499 = arith.constant 0.000000e+00 : f32
      %broadcast_in_dim3A_500 = vector.broadcast %broadcast_in_dim3A_499 : f32 to vector<16xf32>
      %swap3A_501 = arith.index_cast %scan3A_465 : i32 to index
      %swap3A_502 = arith.constant 80 : index
      %swap3A_503 = tpu.vector_load %arg11[%swap3A_501, %swap3A_502] {strides = array<i32>} : memref<128x128xf32, #tpu.memory_space<vmem>>, vector<1x16xf32>,
      %swap3A_504 = vector.shape_cast %swap3A_503 : vector<1x16xf32> to vector<16xf32>
      %swap3A_505 = vector.shape_cast %broadcast_in_dim3A_500 : vector<16xf32> to vector<1x16xf32>
      tpu.vector_store %arg11[%swap3A_501, %swap3A_502], %swap3A_505 {strides = array<i32>} : memref<128x128xf32, #tpu.memory_space<vmem>>, vector<1x16xf32>,
      %broadcast_in_dim3A_506 = arith.constant 0.000000e+00 : f32
      %broadcast_in_dim3A_507 = vector.broadcast %broadcast_in_dim3A_506 : f32 to vector<16xf32>
      %swap3A_508 = arith.index_cast %scan3A_465 : i32 to index
      %swap3A_509 = arith.constant 96 : index
      %swap3A_510 = tpu.vector_load %arg11[%swap3A_508, %swap3A_509] {strides = array<i32>} : memref<128x128xf32, #tpu.memory_space<vmem>>, vector<1x16xf32>,
      %swap3A_511 = vector.shape_cast %swap3A_510 : vector<1x16xf32> to vector<16xf32>
      %swap3A_512 = vector.shape_cast %broadcast_in_dim3A_507 : vector<16xf32> to vector<1x16xf32>
      tpu.vector_store %arg11[%swap3A_508, %swap3A_509], %swap3A_512 {strides = array<i32>} : memref<128x128xf32, #tpu.memory_space<vmem>>, vector<1x16xf32>,
      %broadcast_in_dim3A_513 = arith.constant 0.000000e+00 : f32
      %broadcast_in_dim3A_514 = vector.broadcast %broadcast_in_dim3A_513 : f32 to vector<16xf32>
      %swap3A_515 = arith.index_cast %scan3A_465 : i32 to index
      %swap3A_516 = arith.constant 112 : index
      %swap3A_517 = tpu.vector_load %arg11[%swap3A_515, %swap3A_516] {strides = array<i32>} : memref<128x128xf32, #tpu.memory_space<vmem>>, vector<1x16xf32>,
      %swap3A_518 = vector.shape_cast %swap3A_517 : vector<1x16xf32> to vector<16xf32>
      %swap3A_519 = vector.shape_cast %broadcast_in_dim3A_514 : vector<16xf32> to vector<1x16xf32>
      tpu.vector_store %arg11[%swap3A_515, %swap3A_516], %swap3A_519 {strides = array<i32>} : memref<128x128xf32, #tpu.memory_space<vmem>>, vector<1x16xf32>,
    }
    %scan3A_14 = arith.constant 128 : i32
    %scan3A_15 = arith.constant 0 : i32
    %scan3A_16 = arith.constant 0 : i32
    %scan3A_17 = arith.constant 128 : i32
    %scan3A_18 = arith.addi %scan3A_16, %scan3A_17 : i32
    %scan3A_19 = arith.constant 1 : i32
    scf.for %scan3A_465 = %scan3A_16 to %scan3A_18 step %scan3A_19  : i32 {
      %broadcast_in_dim3A = arith.constant 1.000000e+00 : f32
      %broadcast_in_dim3A_466 = vector.broadcast %broadcast_in_dim3A : f32 to vector<16xf32>
      %swap3A = arith.index_cast %scan3A_465 : i32 to index
      %swap3A_467 = arith.constant 0 : index
      %swap3A_468 = tpu.vector_load %arg20[%swap3A, %swap3A_467] {strides = array<i32>} : memref<128x16xf32, #tpu.memory_space<vmem>>, vector<1x16xf32>,
      %swap3A_469 = vector.shape_cast %swap3A_468 : vector<1x16xf32> to vector<16xf32>
      %swap3A_470 = vector.shape_cast %broadcast_in_dim3A_466 : vector<16xf32> to vector<1x16xf32>
      tpu.vector_store %arg20[%swap3A, %swap3A_467], %swap3A_470 {strides = array<i32>} : memref<128x16xf32, #tpu.memory_space<vmem>>, vector<1x16xf32>,
      %broadcast_in_dim3A_471 = arith.constant 0.000000e+00 : f32
      %broadcast_in_dim3A_472 = vector.broadcast %broadcast_in_dim3A_471 : f32 to vector<16xf32>
      %swap3A_473 = arith.index_cast %scan3A_465 : i32 to index
      %swap3A_474 = arith.constant 0 : index
      %swap3A_475 = tpu.vector_load %arg21[%swap3A_473, %swap3A_474] {strides = array<i32>} : memref<128x16xf32, #tpu.memory_space<vmem>>, vector<1x16xf32>,
      %swap3A_476 = vector.shape_cast %swap3A_475 : vector<1x16xf32> to vector<16xf32>
      %swap3A_477 = vector.shape_cast %broadcast_in_dim3A_472 : vector<16xf32> to vector<1x16xf32>
      tpu.vector_store %arg21[%swap3A_473, %swap3A_474], %swap3A_477 {strides = array<i32>} : memref<128x16xf32, #tpu.memory_space<vmem>>, vector<1x16xf32>,
    }
    %scan3A_20 = arith.constant 128 : i32
    %mul3A_21 = arith.constant 625 : i32
    %mul3A_22 = arith.muli %arg1, %mul3A_21 : i32
    %add3A_23 = arith.constant 0 : i32
    %add3A_24 = arith.addi %mul3A_22, %add3A_23 : i32
    %dma_start3A_25 = arith.constant 0 : i32
    %dma_start3A_26 = arith.constant 0 : i32
    %dma_start3A_27 = tpu.memref_slice %arg11[%dma_start3A_25, %dma_start3A_26] : memref<128x128xf32, #tpu.memory_space<vmem>> -> memref<128x128xf32, #tpu.memory_space<vmem>>
    %dma_start3A_28 = arith.constant 0 : i32
    %dma_start3A_29 = tpu.memref_slice %arg13[%add3A_24, %dma_start3A_28] : memref<10000x128xf32, #tpu.memory_space<vmem_shared>> -> memref<128x128xf32, #tpu.memory_space<vmem_shared>>
    %dma_start3A_30 = arith.constant 0 : i32
    %dma_start3A_31 = tpu.memref_slice %arg13[%add3A_24, %dma_start3A_30] : memref<10000x128xf32, #tpu.memory_space<vmem_shared>> -> memref<128x128xf32, #tpu.memory_space<vmem_shared>>
    %dma_start3A_32 = arith.constant 0 : i32
    %dma_start3A_33 = arith.constant 0 : i32
    %dma_start3A_34 = tpu.memref_slice %arg11[%dma_start3A_32, %dma_start3A_33] : memref<128x128xf32, #tpu.memory_space<vmem>> -> memref<128x128xf32, #tpu.memory_space<vmem>>
    tpu.enqueue_dma source(%dma_start3A_34 : memref<128x128xf32, #tpu.memory_space<vmem>>) target(%dma_start3A_31 : memref<128x128xf32, #tpu.memory_space<vmem_shared>>) target_semaphore(%arg16 : memref<!tpu.dma_semaphore, #tpu.memory_space<semaphore_mem>>)
    %mul3A_35 = arith.constant 625 : i32
    %mul3A_36 = arith.muli %arg1, %mul3A_35 : i32
    %add3A_37 = arith.constant 0 : i32
    %add3A_38 = arith.addi %mul3A_36, %add3A_37 : i32
    %dma_start3A_39 = arith.constant 0 : i32
    %dma_start3A_40 = arith.constant 0 : i32
    %dma_start3A_41 = tpu.memref_slice %arg21[%dma_start3A_39, %dma_start3A_40] : memref<128x16xf32, #tpu.memory_space<vmem>> -> memref<128x16xf32, #tpu.memory_space<vmem>>
    %dma_start3A_42 = arith.constant 0 : i32
    %dma_start3A_43 = tpu.memref_slice %arg22[%add3A_38, %dma_start3A_42] : memref<10000x16xf32, #tpu.memory_space<vmem_shared>> -> memref<128x16xf32, #tpu.memory_space<vmem_shared>>
    %dma_start3A_44 = arith.constant 0 : i32
    %dma_start3A_45 = tpu.memref_slice %arg22[%add3A_38, %dma_start3A_44] : memref<10000x16xf32, #tpu.memory_space<vmem_shared>> -> memref<128x16xf32, #tpu.memory_space<vmem_shared>>
    %dma_start3A_46 = arith.constant 0 : i32
    %dma_start3A_47 = arith.constant 0 : i32
    %dma_start3A_48 = tpu.memref_slice %arg21[%dma_start3A_46, %dma_start3A_47] : memref<128x16xf32, #tpu.memory_space<vmem>> -> memref<128x16xf32, #tpu.memory_space<vmem>>
    tpu.enqueue_dma source(%dma_start3A_48 : memref<128x16xf32, #tpu.memory_space<vmem>>) target(%dma_start3A_45 : memref<128x16xf32, #tpu.memory_space<vmem_shared>>) target_semaphore(%arg16 : memref<!tpu.dma_semaphore, #tpu.memory_space<semaphore_mem>>)
    %mul3A_49 = arith.constant 625 : i32
    %mul3A_50 = arith.muli %arg1, %mul3A_49 : i32
    %add3A_51 = arith.constant 128 : i32
    %add3A_52 = arith.addi %mul3A_50, %add3A_51 : i32
    %dma_start3A_53 = arith.constant 0 : i32
    %dma_start3A_54 = arith.constant 0 : i32
    %dma_start3A_55 = tpu.memref_slice %arg11[%dma_start3A_53, %dma_start3A_54] : memref<128x128xf32, #tpu.memory_space<vmem>> -> memref<128x128xf32, #tpu.memory_space<vmem>>
    %dma_start3A_56 = arith.constant 0 : i32
    %dma_start3A_57 = tpu.memref_slice %arg13[%add3A_52, %dma_start3A_56] : memref<10000x128xf32, #tpu.memory_space<vmem_shared>> -> memref<128x128xf32, #tpu.memory_space<vmem_shared>>
    %dma_start3A_58 = arith.constant 0 : i32
    %dma_start3A_59 = tpu.memref_slice %arg13[%add3A_52, %dma_start3A_58] : memref<10000x128xf32, #tpu.memory_space<vmem_shared>> -> memref<128x128xf32, #tpu.memory_space<vmem_shared>>
    %dma_start3A_60 = arith.constant 0 : i32
    %dma_start3A_61 = arith.constant 0 : i32
    %dma_start3A_62 = tpu.memref_slice %arg11[%dma_start3A_60, %dma_start3A_61] : memref<128x128xf32, #tpu.memory_space<vmem>> -> memref<128x128xf32, #tpu.memory_space<vmem>>
    tpu.enqueue_dma source(%dma_start3A_62 : memref<128x128xf32, #tpu.memory_space<vmem>>) target(%dma_start3A_59 : memref<128x128xf32, #tpu.memory_space<vmem_shared>>) target_semaphore(%arg16 : memref<!tpu.dma_semaphore, #tpu.memory_space<semaphore_mem>>)
    %mul3A_63 = arith.constant 625 : i32
    %mul3A_64 = arith.muli %arg1, %mul3A_63 : i32
    %add3A_65 = arith.constant 128 : i32
    %add3A_66 = arith.addi %mul3A_64, %add3A_65 : i32
    %dma_start3A_67 = arith.constant 0 : i32
    %dma_start3A_68 = arith.constant 0 : i32
    %dma_start3A_69 = tpu.memref_slice %arg21[%dma_start3A_67, %dma_start3A_68] : memref<128x16xf32, #tpu.memory_space<vmem>> -> memref<128x16xf32, #tpu.memory_space<vmem>>
    %dma_start3A_70 = arith.constant 0 : i32
    %dma_start3A_71 = tpu.memref_slice %arg22[%add3A_66, %dma_start3A_70] : memref<10000x16xf32, #tpu.memory_space<vmem_shared>> -> memref<128x16xf32, #tpu.memory_space<vmem_shared>>
    %dma_start3A_72 = arith.constant 0 : i32
    %dma_start3A_73 = tpu.memref_slice %arg22[%add3A_66, %dma_start3A_72] : memref<10000x16xf32, #tpu.memory_space<vmem_shared>> -> memref<128x16xf32, #tpu.memory_space<vmem_shared>>
    %dma_start3A_74 = arith.constant 0 : i32
    %dma_start3A_75 = arith.constant 0 : i32
    %dma_start3A_76 = tpu.memref_slice %arg21[%dma_start3A_74, %dma_start3A_75] : memref<128x16xf32, #tpu.memory_space<vmem>> -> memref<128x16xf32, #tpu.memory_space<vmem>>
    tpu.enqueue_dma source(%dma_start3A_76 : memref<128x16xf32, #tpu.memory_space<vmem>>) target(%dma_start3A_73 : memref<128x16xf32, #tpu.memory_space<vmem_shared>>) target_semaphore(%arg16 : memref<!tpu.dma_semaphore, #tpu.memory_space<semaphore_mem>>)
    %mul3A_77 = arith.constant 625 : i32
    %mul3A_78 = arith.muli %arg1, %mul3A_77 : i32
    %add3A_79 = arith.constant 256 : i32
    %add3A_80 = arith.addi %mul3A_78, %add3A_79 : i32
    %dma_start3A_81 = arith.constant 0 : i32
    %dma_start3A_82 = arith.constant 0 : i32
    %dma_start3A_83 = tpu.memref_slice %arg11[%dma_start3A_81, %dma_start3A_82] : memref<128x128xf32, #tpu.memory_space<vmem>> -> memref<128x128xf32, #tpu.memory_space<vmem>>
    %dma_start3A_84 = arith.constant 0 : i32
    %dma_start3A_85 = tpu.memref_slice %arg13[%add3A_80, %dma_start3A_84] : memref<10000x128xf32, #tpu.memory_space<vmem_shared>> -> memref<128x128xf32, #tpu.memory_space<vmem_shared>>
    %dma_start3A_86 = arith.constant 0 : i32
    %dma_start3A_87 = tpu.memref_slice %arg13[%add3A_80, %dma_start3A_86] : memref<10000x128xf32, #tpu.memory_space<vmem_shared>> -> memref<128x128xf32, #tpu.memory_space<vmem_shared>>
    %dma_start3A_88 = arith.constant 0 : i32
    %dma_start3A_89 = arith.constant 0 : i32
    %dma_start3A_90 = tpu.memref_slice %arg11[%dma_start3A_88, %dma_start3A_89] : memref<128x128xf32, #tpu.memory_space<vmem>> -> memref<128x128xf32, #tpu.memory_space<vmem>>
    tpu.enqueue_dma source(%dma_start3A_90 : memref<128x128xf32, #tpu.memory_space<vmem>>) target(%dma_start3A_87 : memref<128x128xf32, #tpu.memory_space<vmem_shared>>) target_semaphore(%arg16 : memref<!tpu.dma_semaphore, #tpu.memory_space<semaphore_mem>>)
    %mul3A_91 = arith.constant 625 : i32
    %mul3A_92 = arith.muli %arg1, %mul3A_91 : i32
    %add3A_93 = arith.constant 256 : i32
    %add3A_94 = arith.addi %mul3A_92, %add3A_93 : i32
    %dma_start3A_95 = arith.constant 0 : i32
    %dma_start3A_96 = arith.constant 0 : i32
    %dma_start3A_97 = tpu.memref_slice %arg21[%dma_start3A_95, %dma_start3A_96] : memref<128x16xf32, #tpu.memory_space<vmem>> -> memref<128x16xf32, #tpu.memory_space<vmem>>
    %dma_start3A_98 = arith.constant 0 : i32
    %dma_start3A_99 = tpu.memref_slice %arg22[%add3A_94, %dma_start3A_98] : memref<10000x16xf32, #tpu.memory_space<vmem_shared>> -> memref<128x16xf32, #tpu.memory_space<vmem_shared>>
    %dma_start3A_100 = arith.constant 0 : i32
    %dma_start3A_101 = tpu.memref_slice %arg22[%add3A_94, %dma_start3A_100] : memref<10000x16xf32, #tpu.memory_space<vmem_shared>> -> memref<128x16xf32, #tpu.memory_space<vmem_shared>>
    %dma_start3A_102 = arith.constant 0 : i32
    %dma_start3A_103 = arith.constant 0 : i32
    %dma_start3A_104 = tpu.memref_slice %arg21[%dma_start3A_102, %dma_start3A_103] : memref<128x16xf32, #tpu.memory_space<vmem>> -> memref<128x16xf32, #tpu.memory_space<vmem>>
    tpu.enqueue_dma source(%dma_start3A_104 : memref<128x16xf32, #tpu.memory_space<vmem>>) target(%dma_start3A_101 : memref<128x16xf32, #tpu.memory_space<vmem_shared>>) target_semaphore(%arg16 : memref<!tpu.dma_semaphore, #tpu.memory_space<semaphore_mem>>)
    %mul3A_105 = arith.constant 625 : i32
    %mul3A_106 = arith.muli %arg1, %mul3A_105 : i32
    %add3A_107 = arith.constant 384 : i32
    %add3A_108 = arith.addi %mul3A_106, %add3A_107 : i32
    %dma_start3A_109 = arith.constant 0 : i32
    %dma_start3A_110 = arith.constant 0 : i32
    %dma_start3A_111 = tpu.memref_slice %arg11[%dma_start3A_109, %dma_start3A_110] : memref<128x128xf32, #tpu.memory_space<vmem>> -> memref<128x128xf32, #tpu.memory_space<vmem>>
    %dma_start3A_112 = arith.constant 0 : i32
    %dma_start3A_113 = tpu.memref_slice %arg13[%add3A_108, %dma_start3A_112] : memref<10000x128xf32, #tpu.memory_space<vmem_shared>> -> memref<128x128xf32, #tpu.memory_space<vmem_shared>>
    %dma_start3A_114 = arith.constant 0 : i32
    %dma_start3A_115 = tpu.memref_slice %arg13[%add3A_108, %dma_start3A_114] : memref<10000x128xf32, #tpu.memory_space<vmem_shared>> -> memref<128x128xf32, #tpu.memory_space<vmem_shared>>
    %dma_start3A_116 = arith.constant 0 : i32
    %dma_start3A_117 = arith.constant 0 : i32
    %dma_start3A_118 = tpu.memref_slice %arg11[%dma_start3A_116, %dma_start3A_117] : memref<128x128xf32, #tpu.memory_space<vmem>> -> memref<128x128xf32, #tpu.memory_space<vmem>>
    tpu.enqueue_dma source(%dma_start3A_118 : memref<128x128xf32, #tpu.memory_space<vmem>>) target(%dma_start3A_115 : memref<128x128xf32, #tpu.memory_space<vmem_shared>>) target_semaphore(%arg16 : memref<!tpu.dma_semaphore, #tpu.memory_space<semaphore_mem>>)
    %mul3A_119 = arith.constant 625 : i32
    %mul3A_120 = arith.muli %arg1, %mul3A_119 : i32
    %add3A_121 = arith.constant 384 : i32
    %add3A_122 = arith.addi %mul3A_120, %add3A_121 : i32
    %dma_start3A_123 = arith.constant 0 : i32
    %dma_start3A_124 = arith.constant 0 : i32
    %dma_start3A_125 = tpu.memref_slice %arg21[%dma_start3A_123, %dma_start3A_124] : memref<128x16xf32, #tpu.memory_space<vmem>> -> memref<128x16xf32, #tpu.memory_space<vmem>>
    %dma_start3A_126 = arith.constant 0 : i32
    %dma_start3A_127 = tpu.memref_slice %arg22[%add3A_122, %dma_start3A_126] : memref<10000x16xf32, #tpu.memory_space<vmem_shared>> -> memref<128x16xf32, #tpu.memory_space<vmem_shared>>
    %dma_start3A_128 = arith.constant 0 : i32
    %dma_start3A_129 = tpu.memref_slice %arg22[%add3A_122, %dma_start3A_128] : memref<10000x16xf32, #tpu.memory_space<vmem_shared>> -> memref<128x16xf32, #tpu.memory_space<vmem_shared>>
    %dma_start3A_130 = arith.constant 0 : i32
    %dma_start3A_131 = arith.constant 0 : i32
    %dma_start3A_132 = tpu.memref_slice %arg21[%dma_start3A_130, %dma_start3A_131] : memref<128x16xf32, #tpu.memory_space<vmem>> -> memref<128x16xf32, #tpu.memory_space<vmem>>
    tpu.enqueue_dma source(%dma_start3A_132 : memref<128x16xf32, #tpu.memory_space<vmem>>) target(%dma_start3A_129 : memref<128x16xf32, #tpu.memory_space<vmem_shared>>) target_semaphore(%arg16 : memref<!tpu.dma_semaphore, #tpu.memory_space<semaphore_mem>>)
    %mul3A_133 = arith.constant 625 : i32
    %mul3A_134 = arith.muli %arg1, %mul3A_133 : i32
    %add3A_135 = arith.constant 512 : i32
    %add3A_136 = arith.addi %mul3A_134, %add3A_135 : i32
    %dma_start3A_137 = arith.constant 0 : i32
    %dma_start3A_138 = arith.constant 0 : i32
    %dma_start3A_139 = tpu.memref_slice %arg11[%dma_start3A_137, %dma_start3A_138] : memref<128x128xf32, #tpu.memory_space<vmem>> -> memref<113x128xf32, #tpu.memory_space<vmem>>
    %dma_start3A_140 = arith.constant 0 : i32
    %dma_start3A_141 = tpu.memref_slice %arg13[%add3A_136, %dma_start3A_140] : memref<10000x128xf32, #tpu.memory_space<vmem_shared>> -> memref<113x128xf32, #tpu.memory_space<vmem_shared>>
    %dma_start3A_142 = arith.constant 0 : i32
    %dma_start3A_143 = tpu.memref_slice %arg13[%add3A_136, %dma_start3A_142] : memref<10000x128xf32, #tpu.memory_space<vmem_shared>> -> memref<113x128xf32, #tpu.memory_space<vmem_shared>>
    %dma_start3A_144 = arith.constant 0 : i32
    %dma_start3A_145 = arith.constant 0 : i32
    %dma_start3A_146 = tpu.memref_slice %arg11[%dma_start3A_144, %dma_start3A_145] : memref<128x128xf32, #tpu.memory_space<vmem>> -> memref<113x128xf32, #tpu.memory_space<vmem>>
    tpu.enqueue_dma source(%dma_start3A_146 : memref<113x128xf32, #tpu.memory_space<vmem>>) target(%dma_start3A_143 : memref<113x128xf32, #tpu.memory_space<vmem_shared>>) target_semaphore(%arg16 : memref<!tpu.dma_semaphore, #tpu.memory_space<semaphore_mem>>)
    %mul3A_147 = arith.constant 625 : i32
    %mul3A_148 = arith.muli %arg1, %mul3A_147 : i32
    %add3A_149 = arith.constant 512 : i32
    %add3A_150 = arith.addi %mul3A_148, %add3A_149 : i32
    %dma_start3A_151 = arith.constant 0 : i32
    %dma_start3A_152 = arith.constant 0 : i32
    %dma_start3A_153 = tpu.memref_slice %arg21[%dma_start3A_151, %dma_start3A_152] : memref<128x16xf32, #tpu.memory_space<vmem>> -> memref<113x16xf32, #tpu.memory_space<vmem>>
    %dma_start3A_154 = arith.constant 0 : i32
    %dma_start3A_155 = tpu.memref_slice %arg22[%add3A_150, %dma_start3A_154] : memref<10000x16xf32, #tpu.memory_space<vmem_shared>> -> memref<113x16xf32, #tpu.memory_space<vmem_shared>>
    %dma_start3A_156 = arith.constant 0 : i32
    %dma_start3A_157 = tpu.memref_slice %arg22[%add3A_150, %dma_start3A_156] : memref<10000x16xf32, #tpu.memory_space<vmem_shared>> -> memref<113x16xf32, #tpu.memory_space<vmem_shared>>
    %dma_start3A_158 = arith.constant 0 : i32
    %dma_start3A_159 = arith.constant 0 : i32
    %dma_start3A_160 = tpu.memref_slice %arg21[%dma_start3A_158, %dma_start3A_159] : memref<128x16xf32, #tpu.memory_space<vmem>> -> memref<113x16xf32, #tpu.memory_space<vmem>>
    tpu.enqueue_dma source(%dma_start3A_160 : memref<113x16xf32, #tpu.memory_space<vmem>>) target(%dma_start3A_157 : memref<113x16xf32, #tpu.memory_space<vmem_shared>>) target_semaphore(%arg16 : memref<!tpu.dma_semaphore, #tpu.memory_space<semaphore_mem>>)
    %dma_wait3A = arith.constant 0 : i32
    %dma_wait3A_161 = arith.constant 0 : i32
    %dma_wait3A_162 = tpu.memref_slice %arg11[%dma_wait3A, %dma_wait3A_161] : memref<128x128xf32, #tpu.memory_space<vmem>> -> memref<128x128xf32, #tpu.memory_space<vmem>>
    %dma_wait3A_163 = arith.constant 0 : i32
    %dma_wait3A_164 = tpu.memref_slice %arg13[%add3A_24, %dma_wait3A_163] : memref<10000x128xf32, #tpu.memory_space<vmem_shared>> -> memref<128x128xf32, #tpu.memory_space<vmem_shared>>
    %dma_wait3A_165 = arith.constant 0 : i32
    %dma_wait3A_166 = tpu.memref_slice %arg13[%add3A_24, %dma_wait3A_165] : memref<10000x128xf32, #tpu.memory_space<vmem_shared>> -> memref<128x128xf32, #tpu.memory_space<vmem_shared>>
    %dma_wait3A_167 = arith.constant 0 : i32
    %dma_wait3A_168 = arith.constant 0 : i32
    %dma_wait3A_169 = tpu.memref_slice %arg11[%dma_wait3A_167, %dma_wait3A_168] : memref<128x128xf32, #tpu.memory_space<vmem>> -> memref<128x128xf32, #tpu.memory_space<vmem>>
    tpu.wait_dma2 semaphore(%arg16 : memref<!tpu.dma_semaphore, #tpu.memory_space<semaphore_mem>>) src(%dma_wait3A_169 : memref<128x128xf32, #tpu.memory_space<vmem>>) dst(%dma_wait3A_166 : memref<128x128xf32, #tpu.memory_space<vmem_shared>>)
    %dma_wait3A_170 = arith.constant 0 : i32
    %dma_wait3A_171 = arith.constant 0 : i32
    %dma_wait3A_172 = tpu.memref_slice %arg21[%dma_wait3A_170, %dma_wait3A_171] : memref<128x16xf32, #tpu.memory_space<vmem>> -> memref<128x16xf32, #tpu.memory_space<vmem>>
    %dma_wait3A_173 = arith.constant 0 : i32
    %dma_wait3A_174 = tpu.memref_slice %arg22[%add3A_38, %dma_wait3A_173] : memref<10000x16xf32, #tpu.memory_space<vmem_shared>> -> memref<128x16xf32, #tpu.memory_space<vmem_shared>>
    %dma_wait3A_175 = arith.constant 0 : i32
    %dma_wait3A_176 = tpu.memref_slice %arg22[%add3A_38, %dma_wait3A_175] : memref<10000x16xf32, #tpu.memory_space<vmem_shared>> -> memref<128x16xf32, #tpu.memory_space<vmem_shared>>
    %dma_wait3A_177 = arith.constant 0 : i32
    %dma_wait3A_178 = arith.constant 0 : i32
    %dma_wait3A_179 = tpu.memref_slice %arg21[%dma_wait3A_177, %dma_wait3A_178] : memref<128x16xf32, #tpu.memory_space<vmem>> -> memref<128x16xf32, #tpu.memory_space<vmem>>
    tpu.wait_dma2 semaphore(%arg16 : memref<!tpu.dma_semaphore, #tpu.memory_space<semaphore_mem>>) src(%dma_wait3A_179 : memref<128x16xf32, #tpu.memory_space<vmem>>) dst(%dma_wait3A_176 : memref<128x16xf32, #tpu.memory_space<vmem_shared>>)
    %dma_wait3A_180 = arith.constant 0 : i32
    %dma_wait3A_181 = arith.constant 0 : i32
    %dma_wait3A_182 = tpu.memref_slice %arg11[%dma_wait3A_180, %dma_wait3A_181] : memref<128x128xf32, #tpu.memory_space<vmem>> -> memref<128x128xf32, #tpu.memory_space<vmem>>
    %dma_wait3A_183 = arith.constant 0 : i32
    %dma_wait3A_184 = tpu.memref_slice %arg13[%add3A_52, %dma_wait3A_183] : memref<10000x128xf32, #tpu.memory_space<vmem_shared>> -> memref<128x128xf32, #tpu.memory_space<vmem_shared>>
    %dma_wait3A_185 = arith.constant 0 : i32
    %dma_wait3A_186 = tpu.memref_slice %arg13[%add3A_52, %dma_wait3A_185] : memref<10000x128xf32, #tpu.memory_space<vmem_shared>> -> memref<128x128xf32, #tpu.memory_space<vmem_shared>>
    %dma_wait3A_187 = arith.constant 0 : i32
    %dma_wait3A_188 = arith.constant 0 : i32
    %dma_wait3A_189 = tpu.memref_slice %arg11[%dma_wait3A_187, %dma_wait3A_188] : memref<128x128xf32, #tpu.memory_space<vmem>> -> memref<128x128xf32, #tpu.memory_space<vmem>>
    tpu.wait_dma2 semaphore(%arg16 : memref<!tpu.dma_semaphore, #tpu.memory_space<semaphore_mem>>) src(%dma_wait3A_189 : memref<128x128xf32, #tpu.memory_space<vmem>>) dst(%dma_wait3A_186 : memref<128x128xf32, #tpu.memory_space<vmem_shared>>)
    %dma_wait3A_190 = arith.constant 0 : i32
    %dma_wait3A_191 = arith.constant 0 : i32
    %dma_wait3A_192 = tpu.memref_slice %arg21[%dma_wait3A_190, %dma_wait3A_191] : memref<128x16xf32, #tpu.memory_space<vmem>> -> memref<128x16xf32, #tpu.memory_space<vmem>>
    %dma_wait3A_193 = arith.constant 0 : i32
    %dma_wait3A_194 = tpu.memref_slice %arg22[%add3A_66, %dma_wait3A_193] : memref<10000x16xf32, #tpu.memory_space<vmem_shared>> -> memref<128x16xf32, #tpu.memory_space<vmem_shared>>
    %dma_wait3A_195 = arith.constant 0 : i32
    %dma_wait3A_196 = tpu.memref_slice %arg22[%add3A_66, %dma_wait3A_195] : memref<10000x16xf32, #tpu.memory_space<vmem_shared>> -> memref<128x16xf32, #tpu.memory_space<vmem_shared>>
    %dma_wait3A_197 = arith.constant 0 : i32
    %dma_wait3A_198 = arith.constant 0 : i32
    %dma_wait3A_199 = tpu.memref_slice %arg21[%dma_wait3A_197, %dma_wait3A_198] : memref<128x16xf32, #tpu.memory_space<vmem>> -> memref<128x16xf32, #tpu.memory_space<vmem>>
    tpu.wait_dma2 semaphore(%arg16 : memref<!tpu.dma_semaphore, #tpu.memory_space<semaphore_mem>>) src(%dma_wait3A_199 : memref<128x16xf32, #tpu.memory_space<vmem>>) dst(%dma_wait3A_196 : memref<128x16xf32, #tpu.memory_space<vmem_shared>>)
    %dma_wait3A_200 = arith.constant 0 : i32
    %dma_wait3A_201 = arith.constant 0 : i32
    %dma_wait3A_202 = tpu.memref_slice %arg11[%dma_wait3A_200, %dma_wait3A_201] : memref<128x128xf32, #tpu.memory_space<vmem>> -> memref<128x128xf32, #tpu.memory_space<vmem>>
    %dma_wait3A_203 = arith.constant 0 : i32
    %dma_wait3A_204 = tpu.memref_slice %arg13[%add3A_80, %dma_wait3A_203] : memref<10000x128xf32, #tpu.memory_space<vmem_shared>> -> memref<128x128xf32, #tpu.memory_space<vmem_shared>>
    %dma_wait3A_205 = arith.constant 0 : i32
    %dma_wait3A_206 = tpu.memref_slice %arg13[%add3A_80, %dma_wait3A_205] : memref<10000x128xf32, #tpu.memory_space<vmem_shared>> -> memref<128x128xf32, #tpu.memory_space<vmem_shared>>
    %dma_wait3A_207 = arith.constant 0 : i32
    %dma_wait3A_208 = arith.constant 0 : i32
    %dma_wait3A_209 = tpu.memref_slice %arg11[%dma_wait3A_207, %dma_wait3A_208] : memref<128x128xf32, #tpu.memory_space<vmem>> -> memref<128x128xf32, #tpu.memory_space<vmem>>
    tpu.wait_dma2 semaphore(%arg16 : memref<!tpu.dma_semaphore, #tpu.memory_space<semaphore_mem>>) src(%dma_wait3A_209 : memref<128x128xf32, #tpu.memory_space<vmem>>) dst(%dma_wait3A_206 : memref<128x128xf32, #tpu.memory_space<vmem_shared>>)
    %dma_wait3A_210 = arith.constant 0 : i32
    %dma_wait3A_211 = arith.constant 0 : i32
    %dma_wait3A_212 = tpu.memref_slice %arg21[%dma_wait3A_210, %dma_wait3A_211] : memref<128x16xf32, #tpu.memory_space<vmem>> -> memref<128x16xf32, #tpu.memory_space<vmem>>
    %dma_wait3A_213 = arith.constant 0 : i32
    %dma_wait3A_214 = tpu.memref_slice %arg22[%add3A_94, %dma_wait3A_213] : memref<10000x16xf32, #tpu.memory_space<vmem_shared>> -> memref<128x16xf32, #tpu.memory_space<vmem_shared>>
    %dma_wait3A_215 = arith.constant 0 : i32
    %dma_wait3A_216 = tpu.memref_slice %arg22[%add3A_94, %dma_wait3A_215] : memref<10000x16xf32, #tpu.memory_space<vmem_shared>> -> memref<128x16xf32, #tpu.memory_space<vmem_shared>>
    %dma_wait3A_217 = arith.constant 0 : i32
    %dma_wait3A_218 = arith.constant 0 : i32
    %dma_wait3A_219 = tpu.memref_slice %arg21[%dma_wait3A_217, %dma_wait3A_218] : memref<128x16xf32, #tpu.memory_space<vmem>> -> memref<128x16xf32, #tpu.memory_space<vmem>>
    tpu.wait_dma2 semaphore(%arg16 : memref<!tpu.dma_semaphore, #tpu.memory_space<semaphore_mem>>) src(%dma_wait3A_219 : memref<128x16xf32, #tpu.memory_space<vmem>>) dst(%dma_wait3A_216 : memref<128x16xf32, #tpu.memory_space<vmem_shared>>)
    %dma_wait3A_220 = arith.constant 0 : i32
    %dma_wait3A_221 = arith.constant 0 : i32
    %dma_wait3A_222 = tpu.memref_slice %arg11[%dma_wait3A_220, %dma_wait3A_221] : memref<128x128xf32, #tpu.memory_space<vmem>> -> memref<128x128xf32, #tpu.memory_space<vmem>>
    %dma_wait3A_223 = arith.constant 0 : i32
    %dma_wait3A_224 = tpu.memref_slice %arg13[%add3A_108, %dma_wait3A_223] : memref<10000x128xf32, #tpu.memory_space<vmem_shared>> -> memref<128x128xf32, #tpu.memory_space<vmem_shared>>
    %dma_wait3A_225 = arith.constant 0 : i32
    %dma_wait3A_226 = tpu.memref_slice %arg13[%add3A_108, %dma_wait3A_225] : memref<10000x128xf32, #tpu.memory_space<vmem_shared>> -> memref<128x128xf32, #tpu.memory_space<vmem_shared>>
    %dma_wait3A_227 = arith.constant 0 : i32
    %dma_wait3A_228 = arith.constant 0 : i32
    %dma_wait3A_229 = tpu.memref_slice %arg11[%dma_wait3A_227, %dma_wait3A_228] : memref<128x128xf32, #tpu.memory_space<vmem>> -> memref<128x128xf32, #tpu.memory_space<vmem>>
    tpu.wait_dma2 semaphore(%arg16 : memref<!tpu.dma_semaphore, #tpu.memory_space<semaphore_mem>>) src(%dma_wait3A_229 : memref<128x128xf32, #tpu.memory_space<vmem>>) dst(%dma_wait3A_226 : memref<128x128xf32, #tpu.memory_space<vmem_shared>>)
    %dma_wait3A_230 = arith.constant 0 : i32
    %dma_wait3A_231 = arith.constant 0 : i32
    %dma_wait3A_232 = tpu.memref_slice %arg21[%dma_wait3A_230, %dma_wait3A_231] : memref<128x16xf32, #tpu.memory_space<vmem>> -> memref<128x16xf32, #tpu.memory_space<vmem>>
    %dma_wait3A_233 = arith.constant 0 : i32
    %dma_wait3A_234 = tpu.memref_slice %arg22[%add3A_122, %dma_wait3A_233] : memref<10000x16xf32, #tpu.memory_space<vmem_shared>> -> memref<128x16xf32, #tpu.memory_space<vmem_shared>>
    %dma_wait3A_235 = arith.constant 0 : i32
    %dma_wait3A_236 = tpu.memref_slice %arg22[%add3A_122, %dma_wait3A_235] : memref<10000x16xf32, #tpu.memory_space<vmem_shared>> -> memref<128x16xf32, #tpu.memory_space<vmem_shared>>
    %dma_wait3A_237 = arith.constant 0 : i32
    %dma_wait3A_238 = arith.constant 0 : i32
    %dma_wait3A_239 = tpu.memref_slice %arg21[%dma_wait3A_237, %dma_wait3A_238] : memref<128x16xf32, #tpu.memory_space<vmem>> -> memref<128x16xf32, #tpu.memory_space<vmem>>
    tpu.wait_dma2 semaphore(%arg16 : memref<!tpu.dma_semaphore, #tpu.memory_space<semaphore_mem>>) src(%dma_wait3A_239 : memref<128x16xf32, #tpu.memory_space<vmem>>) dst(%dma_wait3A_236 : memref<128x16xf32, #tpu.memory_space<vmem_shared>>)
    %dma_wait3A_240 = arith.constant 0 : i32
    %dma_wait3A_241 = arith.constant 0 : i32
    %dma_wait3A_242 = tpu.memref_slice %arg11[%dma_wait3A_240, %dma_wait3A_241] : memref<128x128xf32, #tpu.memory_space<vmem>> -> memref<113x128xf32, #tpu.memory_space<vmem>>
    %dma_wait3A_243 = arith.constant 0 : i32
    %dma_wait3A_244 = tpu.memref_slice %arg13[%add3A_136, %dma_wait3A_243] : memref<10000x128xf32, #tpu.memory_space<vmem_shared>> -> memref<113x128xf32, #tpu.memory_space<vmem_shared>>
    %dma_wait3A_245 = arith.constant 0 : i32
    %dma_wait3A_246 = tpu.memref_slice %arg13[%add3A_136, %dma_wait3A_245] : memref<10000x128xf32, #tpu.memory_space<vmem_shared>> -> memref<113x128xf32, #tpu.memory_space<vmem_shared>>
    %dma_wait3A_247 = arith.constant 0 : i32
    %dma_wait3A_248 = arith.constant 0 : i32
    %dma_wait3A_249 = tpu.memref_slice %arg11[%dma_wait3A_247, %dma_wait3A_248] : memref<128x128xf32, #tpu.memory_space<vmem>> -> memref<113x128xf32, #tpu.memory_space<vmem>>
    tpu.wait_dma2 semaphore(%arg16 : memref<!tpu.dma_semaphore, #tpu.memory_space<semaphore_mem>>) src(%dma_wait3A_249 : memref<113x128xf32, #tpu.memory_space<vmem>>) dst(%dma_wait3A_246 : memref<113x128xf32, #tpu.memory_space<vmem_shared>>)
    %dma_wait3A_250 = arith.constant 0 : i32
    %dma_wait3A_251 = arith.constant 0 : i32
    %dma_wait3A_252 = tpu.memref_slice %arg21[%dma_wait3A_250, %dma_wait3A_251] : memref<128x16xf32, #tpu.memory_space<vmem>> -> memref<113x16xf32, #tpu.memory_space<vmem>>
    %dma_wait3A_253 = arith.constant 0 : i32
    %dma_wait3A_254 = tpu.memref_slice %arg22[%add3A_150, %dma_wait3A_253] : memref<10000x16xf32, #tpu.memory_space<vmem_shared>> -> memref<113x16xf32, #tpu.memory_space<vmem_shared>>
    %dma_wait3A_255 = arith.constant 0 : i32
    %dma_wait3A_256 = tpu.memref_slice %arg22[%add3A_150, %dma_wait3A_255] : memref<10000x16xf32, #tpu.memory_space<vmem_shared>> -> memref<113x16xf32, #tpu.memory_space<vmem_shared>>
    %dma_wait3A_257 = arith.constant 0 : i32
    %dma_wait3A_258 = arith.constant 0 : i32
    %dma_wait3A_259 = tpu.memref_slice %arg21[%dma_wait3A_257, %dma_wait3A_258] : memref<128x16xf32, #tpu.memory_space<vmem>> -> memref<113x16xf32, #tpu.memory_space<vmem>>
    tpu.wait_dma2 semaphore(%arg16 : memref<!tpu.dma_semaphore, #tpu.memory_space<semaphore_mem>>) src(%dma_wait3A_259 : memref<113x16xf32, #tpu.memory_space<vmem>>) dst(%dma_wait3A_256 : memref<113x16xf32, #tpu.memory_space<vmem_shared>>)
    %barrier3A = arith.constant 0 : index
    tpu.barrier barrier_id(%barrier3A)
    %scan3A_260 = arith.constant 0 : i32
    %scan3A_261 = arith.constant 0 : i32
    %scan3A_262 = arith.constant 10 : i32
    %scan3A_263 = arith.addi %scan3A_261, %scan3A_262 : i32
    %scan3A_264 = arith.constant 1 : i32
    scf.for %scan3A_465 = %scan3A_261 to %scan3A_263 step %scan3A_264  : i32 {
      %mul3A_466 = arith.constant 8 : i32
      %mul3A_467 = arith.muli %scan3A_465, %mul3A_466 : i32
      %add3A_468 = arith.addi %mul3A_2, %mul3A_467 : i32
      %dma_wait3A_469 = arith.constant 0 : i32
      %dma_wait3A_470 = tpu.memref_slice %arg3[%add3A_468, %dma_wait3A_469] : memref<2560x128xi32, #tpu.memory_space<hbm>> -> memref<4x128xi32, #tpu.memory_space<hbm>>
      %dma_wait3A_471 = arith.constant 0 : i32
      %dma_wait3A_472 = tpu.memref_slice %arg3[%add3A_468, %dma_wait3A_471] : memref<2560x128xi32, #tpu.memory_space<hbm>> -> memref<4x128xi32, #tpu.memory_space<hbm>>
      tpu.wait_dma2 semaphore(%arg18 : memref<!tpu.dma_semaphore, #tpu.memory_space<semaphore_mem>>) src(%dma_wait3A_472 : memref<4x128xi32, #tpu.memory_space<hbm>>) dst(%arg7 : memref<4x128xi32, #tpu.memory_space<vmem>>)
      %dma_wait3A_473 = arith.constant 0 : i32
      %dma_wait3A_474 = tpu.memref_slice %arg4[%add3A_468, %dma_wait3A_473] : memref<2560x128xi32, #tpu.memory_space<hbm>> -> memref<4x128xi32, #tpu.memory_space<hbm>>
      %dma_wait3A_475 = arith.constant 0 : i32
      %dma_wait3A_476 = tpu.memref_slice %arg4[%add3A_468, %dma_wait3A_475] : memref<2560x128xi32, #tpu.memory_space<hbm>> -> memref<4x128xi32, #tpu.memory_space<hbm>>
      tpu.wait_dma2 semaphore(%arg18 : memref<!tpu.dma_semaphore, #tpu.memory_space<semaphore_mem>>) src(%dma_wait3A_476 : memref<4x128xi32, #tpu.memory_space<hbm>>) dst(%arg8 : memref<4x128xi32, #tpu.memory_space<vmem>>)
      %add3A_477 = arith.constant 4 : i32
      %add3A_478 = arith.addi %add3A_468, %add3A_477 : i32
      %dma_start3A_479 = arith.constant 0 : i32
      %dma_start3A_480 = tpu.memref_slice %arg3[%add3A_478, %dma_start3A_479] : memref<2560x128xi32, #tpu.memory_space<hbm>> -> memref<4x128xi32, #tpu.memory_space<hbm>>
      %dma_start3A_481 = arith.constant 0 : i32
      %dma_start3A_482 = tpu.memref_slice %arg3[%add3A_478, %dma_start3A_481] : memref<2560x128xi32, #tpu.memory_space<hbm>> -> memref<4x128xi32, #tpu.memory_space<hbm>>
      tpu.enqueue_dma source(%dma_start3A_482 : memref<4x128xi32, #tpu.memory_space<hbm>>) target(%arg9 : memref<4x128xi32, #tpu.memory_space<vmem>>) target_semaphore(%arg19 : memref<!tpu.dma_semaphore, #tpu.memory_space<semaphore_mem>>)
      %add3A_483 = arith.constant 4 : i32
      %add3A_484 = arith.addi %add3A_468, %add3A_483 : i32
      %dma_start3A_485 = arith.constant 0 : i32
      %dma_start3A_486 = tpu.memref_slice %arg4[%add3A_484, %dma_start3A_485] : memref<2560x128xi32, #tpu.memory_space<hbm>> -> memref<4x128xi32, #tpu.memory_space<hbm>>
      %dma_start3A_487 = arith.constant 0 : i32
      %dma_start3A_488 = tpu.memref_slice %arg4[%add3A_484, %dma_start3A_487] : memref<2560x128xi32, #tpu.memory_space<hbm>> -> memref<4x128xi32, #tpu.memory_space<hbm>>
      tpu.enqueue_dma source(%dma_start3A_488 : memref<4x128xi32, #tpu.memory_space<hbm>>) target(%arg10 : memref<4x128xi32, #tpu.memory_space<vmem>>) target_semaphore(%arg19 : memref<!tpu.dma_semaphore, #tpu.memory_space<semaphore_mem>>)
      %dma_start3A_489 = arith.constant 0 : i32
      %dma_start3A_490 = arith.constant 0 : i32
      %dma_start3A_491 = tpu.memref_slice %arg7[%dma_start3A_489, %dma_start3A_490] : memref<4x128xi32, #tpu.memory_space<vmem>> -> memref<1x128xi32, #tpu.memory_space<vmem>>
      %dma_start3A_492 = tpu.memref_squeeze %dma_start3A_491 : memref<1x128xi32, #tpu.memory_space<vmem>> -> memref<128xi32, #tpu.memory_space<vmem>>
      %dma_start3A_493 = arith.constant 0 : i32
      %dma_start3A_494 = arith.constant 0 : i32
      %dma_start3A_495 = tpu.memref_slice %arg2[%dma_start3A_493, %dma_start3A_494] : memref<10128x128xf32, #tpu.memory_space<hbm>> -> memref<10128x128xf32, #tpu.memory_space<hbm>>
      tpu.enqueue_indirect_dma source(%dma_start3A_495 : memref<10128x128xf32, #tpu.memory_space<hbm>>) target(%arg11 : memref<128x128xf32, #tpu.memory_space<vmem>>) offsets(%dma_start3A_492 : memref<128xi32, #tpu.memory_space<vmem>>) semaphore(%arg14 : memref<!tpu.dma_semaphore, #tpu.memory_space<semaphore_mem>>)
      %dma_wait3A_496 = arith.constant 0 : i32
      %dma_wait3A_497 = arith.constant 0 : i32
      %dma_wait3A_498 = tpu.memref_slice %arg7[%dma_wait3A_496, %dma_wait3A_497] : memref<4x128xi32, #tpu.memory_space<vmem>> -> memref<1x128xi32, #tpu.memory_space<vmem>>
      %dma_wait3A_499 = tpu.memref_squeeze %dma_wait3A_498 : memref<1x128xi32, #tpu.memory_space<vmem>> -> memref<128xi32, #tpu.memory_space<vmem>>
      %dma_wait3A_500 = arith.constant 0 : i32
      %dma_wait3A_501 = arith.constant 0 : i32
      %dma_wait3A_502 = tpu.memref_slice %arg2[%dma_wait3A_500, %dma_wait3A_501] : memref<10128x128xf32, #tpu.memory_space<hbm>> -> memref<10128x128xf32, #tpu.memory_space<hbm>>
      tpu.wait_indirect_dma semaphore(%arg14 : memref<!tpu.dma_semaphore, #tpu.memory_space<semaphore_mem>>) src(%dma_wait3A_502 : memref<10128x128xf32, #tpu.memory_space<hbm>>) dst(%arg11 : memref<128x128xf32, #tpu.memory_space<vmem>>)
      %dma_start3A_503 = arith.constant 0 : i32
      %dma_start3A_504 = arith.constant 0 : i32
      %dma_start3A_505 = tpu.memref_slice %arg8[%dma_start3A_503, %dma_start3A_504] : memref<4x128xi32, #tpu.memory_space<vmem>> -> memref<1x128xi32, #tpu.memory_space<vmem>>
      %dma_start3A_506 = tpu.memref_squeeze %dma_start3A_505 : memref<1x128xi32, #tpu.memory_space<vmem>> -> memref<128xi32, #tpu.memory_space<vmem>>
      %dma_start3A_507 = arith.constant 0 : i32
      %dma_start3A_508 = arith.constant 0 : i32
      %dma_start3A_509 = tpu.memref_slice %arg13[%dma_start3A_507, %dma_start3A_508] : memref<10000x128xf32, #tpu.memory_space<vmem_shared>> -> memref<10000x128xf32, #tpu.memory_space<vmem_shared>>
      tpu.enqueue_indirect_dma source(%arg11 : memref<128x128xf32, #tpu.memory_space<vmem>>) target(%dma_start3A_509 : memref<10000x128xf32, #tpu.memory_space<vmem_shared>>) offsets(%dma_start3A_506 : memref<128xi32, #tpu.memory_space<vmem>>) semaphore(%arg16 : memref<!tpu.dma_semaphore, #tpu.memory_space<semaphore_mem>>) {add = true}
      %dma_start3A_510 = arith.constant 0 : i32
      %dma_start3A_511 = arith.constant 0 : i32
      %dma_start3A_512 = tpu.memref_slice %arg8[%dma_start3A_510, %dma_start3A_511] : memref<4x128xi32, #tpu.memory_space<vmem>> -> memref<1x128xi32, #tpu.memory_space<vmem>>
      %dma_start3A_513 = tpu.memref_squeeze %dma_start3A_512 : memref<1x128xi32, #tpu.memory_space<vmem>> -> memref<128xi32, #tpu.memory_space<vmem>>
      %dma_start3A_514 = arith.constant 0 : i32
      %dma_start3A_515 = arith.constant 0 : i32
      %dma_start3A_516 = tpu.memref_slice %arg22[%dma_start3A_514, %dma_start3A_515] : memref<10000x16xf32, #tpu.memory_space<vmem_shared>> -> memref<10000x16xf32, #tpu.memory_space<vmem_shared>>
      tpu.enqueue_indirect_dma source(%arg20 : memref<128x16xf32, #tpu.memory_space<vmem>>) target(%dma_start3A_516 : memref<10000x16xf32, #tpu.memory_space<vmem_shared>>) offsets(%dma_start3A_513 : memref<128xi32, #tpu.memory_space<vmem>>) semaphore(%arg23 : memref<!tpu.dma_semaphore, #tpu.memory_space<semaphore_mem>>) {add = true}
      %dma_start3A_517 = arith.constant 1 : i32
      %dma_start3A_518 = arith.constant 0 : i32
      %dma_start3A_519 = tpu.memref_slice %arg7[%dma_start3A_517, %dma_start3A_518] : memref<4x128xi32, #tpu.memory_space<vmem>> -> memref<1x128xi32, #tpu.memory_space<vmem>>
      %dma_start3A_520 = tpu.memref_squeeze %dma_start3A_519 : memref<1x128xi32, #tpu.memory_space<vmem>> -> memref<128xi32, #tpu.memory_space<vmem>>
      %dma_start3A_521 = arith.constant 0 : i32
      %dma_start3A_522 = arith.constant 0 : i32
      %dma_start3A_523 = tpu.memref_slice %arg2[%dma_start3A_521, %dma_start3A_522] : memref<10128x128xf32, #tpu.memory_space<hbm>> -> memref<10128x128xf32, #tpu.memory_space<hbm>>
      tpu.enqueue_indirect_dma source(%dma_start3A_523 : memref<10128x128xf32, #tpu.memory_space<hbm>>) target(%arg12 : memref<128x128xf32, #tpu.memory_space<vmem>>) offsets(%dma_start3A_520 : memref<128xi32, #tpu.memory_space<vmem>>) semaphore(%arg15 : memref<!tpu.dma_semaphore, #tpu.memory_space<semaphore_mem>>)
      %dma_wait3A_524 = arith.constant 1 : i32
      %dma_wait3A_525 = arith.constant 0 : i32
      %dma_wait3A_526 = tpu.memref_slice %arg7[%dma_wait3A_524, %dma_wait3A_525] : memref<4x128xi32, #tpu.memory_space<vmem>> -> memref<1x128xi32, #tpu.memory_space<vmem>>
      %dma_wait3A_527 = tpu.memref_squeeze %dma_wait3A_526 : memref<1x128xi32, #tpu.memory_space<vmem>> -> memref<128xi32, #tpu.memory_space<vmem>>
      %dma_wait3A_528 = arith.constant 0 : i32
      %dma_wait3A_529 = arith.constant 0 : i32
      %dma_wait3A_530 = tpu.memref_slice %arg2[%dma_wait3A_528, %dma_wait3A_529] : memref<10128x128xf32, #tpu.memory_space<hbm>> -> memref<10128x128xf32, #tpu.memory_space<hbm>>
      tpu.wait_indirect_dma semaphore(%arg15 : memref<!tpu.dma_semaphore, #tpu.memory_space<semaphore_mem>>) src(%dma_wait3A_530 : memref<10128x128xf32, #tpu.memory_space<hbm>>) dst(%arg12 : memref<128x128xf32, #tpu.memory_space<vmem>>)
      %dma_start3A_531 = arith.constant 1 : i32
      %dma_start3A_532 = arith.constant 0 : i32
      %dma_start3A_533 = tpu.memref_slice %arg8[%dma_start3A_531, %dma_start3A_532] : memref<4x128xi32, #tpu.memory_space<vmem>> -> memref<1x128xi32, #tpu.memory_space<vmem>>
      %dma_start3A_534 = tpu.memref_squeeze %dma_start3A_533 : memref<1x128xi32, #tpu.memory_space<vmem>> -> memref<128xi32, #tpu.memory_space<vmem>>
      %dma_start3A_535 = arith.constant 0 : i32
      %dma_start3A_536 = arith.constant 0 : i32
      %dma_start3A_537 = tpu.memref_slice %arg13[%dma_start3A_535, %dma_start3A_536] : memref<10000x128xf32, #tpu.memory_space<vmem_shared>> -> memref<10000x128xf32, #tpu.memory_space<vmem_shared>>
      tpu.enqueue_indirect_dma source(%arg12 : memref<128x128xf32, #tpu.memory_space<vmem>>) target(%dma_start3A_537 : memref<10000x128xf32, #tpu.memory_space<vmem_shared>>) offsets(%dma_start3A_534 : memref<128xi32, #tpu.memory_space<vmem>>) semaphore(%arg17 : memref<!tpu.dma_semaphore, #tpu.memory_space<semaphore_mem>>) {add = true}
      %dma_start3A_538 = arith.constant 1 : i32
      %dma_start3A_539 = arith.constant 0 : i32
      %dma_start3A_540 = tpu.memref_slice %arg8[%dma_start3A_538, %dma_start3A_539] : memref<4x128xi32, #tpu.memory_space<vmem>> -> memref<1x128xi32, #tpu.memory_space<vmem>>
      %dma_start3A_541 = tpu.memref_squeeze %dma_start3A_540 : memref<1x128xi32, #tpu.memory_space<vmem>> -> memref<128xi32, #tpu.memory_space<vmem>>
      %dma_start3A_542 = arith.constant 0 : i32
      %dma_start3A_543 = arith.constant 0 : i32
      %dma_start3A_544 = tpu.memref_slice %arg22[%dma_start3A_542, %dma_start3A_543] : memref<10000x16xf32, #tpu.memory_space<vmem_shared>> -> memref<10000x16xf32, #tpu.memory_space<vmem_shared>>
      tpu.enqueue_indirect_dma source(%arg20 : memref<128x16xf32, #tpu.memory_space<vmem>>) target(%dma_start3A_544 : memref<10000x16xf32, #tpu.memory_space<vmem_shared>>) offsets(%dma_start3A_541 : memref<128xi32, #tpu.memory_space<vmem>>) semaphore(%arg23 : memref<!tpu.dma_semaphore, #tpu.memory_space<semaphore_mem>>) {add = true}
      %dma_wait3A_545 = arith.constant 0 : i32
      %dma_wait3A_546 = arith.constant 0 : i32
      %dma_wait3A_547 = tpu.memref_slice %arg8[%dma_wait3A_545, %dma_wait3A_546] : memref<4x128xi32, #tpu.memory_space<vmem>> -> memref<1x128xi32, #tpu.memory_space<vmem>>
      %dma_wait3A_548 = tpu.memref_squeeze %dma_wait3A_547 : memref<1x128xi32, #tpu.memory_space<vmem>> -> memref<128xi32, #tpu.memory_space<vmem>>
      %dma_wait3A_549 = arith.constant 0 : i32
      %dma_wait3A_550 = arith.constant 0 : i32
      %dma_wait3A_551 = tpu.memref_slice %arg13[%dma_wait3A_549, %dma_wait3A_550] : memref<10000x128xf32, #tpu.memory_space<vmem_shared>> -> memref<10000x128xf32, #tpu.memory_space<vmem_shared>>
      tpu.wait_indirect_dma semaphore(%arg16 : memref<!tpu.dma_semaphore, #tpu.memory_space<semaphore_mem>>) src(%arg11 : memref<128x128xf32, #tpu.memory_space<vmem>>) dst(%dma_wait3A_551 : memref<10000x128xf32, #tpu.memory_space<vmem_shared>>)
      %dma_start3A_552 = arith.constant 2 : i32
      %dma_start3A_553 = arith.constant 0 : i32
      %dma_start3A_554 = tpu.memref_slice %arg7[%dma_start3A_552, %dma_start3A_553] : memref<4x128xi32, #tpu.memory_space<vmem>> -> memref<1x128xi32, #tpu.memory_space<vmem>>
      %dma_start3A_555 = tpu.memref_squeeze %dma_start3A_554 : memref<1x128xi32, #tpu.memory_space<vmem>> -> memref<128xi32, #tpu.memory_space<vmem>>
      %dma_start3A_556 = arith.constant 0 : i32
      %dma_start3A_557 = arith.constant 0 : i32
      %dma_start3A_558 = tpu.memref_slice %arg2[%dma_start3A_556, %dma_start3A_557] : memref<10128x128xf32, #tpu.memory_space<hbm>> -> memref<10128x128xf32, #tpu.memory_space<hbm>>
      tpu.enqueue_indirect_dma source(%dma_start3A_558 : memref<10128x128xf32, #tpu.memory_space<hbm>>) target(%arg11 : memref<128x128xf32, #tpu.memory_space<vmem>>) offsets(%dma_start3A_555 : memref<128xi32, #tpu.memory_space<vmem>>) semaphore(%arg14 : memref<!tpu.dma_semaphore, #tpu.memory_space<semaphore_mem>>)
      %dma_wait3A_559 = arith.constant 2 : i32
      %dma_wait3A_560 = arith.constant 0 : i32
      %dma_wait3A_561 = tpu.memref_slice %arg7[%dma_wait3A_559, %dma_wait3A_560] : memref<4x128xi32, #tpu.memory_space<vmem>> -> memref<1x128xi32, #tpu.memory_space<vmem>>
      %dma_wait3A_562 = tpu.memref_squeeze %dma_wait3A_561 : memref<1x128xi32, #tpu.memory_space<vmem>> -> memref<128xi32, #tpu.memory_space<vmem>>
      %dma_wait3A_563 = arith.constant 0 : i32
      %dma_wait3A_564 = arith.constant 0 : i32
      %dma_wait3A_565 = tpu.memref_slice %arg2[%dma_wait3A_563, %dma_wait3A_564] : memref<10128x128xf32, #tpu.memory_space<hbm>> -> memref<10128x128xf32, #tpu.memory_space<hbm>>
      tpu.wait_indirect_dma semaphore(%arg14 : memref<!tpu.dma_semaphore, #tpu.memory_space<semaphore_mem>>) src(%dma_wait3A_565 : memref<10128x128xf32, #tpu.memory_space<hbm>>) dst(%arg11 : memref<128x128xf32, #tpu.memory_space<vmem>>)
      %dma_start3A_566 = arith.constant 2 : i32
      %dma_start3A_567 = arith.constant 0 : i32
      %dma_start3A_568 = tpu.memref_slice %arg8[%dma_start3A_566, %dma_start3A_567] : memref<4x128xi32, #tpu.memory_space<vmem>> -> memref<1x128xi32, #tpu.memory_space<vmem>>
      %dma_start3A_569 = tpu.memref_squeeze %dma_start3A_568 : memref<1x128xi32, #tpu.memory_space<vmem>> -> memref<128xi32, #tpu.memory_space<vmem>>
      %dma_start3A_570 = arith.constant 0 : i32
      %dma_start3A_571 = arith.constant 0 : i32
      %dma_start3A_572 = tpu.memref_slice %arg13[%dma_start3A_570, %dma_start3A_571] : memref<10000x128xf32, #tpu.memory_space<vmem_shared>> -> memref<10000x128xf32, #tpu.memory_space<vmem_shared>>
      tpu.enqueue_indirect_dma source(%arg11 : memref<128x128xf32, #tpu.memory_space<vmem>>) target(%dma_start3A_572 : memref<10000x128xf32, #tpu.memory_space<vmem_shared>>) offsets(%dma_start3A_569 : memref<128xi32, #tpu.memory_space<vmem>>) semaphore(%arg16 : memref<!tpu.dma_semaphore, #tpu.memory_space<semaphore_mem>>) {add = true}
      %dma_start3A_573 = arith.constant 2 : i32
      %dma_start3A_574 = arith.constant 0 : i32
      %dma_start3A_575 = tpu.memref_slice %arg8[%dma_start3A_573, %dma_start3A_574] : memref<4x128xi32, #tpu.memory_space<vmem>> -> memref<1x128xi32, #tpu.memory_space<vmem>>
      %dma_start3A_576 = tpu.memref_squeeze %dma_start3A_575 : memref<1x128xi32, #tpu.memory_space<vmem>> -> memref<128xi32, #tpu.memory_space<vmem>>
      %dma_start3A_577 = arith.constant 0 : i32
      %dma_start3A_578 = arith.constant 0 : i32
      %dma_start3A_579 = tpu.memref_slice %arg22[%dma_start3A_577, %dma_start3A_578] : memref<10000x16xf32, #tpu.memory_space<vmem_shared>> -> memref<10000x16xf32, #tpu.memory_space<vmem_shared>>
      tpu.enqueue_indirect_dma source(%arg20 : memref<128x16xf32, #tpu.memory_space<vmem>>) target(%dma_start3A_579 : memref<10000x16xf32, #tpu.memory_space<vmem_shared>>) offsets(%dma_start3A_576 : memref<128xi32, #tpu.memory_space<vmem>>) semaphore(%arg23 : memref<!tpu.dma_semaphore, #tpu.memory_space<semaphore_mem>>) {add = true}
      %dma_wait3A_580 = arith.constant 1 : i32
      %dma_wait3A_581 = arith.constant 0 : i32
      %dma_wait3A_582 = tpu.memref_slice %arg8[%dma_wait3A_580, %dma_wait3A_581] : memref<4x128xi32, #tpu.memory_space<vmem>> -> memref<1x128xi32, #tpu.memory_space<vmem>>
      %dma_wait3A_583 = tpu.memref_squeeze %dma_wait3A_582 : memref<1x128xi32, #tpu.memory_space<vmem>> -> memref<128xi32, #tpu.memory_space<vmem>>
      %dma_wait3A_584 = arith.constant 0 : i32
      %dma_wait3A_585 = arith.constant 0 : i32
      %dma_wait3A_586 = tpu.memref_slice %arg13[%dma_wait3A_584, %dma_wait3A_585] : memref<10000x128xf32, #tpu.memory_space<vmem_shared>> -> memref<10000x128xf32, #tpu.memory_space<vmem_shared>>
      tpu.wait_indirect_dma semaphore(%arg17 : memref<!tpu.dma_semaphore, #tpu.memory_space<semaphore_mem>>) src(%arg12 : memref<128x128xf32, #tpu.memory_space<vmem>>) dst(%dma_wait3A_586 : memref<10000x128xf32, #tpu.memory_space<vmem_shared>>)
      %dma_start3A_587 = arith.constant 3 : i32
      %dma_start3A_588 = arith.constant 0 : i32
      %dma_start3A_589 = tpu.memref_slice %arg7[%dma_start3A_587, %dma_start3A_588] : memref<4x128xi32, #tpu.memory_space<vmem>> -> memref<1x128xi32, #tpu.memory_space<vmem>>
      %dma_start3A_590 = tpu.memref_squeeze %dma_start3A_589 : memref<1x128xi32, #tpu.memory_space<vmem>> -> memref<128xi32, #tpu.memory_space<vmem>>
      %dma_start3A_591 = arith.constant 0 : i32
      %dma_start3A_592 = arith.constant 0 : i32
      %dma_start3A_593 = tpu.memref_slice %arg2[%dma_start3A_591, %dma_start3A_592] : memref<10128x128xf32, #tpu.memory_space<hbm>> -> memref<10128x128xf32, #tpu.memory_space<hbm>>
      tpu.enqueue_indirect_dma source(%dma_start3A_593 : memref<10128x128xf32, #tpu.memory_space<hbm>>) target(%arg12 : memref<128x128xf32, #tpu.memory_space<vmem>>) offsets(%dma_start3A_590 : memref<128xi32, #tpu.memory_space<vmem>>) semaphore(%arg15 : memref<!tpu.dma_semaphore, #tpu.memory_space<semaphore_mem>>)
      %dma_wait3A_594 = arith.constant 3 : i32
      %dma_wait3A_595 = arith.constant 0 : i32
      %dma_wait3A_596 = tpu.memref_slice %arg7[%dma_wait3A_594, %dma_wait3A_595] : memref<4x128xi32, #tpu.memory_space<vmem>> -> memref<1x128xi32, #tpu.memory_space<vmem>>
      %dma_wait3A_597 = tpu.memref_squeeze %dma_wait3A_596 : memref<1x128xi32, #tpu.memory_space<vmem>> -> memref<128xi32, #tpu.memory_space<vmem>>
      %dma_wait3A_598 = arith.constant 0 : i32
      %dma_wait3A_599 = arith.constant 0 : i32
      %dma_wait3A_600 = tpu.memref_slice %arg2[%dma_wait3A_598, %dma_wait3A_599] : memref<10128x128xf32, #tpu.memory_space<hbm>> -> memref<10128x128xf32, #tpu.memory_space<hbm>>
      tpu.wait_indirect_dma semaphore(%arg15 : memref<!tpu.dma_semaphore, #tpu.memory_space<semaphore_mem>>) src(%dma_wait3A_600 : memref<10128x128xf32, #tpu.memory_space<hbm>>) dst(%arg12 : memref<128x128xf32, #tpu.memory_space<vmem>>)
      %dma_start3A_601 = arith.constant 3 : i32
      %dma_start3A_602 = arith.constant 0 : i32
      %dma_start3A_603 = tpu.memref_slice %arg8[%dma_start3A_601, %dma_start3A_602] : memref<4x128xi32, #tpu.memory_space<vmem>> -> memref<1x128xi32, #tpu.memory_space<vmem>>
      %dma_start3A_604 = tpu.memref_squeeze %dma_start3A_603 : memref<1x128xi32, #tpu.memory_space<vmem>> -> memref<128xi32, #tpu.memory_space<vmem>>
      %dma_start3A_605 = arith.constant 0 : i32
      %dma_start3A_606 = arith.constant 0 : i32
      %dma_start3A_607 = tpu.memref_slice %arg13[%dma_start3A_605, %dma_start3A_606] : memref<10000x128xf32, #tpu.memory_space<vmem_shared>> -> memref<10000x128xf32, #tpu.memory_space<vmem_shared>>
      tpu.enqueue_indirect_dma source(%arg12 : memref<128x128xf32, #tpu.memory_space<vmem>>) target(%dma_start3A_607 : memref<10000x128xf32, #tpu.memory_space<vmem_shared>>) offsets(%dma_start3A_604 : memref<128xi32, #tpu.memory_space<vmem>>) semaphore(%arg17 : memref<!tpu.dma_semaphore, #tpu.memory_space<semaphore_mem>>) {add = true}
      %dma_start3A_608 = arith.constant 3 : i32
      %dma_start3A_609 = arith.constant 0 : i32
      %dma_start3A_610 = tpu.memref_slice %arg8[%dma_start3A_608, %dma_start3A_609] : memref<4x128xi32, #tpu.memory_space<vmem>> -> memref<1x128xi32, #tpu.memory_space<vmem>>
      %dma_start3A_611 = tpu.memref_squeeze %dma_start3A_610 : memref<1x128xi32, #tpu.memory_space<vmem>> -> memref<128xi32, #tpu.memory_space<vmem>>
      %dma_start3A_612 = arith.constant 0 : i32
      %dma_start3A_613 = arith.constant 0 : i32
      %dma_start3A_614 = tpu.memref_slice %arg22[%dma_start3A_612, %dma_start3A_613] : memref<10000x16xf32, #tpu.memory_space<vmem_shared>> -> memref<10000x16xf32, #tpu.memory_space<vmem_shared>>
      tpu.enqueue_indirect_dma source(%arg20 : memref<128x16xf32, #tpu.memory_space<vmem>>) target(%dma_start3A_614 : memref<10000x16xf32, #tpu.memory_space<vmem_shared>>) offsets(%dma_start3A_611 : memref<128xi32, #tpu.memory_space<vmem>>) semaphore(%arg23 : memref<!tpu.dma_semaphore, #tpu.memory_space<semaphore_mem>>) {add = true}
      %add3A_615 = arith.constant 4 : i32
      %add3A_616 = arith.addi %add3A_468, %add3A_615 : i32
      %dma_wait3A_617 = arith.constant 0 : i32
      %dma_wait3A_618 = tpu.memref_slice %arg3[%add3A_616, %dma_wait3A_617] : memref<2560x128xi32, #tpu.memory_space<hbm>> -> memref<4x128xi32, #tpu.memory_space<hbm>>
      %dma_wait3A_619 = arith.constant 0 : i32
      %dma_wait3A_620 = tpu.memref_slice %arg3[%add3A_616, %dma_wait3A_619] : memref<2560x128xi32, #tpu.memory_space<hbm>> -> memref<4x128xi32, #tpu.memory_space<hbm>>
      tpu.wait_dma2 semaphore(%arg19 : memref<!tpu.dma_semaphore, #tpu.memory_space<semaphore_mem>>) src(%dma_wait3A_620 : memref<4x128xi32, #tpu.memory_space<hbm>>) dst(%arg9 : memref<4x128xi32, #tpu.memory_space<vmem>>)
      %add3A_621 = arith.constant 4 : i32
      %add3A_622 = arith.addi %add3A_468, %add3A_621 : i32
      %dma_wait3A_623 = arith.constant 0 : i32
      %dma_wait3A_624 = tpu.memref_slice %arg4[%add3A_622, %dma_wait3A_623] : memref<2560x128xi32, #tpu.memory_space<hbm>> -> memref<4x128xi32, #tpu.memory_space<hbm>>
      %dma_wait3A_625 = arith.constant 0 : i32
      %dma_wait3A_626 = tpu.memref_slice %arg4[%add3A_622, %dma_wait3A_625] : memref<2560x128xi32, #tpu.memory_space<hbm>> -> memref<4x128xi32, #tpu.memory_space<hbm>>
      tpu.wait_dma2 semaphore(%arg19 : memref<!tpu.dma_semaphore, #tpu.memory_space<semaphore_mem>>) src(%dma_wait3A_626 : memref<4x128xi32, #tpu.memory_space<hbm>>) dst(%arg10 : memref<4x128xi32, #tpu.memory_space<vmem>>)
      %dma_wait3A_627 = arith.constant 2 : i32
      %dma_wait3A_628 = arith.constant 0 : i32
      %dma_wait3A_629 = tpu.memref_slice %arg8[%dma_wait3A_627, %dma_wait3A_628] : memref<4x128xi32, #tpu.memory_space<vmem>> -> memref<1x128xi32, #tpu.memory_space<vmem>>
      %dma_wait3A_630 = tpu.memref_squeeze %dma_wait3A_629 : memref<1x128xi32, #tpu.memory_space<vmem>> -> memref<128xi32, #tpu.memory_space<vmem>>
      %dma_wait3A_631 = arith.constant 0 : i32
      %dma_wait3A_632 = arith.constant 0 : i32
      %dma_wait3A_633 = tpu.memref_slice %arg13[%dma_wait3A_631, %dma_wait3A_632] : memref<10000x128xf32, #tpu.memory_space<vmem_shared>> -> memref<10000x128xf32, #tpu.memory_space<vmem_shared>>
      tpu.wait_indirect_dma semaphore(%arg16 : memref<!tpu.dma_semaphore, #tpu.memory_space<semaphore_mem>>) src(%arg11 : memref<128x128xf32, #tpu.memory_space<vmem>>) dst(%dma_wait3A_633 : memref<10000x128xf32, #tpu.memory_space<vmem_shared>>)
      %dma_start3A_634 = arith.constant 0 : i32
      %dma_start3A_635 = arith.constant 0 : i32
      %dma_start3A_636 = tpu.memref_slice %arg9[%dma_start3A_634, %dma_start3A_635] : memref<4x128xi32, #tpu.memory_space<vmem>> -> memref<1x128xi32, #tpu.memory_space<vmem>>
      %dma_start3A_637 = tpu.memref_squeeze %dma_start3A_636 : memref<1x128xi32, #tpu.memory_space<vmem>> -> memref<128xi32, #tpu.memory_space<vmem>>
      %dma_start3A_638 = arith.constant 0 : i32
      %dma_start3A_639 = arith.constant 0 : i32
      %dma_start3A_640 = tpu.memref_slice %arg2[%dma_start3A_638, %dma_start3A_639] : memref<10128x128xf32, #tpu.memory_space<hbm>> -> memref<10128x128xf32, #tpu.memory_space<hbm>>
      tpu.enqueue_indirect_dma source(%dma_start3A_640 : memref<10128x128xf32, #tpu.memory_space<hbm>>) target(%arg11 : memref<128x128xf32, #tpu.memory_space<vmem>>) offsets(%dma_start3A_637 : memref<128xi32, #tpu.memory_space<vmem>>) semaphore(%arg14 : memref<!tpu.dma_semaphore, #tpu.memory_space<semaphore_mem>>)
      %dma_wait3A_641 = arith.constant 0 : i32
      %dma_wait3A_642 = arith.constant 0 : i32
      %dma_wait3A_643 = tpu.memref_slice %arg9[%dma_wait3A_641, %dma_wait3A_642] : memref<4x128xi32, #tpu.memory_space<vmem>> -> memref<1x128xi32, #tpu.memory_space<vmem>>
      %dma_wait3A_644 = tpu.memref_squeeze %dma_wait3A_643 : memref<1x128xi32, #tpu.memory_space<vmem>> -> memref<128xi32, #tpu.memory_space<vmem>>
      %dma_wait3A_645 = arith.constant 0 : i32
      %dma_wait3A_646 = arith.constant 0 : i32
      %dma_wait3A_647 = tpu.memref_slice %arg2[%dma_wait3A_645, %dma_wait3A_646] : memref<10128x128xf32, #tpu.memory_space<hbm>> -> memref<10128x128xf32, #tpu.memory_space<hbm>>
      tpu.wait_indirect_dma semaphore(%arg14 : memref<!tpu.dma_semaphore, #tpu.memory_space<semaphore_mem>>) src(%dma_wait3A_647 : memref<10128x128xf32, #tpu.memory_space<hbm>>) dst(%arg11 : memref<128x128xf32, #tpu.memory_space<vmem>>)
      %dma_start3A_648 = arith.constant 0 : i32
      %dma_start3A_649 = arith.constant 0 : i32
      %dma_start3A_650 = tpu.memref_slice %arg10[%dma_start3A_648, %dma_start3A_649] : memref<4x128xi32, #tpu.memory_space<vmem>> -> memref<1x128xi32, #tpu.memory_space<vmem>>
      %dma_start3A_651 = tpu.memref_squeeze %dma_start3A_650 : memref<1x128xi32, #tpu.memory_space<vmem>> -> memref<128xi32, #tpu.memory_space<vmem>>
      %dma_start3A_652 = arith.constant 0 : i32
      %dma_start3A_653 = arith.constant 0 : i32
      %dma_start3A_654 = tpu.memref_slice %arg13[%dma_start3A_652, %dma_start3A_653] : memref<10000x128xf32, #tpu.memory_space<vmem_shared>> -> memref<10000x128xf32, #tpu.memory_space<vmem_shared>>
      tpu.enqueue_indirect_dma source(%arg11 : memref<128x128xf32, #tpu.memory_space<vmem>>) target(%dma_start3A_654 : memref<10000x128xf32, #tpu.memory_space<vmem_shared>>) offsets(%dma_start3A_651 : memref<128xi32, #tpu.memory_space<vmem>>) semaphore(%arg16 : memref<!tpu.dma_semaphore, #tpu.memory_space<semaphore_mem>>) {add = true}
      %dma_start3A_655 = arith.constant 0 : i32
      %dma_start3A_656 = arith.constant 0 : i32
      %dma_start3A_657 = tpu.memref_slice %arg10[%dma_start3A_655, %dma_start3A_656] : memref<4x128xi32, #tpu.memory_space<vmem>> -> memref<1x128xi32, #tpu.memory_space<vmem>>
      %dma_start3A_658 = tpu.memref_squeeze %dma_start3A_657 : memref<1x128xi32, #tpu.memory_space<vmem>> -> memref<128xi32, #tpu.memory_space<vmem>>
      %dma_start3A_659 = arith.constant 0 : i32
      %dma_start3A_660 = arith.constant 0 : i32
      %dma_start3A_661 = tpu.memref_slice %arg22[%dma_start3A_659, %dma_start3A_660] : memref<10000x16xf32, #tpu.memory_space<vmem_shared>> -> memref<10000x16xf32, #tpu.memory_space<vmem_shared>>
      tpu.enqueue_indirect_dma source(%arg20 : memref<128x16xf32, #tpu.memory_space<vmem>>) target(%dma_start3A_661 : memref<10000x16xf32, #tpu.memory_space<vmem_shared>>) offsets(%dma_start3A_658 : memref<128xi32, #tpu.memory_space<vmem>>) semaphore(%arg23 : memref<!tpu.dma_semaphore, #tpu.memory_space<semaphore_mem>>) {add = true}
      %dma_wait3A_662 = arith.constant 3 : i32
      %dma_wait3A_663 = arith.constant 0 : i32
      %dma_wait3A_664 = tpu.memref_slice %arg8[%dma_wait3A_662, %dma_wait3A_663] : memref<4x128xi32, #tpu.memory_space<vmem>> -> memref<1x128xi32, #tpu.memory_space<vmem>>
      %dma_wait3A_665 = tpu.memref_squeeze %dma_wait3A_664 : memref<1x128xi32, #tpu.memory_space<vmem>> -> memref<128xi32, #tpu.memory_space<vmem>>
      %dma_wait3A_666 = arith.constant 0 : i32
      %dma_wait3A_667 = arith.constant 0 : i32
      %dma_wait3A_668 = tpu.memref_slice %arg13[%dma_wait3A_666, %dma_wait3A_667] : memref<10000x128xf32, #tpu.memory_space<vmem_shared>> -> memref<10000x128xf32, #tpu.memory_space<vmem_shared>>
      tpu.wait_indirect_dma semaphore(%arg17 : memref<!tpu.dma_semaphore, #tpu.memory_space<semaphore_mem>>) src(%arg12 : memref<128x128xf32, #tpu.memory_space<vmem>>) dst(%dma_wait3A_668 : memref<10000x128xf32, #tpu.memory_space<vmem_shared>>)
      %dma_start3A_669 = arith.constant 1 : i32
      %dma_start3A_670 = arith.constant 0 : i32
      %dma_start3A_671 = tpu.memref_slice %arg9[%dma_start3A_669, %dma_start3A_670] : memref<4x128xi32, #tpu.memory_space<vmem>> -> memref<1x128xi32, #tpu.memory_space<vmem>>
      %dma_start3A_672 = tpu.memref_squeeze %dma_start3A_671 : memref<1x128xi32, #tpu.memory_space<vmem>> -> memref<128xi32, #tpu.memory_space<vmem>>
      %dma_start3A_673 = arith.constant 0 : i32
      %dma_start3A_674 = arith.constant 0 : i32
      %dma_start3A_675 = tpu.memref_slice %arg2[%dma_start3A_673, %dma_start3A_674] : memref<10128x128xf32, #tpu.memory_space<hbm>> -> memref<10128x128xf32, #tpu.memory_space<hbm>>
      tpu.enqueue_indirect_dma source(%dma_start3A_675 : memref<10128x128xf32, #tpu.memory_space<hbm>>) target(%arg12 : memref<128x128xf32, #tpu.memory_space<vmem>>) offsets(%dma_start3A_672 : memref<128xi32, #tpu.memory_space<vmem>>) semaphore(%arg15 : memref<!tpu.dma_semaphore, #tpu.memory_space<semaphore_mem>>)
      %dma_wait3A_676 = arith.constant 1 : i32
      %dma_wait3A_677 = arith.constant 0 : i32
      %dma_wait3A_678 = tpu.memref_slice %arg9[%dma_wait3A_676, %dma_wait3A_677] : memref<4x128xi32, #tpu.memory_space<vmem>> -> memref<1x128xi32, #tpu.memory_space<vmem>>
      %dma_wait3A_679 = tpu.memref_squeeze %dma_wait3A_678 : memref<1x128xi32, #tpu.memory_space<vmem>> -> memref<128xi32, #tpu.memory_space<vmem>>
      %dma_wait3A_680 = arith.constant 0 : i32
      %dma_wait3A_681 = arith.constant 0 : i32
      %dma_wait3A_682 = tpu.memref_slice %arg2[%dma_wait3A_680, %dma_wait3A_681] : memref<10128x128xf32, #tpu.memory_space<hbm>> -> memref<10128x128xf32, #tpu.memory_space<hbm>>
      tpu.wait_indirect_dma semaphore(%arg15 : memref<!tpu.dma_semaphore, #tpu.memory_space<semaphore_mem>>) src(%dma_wait3A_682 : memref<10128x128xf32, #tpu.memory_space<hbm>>) dst(%arg12 : memref<128x128xf32, #tpu.memory_space<vmem>>)
      %dma_start3A_683 = arith.constant 1 : i32
      %dma_start3A_684 = arith.constant 0 : i32
      %dma_start3A_685 = tpu.memref_slice %arg10[%dma_start3A_683, %dma_start3A_684] : memref<4x128xi32, #tpu.memory_space<vmem>> -> memref<1x128xi32, #tpu.memory_space<vmem>>
      %dma_start3A_686 = tpu.memref_squeeze %dma_start3A_685 : memref<1x128xi32, #tpu.memory_space<vmem>> -> memref<128xi32, #tpu.memory_space<vmem>>
      %dma_start3A_687 = arith.constant 0 : i32
      %dma_start3A_688 = arith.constant 0 : i32
      %dma_start3A_689 = tpu.memref_slice %arg13[%dma_start3A_687, %dma_start3A_688] : memref<10000x128xf32, #tpu.memory_space<vmem_shared>> -> memref<10000x128xf32, #tpu.memory_space<vmem_shared>>
      tpu.enqueue_indirect_dma source(%arg12 : memref<128x128xf32, #tpu.memory_space<vmem>>) target(%dma_start3A_689 : memref<10000x128xf32, #tpu.memory_space<vmem_shared>>) offsets(%dma_start3A_686 : memref<128xi32, #tpu.memory_space<vmem>>) semaphore(%arg17 : memref<!tpu.dma_semaphore, #tpu.memory_space<semaphore_mem>>) {add = true}
      %dma_start3A_690 = arith.constant 1 : i32
      %dma_start3A_691 = arith.constant 0 : i32
      %dma_start3A_692 = tpu.memref_slice %arg10[%dma_start3A_690, %dma_start3A_691] : memref<4x128xi32, #tpu.memory_space<vmem>> -> memref<1x128xi32, #tpu.memory_space<vmem>>
      %dma_start3A_693 = tpu.memref_squeeze %dma_start3A_692 : memref<1x128xi32, #tpu.memory_space<vmem>> -> memref<128xi32, #tpu.memory_space<vmem>>
      %dma_start3A_694 = arith.constant 0 : i32
      %dma_start3A_695 = arith.constant 0 : i32
      %dma_start3A_696 = tpu.memref_slice %arg22[%dma_start3A_694, %dma_start3A_695] : memref<10000x16xf32, #tpu.memory_space<vmem_shared>> -> memref<10000x16xf32, #tpu.memory_space<vmem_shared>>
      tpu.enqueue_indirect_dma source(%arg20 : memref<128x16xf32, #tpu.memory_space<vmem>>) target(%dma_start3A_696 : memref<10000x16xf32, #tpu.memory_space<vmem_shared>>) offsets(%dma_start3A_693 : memref<128xi32, #tpu.memory_space<vmem>>) semaphore(%arg23 : memref<!tpu.dma_semaphore, #tpu.memory_space<semaphore_mem>>) {add = true}
      %dma_wait3A_697 = arith.constant 0 : i32
      %dma_wait3A_698 = arith.constant 0 : i32
      %dma_wait3A_699 = tpu.memref_slice %arg10[%dma_wait3A_697, %dma_wait3A_698] : memref<4x128xi32, #tpu.memory_space<vmem>> -> memref<1x128xi32, #tpu.memory_space<vmem>>
      %dma_wait3A_700 = tpu.memref_squeeze %dma_wait3A_699 : memref<1x128xi32, #tpu.memory_space<vmem>> -> memref<128xi32, #tpu.memory_space<vmem>>
      %dma_wait3A_701 = arith.constant 0 : i32
      %dma_wait3A_702 = arith.constant 0 : i32
      %dma_wait3A_703 = tpu.memref_slice %arg13[%dma_wait3A_701, %dma_wait3A_702] : memref<10000x128xf32, #tpu.memory_space<vmem_shared>> -> memref<10000x128xf32, #tpu.memory_space<vmem_shared>>
      tpu.wait_indirect_dma semaphore(%arg16 : memref<!tpu.dma_semaphore, #tpu.memory_space<semaphore_mem>>) src(%arg11 : memref<128x128xf32, #tpu.memory_space<vmem>>) dst(%dma_wait3A_703 : memref<10000x128xf32, #tpu.memory_space<vmem_shared>>)
      %dma_start3A_704 = arith.constant 2 : i32
      %dma_start3A_705 = arith.constant 0 : i32
      %dma_start3A_706 = tpu.memref_slice %arg9[%dma_start3A_704, %dma_start3A_705] : memref<4x128xi32, #tpu.memory_space<vmem>> -> memref<1x128xi32, #tpu.memory_space<vmem>>
      %dma_start3A_707 = tpu.memref_squeeze %dma_start3A_706 : memref<1x128xi32, #tpu.memory_space<vmem>> -> memref<128xi32, #tpu.memory_space<vmem>>
      %dma_start3A_708 = arith.constant 0 : i32
      %dma_start3A_709 = arith.constant 0 : i32
      %dma_start3A_710 = tpu.memref_slice %arg2[%dma_start3A_708, %dma_start3A_709] : memref<10128x128xf32, #tpu.memory_space<hbm>> -> memref<10128x128xf32, #tpu.memory_space<hbm>>
      tpu.enqueue_indirect_dma source(%dma_start3A_710 : memref<10128x128xf32, #tpu.memory_space<hbm>>) target(%arg11 : memref<128x128xf32, #tpu.memory_space<vmem>>) offsets(%dma_start3A_707 : memref<128xi32, #tpu.memory_space<vmem>>) semaphore(%arg14 : memref<!tpu.dma_semaphore, #tpu.memory_space<semaphore_mem>>)
      %dma_wait3A_711 = arith.constant 2 : i32
      %dma_wait3A_712 = arith.constant 0 : i32
      %dma_wait3A_713 = tpu.memref_slice %arg9[%dma_wait3A_711, %dma_wait3A_712] : memref<4x128xi32, #tpu.memory_space<vmem>> -> memref<1x128xi32, #tpu.memory_space<vmem>>
      %dma_wait3A_714 = tpu.memref_squeeze %dma_wait3A_713 : memref<1x128xi32, #tpu.memory_space<vmem>> -> memref<128xi32, #tpu.memory_space<vmem>>
      %dma_wait3A_715 = arith.constant 0 : i32
      %dma_wait3A_716 = arith.constant 0 : i32
      %dma_wait3A_717 = tpu.memref_slice %arg2[%dma_wait3A_715, %dma_wait3A_716] : memref<10128x128xf32, #tpu.memory_space<hbm>> -> memref<10128x128xf32, #tpu.memory_space<hbm>>
      tpu.wait_indirect_dma semaphore(%arg14 : memref<!tpu.dma_semaphore, #tpu.memory_space<semaphore_mem>>) src(%dma_wait3A_717 : memref<10128x128xf32, #tpu.memory_space<hbm>>) dst(%arg11 : memref<128x128xf32, #tpu.memory_space<vmem>>)
      %dma_start3A_718 = arith.constant 2 : i32
      %dma_start3A_719 = arith.constant 0 : i32
      %dma_start3A_720 = tpu.memref_slice %arg10[%dma_start3A_718, %dma_start3A_719] : memref<4x128xi32, #tpu.memory_space<vmem>> -> memref<1x128xi32, #tpu.memory_space<vmem>>
      %dma_start3A_721 = tpu.memref_squeeze %dma_start3A_720 : memref<1x128xi32, #tpu.memory_space<vmem>> -> memref<128xi32, #tpu.memory_space<vmem>>
      %dma_start3A_722 = arith.constant 0 : i32
      %dma_start3A_723 = arith.constant 0 : i32
      %dma_start3A_724 = tpu.memref_slice %arg13[%dma_start3A_722, %dma_start3A_723] : memref<10000x128xf32, #tpu.memory_space<vmem_shared>> -> memref<10000x128xf32, #tpu.memory_space<vmem_shared>>
      tpu.enqueue_indirect_dma source(%arg11 : memref<128x128xf32, #tpu.memory_space<vmem>>) target(%dma_start3A_724 : memref<10000x128xf32, #tpu.memory_space<vmem_shared>>) offsets(%dma_start3A_721 : memref<128xi32, #tpu.memory_space<vmem>>) semaphore(%arg16 : memref<!tpu.dma_semaphore, #tpu.memory_space<semaphore_mem>>) {add = true}
      %dma_start3A_725 = arith.constant 2 : i32
      %dma_start3A_726 = arith.constant 0 : i32
      %dma_start3A_727 = tpu.memref_slice %arg10[%dma_start3A_725, %dma_start3A_726] : memref<4x128xi32, #tpu.memory_space<vmem>> -> memref<1x128xi32, #tpu.memory_space<vmem>>
      %dma_start3A_728 = tpu.memref_squeeze %dma_start3A_727 : memref<1x128xi32, #tpu.memory_space<vmem>> -> memref<128xi32, #tpu.memory_space<vmem>>
      %dma_start3A_729 = arith.constant 0 : i32
      %dma_start3A_730 = arith.constant 0 : i32
      %dma_start3A_731 = tpu.memref_slice %arg22[%dma_start3A_729, %dma_start3A_730] : memref<10000x16xf32, #tpu.memory_space<vmem_shared>> -> memref<10000x16xf32, #tpu.memory_space<vmem_shared>>
      tpu.enqueue_indirect_dma source(%arg20 : memref<128x16xf32, #tpu.memory_space<vmem>>) target(%dma_start3A_731 : memref<10000x16xf32, #tpu.memory_space<vmem_shared>>) offsets(%dma_start3A_728 : memref<128xi32, #tpu.memory_space<vmem>>) semaphore(%arg23 : memref<!tpu.dma_semaphore, #tpu.memory_space<semaphore_mem>>) {add = true}
      %dma_wait3A_732 = arith.constant 1 : i32
      %dma_wait3A_733 = arith.constant 0 : i32
      %dma_wait3A_734 = tpu.memref_slice %arg10[%dma_wait3A_732, %dma_wait3A_733] : memref<4x128xi32, #tpu.memory_space<vmem>> -> memref<1x128xi32, #tpu.memory_space<vmem>>
      %dma_wait3A_735 = tpu.memref_squeeze %dma_wait3A_734 : memref<1x128xi32, #tpu.memory_space<vmem>> -> memref<128xi32, #tpu.memory_space<vmem>>
      %dma_wait3A_736 = arith.constant 0 : i32
      %dma_wait3A_737 = arith.constant 0 : i32
      %dma_wait3A_738 = tpu.memref_slice %arg13[%dma_wait3A_736, %dma_wait3A_737] : memref<10000x128xf32, #tpu.memory_space<vmem_shared>> -> memref<10000x128xf32, #tpu.memory_space<vmem_shared>>
      tpu.wait_indirect_dma semaphore(%arg17 : memref<!tpu.dma_semaphore, #tpu.memory_space<semaphore_mem>>) src(%arg12 : memref<128x128xf32, #tpu.memory_space<vmem>>) dst(%dma_wait3A_738 : memref<10000x128xf32, #tpu.memory_space<vmem_shared>>)
      %dma_start3A_739 = arith.constant 3 : i32
      %dma_start3A_740 = arith.constant 0 : i32
      %dma_start3A_741 = tpu.memref_slice %arg9[%dma_start3A_739, %dma_start3A_740] : memref<4x128xi32, #tpu.memory_space<vmem>> -> memref<1x128xi32, #tpu.memory_space<vmem>>
      %dma_start3A_742 = tpu.memref_squeeze %dma_start3A_741 : memref<1x128xi32, #tpu.memory_space<vmem>> -> memref<128xi32, #tpu.memory_space<vmem>>
      %dma_start3A_743 = arith.constant 0 : i32
      %dma_start3A_744 = arith.constant 0 : i32
      %dma_start3A_745 = tpu.memref_slice %arg2[%dma_start3A_743, %dma_start3A_744] : memref<10128x128xf32, #tpu.memory_space<hbm>> -> memref<10128x128xf32, #tpu.memory_space<hbm>>
      tpu.enqueue_indirect_dma source(%dma_start3A_745 : memref<10128x128xf32, #tpu.memory_space<hbm>>) target(%arg12 : memref<128x128xf32, #tpu.memory_space<vmem>>) offsets(%dma_start3A_742 : memref<128xi32, #tpu.memory_space<vmem>>) semaphore(%arg15 : memref<!tpu.dma_semaphore, #tpu.memory_space<semaphore_mem>>)
      %dma_wait3A_746 = arith.constant 3 : i32
      %dma_wait3A_747 = arith.constant 0 : i32
      %dma_wait3A_748 = tpu.memref_slice %arg9[%dma_wait3A_746, %dma_wait3A_747] : memref<4x128xi32, #tpu.memory_space<vmem>> -> memref<1x128xi32, #tpu.memory_space<vmem>>
      %dma_wait3A_749 = tpu.memref_squeeze %dma_wait3A_748 : memref<1x128xi32, #tpu.memory_space<vmem>> -> memref<128xi32, #tpu.memory_space<vmem>>
      %dma_wait3A_750 = arith.constant 0 : i32
      %dma_wait3A_751 = arith.constant 0 : i32
      %dma_wait3A_752 = tpu.memref_slice %arg2[%dma_wait3A_750, %dma_wait3A_751] : memref<10128x128xf32, #tpu.memory_space<hbm>> -> memref<10128x128xf32, #tpu.memory_space<hbm>>
      tpu.wait_indirect_dma semaphore(%arg15 : memref<!tpu.dma_semaphore, #tpu.memory_space<semaphore_mem>>) src(%dma_wait3A_752 : memref<10128x128xf32, #tpu.memory_space<hbm>>) dst(%arg12 : memref<128x128xf32, #tpu.memory_space<vmem>>)
      %dma_start3A_753 = arith.constant 3 : i32
      %dma_start3A_754 = arith.constant 0 : i32
      %dma_start3A_755 = tpu.memref_slice %arg10[%dma_start3A_753, %dma_start3A_754] : memref<4x128xi32, #tpu.memory_space<vmem>> -> memref<1x128xi32, #tpu.memory_space<vmem>>
      %dma_start3A_756 = tpu.memref_squeeze %dma_start3A_755 : memref<1x128xi32, #tpu.memory_space<vmem>> -> memref<128xi32, #tpu.memory_space<vmem>>
      %dma_start3A_757 = arith.constant 0 : i32
      %dma_start3A_758 = arith.constant 0 : i32
      %dma_start3A_759 = tpu.memref_slice %arg13[%dma_start3A_757, %dma_start3A_758] : memref<10000x128xf32, #tpu.memory_space<vmem_shared>> -> memref<10000x128xf32, #tpu.memory_space<vmem_shared>>
      tpu.enqueue_indirect_dma source(%arg12 : memref<128x128xf32, #tpu.memory_space<vmem>>) target(%dma_start3A_759 : memref<10000x128xf32, #tpu.memory_space<vmem_shared>>) offsets(%dma_start3A_756 : memref<128xi32, #tpu.memory_space<vmem>>) semaphore(%arg17 : memref<!tpu.dma_semaphore, #tpu.memory_space<semaphore_mem>>) {add = true}
      %dma_start3A_760 = arith.constant 3 : i32
      %dma_start3A_761 = arith.constant 0 : i32
      %dma_start3A_762 = tpu.memref_slice %arg10[%dma_start3A_760, %dma_start3A_761] : memref<4x128xi32, #tpu.memory_space<vmem>> -> memref<1x128xi32, #tpu.memory_space<vmem>>
      %dma_start3A_763 = tpu.memref_squeeze %dma_start3A_762 : memref<1x128xi32, #tpu.memory_space<vmem>> -> memref<128xi32, #tpu.memory_space<vmem>>
      %dma_start3A_764 = arith.constant 0 : i32
      %dma_start3A_765 = arith.constant 0 : i32
      %dma_start3A_766 = tpu.memref_slice %arg22[%dma_start3A_764, %dma_start3A_765] : memref<10000x16xf32, #tpu.memory_space<vmem_shared>> -> memref<10000x16xf32, #tpu.memory_space<vmem_shared>>
      tpu.enqueue_indirect_dma source(%arg20 : memref<128x16xf32, #tpu.memory_space<vmem>>) target(%dma_start3A_766 : memref<10000x16xf32, #tpu.memory_space<vmem_shared>>) offsets(%dma_start3A_763 : memref<128xi32, #tpu.memory_space<vmem>>) semaphore(%arg23 : memref<!tpu.dma_semaphore, #tpu.memory_space<semaphore_mem>>) {add = true}
      %add3A_767 = arith.constant 8 : i32
      %add3A_768 = arith.addi %add3A_468, %add3A_767 : i32
      %rem3A = arith.constant 2560 : i32
      %rem3A_769 = arith.remsi %add3A_768, %rem3A : i32
      %dma_start3A_770 = arith.constant 0 : i32
      %dma_start3A_771 = tpu.memref_slice %arg3[%rem3A_769, %dma_start3A_770] : memref<2560x128xi32, #tpu.memory_space<hbm>> -> memref<4x128xi32, #tpu.memory_space<hbm>>
      %dma_start3A_772 = arith.constant 0 : i32
      %dma_start3A_773 = tpu.memref_slice %arg3[%rem3A_769, %dma_start3A_772] : memref<2560x128xi32, #tpu.memory_space<hbm>> -> memref<4x128xi32, #tpu.memory_space<hbm>>
      tpu.enqueue_dma source(%dma_start3A_773 : memref<4x128xi32, #tpu.memory_space<hbm>>) target(%arg7 : memref<4x128xi32, #tpu.memory_space<vmem>>) target_semaphore(%arg18 : memref<!tpu.dma_semaphore, #tpu.memory_space<semaphore_mem>>)
      %dma_start3A_774 = arith.constant 0 : i32
      %dma_start3A_775 = tpu.memref_slice %arg4[%rem3A_769, %dma_start3A_774] : memref<2560x128xi32, #tpu.memory_space<hbm>> -> memref<4x128xi32, #tpu.memory_space<hbm>>
      %dma_start3A_776 = arith.constant 0 : i32
      %dma_start3A_777 = tpu.memref_slice %arg4[%rem3A_769, %dma_start3A_776] : memref<2560x128xi32, #tpu.memory_space<hbm>> -> memref<4x128xi32, #tpu.memory_space<hbm>>
      tpu.enqueue_dma source(%dma_start3A_777 : memref<4x128xi32, #tpu.memory_space<hbm>>) target(%arg8 : memref<4x128xi32, #tpu.memory_space<vmem>>) target_semaphore(%arg18 : memref<!tpu.dma_semaphore, #tpu.memory_space<semaphore_mem>>)
      %dma_wait3A_778 = arith.constant 2 : i32
      %dma_wait3A_779 = arith.constant 0 : i32
      %dma_wait3A_780 = tpu.memref_slice %arg10[%dma_wait3A_778, %dma_wait3A_779] : memref<4x128xi32, #tpu.memory_space<vmem>> -> memref<1x128xi32, #tpu.memory_space<vmem>>
      %dma_wait3A_781 = tpu.memref_squeeze %dma_wait3A_780 : memref<1x128xi32, #tpu.memory_space<vmem>> -> memref<128xi32, #tpu.memory_space<vmem>>
      %dma_wait3A_782 = arith.constant 0 : i32
      %dma_wait3A_783 = arith.constant 0 : i32
      %dma_wait3A_784 = tpu.memref_slice %arg13[%dma_wait3A_782, %dma_wait3A_783] : memref<10000x128xf32, #tpu.memory_space<vmem_shared>> -> memref<10000x128xf32, #tpu.memory_space<vmem_shared>>
      tpu.wait_indirect_dma semaphore(%arg16 : memref<!tpu.dma_semaphore, #tpu.memory_space<semaphore_mem>>) src(%arg11 : memref<128x128xf32, #tpu.memory_space<vmem>>) dst(%dma_wait3A_784 : memref<10000x128xf32, #tpu.memory_space<vmem_shared>>)
      %dma_wait3A_785 = arith.constant 3 : i32
      %dma_wait3A_786 = arith.constant 0 : i32
      %dma_wait3A_787 = tpu.memref_slice %arg10[%dma_wait3A_785, %dma_wait3A_786] : memref<4x128xi32, #tpu.memory_space<vmem>> -> memref<1x128xi32, #tpu.memory_space<vmem>>
      %dma_wait3A_788 = tpu.memref_squeeze %dma_wait3A_787 : memref<1x128xi32, #tpu.memory_space<vmem>> -> memref<128xi32, #tpu.memory_space<vmem>>
      %dma_wait3A_789 = arith.constant 0 : i32
      %dma_wait3A_790 = arith.constant 0 : i32
      %dma_wait3A_791 = tpu.memref_slice %arg13[%dma_wait3A_789, %dma_wait3A_790] : memref<10000x128xf32, #tpu.memory_space<vmem_shared>> -> memref<10000x128xf32, #tpu.memory_space<vmem_shared>>
      tpu.wait_indirect_dma semaphore(%arg17 : memref<!tpu.dma_semaphore, #tpu.memory_space<semaphore_mem>>) src(%arg12 : memref<128x128xf32, #tpu.memory_space<vmem>>) dst(%dma_wait3A_791 : memref<10000x128xf32, #tpu.memory_space<vmem_shared>>)
      %dma_wait3A_792 = arith.constant 0 : i32
      %dma_wait3A_793 = arith.constant 0 : i32
      %dma_wait3A_794 = tpu.memref_slice %arg8[%dma_wait3A_792, %dma_wait3A_793] : memref<4x128xi32, #tpu.memory_space<vmem>> -> memref<1x128xi32, #tpu.memory_space<vmem>>
      %dma_wait3A_795 = tpu.memref_squeeze %dma_wait3A_794 : memref<1x128xi32, #tpu.memory_space<vmem>> -> memref<128xi32, #tpu.memory_space<vmem>>
      %dma_wait3A_796 = arith.constant 0 : i32
      %dma_wait3A_797 = arith.constant 0 : i32
      %dma_wait3A_798 = tpu.memref_slice %arg22[%dma_wait3A_796, %dma_wait3A_797] : memref<10000x16xf32, #tpu.memory_space<vmem_shared>> -> memref<10000x16xf32, #tpu.memory_space<vmem_shared>>
      tpu.wait_indirect_dma semaphore(%arg23 : memref<!tpu.dma_semaphore, #tpu.memory_space<semaphore_mem>>) src(%arg20 : memref<128x16xf32, #tpu.memory_space<vmem>>) dst(%dma_wait3A_798 : memref<10000x16xf32, #tpu.memory_space<vmem_shared>>)
      %dma_wait3A_799 = arith.constant 1 : i32
      %dma_wait3A_800 = arith.constant 0 : i32
      %dma_wait3A_801 = tpu.memref_slice %arg8[%dma_wait3A_799, %dma_wait3A_800] : memref<4x128xi32, #tpu.memory_space<vmem>> -> memref<1x128xi32, #tpu.memory_space<vmem>>
      %dma_wait3A_802 = tpu.memref_squeeze %dma_wait3A_801 : memref<1x128xi32, #tpu.memory_space<vmem>> -> memref<128xi32, #tpu.memory_space<vmem>>
      %dma_wait3A_803 = arith.constant 0 : i32
      %dma_wait3A_804 = arith.constant 0 : i32
      %dma_wait3A_805 = tpu.memref_slice %arg22[%dma_wait3A_803, %dma_wait3A_804] : memref<10000x16xf32, #tpu.memory_space<vmem_shared>> -> memref<10000x16xf32, #tpu.memory_space<vmem_shared>>
      tpu.wait_indirect_dma semaphore(%arg23 : memref<!tpu.dma_semaphore, #tpu.memory_space<semaphore_mem>>) src(%arg20 : memref<128x16xf32, #tpu.memory_space<vmem>>) dst(%dma_wait3A_805 : memref<10000x16xf32, #tpu.memory_space<vmem_shared>>)
      %dma_wait3A_806 = arith.constant 2 : i32
      %dma_wait3A_807 = arith.constant 0 : i32
      %dma_wait3A_808 = tpu.memref_slice %arg8[%dma_wait3A_806, %dma_wait3A_807] : memref<4x128xi32, #tpu.memory_space<vmem>> -> memref<1x128xi32, #tpu.memory_space<vmem>>
      %dma_wait3A_809 = tpu.memref_squeeze %dma_wait3A_808 : memref<1x128xi32, #tpu.memory_space<vmem>> -> memref<128xi32, #tpu.memory_space<vmem>>
      %dma_wait3A_810 = arith.constant 0 : i32
      %dma_wait3A_811 = arith.constant 0 : i32
      %dma_wait3A_812 = tpu.memref_slice %arg22[%dma_wait3A_810, %dma_wait3A_811] : memref<10000x16xf32, #tpu.memory_space<vmem_shared>> -> memref<10000x16xf32, #tpu.memory_space<vmem_shared>>
      tpu.wait_indirect_dma semaphore(%arg23 : memref<!tpu.dma_semaphore, #tpu.memory_space<semaphore_mem>>) src(%arg20 : memref<128x16xf32, #tpu.memory_space<vmem>>) dst(%dma_wait3A_812 : memref<10000x16xf32, #tpu.memory_space<vmem_shared>>)
      %dma_wait3A_813 = arith.constant 3 : i32
      %dma_wait3A_814 = arith.constant 0 : i32
      %dma_wait3A_815 = tpu.memref_slice %arg8[%dma_wait3A_813, %dma_wait3A_814] : memref<4x128xi32, #tpu.memory_space<vmem>> -> memref<1x128xi32, #tpu.memory_space<vmem>>
      %dma_wait3A_816 = tpu.memref_squeeze %dma_wait3A_815 : memref<1x128xi32, #tpu.memory_space<vmem>> -> memref<128xi32, #tpu.memory_space<vmem>>
      %dma_wait3A_817 = arith.constant 0 : i32
      %dma_wait3A_818 = arith.constant 0 : i32
      %dma_wait3A_819 = tpu.memref_slice %arg22[%dma_wait3A_817, %dma_wait3A_818] : memref<10000x16xf32, #tpu.memory_space<vmem_shared>> -> memref<10000x16xf32, #tpu.memory_space<vmem_shared>>
      tpu.wait_indirect_dma semaphore(%arg23 : memref<!tpu.dma_semaphore, #tpu.memory_space<semaphore_mem>>) src(%arg20 : memref<128x16xf32, #tpu.memory_space<vmem>>) dst(%dma_wait3A_819 : memref<10000x16xf32, #tpu.memory_space<vmem_shared>>)
      %dma_wait3A_820 = arith.constant 0 : i32
      %dma_wait3A_821 = arith.constant 0 : i32
      %dma_wait3A_822 = tpu.memref_slice %arg10[%dma_wait3A_820, %dma_wait3A_821] : memref<4x128xi32, #tpu.memory_space<vmem>> -> memref<1x128xi32, #tpu.memory_space<vmem>>
      %dma_wait3A_823 = tpu.memref_squeeze %dma_wait3A_822 : memref<1x128xi32, #tpu.memory_space<vmem>> -> memref<128xi32, #tpu.memory_space<vmem>>
      %dma_wait3A_824 = arith.constant 0 : i32
      %dma_wait3A_825 = arith.constant 0 : i32
      %dma_wait3A_826 = tpu.memref_slice %arg22[%dma_wait3A_824, %dma_wait3A_825] : memref<10000x16xf32, #tpu.memory_space<vmem_shared>> -> memref<10000x16xf32, #tpu.memory_space<vmem_shared>>
      tpu.wait_indirect_dma semaphore(%arg23 : memref<!tpu.dma_semaphore, #tpu.memory_space<semaphore_mem>>) src(%arg20 : memref<128x16xf32, #tpu.memory_space<vmem>>) dst(%dma_wait3A_826 : memref<10000x16xf32, #tpu.memory_space<vmem_shared>>)
      %dma_wait3A_827 = arith.constant 1 : i32
      %dma_wait3A_828 = arith.constant 0 : i32
      %dma_wait3A_829 = tpu.memref_slice %arg10[%dma_wait3A_827, %dma_wait3A_828] : memref<4x128xi32, #tpu.memory_space<vmem>> -> memref<1x128xi32, #tpu.memory_space<vmem>>
      %dma_wait3A_830 = tpu.memref_squeeze %dma_wait3A_829 : memref<1x128xi32, #tpu.memory_space<vmem>> -> memref<128xi32, #tpu.memory_space<vmem>>
      %dma_wait3A_831 = arith.constant 0 : i32
      %dma_wait3A_832 = arith.constant 0 : i32
      %dma_wait3A_833 = tpu.memref_slice %arg22[%dma_wait3A_831, %dma_wait3A_832] : memref<10000x16xf32, #tpu.memory_space<vmem_shared>> -> memref<10000x16xf32, #tpu.memory_space<vmem_shared>>
      tpu.wait_indirect_dma semaphore(%arg23 : memref<!tpu.dma_semaphore, #tpu.memory_space<semaphore_mem>>) src(%arg20 : memref<128x16xf32, #tpu.memory_space<vmem>>) dst(%dma_wait3A_833 : memref<10000x16xf32, #tpu.memory_space<vmem_shared>>)
      %dma_wait3A_834 = arith.constant 2 : i32
      %dma_wait3A_835 = arith.constant 0 : i32
      %dma_wait3A_836 = tpu.memref_slice %arg10[%dma_wait3A_834, %dma_wait3A_835] : memref<4x128xi32, #tpu.memory_space<vmem>> -> memref<1x128xi32, #tpu.memory_space<vmem>>
      %dma_wait3A_837 = tpu.memref_squeeze %dma_wait3A_836 : memref<1x128xi32, #tpu.memory_space<vmem>> -> memref<128xi32, #tpu.memory_space<vmem>>
      %dma_wait3A_838 = arith.constant 0 : i32
      %dma_wait3A_839 = arith.constant 0 : i32
      %dma_wait3A_840 = tpu.memref_slice %arg22[%dma_wait3A_838, %dma_wait3A_839] : memref<10000x16xf32, #tpu.memory_space<vmem_shared>> -> memref<10000x16xf32, #tpu.memory_space<vmem_shared>>
      tpu.wait_indirect_dma semaphore(%arg23 : memref<!tpu.dma_semaphore, #tpu.memory_space<semaphore_mem>>) src(%arg20 : memref<128x16xf32, #tpu.memory_space<vmem>>) dst(%dma_wait3A_840 : memref<10000x16xf32, #tpu.memory_space<vmem_shared>>)
      %dma_wait3A_841 = arith.constant 3 : i32
      %dma_wait3A_842 = arith.constant 0 : i32
      %dma_wait3A_843 = tpu.memref_slice %arg10[%dma_wait3A_841, %dma_wait3A_842] : memref<4x128xi32, #tpu.memory_space<vmem>> -> memref<1x128xi32, #tpu.memory_space<vmem>>
      %dma_wait3A_844 = tpu.memref_squeeze %dma_wait3A_843 : memref<1x128xi32, #tpu.memory_space<vmem>> -> memref<128xi32, #tpu.memory_space<vmem>>
      %dma_wait3A_845 = arith.constant 0 : i32
      %dma_wait3A_846 = arith.constant 0 : i32
      %dma_wait3A_847 = tpu.memref_slice %arg22[%dma_wait3A_845, %dma_wait3A_846] : memref<10000x16xf32, #tpu.memory_space<vmem_shared>> -> memref<10000x16xf32, #tpu.memory_space<vmem_shared>>
      tpu.wait_indirect_dma semaphore(%arg23 : memref<!tpu.dma_semaphore, #tpu.memory_space<semaphore_mem>>) src(%arg20 : memref<128x16xf32, #tpu.memory_space<vmem>>) dst(%dma_wait3A_847 : memref<10000x16xf32, #tpu.memory_space<vmem_shared>>)
    }
    %scan3A_265 = arith.constant 10 : i32
    %dma_wait3A_266 = arith.constant 0 : i32
    %dma_wait3A_267 = tpu.memref_slice %arg3[%mul3A_2, %dma_wait3A_266] : memref<2560x128xi32, #tpu.memory_space<hbm>> -> memref<4x128xi32, #tpu.memory_space<hbm>>
    %dma_wait3A_268 = arith.constant 0 : i32
    %dma_wait3A_269 = tpu.memref_slice %arg3[%mul3A_2, %dma_wait3A_268] : memref<2560x128xi32, #tpu.memory_space<hbm>> -> memref<4x128xi32, #tpu.memory_space<hbm>>
    tpu.wait_dma2 semaphore(%arg18 : memref<!tpu.dma_semaphore, #tpu.memory_space<semaphore_mem>>) src(%dma_wait3A_269 : memref<4x128xi32, #tpu.memory_space<hbm>>) dst(%arg7 : memref<4x128xi32, #tpu.memory_space<vmem>>)
    %dma_wait3A_270 = arith.constant 0 : i32
    %dma_wait3A_271 = tpu.memref_slice %arg4[%mul3A_2, %dma_wait3A_270] : memref<2560x128xi32, #tpu.memory_space<hbm>> -> memref<4x128xi32, #tpu.memory_space<hbm>>
    %dma_wait3A_272 = arith.constant 0 : i32
    %dma_wait3A_273 = tpu.memref_slice %arg4[%mul3A_2, %dma_wait3A_272] : memref<2560x128xi32, #tpu.memory_space<hbm>> -> memref<4x128xi32, #tpu.memory_space<hbm>>
    tpu.wait_dma2 semaphore(%arg18 : memref<!tpu.dma_semaphore, #tpu.memory_space<semaphore_mem>>) src(%dma_wait3A_273 : memref<4x128xi32, #tpu.memory_space<hbm>>) dst(%arg8 : memref<4x128xi32, #tpu.memory_space<vmem>>)
    %barrier3A_274 = arith.constant 0 : index
    tpu.barrier barrier_id(%barrier3A_274)
    %mul3A_275 = arith.constant 625 : i32
    %mul3A_276 = arith.muli %arg1, %mul3A_275 : i32
    %add3A_277 = arith.constant 0 : i32
    %add3A_278 = arith.addi %mul3A_276, %add3A_277 : i32
    %mul3A_279 = arith.constant 10000 : i32
    %mul3A_280 = arith.muli %arg0, %mul3A_279 : i32
    %mul3A_281 = arith.constant 625 : i32
    %mul3A_282 = arith.muli %arg1, %mul3A_281 : i32
    %add3A_283 = arith.addi %mul3A_280, %mul3A_282 : i32
    %add3A_284 = arith.constant 0 : i32
    %add3A_285 = arith.addi %add3A_283, %add3A_284 : i32
    %dma_start3A_286 = arith.constant 0 : i32
    %dma_start3A_287 = tpu.memref_slice %arg5[%add3A_285, %dma_start3A_286] : memref<20000x128xf32, #tpu.memory_space<hbm>> -> memref<128x128xf32, #tpu.memory_space<hbm>>
    %dma_start3A_288 = arith.constant 0 : i32
    %dma_start3A_289 = tpu.memref_slice %arg13[%add3A_278, %dma_start3A_288] : memref<10000x128xf32, #tpu.memory_space<vmem_shared>> -> memref<128x128xf32, #tpu.memory_space<vmem_shared>>
    tpu.enqueue_dma source(%dma_start3A_289 : memref<128x128xf32, #tpu.memory_space<vmem_shared>>) target(%dma_start3A_287 : memref<128x128xf32, #tpu.memory_space<hbm>>) target_semaphore(%arg17 : memref<!tpu.dma_semaphore, #tpu.memory_space<semaphore_mem>>)
    %mul3A_290 = arith.constant 625 : i32
    %mul3A_291 = arith.muli %arg1, %mul3A_290 : i32
    %add3A_292 = arith.constant 0 : i32
    %add3A_293 = arith.addi %mul3A_291, %add3A_292 : i32
    %mul3A_294 = arith.constant 10000 : i32
    %mul3A_295 = arith.muli %arg0, %mul3A_294 : i32
    %mul3A_296 = arith.constant 625 : i32
    %mul3A_297 = arith.muli %arg1, %mul3A_296 : i32
    %add3A_298 = arith.addi %mul3A_295, %mul3A_297 : i32
    %add3A_299 = arith.constant 0 : i32
    %add3A_300 = arith.addi %add3A_298, %add3A_299 : i32
    %dma_start3A_301 = arith.constant 0 : i32
    %dma_start3A_302 = tpu.memref_slice %arg6[%add3A_300, %dma_start3A_301] : memref<20000x16xf32, #tpu.memory_space<hbm>> -> memref<128x16xf32, #tpu.memory_space<hbm>>
    %dma_start3A_303 = arith.constant 0 : i32
    %dma_start3A_304 = tpu.memref_slice %arg22[%add3A_293, %dma_start3A_303] : memref<10000x16xf32, #tpu.memory_space<vmem_shared>> -> memref<128x16xf32, #tpu.memory_space<vmem_shared>>
    tpu.enqueue_dma source(%dma_start3A_304 : memref<128x16xf32, #tpu.memory_space<vmem_shared>>) target(%dma_start3A_302 : memref<128x16xf32, #tpu.memory_space<hbm>>) target_semaphore(%arg17 : memref<!tpu.dma_semaphore, #tpu.memory_space<semaphore_mem>>)
    %mul3A_305 = arith.constant 625 : i32
    %mul3A_306 = arith.muli %arg1, %mul3A_305 : i32
    %add3A_307 = arith.constant 128 : i32
    %add3A_308 = arith.addi %mul3A_306, %add3A_307 : i32
    %mul3A_309 = arith.constant 10000 : i32
    %mul3A_310 = arith.muli %arg0, %mul3A_309 : i32
    %mul3A_311 = arith.constant 625 : i32
    %mul3A_312 = arith.muli %arg1, %mul3A_311 : i32
    %add3A_313 = arith.addi %mul3A_310, %mul3A_312 : i32
    %add3A_314 = arith.constant 128 : i32
    %add3A_315 = arith.addi %add3A_313, %add3A_314 : i32
    %dma_start3A_316 = arith.constant 0 : i32
    %dma_start3A_317 = tpu.memref_slice %arg5[%add3A_315, %dma_start3A_316] : memref<20000x128xf32, #tpu.memory_space<hbm>> -> memref<128x128xf32, #tpu.memory_space<hbm>>
    %dma_start3A_318 = arith.constant 0 : i32
    %dma_start3A_319 = tpu.memref_slice %arg13[%add3A_308, %dma_start3A_318] : memref<10000x128xf32, #tpu.memory_space<vmem_shared>> -> memref<128x128xf32, #tpu.memory_space<vmem_shared>>
    tpu.enqueue_dma source(%dma_start3A_319 : memref<128x128xf32, #tpu.memory_space<vmem_shared>>) target(%dma_start3A_317 : memref<128x128xf32, #tpu.memory_space<hbm>>) target_semaphore(%arg17 : memref<!tpu.dma_semaphore, #tpu.memory_space<semaphore_mem>>)
    %mul3A_320 = arith.constant 625 : i32
    %mul3A_321 = arith.muli %arg1, %mul3A_320 : i32
    %add3A_322 = arith.constant 128 : i32
    %add3A_323 = arith.addi %mul3A_321, %add3A_322 : i32
    %mul3A_324 = arith.constant 10000 : i32
    %mul3A_325 = arith.muli %arg0, %mul3A_324 : i32
    %mul3A_326 = arith.constant 625 : i32
    %mul3A_327 = arith.muli %arg1, %mul3A_326 : i32
    %add3A_328 = arith.addi %mul3A_325, %mul3A_327 : i32
    %add3A_329 = arith.constant 128 : i32
    %add3A_330 = arith.addi %add3A_328, %add3A_329 : i32
    %dma_start3A_331 = arith.constant 0 : i32
    %dma_start3A_332 = tpu.memref_slice %arg6[%add3A_330, %dma_start3A_331] : memref<20000x16xf32, #tpu.memory_space<hbm>> -> memref<128x16xf32, #tpu.memory_space<hbm>>
    %dma_start3A_333 = arith.constant 0 : i32
    %dma_start3A_334 = tpu.memref_slice %arg22[%add3A_323, %dma_start3A_333] : memref<10000x16xf32, #tpu.memory_space<vmem_shared>> -> memref<128x16xf32, #tpu.memory_space<vmem_shared>>
    tpu.enqueue_dma source(%dma_start3A_334 : memref<128x16xf32, #tpu.memory_space<vmem_shared>>) target(%dma_start3A_332 : memref<128x16xf32, #tpu.memory_space<hbm>>) target_semaphore(%arg17 : memref<!tpu.dma_semaphore, #tpu.memory_space<semaphore_mem>>)
    %mul3A_335 = arith.constant 625 : i32
    %mul3A_336 = arith.muli %arg1, %mul3A_335 : i32
    %add3A_337 = arith.constant 256 : i32
    %add3A_338 = arith.addi %mul3A_336, %add3A_337 : i32
    %mul3A_339 = arith.constant 10000 : i32
    %mul3A_340 = arith.muli %arg0, %mul3A_339 : i32
    %mul3A_341 = arith.constant 625 : i32
    %mul3A_342 = arith.muli %arg1, %mul3A_341 : i32
    %add3A_343 = arith.addi %mul3A_340, %mul3A_342 : i32
    %add3A_344 = arith.constant 256 : i32
    %add3A_345 = arith.addi %add3A_343, %add3A_344 : i32
    %dma_start3A_346 = arith.constant 0 : i32
    %dma_start3A_347 = tpu.memref_slice %arg5[%add3A_345, %dma_start3A_346] : memref<20000x128xf32, #tpu.memory_space<hbm>> -> memref<128x128xf32, #tpu.memory_space<hbm>>
    %dma_start3A_348 = arith.constant 0 : i32
    %dma_start3A_349 = tpu.memref_slice %arg13[%add3A_338, %dma_start3A_348] : memref<10000x128xf32, #tpu.memory_space<vmem_shared>> -> memref<128x128xf32, #tpu.memory_space<vmem_shared>>
    tpu.enqueue_dma source(%dma_start3A_349 : memref<128x128xf32, #tpu.memory_space<vmem_shared>>) target(%dma_start3A_347 : memref<128x128xf32, #tpu.memory_space<hbm>>) target_semaphore(%arg17 : memref<!tpu.dma_semaphore, #tpu.memory_space<semaphore_mem>>)
    %mul3A_350 = arith.constant 625 : i32
    %mul3A_351 = arith.muli %arg1, %mul3A_350 : i32
    %add3A_352 = arith.constant 256 : i32
    %add3A_353 = arith.addi %mul3A_351, %add3A_352 : i32
    %mul3A_354 = arith.constant 10000 : i32
    %mul3A_355 = arith.muli %arg0, %mul3A_354 : i32
    %mul3A_356 = arith.constant 625 : i32
    %mul3A_357 = arith.muli %arg1, %mul3A_356 : i32
    %add3A_358 = arith.addi %mul3A_355, %mul3A_357 : i32
    %add3A_359 = arith.constant 256 : i32
    %add3A_360 = arith.addi %add3A_358, %add3A_359 : i32
    %dma_start3A_361 = arith.constant 0 : i32
    %dma_start3A_362 = tpu.memref_slice %arg6[%add3A_360, %dma_start3A_361] : memref<20000x16xf32, #tpu.memory_space<hbm>> -> memref<128x16xf32, #tpu.memory_space<hbm>>
    %dma_start3A_363 = arith.constant 0 : i32
    %dma_start3A_364 = tpu.memref_slice %arg22[%add3A_353, %dma_start3A_363] : memref<10000x16xf32, #tpu.memory_space<vmem_shared>> -> memref<128x16xf32, #tpu.memory_space<vmem_shared>>
    tpu.enqueue_dma source(%dma_start3A_364 : memref<128x16xf32, #tpu.memory_space<vmem_shared>>) target(%dma_start3A_362 : memref<128x16xf32, #tpu.memory_space<hbm>>) target_semaphore(%arg17 : memref<!tpu.dma_semaphore, #tpu.memory_space<semaphore_mem>>)
    %mul3A_365 = arith.constant 625 : i32
    %mul3A_366 = arith.muli %arg1, %mul3A_365 : i32
    %add3A_367 = arith.constant 384 : i32
    %add3A_368 = arith.addi %mul3A_366, %add3A_367 : i32
    %mul3A_369 = arith.constant 10000 : i32
    %mul3A_370 = arith.muli %arg0, %mul3A_369 : i32
    %mul3A_371 = arith.constant 625 : i32
    %mul3A_372 = arith.muli %arg1, %mul3A_371 : i32
    %add3A_373 = arith.addi %mul3A_370, %mul3A_372 : i32
    %add3A_374 = arith.constant 384 : i32
    %add3A_375 = arith.addi %add3A_373, %add3A_374 : i32
    %dma_start3A_376 = arith.constant 0 : i32
    %dma_start3A_377 = tpu.memref_slice %arg5[%add3A_375, %dma_start3A_376] : memref<20000x128xf32, #tpu.memory_space<hbm>> -> memref<128x128xf32, #tpu.memory_space<hbm>>
    %dma_start3A_378 = arith.constant 0 : i32
    %dma_start3A_379 = tpu.memref_slice %arg13[%add3A_368, %dma_start3A_378] : memref<10000x128xf32, #tpu.memory_space<vmem_shared>> -> memref<128x128xf32, #tpu.memory_space<vmem_shared>>
    tpu.enqueue_dma source(%dma_start3A_379 : memref<128x128xf32, #tpu.memory_space<vmem_shared>>) target(%dma_start3A_377 : memref<128x128xf32, #tpu.memory_space<hbm>>) target_semaphore(%arg17 : memref<!tpu.dma_semaphore, #tpu.memory_space<semaphore_mem>>)
    %mul3A_380 = arith.constant 625 : i32
    %mul3A_381 = arith.muli %arg1, %mul3A_380 : i32
    %add3A_382 = arith.constant 384 : i32
    %add3A_383 = arith.addi %mul3A_381, %add3A_382 : i32
    %mul3A_384 = arith.constant 10000 : i32
    %mul3A_385 = arith.muli %arg0, %mul3A_384 : i32
    %mul3A_386 = arith.constant 625 : i32
    %mul3A_387 = arith.muli %arg1, %mul3A_386 : i32
    %add3A_388 = arith.addi %mul3A_385, %mul3A_387 : i32
    %add3A_389 = arith.constant 384 : i32
    %add3A_390 = arith.addi %add3A_388, %add3A_389 : i32
    %dma_start3A_391 = arith.constant 0 : i32
    %dma_start3A_392 = tpu.memref_slice %arg6[%add3A_390, %dma_start3A_391] : memref<20000x16xf32, #tpu.memory_space<hbm>> -> memref<128x16xf32, #tpu.memory_space<hbm>>
    %dma_start3A_393 = arith.constant 0 : i32
    %dma_start3A_394 = tpu.memref_slice %arg22[%add3A_383, %dma_start3A_393] : memref<10000x16xf32, #tpu.memory_space<vmem_shared>> -> memref<128x16xf32, #tpu.memory_space<vmem_shared>>
    tpu.enqueue_dma source(%dma_start3A_394 : memref<128x16xf32, #tpu.memory_space<vmem_shared>>) target(%dma_start3A_392 : memref<128x16xf32, #tpu.memory_space<hbm>>) target_semaphore(%arg17 : memref<!tpu.dma_semaphore, #tpu.memory_space<semaphore_mem>>)
    %mul3A_395 = arith.constant 625 : i32
    %mul3A_396 = arith.muli %arg1, %mul3A_395 : i32
    %add3A_397 = arith.constant 512 : i32
    %add3A_398 = arith.addi %mul3A_396, %add3A_397 : i32
    %mul3A_399 = arith.constant 10000 : i32
    %mul3A_400 = arith.muli %arg0, %mul3A_399 : i32
    %mul3A_401 = arith.constant 625 : i32
    %mul3A_402 = arith.muli %arg1, %mul3A_401 : i32
    %add3A_403 = arith.addi %mul3A_400, %mul3A_402 : i32
    %add3A_404 = arith.constant 512 : i32
    %add3A_405 = arith.addi %add3A_403, %add3A_404 : i32
    %dma_start3A_406 = arith.constant 0 : i32
    %dma_start3A_407 = tpu.memref_slice %arg5[%add3A_405, %dma_start3A_406] : memref<20000x128xf32, #tpu.memory_space<hbm>> -> memref<113x128xf32, #tpu.memory_space<hbm>>
    %dma_start3A_408 = arith.constant 0 : i32
    %dma_start3A_409 = tpu.memref_slice %arg13[%add3A_398, %dma_start3A_408] : memref<10000x128xf32, #tpu.memory_space<vmem_shared>> -> memref<113x128xf32, #tpu.memory_space<vmem_shared>>
    tpu.enqueue_dma source(%dma_start3A_409 : memref<113x128xf32, #tpu.memory_space<vmem_shared>>) target(%dma_start3A_407 : memref<113x128xf32, #tpu.memory_space<hbm>>) target_semaphore(%arg17 : memref<!tpu.dma_semaphore, #tpu.memory_space<semaphore_mem>>)
    %mul3A_410 = arith.constant 625 : i32
    %mul3A_411 = arith.muli %arg1, %mul3A_410 : i32
    %add3A_412 = arith.constant 512 : i32
    %add3A_413 = arith.addi %mul3A_411, %add3A_412 : i32
    %mul3A_414 = arith.constant 10000 : i32
    %mul3A_415 = arith.muli %arg0, %mul3A_414 : i32
    %mul3A_416 = arith.constant 625 : i32
    %mul3A_417 = arith.muli %arg1, %mul3A_416 : i32
    %add3A_418 = arith.addi %mul3A_415, %mul3A_417 : i32
    %add3A_419 = arith.constant 512 : i32
    %add3A_420 = arith.addi %add3A_418, %add3A_419 : i32
    %dma_start3A_421 = arith.constant 0 : i32
    %dma_start3A_422 = tpu.memref_slice %arg6[%add3A_420, %dma_start3A_421] : memref<20000x16xf32, #tpu.memory_space<hbm>> -> memref<113x16xf32, #tpu.memory_space<hbm>>
    %dma_start3A_423 = arith.constant 0 : i32
    %dma_start3A_424 = tpu.memref_slice %arg22[%add3A_413, %dma_start3A_423] : memref<10000x16xf32, #tpu.memory_space<vmem_shared>> -> memref<113x16xf32, #tpu.memory_space<vmem_shared>>
    tpu.enqueue_dma source(%dma_start3A_424 : memref<113x16xf32, #tpu.memory_space<vmem_shared>>) target(%dma_start3A_422 : memref<113x16xf32, #tpu.memory_space<hbm>>) target_semaphore(%arg17 : memref<!tpu.dma_semaphore, #tpu.memory_space<semaphore_mem>>)
    %dma_wait3A_425 = arith.constant 0 : i32
    %dma_wait3A_426 = tpu.memref_slice %arg5[%add3A_285, %dma_wait3A_425] : memref<20000x128xf32, #tpu.memory_space<hbm>> -> memref<128x128xf32, #tpu.memory_space<hbm>>
    %dma_wait3A_427 = arith.constant 0 : i32
    %dma_wait3A_428 = tpu.memref_slice %arg13[%add3A_278, %dma_wait3A_427] : memref<10000x128xf32, #tpu.memory_space<vmem_shared>> -> memref<128x128xf32, #tpu.memory_space<vmem_shared>>
    tpu.wait_dma2 semaphore(%arg17 : memref<!tpu.dma_semaphore, #tpu.memory_space<semaphore_mem>>) src(%dma_wait3A_428 : memref<128x128xf32, #tpu.memory_space<vmem_shared>>) dst(%dma_wait3A_426 : memref<128x128xf32, #tpu.memory_space<hbm>>)
    %dma_wait3A_429 = arith.constant 0 : i32
    %dma_wait3A_430 = tpu.memref_slice %arg6[%add3A_300, %dma_wait3A_429] : memref<20000x16xf32, #tpu.memory_space<hbm>> -> memref<128x16xf32, #tpu.memory_space<hbm>>
    %dma_wait3A_431 = arith.constant 0 : i32
    %dma_wait3A_432 = tpu.memref_slice %arg22[%add3A_293, %dma_wait3A_431] : memref<10000x16xf32, #tpu.memory_space<vmem_shared>> -> memref<128x16xf32, #tpu.memory_space<vmem_shared>>
    tpu.wait_dma2 semaphore(%arg17 : memref<!tpu.dma_semaphore, #tpu.memory_space<semaphore_mem>>) src(%dma_wait3A_432 : memref<128x16xf32, #tpu.memory_space<vmem_shared>>) dst(%dma_wait3A_430 : memref<128x16xf32, #tpu.memory_space<hbm>>)
    %dma_wait3A_433 = arith.constant 0 : i32
    %dma_wait3A_434 = tpu.memref_slice %arg5[%add3A_315, %dma_wait3A_433] : memref<20000x128xf32, #tpu.memory_space<hbm>> -> memref<128x128xf32, #tpu.memory_space<hbm>>
    %dma_wait3A_435 = arith.constant 0 : i32
    %dma_wait3A_436 = tpu.memref_slice %arg13[%add3A_308, %dma_wait3A_435] : memref<10000x128xf32, #tpu.memory_space<vmem_shared>> -> memref<128x128xf32, #tpu.memory_space<vmem_shared>>
    tpu.wait_dma2 semaphore(%arg17 : memref<!tpu.dma_semaphore, #tpu.memory_space<semaphore_mem>>) src(%dma_wait3A_436 : memref<128x128xf32, #tpu.memory_space<vmem_shared>>) dst(%dma_wait3A_434 : memref<128x128xf32, #tpu.memory_space<hbm>>)
    %dma_wait3A_437 = arith.constant 0 : i32
    %dma_wait3A_438 = tpu.memref_slice %arg6[%add3A_330, %dma_wait3A_437] : memref<20000x16xf32, #tpu.memory_space<hbm>> -> memref<128x16xf32, #tpu.memory_space<hbm>>
    %dma_wait3A_439 = arith.constant 0 : i32
    %dma_wait3A_440 = tpu.memref_slice %arg22[%add3A_323, %dma_wait3A_439] : memref<10000x16xf32, #tpu.memory_space<vmem_shared>> -> memref<128x16xf32, #tpu.memory_space<vmem_shared>>
    tpu.wait_dma2 semaphore(%arg17 : memref<!tpu.dma_semaphore, #tpu.memory_space<semaphore_mem>>) src(%dma_wait3A_440 : memref<128x16xf32, #tpu.memory_space<vmem_shared>>) dst(%dma_wait3A_438 : memref<128x16xf32, #tpu.memory_space<hbm>>)
    %dma_wait3A_441 = arith.constant 0 : i32
    %dma_wait3A_442 = tpu.memref_slice %arg5[%add3A_345, %dma_wait3A_441] : memref<20000x128xf32, #tpu.memory_space<hbm>> -> memref<128x128xf32, #tpu.memory_space<hbm>>
    %dma_wait3A_443 = arith.constant 0 : i32
    %dma_wait3A_444 = tpu.memref_slice %arg13[%add3A_338, %dma_wait3A_443] : memref<10000x128xf32, #tpu.memory_space<vmem_shared>> -> memref<128x128xf32, #tpu.memory_space<vmem_shared>>
    tpu.wait_dma2 semaphore(%arg17 : memref<!tpu.dma_semaphore, #tpu.memory_space<semaphore_mem>>) src(%dma_wait3A_444 : memref<128x128xf32, #tpu.memory_space<vmem_shared>>) dst(%dma_wait3A_442 : memref<128x128xf32, #tpu.memory_space<hbm>>)
    %dma_wait3A_445 = arith.constant 0 : i32
    %dma_wait3A_446 = tpu.memref_slice %arg6[%add3A_360, %dma_wait3A_445] : memref<20000x16xf32, #tpu.memory_space<hbm>> -> memref<128x16xf32, #tpu.memory_space<hbm>>
    %dma_wait3A_447 = arith.constant 0 : i32
    %dma_wait3A_448 = tpu.memref_slice %arg22[%add3A_353, %dma_wait3A_447] : memref<10000x16xf32, #tpu.memory_space<vmem_shared>> -> memref<128x16xf32, #tpu.memory_space<vmem_shared>>
    tpu.wait_dma2 semaphore(%arg17 : memref<!tpu.dma_semaphore, #tpu.memory_space<semaphore_mem>>) src(%dma_wait3A_448 : memref<128x16xf32, #tpu.memory_space<vmem_shared>>) dst(%dma_wait3A_446 : memref<128x16xf32, #tpu.memory_space<hbm>>)
    %dma_wait3A_449 = arith.constant 0 : i32
    %dma_wait3A_450 = tpu.memref_slice %arg5[%add3A_375, %dma_wait3A_449] : memref<20000x128xf32, #tpu.memory_space<hbm>> -> memref<128x128xf32, #tpu.memory_space<hbm>>
    %dma_wait3A_451 = arith.constant 0 : i32
    %dma_wait3A_452 = tpu.memref_slice %arg13[%add3A_368, %dma_wait3A_451] : memref<10000x128xf32, #tpu.memory_space<vmem_shared>> -> memref<128x128xf32, #tpu.memory_space<vmem_shared>>
    tpu.wait_dma2 semaphore(%arg17 : memref<!tpu.dma_semaphore, #tpu.memory_space<semaphore_mem>>) src(%dma_wait3A_452 : memref<128x128xf32, #tpu.memory_space<vmem_shared>>) dst(%dma_wait3A_450 : memref<128x128xf32, #tpu.memory_space<hbm>>)
    %dma_wait3A_453 = arith.constant 0 : i32
    %dma_wait3A_454 = tpu.memref_slice %arg6[%add3A_390, %dma_wait3A_453] : memref<20000x16xf32, #tpu.memory_space<hbm>> -> memref<128x16xf32, #tpu.memory_space<hbm>>
    %dma_wait3A_455 = arith.constant 0 : i32
    %dma_wait3A_456 = tpu.memref_slice %arg22[%add3A_383, %dma_wait3A_455] : memref<10000x16xf32, #tpu.memory_space<vmem_shared>> -> memref<128x16xf32, #tpu.memory_space<vmem_shared>>
    tpu.wait_dma2 semaphore(%arg17 : memref<!tpu.dma_semaphore, #tpu.memory_space<semaphore_mem>>) src(%dma_wait3A_456 : memref<128x16xf32, #tpu.memory_space<vmem_shared>>) dst(%dma_wait3A_454 : memref<128x16xf32, #tpu.memory_space<hbm>>)
    %dma_wait3A_457 = arith.constant 0 : i32
    %dma_wait3A_458 = tpu.memref_slice %arg5[%add3A_405, %dma_wait3A_457] : memref<20000x128xf32, #tpu.memory_space<hbm>> -> memref<113x128xf32, #tpu.memory_space<hbm>>
    %dma_wait3A_459 = arith.constant 0 : i32
    %dma_wait3A_460 = tpu.memref_slice %arg13[%add3A_398, %dma_wait3A_459] : memref<10000x128xf32, #tpu.memory_space<vmem_shared>> -> memref<113x128xf32, #tpu.memory_space<vmem_shared>>
    tpu.wait_dma2 semaphore(%arg17 : memref<!tpu.dma_semaphore, #tpu.memory_space<semaphore_mem>>) src(%dma_wait3A_460 : memref<113x128xf32, #tpu.memory_space<vmem_shared>>) dst(%dma_wait3A_458 : memref<113x128xf32, #tpu.memory_space<hbm>>)
    %dma_wait3A_461 = arith.constant 0 : i32
    %dma_wait3A_462 = tpu.memref_slice %arg6[%add3A_420, %dma_wait3A_461] : memref<20000x16xf32, #tpu.memory_space<hbm>> -> memref<113x16xf32, #tpu.memory_space<hbm>>
    %dma_wait3A_463 = arith.constant 0 : i32
    %dma_wait3A_464 = tpu.memref_slice %arg22[%add3A_413, %dma_wait3A_463] : memref<10000x16xf32, #tpu.memory_space<vmem_shared>> -> memref<113x16xf32, #tpu.memory_space<vmem_shared>>
    tpu.wait_dma2 semaphore(%arg17 : memref<!tpu.dma_semaphore, #tpu.memory_space<semaphore_mem>>) src(%dma_wait3A_464 : memref<113x16xf32, #tpu.memory_space<vmem_shared>>) dst(%dma_wait3A_462 : memref<113x16xf32, #tpu.memory_space<hbm>>)
    return
  }
}

module attributes {stable_mosaic.version = 14 : i64} {
  func.func @_tc_layer0(%arg0: memref<20000x128xf32, #tpu.memory_space<vmem>>, %arg1: memref<20000x16xf32, #tpu.memory_space<vmem>>, %arg2: memref<10128x128xf32, #tpu.memory_space<vmem>>, %arg3: memref<128x128xf32, #tpu.memory_space<vmem>>, %arg4: memref<128xf32, #tpu.memory_space<vmem>>, %arg5: memref<128x128xf32, #tpu.memory_space<vmem>>, %arg6: memref<128xf32, #tpu.memory_space<vmem>>, %arg7: memref<128xf32, #tpu.memory_space<vmem>>, %arg8: memref<128x128xf32, #tpu.memory_space<vmem>>, %arg9: memref<10128x128xf32, #tpu.memory_space<vmem>>, %arg10: memref<10000x1xf32, #tpu.memory_space<vmem>>) attributes {dimension_semantics = [], scalar_prefetch = 0 : i64, scratch_operands = 0 : i64, tpu.core_type = #tpu.core_type<tc>} {
    %get3A = arith.constant 0 : index
    %get3A_0 = arith.constant 0 : index
    %get3A_1 = vector.load %arg0[%get3A, %get3A_0] : memref<20000x128xf32, #tpu.memory_space<vmem>>, vector<20000x128xf32>
    %slice3A = vector.extract_strided_slice %get3A_1 {offsets = [0, 0], sizes = [10000, 128], strides = [1, 1]} : vector<20000x128xf32> to vector<10000x128xf32>
    %slice3A_2 = vector.extract_strided_slice %get3A_1 {offsets = [10000, 0], sizes = [10000, 128], strides = [1, 1]} : vector<20000x128xf32> to vector<10000x128xf32>
    %add3A = arith.addf %slice3A, %slice3A_2 : vector<10000x128xf32>
    %get3A_3 = arith.constant 0 : index
    %get3A_4 = arith.constant 0 : index
    %get3A_5 = vector.load %arg1[%get3A_3, %get3A_4] : memref<20000x16xf32, #tpu.memory_space<vmem>>, vector<10000x1xf32>
    %get3A_6 = arith.constant 10000 : index
    %get3A_7 = arith.constant 0 : index
    %get3A_8 = vector.load %arg1[%get3A_6, %get3A_7] : memref<20000x16xf32, #tpu.memory_space<vmem>>, vector<10000x1xf32>
    %add3A_9 = arith.addf %get3A_5, %get3A_8 : vector<10000x1xf32>
    %iota3A = tpu.iota {dimensions = array<i32: 0>} : vector<10000x1xi32>
    %lt3A = arith.constant 7680 : i32
    %lt3A_10 = vector.broadcast %lt3A : i32 to vector<10000x1xi32>
    %lt3A_11 = arith.cmpi slt, %iota3A, %lt3A_10 : vector<10000x1xi32>
    %jit3A = arith.constant 1.000000e+00 : f32
    %jit3A_12 = arith.constant 0.000000e+00 : f32
    %broadcast_in_dim3A = vector.broadcast %jit3A : f32 to vector<10000x1xf32>
    %broadcast_in_dim3A_13 = vector.broadcast %jit3A_12 : f32 to vector<10000x1xf32>
    %select_n3A = arith.select %lt3A_11, %broadcast_in_dim3A, %broadcast_in_dim3A_13 : vector<10000x1xi1>, vector<10000x1xf32>
    %sub3A = arith.subf %add3A_9, %select_n3A : vector<10000x1xf32>
    %max3A = arith.constant 1.000000e+00 : f32
    %max3A_14 = vector.broadcast %max3A : f32 to vector<10000x1xf32>
    %max3A_15 = arith.maximumf %sub3A, %max3A_14 : vector<10000x1xf32>
    %div3A = arith.constant 1.000000e+00 : f32
    %div3A_16 = vector.broadcast %div3A : f32 to vector<10000x1xf32>
    %div3A_17 = arith.divf %div3A_16, %max3A_15 : vector<10000x1xf32>
    %swap3A = arith.constant 0 : index
    %swap3A_18 = arith.constant 0 : index
    %swap3A_19 = vector.load %arg10[%swap3A, %swap3A_18] : memref<10000x1xf32, #tpu.memory_space<vmem>>, vector<10000x1xf32>
    tpu.vector_store %arg10[%swap3A, %swap3A_18], %div3A_17 {strides = array<i32>} : memref<10000x1xf32, #tpu.memory_space<vmem>>, vector<10000x1xf32>,
    %mul3A = vector.broadcast %div3A_17 : vector<10000x1xf32> to vector<10000x128xf32>
    %mul3A_20 = arith.mulf %add3A, %mul3A : vector<10000x128xf32>
    %get3A_21 = arith.constant 0 : index
    %get3A_22 = arith.constant 0 : index
    %get3A_23 = vector.load %arg2[%get3A_21, %get3A_22] : memref<10128x128xf32, #tpu.memory_space<vmem>>, vector<10000x128xf32>
    %get3A_24 = arith.constant 0 : index
    %get3A_25 = arith.constant 0 : index
    %get3A_26 = vector.load %arg3[%get3A_24, %get3A_25] : memref<128x128xf32, #tpu.memory_space<vmem>>, vector<128x128xf32>
    %dot_general3A = arith.constant dense<0.000000e+00> : vector<10000x128xf32>
    %dot_general3A_27 = tpu.matmul %mul3A_20, %get3A_26, %dot_general3A {dimension_numbers = #tpu.dot_dimension_numbers<[1], [0], [0], [1], [0, 0, 1, 1], [], []>, transpose_lhs_hint = false} : vector<10000x128xf32>, vector<128x128xf32>, vector<10000x128xf32> -> vector<10000x128xf32>
    %get3A_28 = arith.constant 0 : index
    %get3A_29 = vector.load %arg4[%get3A_28] : memref<128xf32, #tpu.memory_space<vmem>>, vector<128xf32>
    %broadcast_in_dim3A_30 = vector.shape_cast %get3A_29 : vector<128xf32> to vector<1x128xf32>
    %add3A_31 = vector.broadcast %broadcast_in_dim3A_30 : vector<1x128xf32> to vector<10000x128xf32>
    %add3A_32 = arith.addf %dot_general3A_27, %add3A_31 : vector<10000x128xf32>
    %get3A_33 = arith.constant 0 : index
    %get3A_34 = arith.constant 0 : index
    %get3A_35 = vector.load %arg5[%get3A_33, %get3A_34] : memref<128x128xf32, #tpu.memory_space<vmem>>, vector<128x128xf32>
    %dot_general3A_36 = arith.constant dense<0.000000e+00> : vector<10000x128xf32>
    %dot_general3A_37 = tpu.matmul %get3A_23, %get3A_35, %dot_general3A_36 {dimension_numbers = #tpu.dot_dimension_numbers<[1], [0], [0], [1], [0, 0, 1, 1], [], []>, transpose_lhs_hint = false} : vector<10000x128xf32>, vector<128x128xf32>, vector<10000x128xf32> -> vector<10000x128xf32>
    %add3A_38 = arith.addf %add3A_32, %dot_general3A_37 : vector<10000x128xf32>
    %get3A_39 = arith.constant 0 : index
    %get3A_40 = vector.load %arg6[%get3A_39] : memref<128xf32, #tpu.memory_space<vmem>>, vector<128xf32>
    %get3A_41 = arith.constant 0 : index
    %get3A_42 = vector.load %arg7[%get3A_41] : memref<128xf32, #tpu.memory_space<vmem>>, vector<128xf32>
    %reduce_sum3A = arith.constant dense<0.000000e+00> : vector<128xf32>
    %reduce_sum3A_43 = vector.multi_reduction <add>, %add3A_38, %reduce_sum3A [0] : vector<10000x128xf32> to vector<128xf32>
    %broadcast_in_dim3A_44 = vector.shape_cast %reduce_sum3A_43 : vector<128xf32> to vector<1x128xf32>
    %div3A_45 = arith.constant 1.000000e+04 : f32
    %div3A_46 = vector.broadcast %div3A_45 : f32 to vector<1x128xf32>
    %div3A_47 = arith.divf %broadcast_in_dim3A_44, %div3A_46 : vector<1x128xf32>
    %sub3A_48 = vector.broadcast %div3A_47 : vector<1x128xf32> to vector<10000x128xf32>
    %sub3A_49 = arith.subf %add3A_38, %sub3A_48 : vector<10000x128xf32>
    %mul3A_50 = arith.mulf %sub3A_49, %sub3A_49 : vector<10000x128xf32>
    %reduce_sum3A_51 = arith.constant dense<0.000000e+00> : vector<128xf32>
    %reduce_sum3A_52 = vector.multi_reduction <add>, %mul3A_50, %reduce_sum3A_51 [0] : vector<10000x128xf32> to vector<128xf32>
    %broadcast_in_dim3A_53 = vector.shape_cast %reduce_sum3A_52 : vector<128xf32> to vector<1x128xf32>
    %div3A_54 = arith.constant 1.000000e+04 : f32
    %div3A_55 = vector.broadcast %div3A_54 : f32 to vector<1x128xf32>
    %div3A_56 = arith.divf %broadcast_in_dim3A_53, %div3A_55 : vector<1x128xf32>
    %add3A_57 = arith.constant 9.99999974E-6 : f32
    %add3A_58 = vector.broadcast %add3A_57 : f32 to vector<1x128xf32>
    %add3A_59 = arith.addf %div3A_56, %add3A_58 : vector<1x128xf32>
    %rsqrt3A = math.rsqrt %add3A_59 : vector<1x128xf32>
    %mul3A_60 = vector.broadcast %rsqrt3A : vector<1x128xf32> to vector<10000x128xf32>
    %mul3A_61 = arith.mulf %sub3A_49, %mul3A_60 : vector<10000x128xf32>
    %broadcast_in_dim3A_62 = vector.shape_cast %get3A_40 : vector<128xf32> to vector<1x128xf32>
    %mul3A_63 = vector.broadcast %broadcast_in_dim3A_62 : vector<1x128xf32> to vector<10000x128xf32>
    %mul3A_64 = arith.mulf %mul3A_61, %mul3A_63 : vector<10000x128xf32>
    %broadcast_in_dim3A_65 = vector.shape_cast %get3A_42 : vector<128xf32> to vector<1x128xf32>
    %add3A_66 = vector.broadcast %broadcast_in_dim3A_65 : vector<1x128xf32> to vector<10000x128xf32>
    %add3A_67 = arith.addf %mul3A_64, %add3A_66 : vector<10000x128xf32>
    %max3A_68 = arith.constant 0.000000e+00 : f32
    %max3A_69 = vector.broadcast %max3A_68 : f32 to vector<10000x128xf32>
    %max3A_70 = arith.maximumf %add3A_67, %max3A_69 : vector<10000x128xf32>
    %get3A_71 = arith.constant 0 : index
    %get3A_72 = arith.constant 0 : index
    %get3A_73 = vector.load %arg8[%get3A_71, %get3A_72] : memref<128x128xf32, #tpu.memory_space<vmem>>, vector<128x128xf32>
    %dot_general3A_74 = arith.constant dense<0.000000e+00> : vector<10000x128xf32>
    %dot_general3A_75 = tpu.matmul %get3A_23, %get3A_73, %dot_general3A_74 {dimension_numbers = #tpu.dot_dimension_numbers<[1], [0], [0], [1], [0, 0, 1, 1], [], []>, transpose_lhs_hint = false} : vector<10000x128xf32>, vector<128x128xf32>, vector<10000x128xf32> -> vector<10000x128xf32>
    %add3A_76 = arith.addf %max3A_70, %dot_general3A_75 : vector<10000x128xf32>
    %swap3A_77 = arith.constant 0 : index
    %swap3A_78 = arith.constant 0 : index
    %swap3A_79 = vector.load %arg9[%swap3A_77, %swap3A_78] : memref<10128x128xf32, #tpu.memory_space<vmem>>, vector<10000x128xf32>
    tpu.vector_store %arg9[%swap3A_77, %swap3A_78], %add3A_76 {strides = array<i32>} : memref<10128x128xf32, #tpu.memory_space<vmem>>, vector<10000x128xf32>,
    %broadcast_in_dim3A_80 = arith.constant 0.000000e+00 : f32
    %broadcast_in_dim3A_81 = vector.broadcast %broadcast_in_dim3A_80 : f32 to vector<128x128xf32>
    %swap3A_82 = arith.constant 10000 : index
    %swap3A_83 = arith.constant 0 : index
    %swap3A_84 = vector.load %arg9[%swap3A_82, %swap3A_83] : memref<10128x128xf32, #tpu.memory_space<vmem>>, vector<128x128xf32>
    tpu.vector_store %arg9[%swap3A_82, %swap3A_83], %broadcast_in_dim3A_81 {strides = array<i32>} : memref<10128x128xf32, #tpu.memory_space<vmem>>, vector<128x128xf32>,
    return
  }
}

module attributes {stable_mosaic.version = 14 : i64} {
  func.func @_tc_layer1(%arg0: memref<20000x128xf32, #tpu.memory_space<vmem>>, %arg1: memref<10128x128xf32, #tpu.memory_space<vmem>>, %arg2: memref<10000x1xf32, #tpu.memory_space<vmem>>, %arg3: memref<128x128xf32, #tpu.memory_space<vmem>>, %arg4: memref<128xf32, #tpu.memory_space<vmem>>, %arg5: memref<128x128xf32, #tpu.memory_space<vmem>>, %arg6: memref<128xf32, #tpu.memory_space<vmem>>, %arg7: memref<128xf32, #tpu.memory_space<vmem>>, %arg8: memref<10128x128xf32, #tpu.memory_space<vmem>>) attributes {dimension_semantics = [], scalar_prefetch = 0 : i64, scratch_operands = 0 : i64, tpu.core_type = #tpu.core_type<tc>} {
    %get3A = arith.constant 0 : index
    %get3A_0 = arith.constant 0 : index
    %get3A_1 = vector.load %arg0[%get3A, %get3A_0] : memref<20000x128xf32, #tpu.memory_space<vmem>>, vector<20000x128xf32>
    %slice3A = vector.extract_strided_slice %get3A_1 {offsets = [0, 0], sizes = [10000, 128], strides = [1, 1]} : vector<20000x128xf32> to vector<10000x128xf32>
    %slice3A_2 = vector.extract_strided_slice %get3A_1 {offsets = [10000, 0], sizes = [10000, 128], strides = [1, 1]} : vector<20000x128xf32> to vector<10000x128xf32>
    %add3A = arith.addf %slice3A, %slice3A_2 : vector<10000x128xf32>
    %get3A_3 = arith.constant 0 : index
    %get3A_4 = arith.constant 0 : index
    %get3A_5 = vector.load %arg2[%get3A_3, %get3A_4] : memref<10000x1xf32, #tpu.memory_space<vmem>>, vector<10000x1xf32>
    %mul3A = vector.broadcast %get3A_5 : vector<10000x1xf32> to vector<10000x128xf32>
    %mul3A_6 = arith.mulf %add3A, %mul3A : vector<10000x128xf32>
    %get3A_7 = arith.constant 0 : index
    %get3A_8 = arith.constant 0 : index
    %get3A_9 = vector.load %arg1[%get3A_7, %get3A_8] : memref<10128x128xf32, #tpu.memory_space<vmem>>, vector<10000x128xf32>
    %get3A_10 = arith.constant 0 : index
    %get3A_11 = arith.constant 0 : index
    %get3A_12 = vector.load %arg3[%get3A_10, %get3A_11] : memref<128x128xf32, #tpu.memory_space<vmem>>, vector<128x128xf32>
    %dot_general3A = arith.constant dense<0.000000e+00> : vector<10000x128xf32>
    %dot_general3A_13 = tpu.matmul %mul3A_6, %get3A_12, %dot_general3A {dimension_numbers = #tpu.dot_dimension_numbers<[1], [0], [0], [1], [0, 0, 1, 1], [], []>, transpose_lhs_hint = false} : vector<10000x128xf32>, vector<128x128xf32>, vector<10000x128xf32> -> vector<10000x128xf32>
    %get3A_14 = arith.constant 0 : index
    %get3A_15 = vector.load %arg4[%get3A_14] : memref<128xf32, #tpu.memory_space<vmem>>, vector<128xf32>
    %broadcast_in_dim3A = vector.shape_cast %get3A_15 : vector<128xf32> to vector<1x128xf32>
    %add3A_16 = vector.broadcast %broadcast_in_dim3A : vector<1x128xf32> to vector<10000x128xf32>
    %add3A_17 = arith.addf %dot_general3A_13, %add3A_16 : vector<10000x128xf32>
    %get3A_18 = arith.constant 0 : index
    %get3A_19 = arith.constant 0 : index
    %get3A_20 = vector.load %arg5[%get3A_18, %get3A_19] : memref<128x128xf32, #tpu.memory_space<vmem>>, vector<128x128xf32>
    %dot_general3A_21 = arith.constant dense<0.000000e+00> : vector<10000x128xf32>
    %dot_general3A_22 = tpu.matmul %get3A_9, %get3A_20, %dot_general3A_21 {dimension_numbers = #tpu.dot_dimension_numbers<[1], [0], [0], [1], [0, 0, 1, 1], [], []>, transpose_lhs_hint = false} : vector<10000x128xf32>, vector<128x128xf32>, vector<10000x128xf32> -> vector<10000x128xf32>
    %add3A_23 = arith.addf %add3A_17, %dot_general3A_22 : vector<10000x128xf32>
    %get3A_24 = arith.constant 0 : index
    %get3A_25 = vector.load %arg6[%get3A_24] : memref<128xf32, #tpu.memory_space<vmem>>, vector<128xf32>
    %get3A_26 = arith.constant 0 : index
    %get3A_27 = vector.load %arg7[%get3A_26] : memref<128xf32, #tpu.memory_space<vmem>>, vector<128xf32>
    %reduce_sum3A = arith.constant dense<0.000000e+00> : vector<128xf32>
    %reduce_sum3A_28 = vector.multi_reduction <add>, %add3A_23, %reduce_sum3A [0] : vector<10000x128xf32> to vector<128xf32>
    %broadcast_in_dim3A_29 = vector.shape_cast %reduce_sum3A_28 : vector<128xf32> to vector<1x128xf32>
    %div3A = arith.constant 1.000000e+04 : f32
    %div3A_30 = vector.broadcast %div3A : f32 to vector<1x128xf32>
    %div3A_31 = arith.divf %broadcast_in_dim3A_29, %div3A_30 : vector<1x128xf32>
    %sub3A = vector.broadcast %div3A_31 : vector<1x128xf32> to vector<10000x128xf32>
    %sub3A_32 = arith.subf %add3A_23, %sub3A : vector<10000x128xf32>
    %mul3A_33 = arith.mulf %sub3A_32, %sub3A_32 : vector<10000x128xf32>
    %reduce_sum3A_34 = arith.constant dense<0.000000e+00> : vector<128xf32>
    %reduce_sum3A_35 = vector.multi_reduction <add>, %mul3A_33, %reduce_sum3A_34 [0] : vector<10000x128xf32> to vector<128xf32>
    %broadcast_in_dim3A_36 = vector.shape_cast %reduce_sum3A_35 : vector<128xf32> to vector<1x128xf32>
    %div3A_37 = arith.constant 1.000000e+04 : f32
    %div3A_38 = vector.broadcast %div3A_37 : f32 to vector<1x128xf32>
    %div3A_39 = arith.divf %broadcast_in_dim3A_36, %div3A_38 : vector<1x128xf32>
    %add3A_40 = arith.constant 9.99999974E-6 : f32
    %add3A_41 = vector.broadcast %add3A_40 : f32 to vector<1x128xf32>
    %add3A_42 = arith.addf %div3A_39, %add3A_41 : vector<1x128xf32>
    %rsqrt3A = math.rsqrt %add3A_42 : vector<1x128xf32>
    %mul3A_43 = vector.broadcast %rsqrt3A : vector<1x128xf32> to vector<10000x128xf32>
    %mul3A_44 = arith.mulf %sub3A_32, %mul3A_43 : vector<10000x128xf32>
    %broadcast_in_dim3A_45 = vector.shape_cast %get3A_25 : vector<128xf32> to vector<1x128xf32>
    %mul3A_46 = vector.broadcast %broadcast_in_dim3A_45 : vector<1x128xf32> to vector<10000x128xf32>
    %mul3A_47 = arith.mulf %mul3A_44, %mul3A_46 : vector<10000x128xf32>
    %broadcast_in_dim3A_48 = vector.shape_cast %get3A_27 : vector<128xf32> to vector<1x128xf32>
    %add3A_49 = vector.broadcast %broadcast_in_dim3A_48 : vector<1x128xf32> to vector<10000x128xf32>
    %add3A_50 = arith.addf %mul3A_47, %add3A_49 : vector<10000x128xf32>
    %max3A = arith.constant 0.000000e+00 : f32
    %max3A_51 = vector.broadcast %max3A : f32 to vector<10000x128xf32>
    %max3A_52 = arith.maximumf %add3A_50, %max3A_51 : vector<10000x128xf32>
    %add3A_53 = arith.addf %max3A_52, %get3A_9 : vector<10000x128xf32>
    %swap3A = arith.constant 0 : index
    %swap3A_54 = arith.constant 0 : index
    %swap3A_55 = vector.load %arg8[%swap3A, %swap3A_54] : memref<10128x128xf32, #tpu.memory_space<vmem>>, vector<10000x128xf32>
    tpu.vector_store %arg8[%swap3A, %swap3A_54], %add3A_53 {strides = array<i32>} : memref<10128x128xf32, #tpu.memory_space<vmem>>, vector<10000x128xf32>,
    %broadcast_in_dim3A_56 = arith.constant 0.000000e+00 : f32
    %broadcast_in_dim3A_57 = vector.broadcast %broadcast_in_dim3A_56 : f32 to vector<128x128xf32>
    %swap3A_58 = arith.constant 10000 : index
    %swap3A_59 = arith.constant 0 : index
    %swap3A_60 = vector.load %arg8[%swap3A_58, %swap3A_59] : memref<10128x128xf32, #tpu.memory_space<vmem>>, vector<128x128xf32>
    tpu.vector_store %arg8[%swap3A_58, %swap3A_59], %broadcast_in_dim3A_57 {strides = array<i32>} : memref<10128x128xf32, #tpu.memory_space<vmem>>, vector<128x128xf32>,
    return
  }
}

module attributes {stable_mosaic.version = 14 : i64} {
  func.func @_tc_layer2(%arg0: memref<20000x128xf32, #tpu.memory_space<vmem>>, %arg1: memref<10128x128xf32, #tpu.memory_space<vmem>>, %arg2: memref<10000x1xf32, #tpu.memory_space<vmem>>, %arg3: memref<128x128xf32, #tpu.memory_space<vmem>>, %arg4: memref<128xf32, #tpu.memory_space<vmem>>, %arg5: memref<128x128xf32, #tpu.memory_space<vmem>>, %arg6: memref<128xf32, #tpu.memory_space<vmem>>, %arg7: memref<128xf32, #tpu.memory_space<vmem>>, %arg8: memref<128x2xf32, #tpu.memory_space<vmem>>, %arg9: memref<2xf32, #tpu.memory_space<vmem>>, %arg10: memref<10000x2xf32, #tpu.memory_space<vmem>>) attributes {dimension_semantics = [], scalar_prefetch = 0 : i64, scratch_operands = 0 : i64, tpu.core_type = #tpu.core_type<tc>} {
    %get3A = arith.constant 0 : index
    %get3A_0 = arith.constant 0 : index
    %get3A_1 = vector.load %arg0[%get3A, %get3A_0] : memref<20000x128xf32, #tpu.memory_space<vmem>>, vector<20000x128xf32>
    %slice3A = vector.extract_strided_slice %get3A_1 {offsets = [0, 0], sizes = [10000, 128], strides = [1, 1]} : vector<20000x128xf32> to vector<10000x128xf32>
    %slice3A_2 = vector.extract_strided_slice %get3A_1 {offsets = [10000, 0], sizes = [10000, 128], strides = [1, 1]} : vector<20000x128xf32> to vector<10000x128xf32>
    %add3A = arith.addf %slice3A, %slice3A_2 : vector<10000x128xf32>
    %get3A_3 = arith.constant 0 : index
    %get3A_4 = arith.constant 0 : index
    %get3A_5 = vector.load %arg2[%get3A_3, %get3A_4] : memref<10000x1xf32, #tpu.memory_space<vmem>>, vector<10000x1xf32>
    %mul3A = vector.broadcast %get3A_5 : vector<10000x1xf32> to vector<10000x128xf32>
    %mul3A_6 = arith.mulf %add3A, %mul3A : vector<10000x128xf32>
    %get3A_7 = arith.constant 0 : index
    %get3A_8 = arith.constant 0 : index
    %get3A_9 = vector.load %arg1[%get3A_7, %get3A_8] : memref<10128x128xf32, #tpu.memory_space<vmem>>, vector<10000x128xf32>
    %get3A_10 = arith.constant 0 : index
    %get3A_11 = arith.constant 0 : index
    %get3A_12 = vector.load %arg3[%get3A_10, %get3A_11] : memref<128x128xf32, #tpu.memory_space<vmem>>, vector<128x128xf32>
    %dot_general3A = arith.constant dense<0.000000e+00> : vector<10000x128xf32>
    %dot_general3A_13 = tpu.matmul %mul3A_6, %get3A_12, %dot_general3A {dimension_numbers = #tpu.dot_dimension_numbers<[1], [0], [0], [1], [0, 0, 1, 1], [], []>, transpose_lhs_hint = false} : vector<10000x128xf32>, vector<128x128xf32>, vector<10000x128xf32> -> vector<10000x128xf32>
    %get3A_14 = arith.constant 0 : index
    %get3A_15 = vector.load %arg4[%get3A_14] : memref<128xf32, #tpu.memory_space<vmem>>, vector<128xf32>
    %broadcast_in_dim3A = vector.shape_cast %get3A_15 : vector<128xf32> to vector<1x128xf32>
    %add3A_16 = vector.broadcast %broadcast_in_dim3A : vector<1x128xf32> to vector<10000x128xf32>
    %add3A_17 = arith.addf %dot_general3A_13, %add3A_16 : vector<10000x128xf32>
    %get3A_18 = arith.constant 0 : index
    %get3A_19 = arith.constant 0 : index
    %get3A_20 = vector.load %arg5[%get3A_18, %get3A_19] : memref<128x128xf32, #tpu.memory_space<vmem>>, vector<128x128xf32>
    %dot_general3A_21 = arith.constant dense<0.000000e+00> : vector<10000x128xf32>
    %dot_general3A_22 = tpu.matmul %get3A_9, %get3A_20, %dot_general3A_21 {dimension_numbers = #tpu.dot_dimension_numbers<[1], [0], [0], [1], [0, 0, 1, 1], [], []>, transpose_lhs_hint = false} : vector<10000x128xf32>, vector<128x128xf32>, vector<10000x128xf32> -> vector<10000x128xf32>
    %add3A_23 = arith.addf %add3A_17, %dot_general3A_22 : vector<10000x128xf32>
    %get3A_24 = arith.constant 0 : index
    %get3A_25 = vector.load %arg6[%get3A_24] : memref<128xf32, #tpu.memory_space<vmem>>, vector<128xf32>
    %get3A_26 = arith.constant 0 : index
    %get3A_27 = vector.load %arg7[%get3A_26] : memref<128xf32, #tpu.memory_space<vmem>>, vector<128xf32>
    %reduce_sum3A = arith.constant dense<0.000000e+00> : vector<128xf32>
    %reduce_sum3A_28 = vector.multi_reduction <add>, %add3A_23, %reduce_sum3A [0] : vector<10000x128xf32> to vector<128xf32>
    %broadcast_in_dim3A_29 = vector.shape_cast %reduce_sum3A_28 : vector<128xf32> to vector<1x128xf32>
    %div3A = arith.constant 1.000000e+04 : f32
    %div3A_30 = vector.broadcast %div3A : f32 to vector<1x128xf32>
    %div3A_31 = arith.divf %broadcast_in_dim3A_29, %div3A_30 : vector<1x128xf32>
    %sub3A = vector.broadcast %div3A_31 : vector<1x128xf32> to vector<10000x128xf32>
    %sub3A_32 = arith.subf %add3A_23, %sub3A : vector<10000x128xf32>
    %mul3A_33 = arith.mulf %sub3A_32, %sub3A_32 : vector<10000x128xf32>
    %reduce_sum3A_34 = arith.constant dense<0.000000e+00> : vector<128xf32>
    %reduce_sum3A_35 = vector.multi_reduction <add>, %mul3A_33, %reduce_sum3A_34 [0] : vector<10000x128xf32> to vector<128xf32>
    %broadcast_in_dim3A_36 = vector.shape_cast %reduce_sum3A_35 : vector<128xf32> to vector<1x128xf32>
    %div3A_37 = arith.constant 1.000000e+04 : f32
    %div3A_38 = vector.broadcast %div3A_37 : f32 to vector<1x128xf32>
    %div3A_39 = arith.divf %broadcast_in_dim3A_36, %div3A_38 : vector<1x128xf32>
    %add3A_40 = arith.constant 9.99999974E-6 : f32
    %add3A_41 = vector.broadcast %add3A_40 : f32 to vector<1x128xf32>
    %add3A_42 = arith.addf %div3A_39, %add3A_41 : vector<1x128xf32>
    %rsqrt3A = math.rsqrt %add3A_42 : vector<1x128xf32>
    %mul3A_43 = vector.broadcast %rsqrt3A : vector<1x128xf32> to vector<10000x128xf32>
    %mul3A_44 = arith.mulf %sub3A_32, %mul3A_43 : vector<10000x128xf32>
    %broadcast_in_dim3A_45 = vector.shape_cast %get3A_25 : vector<128xf32> to vector<1x128xf32>
    %mul3A_46 = vector.broadcast %broadcast_in_dim3A_45 : vector<1x128xf32> to vector<10000x128xf32>
    %mul3A_47 = arith.mulf %mul3A_44, %mul3A_46 : vector<10000x128xf32>
    %broadcast_in_dim3A_48 = vector.shape_cast %get3A_27 : vector<128xf32> to vector<1x128xf32>
    %add3A_49 = vector.broadcast %broadcast_in_dim3A_48 : vector<1x128xf32> to vector<10000x128xf32>
    %add3A_50 = arith.addf %mul3A_47, %add3A_49 : vector<10000x128xf32>
    %max3A = arith.constant 0.000000e+00 : f32
    %max3A_51 = vector.broadcast %max3A : f32 to vector<10000x128xf32>
    %max3A_52 = arith.maximumf %add3A_50, %max3A_51 : vector<10000x128xf32>
    %add3A_53 = arith.addf %max3A_52, %get3A_9 : vector<10000x128xf32>
    %get3A_54 = arith.constant 0 : index
    %get3A_55 = arith.constant 0 : index
    %get3A_56 = vector.load %arg8[%get3A_54, %get3A_55] : memref<128x2xf32, #tpu.memory_space<vmem>>, vector<128x2xf32>
    %dot_general3A_57 = arith.constant dense<0.000000e+00> : vector<10000x2xf32>
    %dot_general3A_58 = tpu.matmul %add3A_53, %get3A_56, %dot_general3A_57 {dimension_numbers = #tpu.dot_dimension_numbers<[1], [0], [0], [1], [0, 0, 1, 1], [], []>, transpose_lhs_hint = false} : vector<10000x128xf32>, vector<128x2xf32>, vector<10000x2xf32> -> vector<10000x2xf32>
    %get3A_59 = arith.constant 0 : index
    %get3A_60 = vector.load %arg9[%get3A_59] : memref<2xf32, #tpu.memory_space<vmem>>, vector<2xf32>
    %broadcast_in_dim3A_61 = vector.shape_cast %get3A_60 : vector<2xf32> to vector<1x2xf32>
    %add3A_62 = vector.broadcast %broadcast_in_dim3A_61 : vector<1x2xf32> to vector<10000x2xf32>
    %add3A_63 = arith.addf %dot_general3A_58, %add3A_62 : vector<10000x2xf32>
    %swap3A = arith.constant 0 : index
    %swap3A_64 = arith.constant 0 : index
    %swap3A_65 = vector.load %arg10[%swap3A, %swap3A_64] : memref<10000x2xf32, #tpu.memory_space<vmem>>, vector<10000x2xf32>
    tpu.vector_store %arg10[%swap3A, %swap3A_64], %add3A_63 {strides = array<i32>} : memref<10000x2xf32, #tpu.memory_space<vmem>>, vector<10000x2xf32>,
    return
  }
}

</mosaic_0001>

<sc_bundles>
// kernel: kernel.11.cloned.1.call-start
scs
__scs_entry_jumppad:
0x0: {  	(pc) =	sbr.rel $0x88, $3  }
0x1: {  	(tag) =	ssettag $0x0;
	lr =	simm.s32 $0x1  }
0x2: {  	[smem:$0x3F8D] =	sst lr;
	_ =	strace $0xD0000000  }
0x3: {  	_ = 	snop  }
0x4: {  	_ = 	snop  }
0x5: {  	_ = 	snop  }
0x6: {  	_ = 	snop  }
0x7: {  	_ = 	snop  }
__scs_overlays_trampoline_lowered:
0x8: {  	[smem:$0x3F9C] =	sst s0  }
0x9: {  	[smem:$0x3F9D] =	sst s1  }
0xa: {  	[smem:$0x3F9E] =	sst s2  }
0xb: {  	[smem:$0x3F9F] =	sst s3  }
0xc: {  	[smem:$0x3FA0] =	sst s4  }
0xd: {  	[smem:$0x3FA1] =	sst s5  }
0xe: {  	[smem:$0x3FA2] =	sst s6  }
0xf: {  	[smem:$0x3FA3] =	sst s7  }
0x10: {  	[smem:$0x3FA4] =	sst s8  }
0x11: {  	[smem:$0x3FA5] =	sst s9;
	s0 =	simm.s32 @!p0 $0x0  }
0x12: {  	s1 =	sld [smem:$0x3F8B];
	s0 =	simm.s32 @p0 $0x1  }
0x13: {  	[smem:$0x3FA6] =	sst s0;
	s0 =	simm.s32 @!p1 $0x0  }
0x14: {  	s2 =	sld [smem:$0x3F8A];
	s0 =	simm.s32 @p1 $0x1  }
0x15: {  	[smem:$0x3FA7] =	sst s0;
	s0 =	simm.s32 @!p2 $0x0  }
0x16: {  	s3 =	sld [smem:$0x3FDB];
	s0 =	simm.s32 @p2 $0x1  }
0x17: {  	s4 =	simm.s32 $0x1BF5;
	[smem:$0x3FA9] =	sst s0  }
0x18: {  	s0 =	sld [smem:$0x3F8C];
	_ =	swait.ge [sflag:s4], $0x0  }
0x19: {  	s7 =	sld [smem:$0x3F8D]  }
0x1a: {  	s8 =	sadd.s32 $0xFFFFE003, lr  }
0x1b: {  	s9 =	sadd.s32 $0xFFFFFEF7, lr;
	s5 =	simm.s32 $0xFFFFFFFF;
	p2 =	slt.u32 s8, $0xFFFFF086  }
0x1c: {  	p1 =	slt.u32 s9, $0xF7A;
	s5 =	simm.s32 @!p2 $0x0  }
0x1d: {  	s5 =	simm.s32 @p1 $0x1;
	p0 =	seq.s32 s7, s2  }
0x1e: {  	s7 =	smul.u32 @!p0 $0xF7A, s2;
	p2 =	seq.s32 @!p0 s5, $0x0  }
0x1f: {  	s9 =	smul.u32 $0xF7A, s1;
	s8 =	simm.s32 @!p0 $0x1BF5;
	p2 =	por !p2, p0  }
0x20: {  	[sflag:s8] =	ssyncset.s32 @!p0 $0xFFFFF086;
	s6 =	sadd.s32 @!p0 s3, s7;
	s7 =	simm.s32 @!p0 $0x108  }
0x21: {  	s3 =	sadd.s32 s3, s9;
	s6 =	sadd.s32 @!p0 $0x88, s6;
	s7 =	simm.s32 @p2 $0x1082  }
0x22: {  	[simem:s7], [sflag:s8] =	dma.local @!p0 [hbm:s6], $0xF7A  }
0x23: {  	s9 =	sor.u32 $0xD0000000, s2;
	s6 =	simm.s32 $0x108;
	_ =	swait.ge @!p0 [sflag:s8], $0x0  }
0x24: {  	s3 =	sadd.s32 $0x88, s3;
	s6 =	simm.s32 @!p1 $0x1082;
	[sflag:s4] =	ssyncset.s32 $0xFFFFF086  }
0x25: {  	[simem:s6], [sflag:s4] =	dma.local [hbm:s3], $0xF7A  }
0x26: {  	[smem:$0x3F8D] =	sst s1;
	(tag) =	ssettag s2;
	_ =	strace s9  }
0x27: {  	s1 =	sld [smem:$0x3F9D]  }
0x28: {  	s2 =	sld [smem:$0x3F9E]  }
0x29: {  	s4 =	sld [smem:$0x3FA0]  }
0x2a: {  	p0 =	seq.s32 s5, $0x0;
	s5 =	sld [smem:$0x3FA1]  }
0x2b: {  	s6 =	sld [smem:$0x3FA2]  }
0x2c: {  	s7 =	sld [smem:$0x3FA3]  }
0x2d: {  	s3 =	simm.s32 $0x108;
	s8 =	sld [smem:$0x3FA4]  }
0x2e: {  	s3 =	simm.s32 @!p0 $0x1082;
	s9 =	sld [smem:$0x3FA5]  }
0x2f: {  	lr =	sadd.s32 s0, s3;
	s0 =	sld [smem:$0x3F9C]  }
0x30: {  	s3 =	sld [smem:$0x3F9F]  }
0x31: {  	[smem:$0x3FA8] =	sst s10  }
0x32: {  	s10 =	sld [smem:$0x3FA6];
	_ =	sdelay $0x3  }
0x33: {  	p0 =	seq.s32 s10, $0x1;
	s10 =	sld [smem:$0x3FA8];
	_ =	sdelay $0x3  }
0x34: {  	[smem:$0x3FA8] =	sst s10  }
0x35: {  	s10 =	sld [smem:$0x3FA7];
	_ =	sdelay $0x3  }
0x36: {  	p1 =	seq.s32 s10, $0x1;
	s10 =	sld [smem:$0x3FA8];
	_ =	sdelay $0x3  }
0x37: {  	[smem:$0x3FA8] =	sst s10  }
0x38: {  	s10 =	sld [smem:$0x3FA9]  }
0x39: {  	_ = 	snop;
	(pc) =	sbr.ind lr, $3  }
0x3a: {  	_ = 	snop  }
0x3b: {  	_ = 	snop  }
0x3c: {  	p2 =	seq.s32 s10, $0x1;
	s10 =	sld [smem:$0x3FA8]  }
0x3d: {  	_ =	shalt  }
0x3e: {  	_ =	shalt  }
0x3f: {  	_ =	shalt  }
0x40: {  	_ =	shalt  }
0x41: {  	_ =	shalt  }
0x42: {  	_ =	shalt  }
0x43: {  	_ =	shalt  }
0x44: {  	_ =	shalt  }
0x45: {  	_ =	shalt  }
0x46: {  	_ =	shalt  }
0x47: {  	_ =	shalt  }
0x48: {  	_ =	shalt  }
0x49: {  	_ =	shalt  }
0x4a: {  	_ =	shalt  }
0x4b: {  	_ =	shalt  }
0x4c: {  	_ =	shalt  }
0x4d: {  	_ =	shalt  }
0x4e: {  	_ =	shalt  }
0x4f: {  	_ =	shalt  }
0x50: {  	_ =	shalt  }
0x51: {  	_ =	shalt  }
0x52: {  	_ =	shalt  }
0x53: {  	_ =	shalt  }
0x54: {  	_ =	shalt  }
0x55: {  	_ =	shalt  }
0x56: {  	_ =	shalt  }
0x57: {  	_ =	shalt  }
0x58: {  	_ =	shalt  }
0x59: {  	_ =	shalt  }
0x5a: {  	_ =	shalt  }
0x5b: {  	_ =	shalt  }
0x5c: {  	_ =	shalt  }
0x5d: {  	_ =	shalt  }
0x5e: {  	_ =	shalt  }
0x5f: {  	_ =	shalt  }
0x60: {  	_ =	shalt  }
0x61: {  	_ =	shalt  }
0x62: {  	_ =	shalt  }
0x63: {  	_ =	shalt  }
0x64: {  	_ =	shalt  }
0x65: {  	_ =	shalt  }
0x66: {  	_ =	shalt  }
0x67: {  	_ =	shalt  }
0x68: {  	_ =	shalt  }
0x69: {  	_ =	shalt  }
0x6a: {  	_ =	shalt  }
0x6b: {  	_ =	shalt  }
0x6c: {  	_ =	shalt  }
0x6d: {  	_ =	shalt  }
0x6e: {  	_ =	shalt  }
0x6f: {  	_ =	shalt  }
0x70: {  	_ =	shalt  }
0x71: {  	_ =	shalt  }
0x72: {  	_ =	shalt  }
0x73: {  	_ =	shalt  }
0x74: {  	_ =	shalt  }
0x75: {  	_ =	shalt  }
0x76: {  	_ =	shalt  }
0x77: {  	_ =	shalt  }
0x78: {  	_ =	shalt  }
0x79: {  	_ =	shalt  }
0x7a: {  	_ =	shalt  }
0x7b: {  	_ =	shalt  }
0x7c: {  	_ =	shalt  }
0x7d: {  	_ =	shalt  }
0x7e: {  	_ =	shalt  }
0x7f: {  	_ =	shalt  }
0x80: {  	_ =	shalt  }
0x81: {  	_ =	shalt  }
0x82: {  	_ =	shalt  }
0x83: {  	_ =	shalt  }
0x84: {  	_ =	shalt  }
0x85: {  	_ =	shalt  }
0x86: {  	_ =	shalt  }
0x87: {  	_ =	shalt  }
.Lfunc_end0:
.L_simem_size_0:
called_computation.1_lowered:
.L_overlay_start_0:
0x88: {  	s2 =	sld [smem:$0x3FD9]  }
0x89: {  	s3 =	sld [smem:$0x3FFE];
	_ =	sdelay $0x1  }
0x8a: {  	s1 =	srdreg.scid  }
0x8b: {  	s0 =	sand.u32 $0x1, s1  }
0x8c: {  	s16 =	sshll.u32 s0, $0xA;
	s2 =	sadd.s32 s3, s2  }
0x8d: {  	s2 =	sadd.s32 s2, s16  }
0x8e: {  	[smem:$0x3FB4] =	sst s2  }
0x8f: {  	_ = 	snop  }
0x90: {  	(tm) =	ssettm $0x1  }
0x91: {  	s17 =	sld [smem:$0x3FFB];
	_ =	sdelay $0x3  }
0x92: {  	_ =	strace s17  }
0x93: {  	s2 =	sld [smem:$0x3FFC];
	_ =	sdelay $0x3  }
0x94: {  	_ =	strace s2  }
0x95: {  	s2 =	sld [smem:$0x3FFD];
	_ =	sdelay $0x3  }
0x96: {  	_ =	strace s2  }
0x97: {  	_ =	strace $0x8FFFFFFF  }
0x98: {  	s18 =	sld [smem:$0x3FDB];
	_ =	sdelay $0x1  }
0x99: {  	s19 =	simm.s32 $_scs_section_size  }
0x9a: {  	s4 =	simm.s32 $_size__tile_overlayer_lowered;
	s5 =	simm.s32 $_tile_overlayer_lowered  }
0x9b: {  	s22 =	simm.s32 $0x1BFF;
	s21 =	sshll.u32 s5, $0x1;
	s2 =	sadd.s32 s19, s18  }
0x9c: {  	s6 =	simm.s32 $0x0;
	s20 =	sshll.u32 s4, $0x1;
	s4 =	sadd.s32 s21, s2  }
0x9d: {  	[timem:s6], [sflag:s22] =	dma.local [hbm:s4], s20  }
0x9e: {  	_ =	swait.ge [sflag:s22], s20  }
0x9f: {  	s3 =	ssub.s32 $0x0, s20;
	[sflag:s22] =	ssyncset.done $0x0  }
0xa0: {  	[sflag:s22] =	ssyncadd.s32 s3;
	_ =	sdelay $0x1  }
0xa1: {  	s23 =	simm.s32 $0x1B8B  }
0xa2: {  	_ =	swait.ge [sflag:s23], $0x1  }
0xa3: {  	[sflag:s23] =	ssyncset.done $0x0  }
0xa4: {  	s25 =	simm.s32 $0x1B8E;
	s24 =	sld [smem:$0x3FFE];
	[sflag:s23] =	ssyncadd.s32 $0xFFFFFFFF  }
0xa5: {  	s26 =	simm.s32 $execute0_lowered;
	[smem:$0x3FD2] =	sst s25  }
0xa6: {  	s4 =	sshll.u32 s26, $0x1;
	_ =	strace $0x80000049;
	[dreg:$0x1] =	wrdreg $0xFFFFFFFF  }
0xa7: {  	s28 =	simm.s32 $_size_execute0_lowered;
	s2 =	sadd.s32 s2, s4;
	[dreg:$0x0] =	wrdreg $0x0  }
0xa8: {  	s4 =	sshll.u32 s28, $0x1;
	[dreg:$0x2] =	wrdreg s2  }
0xa9: {  	[dreg:$0x3] =	wrdreg s4  }
0xaa: {  	[dreg:$0x4] =	wrdreg $0xC0  }
0xab: {  	_ =	task [dreg:s6], $0x5FFFF  }
0xac: {  	[dreg:$0x1] =	wrdreg $0xFFFFFFFF  }
0xad: {  	[dreg:$0x0] =	wrdreg $0x60  }
0xae: {  	[dreg:$0x2] =	wrdreg s24  }
0xaf: {  	[dreg:$0x3] =	wrdreg $0x90000  }
0xb0: {  	[dreg:$0x4] =	wrdreg $0x9  }
0xb1: {  	_ =	task.clear_ibuf [dreg:s6], $0x5FFFF;
	_ =	strace $0x90000049  }
0xb2: {  	s29 =	simm.s32 $0x9;
	_ =	strace $0x8000004B  }
0xb3: {  	_ =	swait.ge [sflag:s29], $0x1  }
0xb4: {  	[sflag:s29] =	ssyncadd.s32 $0xFFFFFFFF  }
0xb5: {  	_ =	strace $0x9000004B  }
0xb6: {  	_ =	sfence  }
0xb7: {  	s30 =	sld [smem:$0x0];
	_ =	sdelay $0x2  }
0xb8: {  	s31 =	sshll.u32 s1, $0xD;
	s1 =	sshrl.u32 s1, $0x2  }
0xb9: {  	s3 =	sand.u32 $0x4000, s31;
	s1 =	sadd.s32 s1, s30  }
0xba: {  	s0 =	sor.u32 s3, s0;
	s1 =	sshll.u32 s1, $0x11  }
0xbb: {  	s0 =	sor.u32 s1, s0  }
0xbc: {  	s0 =	sadd.s32 $0x8F2B, s0  }
0xbd: {  	[sflag:s0] =	ssyncadd.remote.s32 $0x1  }
0xbe: {  	_ =	sfence.sel $0xFFFF  }
0xbf: {  	[dreg:$0x0] =	wrdreg $0xFFFFFFFF;
	(pc) =	sbr.abs _section_cstart, $3  }
0xc0: {  	[dreg:$0x1] =	wrdreg $0xFFFFFFFF  }
0xc1: {  	_ =	task.clear_ibuf [dreg:s6], $0x2FFFF;
	_ =	strace $0x9FFFFFFF  }
0xc2: {  	(tm) =	ssettm $0x7FFFFFFF  }
0xc3: {  	_ =	shalt  }
tec
execute0_lowered:
.L_overlay_start_1:
0x0: {  	(tag) =	ssettag $0x1  }
0x1: {  	s0 =	srdreg.scid  }
0x2: {  	s12 =	stileid.u32;
	s1 =	rddreg [dreg:$0x0]  }
0x3: {  	s2 =	rddreg [dreg:$0x1];
	s3 =	simm.s32 $0x0;
	s26 =	simm.s32 $0x480  }
0x4: {  	s14 =	simm.s32 $0x180;
	s16 =	simm.s32 $0x580;
	s17 =	simm.s32 $0x200  }
0x5: {  	s19 =	simm.s32 $0x600;
	s20 =	simm.s32 $0x280;
	[smem:$0x7FF] =	sst s3  }
0x6: {  	s21 =	simm.s32 $0x680;
	_ =	strace $0x8000004A;
	[dreg:$0x6] =	wrdreg s26  }
0x7: {  	s28 =	simm.s32 $0x80;
	s29 =	simm.s32 $0x1;
	[dreg:$0x9] =	wrdreg s14  }
0x8: {  	s0 =	sand.u32 $0x1, s0;
	s5 =	smul.u32 $0x271, s12;
	[dreg:$0xa] =	wrdreg s16  }
0x9: {  	s7 =	smul.u32 $0xA00, s12;
	s4 =	sadd.s32 $0x4E00, s1;
	[dreg:$0xb] =	wrdreg s17  }
0xa: {  	s24 =	sshll.u32 s12, $0x1;
	s6 =	smul.u32 $0x2710, s0;
	[dreg:$0xc] =	wrdreg s19  }
0xb: {  	s8 =	smul.u32 $0x500, s0;
	s22 =	ssub.s32 $0x2, s0;
	[dreg:$0xd] =	wrdreg s20  }
0xc: {  	s0 =	sor.u32 s0, s24;
	[dreg:$0xe] =	wrdreg s21;
	s24 =	simm.s32 $0x700  }
0xd: {  	s15 =	smul.u32 $0x4E200, s12;
	s17 =	simm.s32 $0xC80;
	[dreg:$0x10] =	wrdreg s24  }
0xe: {  	s19 =	simm.s32 $0x900;
	s20 =	simm.s32 $0xD00;
	[dreg:$0x14] =	wrdreg s17  }
0xf: {  	s11 =	sshrl.u32 s22, $0x1;
	s0 =	smul.u32 $0x500, s0;
	[dreg:$0x15] =	wrdreg s19  }
0x10: {  	s18 =	sshrl.u32 s15, $0x2;
	s15 =	simm.s32 $0x880;
	[dreg:$0x16] =	wrdreg s20  }
0x11: {  	s24 =	simm.s32 $0xA00;
	s6 =	sadd.s32 s5, s6;
	[dreg:$0x13] =	wrdreg s15  }
0x12: {  	s5 =	sadd.s32 $0x2C800, s1;
	[dreg:$0x19] =	wrdreg s24;
	s9 =	sshll.u32 s6, $0x4  }
0x13: {  	s6 =	sadd.s32 s8, s7;
	s7 =	sadd.s32 $0x36800, s1;
	s13 =	sadd.s32 s5, s0  }
0x14: {  	s1 =	sadd.s32 s9, s1;
	s25 =	sadd.s32 $0x100, s6;
	[dreg:$0x1c] =	wrdreg s13  }
0x15: {  	s9 =	ssub.s32 s22, s11;
	s11 =	simm.s32 $0x500;
	[dreg:$0x5] =	wrdreg s25  }
0x16: {  	s8 =	sadd.s32 s5, s6;
	s0 =	sadd.s32 s7, s0;
	[dreg:$0x8] =	wrdreg s11  }
0x17: {  	s10 =	sadd.s32 s7, s6;
	s8 =	sadd.s32 $0x80, s8;
	[dreg:$0x1d] =	wrdreg s0  }
0x18: {  	s30 =	simm.s32 $0x5000;
	s23 =	sadd.s32 $0x80, s10;
	[dreg:$0x3] =	wrdreg s8  }
0x19: {  	s31 =	simm.s32 $0x2;
	s10 =	simm.s32 $0x100;
	[dreg:$0x4] =	wrdreg s23  }
0x1a: {  	s17 =	simm.s32 $0xF80;
	s26 =	sadd.s32 $0x40800, s1;
	[dreg:$0x7] =	wrdreg s10  }
0x1b: {  	s24 =	simm.s32 $0x5;
	s25 =	simm.s32 $0x380;
	[smem:$0x7F8] =	sst s26  }
0x1c: {  	s15 =	simm.s32 $0xF00;
	s12 =	sadd.s32 $0x41000, s1;
	[dreg:$0x11] =	wrdreg s25  }
0x1d: {  	s11 =	simm.s32 $0x780;
	s16 =	sadd.s32 $0x41800, s1;
	[smem:$0x7F9] =	sst s12  }
0x1e: {  	s21 =	smax.u32 s9, $0x1;
	s0 =	simm.s32 $0x6;
	[dreg:$0x12] =	wrdreg s11  }
0x1f: {  	s9 =	simm.s32 $0xB00;
	s10 =	sadd.s32 s18, s2;
	[smem:$0x7FA] =	sst s16  }
0x20: {  	s23 =	simm.s32 $0x300;
	s18 =	sadd.s32 $0x42000, s1;
	[smem:$0x7FD] =	sst s21  }
0x21: {  	s1 =	sadd.s32 $0x42800, s1;
	s21 =	simm.s32 $0x400;
	[dreg:$0xf] =	wrdreg s23  }
0x22: {  	s25 =	simm.s32 $0xE00;
	s26 =	simm.s32 $0xA80;
	[smem:$0x7FB] =	sst s18  }
0x23: {  	s16 =	simm.s32 $0xB80;
	s8 =	sadd.s32 $0x4000, s10;
	[smem:$0x7FC] =	sst s1  }
0x24: {  	s22 =	sadd.s32 $0x8000, s10;
	s13 =	sadd.s32 $0xC000, s10;
	[dreg:$0x1a] =	wrdreg s25  }
0x25: {  	s14 =	sadd.s32 $0x10000, s10;
	s23 =	simm.s32 $0xD80;
	[dreg:$0x1b] =	wrdreg s26  }
0x26: {  	s25 =	simm.s32 $0x800;
	s26 =	simm.s32 $0xC00;
	[dreg:$0x1e] =	wrdreg s8  }
0x27: {  	s1 =	simm.s32 $0x4;
	s18 =	simm.s32 $0x0;
	[dreg:$0x1f] =	wrdreg s22  }
0x28: {  	s22 =	simm.s32 $0x980;
	[dreg:$0x18] =	wrdreg s23;
	s23 =	simm.s32 $0x3  }
0x29: {  	v0 =	vimm.f32 $0.0e+00;
	s8 =	simm.s32 $0xE80;
	[dreg:$0x17] =	wrdreg s22;
	s22 =	simm.s32 $0x1000  }
.LBB2_1:
0x2a: {  	s11 =	rddreg [dreg:$0x1c]  }
0x2b: {  	[tilespmem:s3], [sflag:$0x5] =	stream.linear.gather [hbm4b:s11+s3], $0x400, $0x38;
	[tilespmem:$0x1C880] =	vst v63  }
0x2c: {  	s20 =	rddreg [dreg:$0x1d]  }
0x2d: {  	[tilespmem:s21], [sflag:$0x5] =	stream.linear.gather [hbm4b:s20+s3], $0x400, $0x38;
	[tilespmem:$0x1C880] =	vst v63  }
0x2e: {  	s19 =	simm.s32 $0x0;
	s20 =	simm.s32 $0x200  }
.LBB2_2:
0x2f: {  	p0 =	sne.s32 s20, $0xFE00;
	[tilespmem:s19+$0x1070] =	vst v0  }
0x30: {  	[tilespmem:s19+$0x1000] =	vst v0  }
0x31: {  	[tilespmem:s19+$0x1010] =	vst v0  }
.Ltmp0:
0x32: {  	[tilespmem:s19+$0x1020] =	vst v0;
	(pc) =	sbr.rel @p0 .LBB2_2-.Ltmp0, $4  }
0x33: {  	[tilespmem:s19+$0x1030] =	vst v0  }
0x34: {  	[tilespmem:s19+$0x1040] =	vst v0  }
0x35: {  	[tilespmem:s19+$0x1050] =	vst v0  }
0x36: {  	[tilespmem:s19+$0x1060] =	vst v0;
	s19 =	sshra.s32 s20, $0x2;
	s20 =	sadd.s32 $0x200, s20  }
0x37: {  	[tilespmem:s19+$0x1070] =	vst v0  }
0x38: {  	[tilespmem:s19+$0x1000] =	vst v0  }
0x39: {  	[tilespmem:s19+$0x1010] =	vst v0  }
0x3a: {  	[tilespmem:s19+$0x1020] =	vst v0  }
0x3b: {  	[tilespmem:s19+$0x1030] =	vst v0  }
0x3c: {  	[tilespmem:s19+$0x1040] =	vst v0  }
0x3d: {  	[tilespmem:s19+$0x1050] =	vst v0  }
0x3e: {  	[tilespmem:s19+$0x1060] =	vst v0  }
0x3f: {  	[spmem:s10] =	stream.linear.scatter [tilespmem:s22], [sflag:$0x3], $0x4000, $0x38;
	[tilespmem:$0x1C880] =	vst v63  }
0x40: {  	s11 =	rddreg [dreg:$0x1e]  }
0x41: {  	[spmem:s11] =	stream.linear.scatter [tilespmem:s22], [sflag:$0x3], $0x4000, $0x38;
	[tilespmem:$0x1C880] =	vst v63  }
0x42: {  	s20 =	rddreg [dreg:$0x1f]  }
0x43: {  	[spmem:s20] =	stream.linear.scatter [tilespmem:s22], [sflag:$0x3], $0x4000, $0x38;
	[tilespmem:$0x1C880] =	vst v63  }
0x44: {  	_ = 	snop  }
0x45: {  	[spmem:s13] =	stream.linear.scatter [tilespmem:s22], [sflag:$0x3], $0x4000, $0x38;
	[tilespmem:$0x1C880] =	vst v63  }
0x46: {  	_ = 	snop  }
0x47: {  	[spmem:s14] =	stream.linear.scatter [tilespmem:s22], [sflag:$0x3], $0x3880, $0x38;
	[tilespmem:$0x1C880] =	vst v63  }
0x48: {  	_ =	swait.ge [sflag:s23], $0x4000  }
0x49: {  	[sflag:s23] =	ssyncset.done $0x0  }
0x4a: {  	[sflag:s23] =	ssyncadd.s32 $0xFFFFC000  }
0x4b: {  	_ =	swait.ge [sflag:s23], $0x4000  }
0x4c: {  	[sflag:s23] =	ssyncset.done $0x0  }
0x4d: {  	[sflag:s23] =	ssyncadd.s32 $0xFFFFC000  }
0x4e: {  	_ =	swait.ge [sflag:s23], $0x4000  }
0x4f: {  	[sflag:s23] =	ssyncset.done $0x0  }
0x50: {  	[sflag:s23] =	ssyncadd.s32 $0xFFFFC000  }
0x51: {  	_ =	swait.ge [sflag:s23], $0x4000  }
0x52: {  	[sflag:s23] =	ssyncset.done $0x0  }
0x53: {  	[sflag:s23] =	ssyncadd.s32 $0xFFFFC000  }
0x54: {  	_ =	swait.ge [sflag:s23], $0x3880  }
0x55: {  	[sflag:s23] =	ssyncset.done $0x0  }
0x56: {  	[sflag:s23] =	ssyncadd.s32 $0xFFFFC780  }
0x57: {  	[bflag:$0x0] =	sbarrier.arrive $0xFFFF  }
0x58: {  	_ =	swait.ge [sflag:s24], $0x400  }
0x59: {  	[sflag:s24] =	ssyncset.done $0x0  }
0x5a: {  	[sflag:s24] =	ssyncadd.s32 $0xFFFFFC00  }
0x5b: {  	_ =	swait.ge [sflag:s24], $0x400  }
0x5c: {  	s11 =	rddreg [dreg:$0x3];
	[sflag:s24] =	ssyncset.done $0x0  }
0x5d: {  	s20 =	rddreg [dreg:$0x4];
	[sflag:s24] =	ssyncadd.s32 $0xFFFFFC00;
	s19 =	sadd.s32 $0x0, s11  }
0x5e: {  	[tilespmem:s25], [sflag:$0x6] =	stream.linear.gather [hbm4b:s19+s3], $0x400, $0x38;
	[tilespmem:$0x1C880] =	vst v63  }
0x5f: {  	s12 =	sadd.s32 $0x0, s20  }
0x60: {  	[tilespmem:s26], [sflag:$0x6] =	stream.linear.gather [hbm4b:s12+s3], $0x400, $0x38;
	[tilespmem:$0x1C880] =	vst v63  }
0x61: {  	_ = 	snop  }
0x62: {  	[tilespmem:s22], [sflag:$0x1] =	stream.indirect.gather [hbm4b:s4+s28], $0x80, s3, s28, $0xb8;
	[tilespmem:$0x1C880] =	vst v63  }
0x63: {  	_ =	swait.ge [sflag:s29], $0x4000  }
0x64: {  	[sflag:s29] =	ssyncset.done $0x0  }
0x65: {  	[sflag:s29] =	ssyncadd.s32 $0xFFFFC000  }
0x66: {  	[spmem:s2] =	stream.indirect.scatter.add.f32 [tilespmem:s22], [sflag:$0x3], $0x80, s21, s28, $0xb8;
	[tilespmem:$0x1C880] =	vst v63  }
0x67: {  	_ = 	snop  }
0x68: {  	[tilespmem:s30], [sflag:$0x2] =	stream.indirect.gather [hbm4b:s4+s28], $0x80, s28, s28, $0xb8;
	[tilespmem:$0x1C880] =	vst v63  }
0x69: {  	_ =	swait.ge [sflag:s31], $0x4000  }
0x6a: {  	[sflag:s31] =	ssyncset.done $0x0  }
0x6b: {  	s20 =	rddreg [dreg:$0x6];
	[sflag:s31] =	ssyncadd.s32 $0xFFFFC000  }
0x6c: {  	[spmem:s2] =	stream.indirect.scatter.add.f32 [tilespmem:s30], [sflag:$0x4], $0x80, s20, s28, $0xb8;
	[tilespmem:$0x1C880] =	vst v63  }
0x6d: {  	_ =	swait.ge [sflag:s23], $0x4000  }
0x6e: {  	[sflag:s23] =	ssyncset.done $0x0  }
0x6f: {  	s11 =	rddreg [dreg:$0x7];
	[sflag:s23] =	ssyncadd.s32 $0xFFFFC000  }
0x70: {  	[tilespmem:s22], [sflag:$0x1] =	stream.indirect.gather [hbm4b:s4+s28], $0x80, s11, s28, $0xb8;
	[tilespmem:$0x1C880] =	vst v63  }
0x71: {  	_ =	swait.ge [sflag:s29], $0x4000  }
0x72: {  	[sflag:s29] =	ssyncset.done $0x0  }
0x73: {  	s12 =	rddreg [dreg:$0x8];
	[sflag:s29] =	ssyncadd.s32 $0xFFFFC000  }
0x74: {  	[spmem:s2] =	stream.indirect.scatter.add.f32 [tilespmem:s22], [sflag:$0x3], $0x80, s12, s28, $0xb8;
	[tilespmem:$0x1C880] =	vst v63  }
0x75: {  	_ =	swait.ge [sflag:s1], $0x4000  }
0x76: {  	[sflag:s1] =	ssyncset.done $0x0  }
0x77: {  	s20 =	rddreg [dreg:$0x9];
	[sflag:s1] =	ssyncadd.s32 $0xFFFFC000  }
0x78: {  	[tilespmem:s30], [sflag:$0x2] =	stream.indirect.gather [hbm4b:s4+s28], $0x80, s20, s28, $0xb8;
	[tilespmem:$0x1C880] =	vst v63  }
0x79: {  	_ =	swait.ge [sflag:s31], $0x4000  }
0x7a: {  	[sflag:s31] =	ssyncset.done $0x0  }
0x7b: {  	s11 =	rddreg [dreg:$0xa];
	[sflag:s31] =	ssyncadd.s32 $0xFFFFC000  }
0x7c: {  	[spmem:s2] =	stream.indirect.scatter.add.f32 [tilespmem:s30], [sflag:$0x4], $0x80, s11, s28, $0xb8;
	[tilespmem:$0x1C880] =	vst v63  }
0x7d: {  	_ =	swait.ge [sflag:s23], $0x4000  }
0x7e: {  	[sflag:s23] =	ssyncset.done $0x0  }
0x7f: {  	s12 =	rddreg [dreg:$0xb];
	[sflag:s23] =	ssyncadd.s32 $0xFFFFC000  }
0x80: {  	[tilespmem:s22], [sflag:$0x1] =	stream.indirect.gather [hbm4b:s4+s28], $0x80, s12, s28, $0xb8;
	[tilespmem:$0x1C880] =	vst v63  }
0x81: {  	_ =	swait.ge [sflag:s29], $0x4000  }
0x82: {  	[sflag:s29] =	ssyncset.done $0x0  }
0x83: {  	s20 =	rddreg [dreg:$0xc];
	[sflag:s29] =	ssyncadd.s32 $0xFFFFC000  }
0x84: {  	[spmem:s2] =	stream.indirect.scatter.add.f32 [tilespmem:s22], [sflag:$0x3], $0x80, s20, s28, $0xb8;
	[tilespmem:$0x1C880] =	vst v63  }
0x85: {  	_ =	swait.ge [sflag:s1], $0x4000  }
0x86: {  	[sflag:s1] =	ssyncset.done $0x0  }
0x87: {  	s11 =	rddreg [dreg:$0xd];
	[sflag:s1] =	ssyncadd.s32 $0xFFFFC000  }
0x88: {  	[tilespmem:s30], [sflag:$0x2] =	stream.indirect.gather [hbm4b:s4+s28], $0x80, s11, s28, $0xb8;
	[tilespmem:$0x1C880] =	vst v63  }
0x89: {  	_ =	swait.ge [sflag:s31], $0x4000  }
0x8a: {  	[sflag:s31] =	ssyncset.done $0x0  }
0x8b: {  	s12 =	rddreg [dreg:$0xe];
	[sflag:s31] =	ssyncadd.s32 $0xFFFFC000  }
0x8c: {  	[spmem:s2] =	stream.indirect.scatter.add.f32 [tilespmem:s30], [sflag:$0x4], $0x80, s12, s28, $0xb8;
	[tilespmem:$0x1C880] =	vst v63  }
0x8d: {  	_ =	swait.ge [sflag:s23], $0x4000  }
0x8e: {  	[sflag:s23] =	ssyncset.done $0x0  }
0x8f: {  	s20 =	rddreg [dreg:$0xf];
	[sflag:s23] =	ssyncadd.s32 $0xFFFFC000  }
0x90: {  	[tilespmem:s22], [sflag:$0x1] =	stream.indirect.gather [hbm4b:s4+s28], $0x80, s20, s28, $0xb8;
	[tilespmem:$0x1C880] =	vst v63  }
0x91: {  	_ =	swait.ge [sflag:s29], $0x4000  }
0x92: {  	[sflag:s29] =	ssyncset.done $0x0  }
0x93: {  	s11 =	rddreg [dreg:$0x10];
	[sflag:s29] =	ssyncadd.s32 $0xFFFFC000  }
0x94: {  	[spmem:s2] =	stream.indirect.scatter.add.f32 [tilespmem:s22], [sflag:$0x3], $0x80, s11, s28, $0xb8;
	[tilespmem:$0x1C880] =	vst v63  }
0x95: {  	_ =	swait.ge [sflag:s1], $0x4000  }
0x96: {  	[sflag:s1] =	ssyncset.done $0x0  }
0x97: {  	s12 =	rddreg [dreg:$0x11];
	[sflag:s1] =	ssyncadd.s32 $0xFFFFC000  }
0x98: {  	[tilespmem:s30], [sflag:$0x2] =	stream.indirect.gather [hbm4b:s4+s28], $0x80, s12, s28, $0xb8;
	[tilespmem:$0x1C880] =	vst v63  }
0x99: {  	_ =	swait.ge [sflag:s31], $0x4000  }
0x9a: {  	[sflag:s31] =	ssyncset.done $0x0  }
0x9b: {  	s20 =	rddreg [dreg:$0x12];
	[sflag:s31] =	ssyncadd.s32 $0xFFFFC000  }
0x9c: {  	[spmem:s2] =	stream.indirect.scatter.add.f32 [tilespmem:s30], [sflag:$0x4], $0x80, s20, s28, $0xb8;
	[tilespmem:$0x1C880] =	vst v63  }
0x9d: {  	_ =	swait.ge [sflag:s0], $0x400  }
0x9e: {  	[sflag:s0] =	ssyncset.done $0x0  }
0x9f: {  	[sflag:s0] =	ssyncadd.s32 $0xFFFFFC00  }
0xa0: {  	_ =	swait.ge [sflag:s0], $0x400  }
0xa1: {  	[sflag:s0] =	ssyncset.done $0x0  }
0xa2: {  	[sflag:s0] =	ssyncadd.s32 $0xFFFFFC00  }
0xa3: {  	_ =	swait.ge [sflag:s23], $0x4000  }
0xa4: {  	[sflag:s23] =	ssyncset.done $0x0  }
0xa5: {  	[sflag:s23] =	ssyncadd.s32 $0xFFFFC000  }
0xa6: {  	[tilespmem:s22], [sflag:$0x1] =	stream.indirect.gather [hbm4b:s4+s28], $0x80, s25, s28, $0xb8;
	[tilespmem:$0x1C880] =	vst v63  }
0xa7: {  	_ =	swait.ge [sflag:s29], $0x4000  }
0xa8: {  	[sflag:s29] =	ssyncset.done $0x0  }
0xa9: {  	[sflag:s29] =	ssyncadd.s32 $0xFFFFC000  }
0xaa: {  	[spmem:s2] =	stream.indirect.scatter.add.f32 [tilespmem:s22], [sflag:$0x3], $0x80, s26, s28, $0xb8;
	[tilespmem:$0x1C880] =	vst v63  }
0xab: {  	_ =	swait.ge [sflag:s1], $0x4000  }
0xac: {  	[sflag:s1] =	ssyncset.done $0x0  }
0xad: {  	s11 =	rddreg [dreg:$0x13];
	[sflag:s1] =	ssyncadd.s32 $0xFFFFC000  }
0xae: {  	[tilespmem:s30], [sflag:$0x2] =	stream.indirect.gather [hbm4b:s4+s28], $0x80, s11, s28, $0xb8;
	[tilespmem:$0x1C880] =	vst v63  }
0xaf: {  	_ =	swait.ge [sflag:s31], $0x4000  }
0xb0: {  	[sflag:s31] =	ssyncset.done $0x0  }
0xb1: {  	s12 =	rddreg [dreg:$0x14];
	[sflag:s31] =	ssyncadd.s32 $0xFFFFC000  }
0xb2: {  	[spmem:s2] =	stream.indirect.scatter.add.f32 [tilespmem:s30], [sflag:$0x4], $0x80, s12, s28, $0xb8;
	[tilespmem:$0x1C880] =	vst v63  }
0xb3: {  	_ =	swait.ge [sflag:s23], $0x4000  }
0xb4: {  	[sflag:s23] =	ssyncset.done $0x0  }
0xb5: {  	s20 =	rddreg [dreg:$0x15];
	[sflag:s23] =	ssyncadd.s32 $0xFFFFC000  }
0xb6: {  	[tilespmem:s22], [sflag:$0x1] =	stream.indirect.gather [hbm4b:s4+s28], $0x80, s20, s28, $0xb8;
	[tilespmem:$0x1C880] =	vst v63  }
0xb7: {  	_ =	swait.ge [sflag:s29], $0x4000  }
0xb8: {  	[sflag:s29] =	ssyncset.done $0x0  }
0xb9: {  	s11 =	rddreg [dreg:$0x16];
	[sflag:s29] =	ssyncadd.s32 $0xFFFFC000  }
0xba: {  	[spmem:s2] =	stream.indirect.scatter.add.f32 [tilespmem:s22], [sflag:$0x3], $0x80, s11, s28, $0xb8;
	[tilespmem:$0x1C880] =	vst v63  }
0xbb: {  	_ =	swait.ge [sflag:s1], $0x4000  }
0xbc: {  	[sflag:s1] =	ssyncset.done $0x0  }
0xbd: {  	s12 =	rddreg [dreg:$0x17];
	[sflag:s1] =	ssyncadd.s32 $0xFFFFC000  }
0xbe: {  	[tilespmem:s30], [sflag:$0x2] =	stream.indirect.gather [hbm4b:s4+s28], $0x80, s12, s28, $0xb8;
	[tilespmem:$0x1C880] =	vst v63  }
0xbf: {  	_ =	swait.ge [sflag:s31], $0x4000  }
0xc0: {  	[sflag:s31] =	ssyncset.done $0x0  }
0xc1: {  	s20 =	rddreg [dreg:$0x18];
	[sflag:s31] =	ssyncadd.s32 $0xFFFFC000  }
0xc2: {  	[spmem:s2] =	stream.indirect.scatter.add.f32 [tilespmem:s30], [sflag:$0x4], $0x80, s20, s28, $0xb8;
	[tilespmem:$0x1C880] =	vst v63  }
0xc3: {  	_ =	swait.ge [sflag:s23], $0x4000  }
0xc4: {  	[sflag:s23] =	ssyncset.done $0x0  }
0xc5: {  	s11 =	rddreg [dreg:$0x19];
	[sflag:s23] =	ssyncadd.s32 $0xFFFFC000  }
0xc6: {  	[tilespmem:s22], [sflag:$0x1] =	stream.indirect.gather [hbm4b:s4+s28], $0x80, s11, s28, $0xb8;
	[tilespmem:$0x1C880] =	vst v63  }
0xc7: {  	_ =	swait.ge [sflag:s29], $0x4000  }
0xc8: {  	[sflag:s29] =	ssyncset.done $0x0  }
0xc9: {  	s12 =	rddreg [dreg:$0x1a];
	[sflag:s29] =	ssyncadd.s32 $0xFFFFC000  }
0xca: {  	[spmem:s2] =	stream.indirect.scatter.add.f32 [tilespmem:s22], [sflag:$0x3], $0x80, s12, s28, $0xb8;
	[tilespmem:$0x1C880] =	vst v63  }
0xcb: {  	_ =	swait.ge [sflag:s1], $0x4000  }
0xcc: {  	[sflag:s1] =	ssyncset.done $0x0  }
0xcd: {  	s20 =	rddreg [dreg:$0x1b];
	[sflag:s1] =	ssyncadd.s32 $0xFFFFC000  }
0xce: {  	[tilespmem:s30], [sflag:$0x2] =	stream.indirect.gather [hbm4b:s4+s28], $0x80, s20, s28, $0xb8;
	[tilespmem:$0x1C880] =	vst v63  }
0xcf: {  	_ =	swait.ge [sflag:s31], $0x4000  }
0xd0: {  	[sflag:s31] =	ssyncset.done $0x0  }
0xd1: {  	[sflag:s31] =	ssyncadd.s32 $0xFFFFC000  }
0xd2: {  	[spmem:s2] =	stream.indirect.scatter.add.f32 [tilespmem:s30], [sflag:$0x4], $0x80, s8, s28, $0xb8;
	[tilespmem:$0x1C880] =	vst v63  }
0xd3: {  	_ =	swait.ge [sflag:s23], $0x4000  }
0xd4: {  	[sflag:s23] =	ssyncset.done $0x0  }
0xd5: {  	[sflag:s23] =	ssyncadd.s32 $0xFFFFC000  }
0xd6: {  	[tilespmem:s22], [sflag:$0x1] =	stream.indirect.gather [hbm4b:s4+s28], $0x80, s9, s28, $0xb8;
	[tilespmem:$0x1C880] =	vst v63  }
0xd7: {  	_ =	swait.ge [sflag:s29], $0x4000  }
0xd8: {  	[sflag:s29] =	ssyncset.done $0x0  }
0xd9: {  	[sflag:s29] =	ssyncadd.s32 $0xFFFFC000  }
0xda: {  	[spmem:s2] =	stream.indirect.scatter.add.f32 [tilespmem:s22], [sflag:$0x3], $0x80, s15, s28, $0xb8;
	[tilespmem:$0x1C880] =	vst v63  }
0xdb: {  	_ =	swait.ge [sflag:s1], $0x4000  }
0xdc: {  	[sflag:s1] =	ssyncset.done $0x0  }
0xdd: {  	[sflag:s1] =	ssyncadd.s32 $0xFFFFC000  }
0xde: {  	[tilespmem:s30], [sflag:$0x2] =	stream.indirect.gather [hbm4b:s4+s28], $0x80, s16, s28, $0xb8;
	[tilespmem:$0x1C880] =	vst v63  }
0xdf: {  	_ =	swait.ge [sflag:s31], $0x4000  }
0xe0: {  	[sflag:s31] =	ssyncset.done $0x0;
	s11 =	rddreg [dreg:$0x5]  }
0xe1: {  	[sflag:s31] =	ssyncadd.s32 $0xFFFFC000;
	s19 =	sadd.s32 $0x0, s11  }
0xe2: {  	[spmem:s2] =	stream.indirect.scatter.add.f32 [tilespmem:s30], [sflag:$0x4], $0x80, s17, s28, $0xb8;
	[tilespmem:$0x1C880] =	vst v63  }
0xe3: {  	p0 =	seq.s32 s19, $0xA000;
	s19 =	sadd.s32 $0x100, s6  }
0xe4: {  	s19 =	simm.s32 @p0 $0x0  }
0xe5: {  	s12 =	sadd.s32 s5, s19  }
0xe6: {  	[tilespmem:s3], [sflag:$0x5] =	stream.linear.gather [hbm4b:s12+s3], $0x400, $0x38;
	[tilespmem:$0x1C880] =	vst v63  }
0xe7: {  	s19 =	sadd.s32 s7, s19  }
0xe8: {  	[tilespmem:s21], [sflag:$0x5] =	stream.linear.gather [hbm4b:s19+s3], $0x400, $0x38;
	[tilespmem:$0x1C880] =	vst v63  }
0xe9: {  	_ =	swait.ge [sflag:s23], $0x4000  }
0xea: {  	s19 =	simm.s32 $0x100;
	[sflag:s23] =	ssyncset.done $0x0  }
.LBB2_4:
0xeb: {  	[sflag:s23] =	ssyncadd.s32 $0xFFFFC000  }
0xec: {  	_ =	swait.ge [sflag:s1], $0x4000  }
0xed: {  	[sflag:s1] =	ssyncset.done $0x0  }
0xee: {  	[sflag:s1] =	ssyncadd.s32 $0xFFFFC000  }
0xef: {  	_ =	swait.ge [sflag:s24], $0x400  }
0xf0: {  	[sflag:s24] =	ssyncset.done $0x0  }
0xf1: {  	[sflag:s24] =	ssyncadd.s32 $0xFFFFFC00  }
0xf2: {  	_ =	swait.ge [sflag:s24], $0x400  }
0xf3: {  	s20 =	smov.u32 s19;
	s11 =	rddreg [dreg:$0x3];
	[sflag:s24] =	ssyncset.done $0x0  }
0xf4: {  	s12 =	rddreg [dreg:$0x4];
	[sflag:s24] =	ssyncadd.s32 $0xFFFFFC00;
	s11 =	sadd.s32 s20, s11  }
0xf5: {  	[tilespmem:s25], [sflag:$0x6] =	stream.linear.gather [hbm4b:s11+s3], $0x400, $0x38;
	[tilespmem:$0x1C880] =	vst v63  }
0xf6: {  	s12 =	sadd.s32 s20, s12  }
0xf7: {  	[tilespmem:s26], [sflag:$0x6] =	stream.linear.gather [hbm4b:s12+s3], $0x400, $0x38;
	[tilespmem:$0x1C880] =	vst v63  }
0xf8: {  	_ = 	snop  }
0xf9: {  	[tilespmem:s22], [sflag:$0x1] =	stream.indirect.gather [hbm4b:s4+s28], $0x80, s3, s28, $0xb8;
	[tilespmem:$0x1C880] =	vst v63  }
0xfa: {  	_ =	swait.ge [sflag:s29], $0x4000  }
0xfb: {  	[sflag:s29] =	ssyncset.done $0x0  }
0xfc: {  	[sflag:s29] =	ssyncadd.s32 $0xFFFFC000  }
0xfd: {  	[spmem:s2] =	stream.indirect.scatter.add.f32 [tilespmem:s22], [sflag:$0x3], $0x80, s21, s28, $0xb8;
	[tilespmem:$0x1C880] =	vst v63  }
0xfe: {  	_ = 	snop  }
0xff: {  	[tilespmem:s30], [sflag:$0x2] =	stream.indirect.gather [hbm4b:s4+s28], $0x80, s28, s28, $0xb8;
	[tilespmem:$0x1C880] =	vst v63  }
0x100: {  	_ =	swait.ge [sflag:s31], $0x4000  }
0x101: {  	[sflag:s31] =	ssyncset.done $0x0  }
0x102: {  	s12 =	rddreg [dreg:$0x6];
	[sflag:s31] =	ssyncadd.s32 $0xFFFFC000  }
0x103: {  	[spmem:s2] =	stream.indirect.scatter.add.f32 [tilespmem:s30], [sflag:$0x4], $0x80, s12, s28, $0xb8;
	[tilespmem:$0x1C880] =	vst v63  }
0x104: {  	_ =	swait.ge [sflag:s23], $0x4000  }
0x105: {  	[sflag:s23] =	ssyncset.done $0x0  }
0x106: {  	s12 =	rddreg [dreg:$0x7];
	[sflag:s23] =	ssyncadd.s32 $0xFFFFC000  }
0x107: {  	[tilespmem:s22], [sflag:$0x1] =	stream.indirect.gather [hbm4b:s4+s28], $0x80, s12, s28, $0xb8;
	[tilespmem:$0x1C880] =	vst v63  }
0x108: {  	_ =	swait.ge [sflag:s29], $0x4000  }
0x109: {  	[sflag:s29] =	ssyncset.done $0x0  }
0x10a: {  	s12 =	rddreg [dreg:$0x8];
	[sflag:s29] =	ssyncadd.s32 $0xFFFFC000  }
0x10b: {  	[spmem:s2] =	stream.indirect.scatter.add.f32 [tilespmem:s22], [sflag:$0x3], $0x80, s12, s28, $0xb8;
	[tilespmem:$0x1C880] =	vst v63  }
0x10c: {  	_ =	swait.ge [sflag:s1], $0x4000  }
0x10d: {  	[sflag:s1] =	ssyncset.done $0x0  }
0x10e: {  	s12 =	rddreg [dreg:$0x9];
	[sflag:s1] =	ssyncadd.s32 $0xFFFFC000  }
0x10f: {  	[tilespmem:s30], [sflag:$0x2] =	stream.indirect.gather [hbm4b:s4+s28], $0x80, s12, s28, $0xb8;
	[tilespmem:$0x1C880] =	vst v63  }
0x110: {  	_ =	swait.ge [sflag:s31], $0x4000  }
0x111: {  	[sflag:s31] =	ssyncset.done $0x0  }
0x112: {  	s12 =	rddreg [dreg:$0xa];
	[sflag:s31] =	ssyncadd.s32 $0xFFFFC000  }
0x113: {  	[spmem:s2] =	stream.indirect.scatter.add.f32 [tilespmem:s30], [sflag:$0x4], $0x80, s12, s28, $0xb8;
	[tilespmem:$0x1C880] =	vst v63  }
0x114: {  	_ =	swait.ge [sflag:s23], $0x4000  }
0x115: {  	[sflag:s23] =	ssyncset.done $0x0  }
0x116: {  	s12 =	rddreg [dreg:$0xb];
	[sflag:s23] =	ssyncadd.s32 $0xFFFFC000  }
0x117: {  	[tilespmem:s22], [sflag:$0x1] =	stream.indirect.gather [hbm4b:s4+s28], $0x80, s12, s28, $0xb8;
	[tilespmem:$0x1C880] =	vst v63  }
0x118: {  	_ =	swait.ge [sflag:s29], $0x4000  }
0x119: {  	[sflag:s29] =	ssyncset.done $0x0  }
0x11a: {  	s12 =	rddreg [dreg:$0xc];
	[sflag:s29] =	ssyncadd.s32 $0xFFFFC000  }
0x11b: {  	[spmem:s2] =	stream.indirect.scatter.add.f32 [tilespmem:s22], [sflag:$0x3], $0x80, s12, s28, $0xb8;
	[tilespmem:$0x1C880] =	vst v63  }
0x11c: {  	_ =	swait.ge [sflag:s1], $0x4000  }
0x11d: {  	[sflag:s1] =	ssyncset.done $0x0  }
0x11e: {  	s12 =	rddreg [dreg:$0xd];
	[sflag:s1] =	ssyncadd.s32 $0xFFFFC000  }
0x11f: {  	[tilespmem:s30], [sflag:$0x2] =	stream.indirect.gather [hbm4b:s4+s28], $0x80, s12, s28, $0xb8;
	[tilespmem:$0x1C880] =	vst v63  }
0x120: {  	_ =	swait.ge [sflag:s31], $0x4000  }
0x121: {  	[sflag:s31] =	ssyncset.done $0x0  }
0x122: {  	s12 =	rddreg [dreg:$0xe];
	[sflag:s31] =	ssyncadd.s32 $0xFFFFC000  }
0x123: {  	[spmem:s2] =	stream.indirect.scatter.add.f32 [tilespmem:s30], [sflag:$0x4], $0x80, s12, s28, $0xb8;
	[tilespmem:$0x1C880] =	vst v63  }
0x124: {  	_ =	swait.ge [sflag:s23], $0x4000  }
0x125: {  	[sflag:s23] =	ssyncset.done $0x0  }
0x126: {  	s12 =	rddreg [dreg:$0xf];
	[sflag:s23] =	ssyncadd.s32 $0xFFFFC000  }
0x127: {  	[tilespmem:s22], [sflag:$0x1] =	stream.indirect.gather [hbm4b:s4+s28], $0x80, s12, s28, $0xb8;
	[tilespmem:$0x1C880] =	vst v63  }
0x128: {  	_ =	swait.ge [sflag:s29], $0x4000  }
0x129: {  	[sflag:s29] =	ssyncset.done $0x0  }
0x12a: {  	s12 =	rddreg [dreg:$0x10];
	[sflag:s29] =	ssyncadd.s32 $0xFFFFC000  }
0x12b: {  	[spmem:s2] =	stream.indirect.scatter.add.f32 [tilespmem:s22], [sflag:$0x3], $0x80, s12, s28, $0xb8;
	[tilespmem:$0x1C880] =	vst v63  }
0x12c: {  	_ =	swait.ge [sflag:s1], $0x4000  }
0x12d: {  	[sflag:s1] =	ssyncset.done $0x0  }
0x12e: {  	s12 =	rddreg [dreg:$0x11];
	[sflag:s1] =	ssyncadd.s32 $0xFFFFC000  }
0x12f: {  	[tilespmem:s30], [sflag:$0x2] =	stream.indirect.gather [hbm4b:s4+s28], $0x80, s12, s28, $0xb8;
	[tilespmem:$0x1C880] =	vst v63  }
0x130: {  	_ =	swait.ge [sflag:s31], $0x4000  }
0x131: {  	[sflag:s31] =	ssyncset.done $0x0  }
0x132: {  	s12 =	rddreg [dreg:$0x12];
	[sflag:s31] =	ssyncadd.s32 $0xFFFFC000  }
0x133: {  	[spmem:s2] =	stream.indirect.scatter.add.f32 [tilespmem:s30], [sflag:$0x4], $0x80, s12, s28, $0xb8;
	[tilespmem:$0x1C880] =	vst v63  }
0x134: {  	_ =	swait.ge [sflag:s0], $0x400  }
0x135: {  	[sflag:s0] =	ssyncset.done $0x0  }
0x136: {  	[sflag:s0] =	ssyncadd.s32 $0xFFFFFC00  }
0x137: {  	_ =	swait.ge [sflag:s0], $0x400  }
0x138: {  	[sflag:s0] =	ssyncset.done $0x0  }
0x139: {  	[sflag:s0] =	ssyncadd.s32 $0xFFFFFC00  }
0x13a: {  	_ =	swait.ge [sflag:s23], $0x4000  }
0x13b: {  	[sflag:s23] =	ssyncset.done $0x0  }
0x13c: {  	[sflag:s23] =	ssyncadd.s32 $0xFFFFC000  }
0x13d: {  	[tilespmem:s22], [sflag:$0x1] =	stream.indirect.gather [hbm4b:s4+s28], $0x80, s25, s28, $0xb8;
	[tilespmem:$0x1C880] =	vst v63  }
0x13e: {  	_ =	swait.ge [sflag:s29], $0x4000  }
0x13f: {  	[sflag:s29] =	ssyncset.done $0x0  }
0x140: {  	[sflag:s29] =	ssyncadd.s32 $0xFFFFC000  }
0x141: {  	[spmem:s2] =	stream.indirect.scatter.add.f32 [tilespmem:s22], [sflag:$0x3], $0x80, s26, s28, $0xb8;
	[tilespmem:$0x1C880] =	vst v63  }
0x142: {  	_ =	swait.ge [sflag:s1], $0x4000  }
0x143: {  	[sflag:s1] =	ssyncset.done $0x0  }
0x144: {  	s12 =	rddreg [dreg:$0x13];
	[sflag:s1] =	ssyncadd.s32 $0xFFFFC000  }
0x145: {  	[tilespmem:s30], [sflag:$0x2] =	stream.indirect.gather [hbm4b:s4+s28], $0x80, s12, s28, $0xb8;
	[tilespmem:$0x1C880] =	vst v63  }
0x146: {  	_ =	swait.ge [sflag:s31], $0x4000  }
0x147: {  	[sflag:s31] =	ssyncset.done $0x0  }
0x148: {  	s12 =	rddreg [dreg:$0x14];
	[sflag:s31] =	ssyncadd.s32 $0xFFFFC000  }
0x149: {  	[spmem:s2] =	stream.indirect.scatter.add.f32 [tilespmem:s30], [sflag:$0x4], $0x80, s12, s28, $0xb8;
	[tilespmem:$0x1C880] =	vst v63  }
0x14a: {  	_ =	swait.ge [sflag:s23], $0x4000  }
0x14b: {  	[sflag:s23] =	ssyncset.done $0x0  }
0x14c: {  	s12 =	rddreg [dreg:$0x15];
	[sflag:s23] =	ssyncadd.s32 $0xFFFFC000  }
0x14d: {  	[tilespmem:s22], [sflag:$0x1] =	stream.indirect.gather [hbm4b:s4+s28], $0x80, s12, s28, $0xb8;
	[tilespmem:$0x1C880] =	vst v63  }
0x14e: {  	_ =	swait.ge [sflag:s29], $0x4000  }
0x14f: {  	[sflag:s29] =	ssyncset.done $0x0  }
0x150: {  	s12 =	rddreg [dreg:$0x16];
	[sflag:s29] =	ssyncadd.s32 $0xFFFFC000  }
0x151: {  	[spmem:s2] =	stream.indirect.scatter.add.f32 [tilespmem:s22], [sflag:$0x3], $0x80, s12, s28, $0xb8;
	[tilespmem:$0x1C880] =	vst v63  }
0x152: {  	_ =	swait.ge [sflag:s1], $0x4000  }
0x153: {  	[sflag:s1] =	ssyncset.done $0x0  }
0x154: {  	s12 =	rddreg [dreg:$0x17];
	[sflag:s1] =	ssyncadd.s32 $0xFFFFC000  }
0x155: {  	[tilespmem:s30], [sflag:$0x2] =	stream.indirect.gather [hbm4b:s4+s28], $0x80, s12, s28, $0xb8;
	[tilespmem:$0x1C880] =	vst v63  }
0x156: {  	_ =	swait.ge [sflag:s31], $0x4000  }
0x157: {  	[sflag:s31] =	ssyncset.done $0x0  }
0x158: {  	s12 =	rddreg [dreg:$0x18];
	[sflag:s31] =	ssyncadd.s32 $0xFFFFC000  }
0x159: {  	[spmem:s2] =	stream.indirect.scatter.add.f32 [tilespmem:s30], [sflag:$0x4], $0x80, s12, s28, $0xb8;
	[tilespmem:$0x1C880] =	vst v63  }
0x15a: {  	_ =	swait.ge [sflag:s23], $0x4000  }
0x15b: {  	[sflag:s23] =	ssyncset.done $0x0  }
0x15c: {  	s12 =	rddreg [dreg:$0x19];
	[sflag:s23] =	ssyncadd.s32 $0xFFFFC000  }
0x15d: {  	[tilespmem:s22], [sflag:$0x1] =	stream.indirect.gather [hbm4b:s4+s28], $0x80, s12, s28, $0xb8;
	[tilespmem:$0x1C880] =	vst v63  }
0x15e: {  	_ =	swait.ge [sflag:s29], $0x4000  }
0x15f: {  	[sflag:s29] =	ssyncset.done $0x0  }
0x160: {  	s12 =	rddreg [dreg:$0x1a];
	[sflag:s29] =	ssyncadd.s32 $0xFFFFC000  }
0x161: {  	[spmem:s2] =	stream.indirect.scatter.add.f32 [tilespmem:s22], [sflag:$0x3], $0x80, s12, s28, $0xb8;
	[tilespmem:$0x1C880] =	vst v63  }
0x162: {  	_ =	swait.ge [sflag:s1], $0x4000  }
0x163: {  	[sflag:s1] =	ssyncset.done $0x0  }
0x164: {  	s12 =	rddreg [dreg:$0x1b];
	[sflag:s1] =	ssyncadd.s32 $0xFFFFC000  }
0x165: {  	[tilespmem:s30], [sflag:$0x2] =	stream.indirect.gather [hbm4b:s4+s28], $0x80, s12, s28, $0xb8;
	[tilespmem:$0x1C880] =	vst v63  }
0x166: {  	_ =	swait.ge [sflag:s31], $0x4000  }
0x167: {  	[sflag:s31] =	ssyncset.done $0x0  }
0x168: {  	[sflag:s31] =	ssyncadd.s32 $0xFFFFC000  }
0x169: {  	[spmem:s2] =	stream.indirect.scatter.add.f32 [tilespmem:s30], [sflag:$0x4], $0x80, s8, s28, $0xb8;
	[tilespmem:$0x1C880] =	vst v63  }
0x16a: {  	_ =	swait.ge [sflag:s23], $0x4000  }
0x16b: {  	[sflag:s23] =	ssyncset.done $0x0  }
0x16c: {  	[sflag:s23] =	ssyncadd.s32 $0xFFFFC000  }
0x16d: {  	[tilespmem:s22], [sflag:$0x1] =	stream.indirect.gather [hbm4b:s4+s28], $0x80, s9, s28, $0xb8;
	[tilespmem:$0x1C880] =	vst v63  }
0x16e: {  	_ =	swait.ge [sflag:s29], $0x4000  }
0x16f: {  	[sflag:s29] =	ssyncset.done $0x0  }
0x170: {  	[sflag:s29] =	ssyncadd.s32 $0xFFFFC000  }
0x171: {  	[spmem:s2] =	stream.indirect.scatter.add.f32 [tilespmem:s22], [sflag:$0x3], $0x80, s15, s28, $0xb8;
	[tilespmem:$0x1C880] =	vst v63  }
0x172: {  	_ =	swait.ge [sflag:s1], $0x4000  }
0x173: {  	[sflag:s1] =	ssyncset.done $0x0  }
0x174: {  	[sflag:s1] =	ssyncadd.s32 $0xFFFFC000  }
0x175: {  	[tilespmem:s30], [sflag:$0x2] =	stream.indirect.gather [hbm4b:s4+s28], $0x80, s16, s28, $0xb8;
	[tilespmem:$0x1C880] =	vst v63  }
0x176: {  	_ =	swait.ge [sflag:s31], $0x4000  }
0x177: {  	p0 =	sne.s32 s19, $0x400;
	[sflag:s31] =	ssyncset.done $0x0;
	s12 =	rddreg [dreg:$0x5]  }
0x178: {  	s19 =	sadd.s32 $0x100, s19;
	[sflag:s31] =	ssyncadd.s32 $0xFFFFC000;
	s11 =	sadd.s32 s20, s12  }
0x179: {  	[spmem:s2] =	stream.indirect.scatter.add.f32 [tilespmem:s30], [sflag:$0x4], $0x80, s17, s28, $0xb8;
	[tilespmem:$0x1C880] =	vst v63  }
0x17a: {  	p1 =	seq.s32 s11, $0xA000;
	s11 =	sadd.s32 s6, s19  }
0x17b: {  	s11 =	simm.s32 @p1 $0x0  }
0x17c: {  	s20 =	sadd.s32 s5, s11  }
0x17d: {  	[tilespmem:s3], [sflag:$0x5] =	stream.linear.gather [hbm4b:s20+s3], $0x400, $0x38;
	[tilespmem:$0x1C880] =	vst v63  }
.Ltmp1:
0x17e: {  	_ = 	snop;
	(pc) =	sbr.rel @p0 .LBB2_4-.Ltmp1, $4  }
0x17f: {  	s11 =	sadd.s32 s7, s11  }
0x180: {  	[tilespmem:s21], [sflag:$0x5] =	stream.linear.gather [hbm4b:s11+s3], $0x400, $0x38;
	[tilespmem:$0x1C880] =	vst v63  }
0x181: {  	_ =	swait.ge [sflag:s23], $0x4000  }
0x182: {  	[sflag:s23] =	ssyncset.done $0x0  }
0x183: {  	[sflag:s23] =	ssyncadd.s32 $0xFFFFC000  }
0x184: {  	_ =	swait.ge [sflag:s1], $0x4000  }
0x185: {  	[sflag:s1] =	ssyncset.done $0x0  }
0x186: {  	[sflag:s1] =	ssyncadd.s32 $0xFFFFC000  }
0x187: {  	_ =	swait.ge [sflag:s24], $0x400  }
0x188: {  	[sflag:s24] =	ssyncset.done $0x0  }
0x189: {  	[sflag:s24] =	ssyncadd.s32 $0xFFFFFC00  }
0x18a: {  	_ =	swait.ge [sflag:s24], $0x400  }
0x18b: {  	[sflag:s24] =	ssyncset.done $0x0  }
0x18c: {  	[sflag:s24] =	ssyncadd.s32 $0xFFFFFC00  }
0x18d: {  	[bflag:$0x0] =	sbarrier.arrive $0xFFFF  }
0x18e: {  	s11 =	stileid.u32;
	s19 =	sld [smem:$0x7F8]  }
0x18f: {  	s11 =	sshll.u32 s11, $0x6  }
0x190: {  	s12 =	sshrl.u32 s10, $0x3;
	s11 =	sor.u32 $0x1C04, s11  }
0x191: {  	[hbm:s19], [sflag:s11] =	dma.local [spmem:s12], $0x800  }
0x192: {  	s19 =	sld [smem:$0x7F9]  }
0x193: {  	s12 =	rddreg [dreg:$0x1e]  }
0x194: {  	s12 =	sshrl.u32 s12, $0x3  }
0x195: {  	[hbm:s19], [sflag:s11] =	dma.local [spmem:s12], $0x800  }
0x196: {  	s19 =	sld [smem:$0x7FA]  }
0x197: {  	s12 =	rddreg [dreg:$0x1f]  }
0x198: {  	s12 =	sshrl.u32 s12, $0x3  }
0x199: {  	[hbm:s19], [sflag:s11] =	dma.local [spmem:s12], $0x800  }
0x19a: {  	s19 =	sld [smem:$0x7FB];
	_ =	sdelay $0x1  }
0x19b: {  	s20 =	sshrl.u32 s13, $0x3  }
0x19c: {  	[hbm:s19], [sflag:s11] =	dma.local [spmem:s20], $0x800  }
0x19d: {  	s19 =	sld [smem:$0x7FC];
	_ =	sdelay $0x1  }
0x19e: {  	s20 =	sshrl.u32 s14, $0x3  }
0x19f: {  	[hbm:s19], [sflag:s11] =	dma.local [spmem:s20], $0x710  }
0x1a0: {  	_ =	swait.ge [sflag:s1], $0x800  }
0x1a1: {  	[sflag:s1] =	ssyncset.done $0x0  }
0x1a2: {  	[sflag:s1] =	ssyncadd.s32 $0xFFFFF800  }
0x1a3: {  	_ =	swait.ge [sflag:s1], $0x800  }
0x1a4: {  	[sflag:s1] =	ssyncset.done $0x0  }
0x1a5: {  	[sflag:s1] =	ssyncadd.s32 $0xFFFFF800  }
0x1a6: {  	_ =	swait.ge [sflag:s1], $0x800  }
0x1a7: {  	[sflag:s1] =	ssyncset.done $0x0  }
0x1a8: {  	[sflag:s1] =	ssyncadd.s32 $0xFFFFF800  }
0x1a9: {  	_ =	swait.ge [sflag:s1], $0x800  }
0x1aa: {  	[sflag:s1] =	ssyncset.done $0x0  }
0x1ab: {  	[sflag:s1] =	ssyncadd.s32 $0xFFFFF800  }
0x1ac: {  	_ =	swait.ge [sflag:s1], $0x710  }
0x1ad: {  	s20 =	sld [smem:$0x7FD];
	_ =	sdelay $0x1  }
0x1ae: {  	s18 =	sadd.s32 $0x1, s18  }
0x1af: {  	p0 =	sne.s32 s18, s20  }
.Ltmp2:
0x1b0: {  	_ = 	snop;
	(pc) =	sbr.rel @p0 .LBB2_1-.Ltmp2, $3  }
0x1b1: {  	_ =	sdelay $0x1  }
0x1b2: {  	[sflag:s1] =	ssyncset.done $0x0  }
0x1b3: {  	[sflag:s1] =	ssyncadd.s32 $0xFFFFF8F0  }
0x1b4: {  	_ =	sfence.sel $0x180000  }
0x1b5: {  	[bflag:$0x0] =	sbarrier.arrive $0xFFFF  }
0x1b6: {  	_ =	strace $0x9000004A  }
0x1b7: {  	s0 =	stileid.u32;
	[bflag:$0x2] =	sbarrier.arrive $0xFFFF  }
0x1b8: {  	p0 =	sne.s32 s0, $0x0;
	s0 =	rddreg [dreg:$0x2]  }
0x1b9: {  	s0 =	sadd.s32 @!p0 $0x100000, s0  }
0x1ba: {  	[sflag:s0] =	ssyncadd.tile.s32 @!p0 $0x1;
	_ =	shalt  }
.Lfunc_end2:
_tile_overlayer_lowered:
.L_overlay_start_2:
0x1bb: {  	(tag) =	ssettag $0x2  }
0x1bc: {  	s0 =	rddreg [dreg:$0x0];
	s2 =	stileid.u32  }
0x1bd: {  	s1 =	rddreg [dreg:$0x1];
	p0 =	sne.s32 s2, $0x0  }
0x1be: {  	s3 =	rddreg [dreg:$0x2];
	[bflag:$0x3] =	sbarrier.arrive $0xFFFF;
	s2 =	simm.s32 @!p0 $0x1C07  }
0x1bf: {  	[timem:s3], [sflag:s2] =	dma.local @!p0 [hbm:s0], s1  }
0x1c0: {  	s0 =	simm.s32 @!p0 $0x7  }
0x1c1: {  	_ =	swait.ge @!p0 [sflag:s0], s1  }
0x1c2: {  	s1 =	ssub.s32 @!p0 $0x0, s1;
	[sflag:s0] =	ssyncset.done @!p0 $0x0  }
0x1c3: {  	[sflag:s0] =	ssyncadd.s32 @!p0 s1  }
0x1c4: {  	[bflag:$0x3] =	sbarrier.arrive $0xFFFF  }
0x1c5: {  	_ =	shalt  }

// kernel: kernel.14.cloned.1.call-start
scs
__scs_entry_jumppad:
0x0: {  	(pc) =	sbr.rel $0x88, $3  }
0x1: {  	(tag) =	ssettag $0x0;
	lr =	simm.s32 $0x1  }
0x2: {  	[smem:$0x3F8D] =	sst lr;
	_ =	strace $0xD0000000  }
0x3: {  	_ = 	snop  }
0x4: {  	_ = 	snop  }
0x5: {  	_ = 	snop  }
0x6: {  	_ = 	snop  }
0x7: {  	_ = 	snop  }
__scs_overlays_trampoline_lowered:
0x8: {  	[smem:$0x3F9C] =	sst s0  }
0x9: {  	[smem:$0x3F9D] =	sst s1  }
0xa: {  	[smem:$0x3F9E] =	sst s2  }
0xb: {  	[smem:$0x3F9F] =	sst s3  }
0xc: {  	[smem:$0x3FA0] =	sst s4  }
0xd: {  	[smem:$0x3FA1] =	sst s5  }
0xe: {  	[smem:$0x3FA2] =	sst s6  }
0xf: {  	[smem:$0x3FA3] =	sst s7  }
0x10: {  	[smem:$0x3FA4] =	sst s8  }
0x11: {  	[smem:$0x3FA5] =	sst s9;
	s0 =	simm.s32 @!p0 $0x0  }
0x12: {  	s1 =	sld [smem:$0x3F8B];
	s0 =	simm.s32 @p0 $0x1  }
0x13: {  	[smem:$0x3FA6] =	sst s0;
	s0 =	simm.s32 @!p1 $0x0  }
0x14: {  	s2 =	sld [smem:$0x3F8A];
	s0 =	simm.s32 @p1 $0x1  }
0x15: {  	[smem:$0x3FA7] =	sst s0;
	s0 =	simm.s32 @!p2 $0x0  }
0x16: {  	s3 =	sld [smem:$0x3FDB];
	s0 =	simm.s32 @p2 $0x1  }
0x17: {  	s4 =	simm.s32 $0x1BF5;
	[smem:$0x3FA9] =	sst s0  }
0x18: {  	s0 =	sld [smem:$0x3F8C];
	_ =	swait.ge [sflag:s4], $0x0  }
0x19: {  	s7 =	sld [smem:$0x3F8D]  }
0x1a: {  	s8 =	sadd.s32 $0xFFFFE003, lr  }
0x1b: {  	s9 =	sadd.s32 $0xFFFFFEF7, lr;
	s5 =	simm.s32 $0xFFFFFFFF;
	p2 =	slt.u32 s8, $0xFFFFF086  }
0x1c: {  	p1 =	slt.u32 s9, $0xF7A;
	s5 =	simm.s32 @!p2 $0x0  }
0x1d: {  	s5 =	simm.s32 @p1 $0x1;
	p0 =	seq.s32 s7, s2  }
0x1e: {  	s7 =	smul.u32 @!p0 $0xF7A, s2;
	p2 =	seq.s32 @!p0 s5, $0x0  }
0x1f: {  	s9 =	smul.u32 $0xF7A, s1;
	s8 =	simm.s32 @!p0 $0x1BF5;
	p2 =	por !p2, p0  }
0x20: {  	[sflag:s8] =	ssyncset.s32 @!p0 $0xFFFFF086;
	s6 =	sadd.s32 @!p0 s3, s7;
	s7 =	simm.s32 @!p0 $0x108  }
0x21: {  	s3 =	sadd.s32 s3, s9;
	s6 =	sadd.s32 @!p0 $0x88, s6;
	s7 =	simm.s32 @p2 $0x1082  }
0x22: {  	[simem:s7], [sflag:s8] =	dma.local @!p0 [hbm:s6], $0xF7A  }
0x23: {  	s9 =	sor.u32 $0xD0000000, s2;
	s6 =	simm.s32 $0x108;
	_ =	swait.ge @!p0 [sflag:s8], $0x0  }
0x24: {  	s3 =	sadd.s32 $0x88, s3;
	s6 =	simm.s32 @!p1 $0x1082;
	[sflag:s4] =	ssyncset.s32 $0xFFFFF086  }
0x25: {  	[simem:s6], [sflag:s4] =	dma.local [hbm:s3], $0xF7A  }
0x26: {  	[smem:$0x3F8D] =	sst s1;
	(tag) =	ssettag s2;
	_ =	strace s9  }
0x27: {  	s1 =	sld [smem:$0x3F9D]  }
0x28: {  	s2 =	sld [smem:$0x3F9E]  }
0x29: {  	s4 =	sld [smem:$0x3FA0]  }
0x2a: {  	p0 =	seq.s32 s5, $0x0;
	s5 =	sld [smem:$0x3FA1]  }
0x2b: {  	s6 =	sld [smem:$0x3FA2]  }
0x2c: {  	s7 =	sld [smem:$0x3FA3]  }
0x2d: {  	s3 =	simm.s32 $0x108;
	s8 =	sld [smem:$0x3FA4]  }
0x2e: {  	s3 =	simm.s32 @!p0 $0x1082;
	s9 =	sld [smem:$0x3FA5]  }
0x2f: {  	lr =	sadd.s32 s0, s3;
	s0 =	sld [smem:$0x3F9C]  }
0x30: {  	s3 =	sld [smem:$0x3F9F]  }
0x31: {  	[smem:$0x3FA8] =	sst s10  }
0x32: {  	s10 =	sld [smem:$0x3FA6];
	_ =	sdelay $0x3  }
0x33: {  	p0 =	seq.s32 s10, $0x1;
	s10 =	sld [smem:$0x3FA8];
	_ =	sdelay $0x3  }
0x34: {  	[smem:$0x3FA8] =	sst s10  }
0x35: {  	s10 =	sld [smem:$0x3FA7];
	_ =	sdelay $0x3  }
0x36: {  	p1 =	seq.s32 s10, $0x1;
	s10 =	sld [smem:$0x3FA8];
	_ =	sdelay $0x3  }
0x37: {  	[smem:$0x3FA8] =	sst s10  }
0x38: {  	s10 =	sld [smem:$0x3FA9]  }
0x39: {  	_ = 	snop;
	(pc) =	sbr.ind lr, $3  }
0x3a: {  	_ = 	snop  }
0x3b: {  	_ = 	snop  }
0x3c: {  	p2 =	seq.s32 s10, $0x1;
	s10 =	sld [smem:$0x3FA8]  }
0x3d: {  	_ =	shalt  }
0x3e: {  	_ =	shalt  }
0x3f: {  	_ =	shalt  }
0x40: {  	_ =	shalt  }
0x41: {  	_ =	shalt  }
0x42: {  	_ =	shalt  }
0x43: {  	_ =	shalt  }
0x44: {  	_ =	shalt  }
0x45: {  	_ =	shalt  }
0x46: {  	_ =	shalt  }
0x47: {  	_ =	shalt  }
0x48: {  	_ =	shalt  }
0x49: {  	_ =	shalt  }
0x4a: {  	_ =	shalt  }
0x4b: {  	_ =	shalt  }
0x4c: {  	_ =	shalt  }
0x4d: {  	_ =	shalt  }
0x4e: {  	_ =	shalt  }
0x4f: {  	_ =	shalt  }
0x50: {  	_ =	shalt  }
0x51: {  	_ =	shalt  }
0x52: {  	_ =	shalt  }
0x53: {  	_ =	shalt  }
0x54: {  	_ =	shalt  }
0x55: {  	_ =	shalt  }
0x56: {  	_ =	shalt  }
0x57: {  	_ =	shalt  }
0x58: {  	_ =	shalt  }
0x59: {  	_ =	shalt  }
0x5a: {  	_ =	shalt  }
0x5b: {  	_ =	shalt  }
0x5c: {  	_ =	shalt  }
0x5d: {  	_ =	shalt  }
0x5e: {  	_ =	shalt  }
0x5f: {  	_ =	shalt  }
0x60: {  	_ =	shalt  }
0x61: {  	_ =	shalt  }
0x62: {  	_ =	shalt  }
0x63: {  	_ =	shalt  }
0x64: {  	_ =	shalt  }
0x65: {  	_ =	shalt  }
0x66: {  	_ =	shalt  }
0x67: {  	_ =	shalt  }
0x68: {  	_ =	shalt  }
0x69: {  	_ =	shalt  }
0x6a: {  	_ =	shalt  }
0x6b: {  	_ =	shalt  }
0x6c: {  	_ =	shalt  }
0x6d: {  	_ =	shalt  }
0x6e: {  	_ =	shalt  }
0x6f: {  	_ =	shalt  }
0x70: {  	_ =	shalt  }
0x71: {  	_ =	shalt  }
0x72: {  	_ =	shalt  }
0x73: {  	_ =	shalt  }
0x74: {  	_ =	shalt  }
0x75: {  	_ =	shalt  }
0x76: {  	_ =	shalt  }
0x77: {  	_ =	shalt  }
0x78: {  	_ =	shalt  }
0x79: {  	_ =	shalt  }
0x7a: {  	_ =	shalt  }
0x7b: {  	_ =	shalt  }
0x7c: {  	_ =	shalt  }
0x7d: {  	_ =	shalt  }
0x7e: {  	_ =	shalt  }
0x7f: {  	_ =	shalt  }
0x80: {  	_ =	shalt  }
0x81: {  	_ =	shalt  }
0x82: {  	_ =	shalt  }
0x83: {  	_ =	shalt  }
0x84: {  	_ =	shalt  }
0x85: {  	_ =	shalt  }
0x86: {  	_ =	shalt  }
0x87: {  	_ =	shalt  }
.Lfunc_end0:
.L_simem_size_0:
called_computation.2_lowered:
.L_overlay_start_0:
0x88: {  	s2 =	sld [smem:$0x3FD9]  }
0x89: {  	s3 =	sld [smem:$0x3FFE];
	_ =	sdelay $0x1  }
0x8a: {  	s1 =	srdreg.scid  }
0x8b: {  	s0 =	sand.u32 $0x1, s1  }
0x8c: {  	s16 =	sshll.u32 s0, $0xA;
	s2 =	sadd.s32 s3, s2  }
0x8d: {  	s2 =	sadd.s32 s2, s16  }
0x8e: {  	[smem:$0x3FB4] =	sst s2  }
0x8f: {  	_ = 	snop  }
0x90: {  	(tm) =	ssettm $0x1  }
0x91: {  	s17 =	sld [smem:$0x3FFB];
	_ =	sdelay $0x3  }
0x92: {  	_ =	strace s17  }
0x93: {  	s2 =	sld [smem:$0x3FFC];
	_ =	sdelay $0x3  }
0x94: {  	_ =	strace s2  }
0x95: {  	s2 =	sld [smem:$0x3FFD];
	_ =	sdelay $0x3  }
0x96: {  	_ =	strace s2  }
0x97: {  	_ =	strace $0x8FFFFFFF  }
0x98: {  	s18 =	sld [smem:$0x3FDB];
	_ =	sdelay $0x1  }
0x99: {  	s19 =	simm.s32 $_scs_section_size  }
0x9a: {  	s4 =	simm.s32 $_size__tile_overlayer_lowered;
	s5 =	simm.s32 $_tile_overlayer_lowered  }
0x9b: {  	s22 =	simm.s32 $0x1BFF;
	s21 =	sshll.u32 s5, $0x1;
	s2 =	sadd.s32 s19, s18  }
0x9c: {  	s6 =	simm.s32 $0x0;
	s20 =	sshll.u32 s4, $0x1;
	s4 =	sadd.s32 s21, s2  }
0x9d: {  	[timem:s6], [sflag:s22] =	dma.local [hbm:s4], s20  }
0x9e: {  	_ =	swait.ge [sflag:s22], s20  }
0x9f: {  	s3 =	ssub.s32 $0x0, s20;
	[sflag:s22] =	ssyncset.done $0x0  }
0xa0: {  	[sflag:s22] =	ssyncadd.s32 s3;
	_ =	sdelay $0x1  }
0xa1: {  	s23 =	simm.s32 $0x1B8B  }
0xa2: {  	_ =	swait.ge [sflag:s23], $0x1  }
0xa3: {  	[sflag:s23] =	ssyncset.done $0x0  }
0xa4: {  	s25 =	simm.s32 $0x1B8E;
	s24 =	sld [smem:$0x3FFE];
	[sflag:s23] =	ssyncadd.s32 $0xFFFFFFFF  }
0xa5: {  	s26 =	simm.s32 $execute0_lowered;
	[smem:$0x3FD2] =	sst s25  }
0xa6: {  	s4 =	sshll.u32 s26, $0x1;
	_ =	strace $0x8000004C;
	[dreg:$0x1] =	wrdreg $0xFFFFFFFF  }
0xa7: {  	s28 =	simm.s32 $_size_execute0_lowered;
	s2 =	sadd.s32 s2, s4;
	[dreg:$0x0] =	wrdreg $0x0  }
0xa8: {  	s4 =	sshll.u32 s28, $0x1;
	[dreg:$0x2] =	wrdreg s2  }
0xa9: {  	[dreg:$0x3] =	wrdreg s4  }
0xaa: {  	[dreg:$0x4] =	wrdreg $0xC0  }
0xab: {  	_ =	task [dreg:s6], $0x5FFFF  }
0xac: {  	[dreg:$0x1] =	wrdreg $0xFFFFFFFF  }
0xad: {  	[dreg:$0x0] =	wrdreg $0x60  }
0xae: {  	[dreg:$0x2] =	wrdreg s24  }
0xaf: {  	[dreg:$0x3] =	wrdreg $0x90000  }
0xb0: {  	[dreg:$0x4] =	wrdreg $0x9  }
0xb1: {  	_ =	task.clear_ibuf [dreg:s6], $0x5FFFF;
	_ =	strace $0x9000004C  }
0xb2: {  	s29 =	simm.s32 $0x9;
	_ =	strace $0x8000004E  }
0xb3: {  	_ =	swait.ge [sflag:s29], $0x1  }
0xb4: {  	[sflag:s29] =	ssyncadd.s32 $0xFFFFFFFF  }
0xb5: {  	_ =	strace $0x9000004E  }
0xb6: {  	_ =	sfence  }
0xb7: {  	s30 =	sld [smem:$0x0];
	_ =	sdelay $0x2  }
0xb8: {  	s31 =	sshll.u32 s1, $0xD;
	s1 =	sshrl.u32 s1, $0x2  }
0xb9: {  	s3 =	sand.u32 $0x4000, s31;
	s1 =	sadd.s32 s1, s30  }
0xba: {  	s0 =	sor.u32 s3, s0;
	s1 =	sshll.u32 s1, $0x11  }
0xbb: {  	s0 =	sor.u32 s1, s0  }
0xbc: {  	s0 =	sadd.s32 $0x8F2B, s0  }
0xbd: {  	[sflag:s0] =	ssyncadd.remote.s32 $0x1  }
0xbe: {  	_ =	sfence.sel $0xFFFF  }
0xbf: {  	[dreg:$0x0] =	wrdreg $0xFFFFFFFF;
	(pc) =	sbr.abs _section_cstart, $3  }
0xc0: {  	[dreg:$0x1] =	wrdreg $0xFFFFFFFF  }
0xc1: {  	_ =	task.clear_ibuf [dreg:s6], $0x2FFFF;
	_ =	strace $0x9FFFFFFF  }
0xc2: {  	(tm) =	ssettm $0x7FFFFFFF  }
0xc3: {  	_ =	shalt  }
tec
execute0_lowered:
.L_overlay_start_1:
0x0: {  	(tag) =	ssettag $0x1  }
0x1: {  	s0 =	srdreg.scid  }
0x2: {  	s12 =	stileid.u32;
	s1 =	rddreg [dreg:$0x0]  }
0x3: {  	s2 =	rddreg [dreg:$0x1];
	s3 =	simm.s32 $0x0;
	s26 =	simm.s32 $0x480  }
0x4: {  	s14 =	simm.s32 $0x180;
	s16 =	simm.s32 $0x580;
	s17 =	simm.s32 $0x200  }
0x5: {  	s19 =	simm.s32 $0x600;
	s20 =	simm.s32 $0x280;
	[smem:$0x7FF] =	sst s3  }
0x6: {  	s21 =	simm.s32 $0x680;
	_ =	strace $0x8000004D;
	[dreg:$0x6] =	wrdreg s26  }
0x7: {  	s28 =	simm.s32 $0x80;
	s29 =	simm.s32 $0x1;
	[dreg:$0x9] =	wrdreg s14  }
0x8: {  	s0 =	sand.u32 $0x1, s0;
	s5 =	smul.u32 $0x271, s12;
	[dreg:$0xa] =	wrdreg s16  }
0x9: {  	s7 =	smul.u32 $0xA00, s12;
	s4 =	sadd.s32 $0x4E00, s1;
	[dreg:$0xb] =	wrdreg s17  }
0xa: {  	s24 =	sshll.u32 s12, $0x1;
	s6 =	smul.u32 $0x2710, s0;
	[dreg:$0xc] =	wrdreg s19  }
0xb: {  	s8 =	smul.u32 $0x500, s0;
	s22 =	ssub.s32 $0x2, s0;
	[dreg:$0xd] =	wrdreg s20  }
0xc: {  	s0 =	sor.u32 s0, s24;
	[dreg:$0xe] =	wrdreg s21;
	s24 =	simm.s32 $0x700  }
0xd: {  	s15 =	smul.u32 $0x4E200, s12;
	s17 =	simm.s32 $0xC80;
	[dreg:$0x10] =	wrdreg s24  }
0xe: {  	s19 =	simm.s32 $0x900;
	s20 =	simm.s32 $0xD00;
	[dreg:$0x14] =	wrdreg s17  }
0xf: {  	s11 =	sshrl.u32 s22, $0x1;
	s0 =	smul.u32 $0x500, s0;
	[dreg:$0x15] =	wrdreg s19  }
0x10: {  	s18 =	sshrl.u32 s15, $0x2;
	s15 =	simm.s32 $0x880;
	[dreg:$0x16] =	wrdreg s20  }
0x11: {  	s24 =	simm.s32 $0xA00;
	s6 =	sadd.s32 s5, s6;
	[dreg:$0x13] =	wrdreg s15  }
0x12: {  	s5 =	sadd.s32 $0x2C800, s1;
	[dreg:$0x19] =	wrdreg s24;
	s9 =	sshll.u32 s6, $0x4  }
0x13: {  	s6 =	sadd.s32 s8, s7;
	s7 =	sadd.s32 $0x36800, s1;
	s13 =	sadd.s32 s5, s0  }
0x14: {  	s1 =	sadd.s32 s9, s1;
	s25 =	sadd.s32 $0x100, s6;
	[dreg:$0x1c] =	wrdreg s13  }
0x15: {  	s9 =	ssub.s32 s22, s11;
	s11 =	simm.s32 $0x500;
	[dreg:$0x5] =	wrdreg s25  }
0x16: {  	s8 =	sadd.s32 s5, s6;
	s0 =	sadd.s32 s7, s0;
	[dreg:$0x8] =	wrdreg s11  }
0x17: {  	s10 =	sadd.s32 s7, s6;
	s8 =	sadd.s32 $0x80, s8;
	[dreg:$0x1d] =	wrdreg s0  }
0x18: {  	s30 =	simm.s32 $0x5000;
	s23 =	sadd.s32 $0x80, s10;
	[dreg:$0x3] =	wrdreg s8  }
0x19: {  	s31 =	simm.s32 $0x2;
	s10 =	simm.s32 $0x100;
	[dreg:$0x4] =	wrdreg s23  }
0x1a: {  	s17 =	simm.s32 $0xF80;
	s26 =	sadd.s32 $0x40800, s1;
	[dreg:$0x7] =	wrdreg s10  }
0x1b: {  	s24 =	simm.s32 $0x5;
	s25 =	simm.s32 $0x380;
	[smem:$0x7F8] =	sst s26  }
0x1c: {  	s15 =	simm.s32 $0xF00;
	s12 =	sadd.s32 $0x41000, s1;
	[dreg:$0x11] =	wrdreg s25  }
0x1d: {  	s11 =	simm.s32 $0x780;
	s16 =	sadd.s32 $0x41800, s1;
	[smem:$0x7F9] =	sst s12  }
0x1e: {  	s21 =	smax.u32 s9, $0x1;
	s0 =	simm.s32 $0x6;
	[dreg:$0x12] =	wrdreg s11  }
0x1f: {  	s9 =	simm.s32 $0xB00;
	s10 =	sadd.s32 s18, s2;
	[smem:$0x7FA] =	sst s16  }
0x20: {  	s23 =	simm.s32 $0x300;
	s18 =	sadd.s32 $0x42000, s1;
	[smem:$0x7FD] =	sst s21  }
0x21: {  	s1 =	sadd.s32 $0x42800, s1;
	s21 =	simm.s32 $0x400;
	[dreg:$0xf] =	wrdreg s23  }
0x22: {  	s25 =	simm.s32 $0xE00;
	s26 =	simm.s32 $0xA80;
	[smem:$0x7FB] =	sst s18  }
0x23: {  	s16 =	simm.s32 $0xB80;
	s8 =	sadd.s32 $0x4000, s10;
	[smem:$0x7FC] =	sst s1  }
0x24: {  	s22 =	sadd.s32 $0x8000, s10;
	s13 =	sadd.s32 $0xC000, s10;
	[dreg:$0x1a] =	wrdreg s25  }
0x25: {  	s14 =	sadd.s32 $0x10000, s10;
	s23 =	simm.s32 $0xD80;
	[dreg:$0x1b] =	wrdreg s26  }
0x26: {  	s25 =	simm.s32 $0x800;
	s26 =	simm.s32 $0xC00;
	[dreg:$0x1e] =	wrdreg s8  }
0x27: {  	s1 =	simm.s32 $0x4;
	s18 =	simm.s32 $0x0;
	[dreg:$0x1f] =	wrdreg s22  }
0x28: {  	s22 =	simm.s32 $0x980;
	[dreg:$0x18] =	wrdreg s23;
	s23 =	simm.s32 $0x3  }
0x29: {  	v0 =	vimm.f32 $0.0e+00;
	s8 =	simm.s32 $0xE80;
	[dreg:$0x17] =	wrdreg s22;
	s22 =	simm.s32 $0x1000  }
.LBB2_1:
0x2a: {  	s11 =	rddreg [dreg:$0x1c]  }
0x2b: {  	[tilespmem:s3], [sflag:$0x5] =	stream.linear.gather [hbm4b:s11+s3], $0x400, $0x38;
	[tilespmem:$0x1C880] =	vst v63  }
0x2c: {  	s20 =	rddreg [dreg:$0x1d]  }
0x2d: {  	[tilespmem:s21], [sflag:$0x5] =	stream.linear.gather [hbm4b:s20+s3], $0x400, $0x38;
	[tilespmem:$0x1C880] =	vst v63  }
0x2e: {  	s19 =	simm.s32 $0x0;
	s20 =	simm.s32 $0x200  }
.LBB2_2:
0x2f: {  	p0 =	sne.s32 s20, $0xFE00;
	[tilespmem:s19+$0x1070] =	vst v0  }
0x30: {  	[tilespmem:s19+$0x1000] =	vst v0  }
0x31: {  	[tilespmem:s19+$0x1010] =	vst v0  }
.Ltmp0:
0x32: {  	[tilespmem:s19+$0x1020] =	vst v0;
	(pc) =	sbr.rel @p0 .LBB2_2-.Ltmp0, $4  }
0x33: {  	[tilespmem:s19+$0x1030] =	vst v0  }
0x34: {  	[tilespmem:s19+$0x1040] =	vst v0  }
0x35: {  	[tilespmem:s19+$0x1050] =	vst v0  }
0x36: {  	[tilespmem:s19+$0x1060] =	vst v0;
	s19 =	sshra.s32 s20, $0x2;
	s20 =	sadd.s32 $0x200, s20  }
0x37: {  	[tilespmem:s19+$0x1070] =	vst v0  }
0x38: {  	[tilespmem:s19+$0x1000] =	vst v0  }
0x39: {  	[tilespmem:s19+$0x1010] =	vst v0  }
0x3a: {  	[tilespmem:s19+$0x1020] =	vst v0  }
0x3b: {  	[tilespmem:s19+$0x1030] =	vst v0  }
0x3c: {  	[tilespmem:s19+$0x1040] =	vst v0  }
0x3d: {  	[tilespmem:s19+$0x1050] =	vst v0  }
0x3e: {  	[tilespmem:s19+$0x1060] =	vst v0  }
0x3f: {  	[spmem:s10] =	stream.linear.scatter [tilespmem:s22], [sflag:$0x3], $0x4000, $0x38;
	[tilespmem:$0x1C880] =	vst v63  }
0x40: {  	s11 =	rddreg [dreg:$0x1e]  }
0x41: {  	[spmem:s11] =	stream.linear.scatter [tilespmem:s22], [sflag:$0x3], $0x4000, $0x38;
	[tilespmem:$0x1C880] =	vst v63  }
0x42: {  	s20 =	rddreg [dreg:$0x1f]  }
0x43: {  	[spmem:s20] =	stream.linear.scatter [tilespmem:s22], [sflag:$0x3], $0x4000, $0x38;
	[tilespmem:$0x1C880] =	vst v63  }
0x44: {  	_ = 	snop  }
0x45: {  	[spmem:s13] =	stream.linear.scatter [tilespmem:s22], [sflag:$0x3], $0x4000, $0x38;
	[tilespmem:$0x1C880] =	vst v63  }
0x46: {  	_ = 	snop  }
0x47: {  	[spmem:s14] =	stream.linear.scatter [tilespmem:s22], [sflag:$0x3], $0x3880, $0x38;
	[tilespmem:$0x1C880] =	vst v63  }
0x48: {  	_ =	swait.ge [sflag:s23], $0x4000  }
0x49: {  	[sflag:s23] =	ssyncset.done $0x0  }
0x4a: {  	[sflag:s23] =	ssyncadd.s32 $0xFFFFC000  }
0x4b: {  	_ =	swait.ge [sflag:s23], $0x4000  }
0x4c: {  	[sflag:s23] =	ssyncset.done $0x0  }
0x4d: {  	[sflag:s23] =	ssyncadd.s32 $0xFFFFC000  }
0x4e: {  	_ =	swait.ge [sflag:s23], $0x4000  }
0x4f: {  	[sflag:s23] =	ssyncset.done $0x0  }
0x50: {  	[sflag:s23] =	ssyncadd.s32 $0xFFFFC000  }
0x51: {  	_ =	swait.ge [sflag:s23], $0x4000  }
0x52: {  	[sflag:s23] =	ssyncset.done $0x0  }
0x53: {  	[sflag:s23] =	ssyncadd.s32 $0xFFFFC000  }
0x54: {  	_ =	swait.ge [sflag:s23], $0x3880  }
0x55: {  	[sflag:s23] =	ssyncset.done $0x0  }
0x56: {  	[sflag:s23] =	ssyncadd.s32 $0xFFFFC780  }
0x57: {  	[bflag:$0x0] =	sbarrier.arrive $0xFFFF  }
0x58: {  	_ =	swait.ge [sflag:s24], $0x400  }
0x59: {  	[sflag:s24] =	ssyncset.done $0x0  }
0x5a: {  	[sflag:s24] =	ssyncadd.s32 $0xFFFFFC00  }
0x5b: {  	_ =	swait.ge [sflag:s24], $0x400  }
0x5c: {  	s11 =	rddreg [dreg:$0x3];
	[sflag:s24] =	ssyncset.done $0x0  }
0x5d: {  	s20 =	rddreg [dreg:$0x4];
	[sflag:s24] =	ssyncadd.s32 $0xFFFFFC00;
	s19 =	sadd.s32 $0x0, s11  }
0x5e: {  	[tilespmem:s25], [sflag:$0x6] =	stream.linear.gather [hbm4b:s19+s3], $0x400, $0x38;
	[tilespmem:$0x1C880] =	vst v63  }
0x5f: {  	s12 =	sadd.s32 $0x0, s20  }
0x60: {  	[tilespmem:s26], [sflag:$0x6] =	stream.linear.gather [hbm4b:s12+s3], $0x400, $0x38;
	[tilespmem:$0x1C880] =	vst v63  }
0x61: {  	_ = 	snop  }
0x62: {  	[tilespmem:s22], [sflag:$0x1] =	stream.indirect.gather [hbm4b:s4+s28], $0x80, s3, s28, $0xb8;
	[tilespmem:$0x1C880] =	vst v63  }
0x63: {  	_ =	swait.ge [sflag:s29], $0x4000  }
0x64: {  	[sflag:s29] =	ssyncset.done $0x0  }
0x65: {  	[sflag:s29] =	ssyncadd.s32 $0xFFFFC000  }
0x66: {  	[spmem:s2] =	stream.indirect.scatter.add.f32 [tilespmem:s22], [sflag:$0x3], $0x80, s21, s28, $0xb8;
	[tilespmem:$0x1C880] =	vst v63  }
0x67: {  	_ = 	snop  }
0x68: {  	[tilespmem:s30], [sflag:$0x2] =	stream.indirect.gather [hbm4b:s4+s28], $0x80, s28, s28, $0xb8;
	[tilespmem:$0x1C880] =	vst v63  }
0x69: {  	_ =	swait.ge [sflag:s31], $0x4000  }
0x6a: {  	[sflag:s31] =	ssyncset.done $0x0  }
0x6b: {  	s20 =	rddreg [dreg:$0x6];
	[sflag:s31] =	ssyncadd.s32 $0xFFFFC000  }
0x6c: {  	[spmem:s2] =	stream.indirect.scatter.add.f32 [tilespmem:s30], [sflag:$0x4], $0x80, s20, s28, $0xb8;
	[tilespmem:$0x1C880] =	vst v63  }
0x6d: {  	_ =	swait.ge [sflag:s23], $0x4000  }
0x6e: {  	[sflag:s23] =	ssyncset.done $0x0  }
0x6f: {  	s11 =	rddreg [dreg:$0x7];
	[sflag:s23] =	ssyncadd.s32 $0xFFFFC000  }
0x70: {  	[tilespmem:s22], [sflag:$0x1] =	stream.indirect.gather [hbm4b:s4+s28], $0x80, s11, s28, $0xb8;
	[tilespmem:$0x1C880] =	vst v63  }
0x71: {  	_ =	swait.ge [sflag:s29], $0x4000  }
0x72: {  	[sflag:s29] =	ssyncset.done $0x0  }
0x73: {  	s12 =	rddreg [dreg:$0x8];
	[sflag:s29] =	ssyncadd.s32 $0xFFFFC000  }
0x74: {  	[spmem:s2] =	stream.indirect.scatter.add.f32 [tilespmem:s22], [sflag:$0x3], $0x80, s12, s28, $0xb8;
	[tilespmem:$0x1C880] =	vst v63  }
0x75: {  	_ =	swait.ge [sflag:s1], $0x4000  }
0x76: {  	[sflag:s1] =	ssyncset.done $0x0  }
0x77: {  	s20 =	rddreg [dreg:$0x9];
	[sflag:s1] =	ssyncadd.s32 $0xFFFFC000  }
0x78: {  	[tilespmem:s30], [sflag:$0x2] =	stream.indirect.gather [hbm4b:s4+s28], $0x80, s20, s28, $0xb8;
	[tilespmem:$0x1C880] =	vst v63  }
0x79: {  	_ =	swait.ge [sflag:s31], $0x4000  }
0x7a: {  	[sflag:s31] =	ssyncset.done $0x0  }
0x7b: {  	s11 =	rddreg [dreg:$0xa];
	[sflag:s31] =	ssyncadd.s32 $0xFFFFC000  }
0x7c: {  	[spmem:s2] =	stream.indirect.scatter.add.f32 [tilespmem:s30], [sflag:$0x4], $0x80, s11, s28, $0xb8;
	[tilespmem:$0x1C880] =	vst v63  }
0x7d: {  	_ =	swait.ge [sflag:s23], $0x4000  }
0x7e: {  	[sflag:s23] =	ssyncset.done $0x0  }
0x7f: {  	s12 =	rddreg [dreg:$0xb];
	[sflag:s23] =	ssyncadd.s32 $0xFFFFC000  }
0x80: {  	[tilespmem:s22], [sflag:$0x1] =	stream.indirect.gather [hbm4b:s4+s28], $0x80, s12, s28, $0xb8;
	[tilespmem:$0x1C880] =	vst v63  }
0x81: {  	_ =	swait.ge [sflag:s29], $0x4000  }
0x82: {  	[sflag:s29] =	ssyncset.done $0x0  }
0x83: {  	s20 =	rddreg [dreg:$0xc];
	[sflag:s29] =	ssyncadd.s32 $0xFFFFC000  }
0x84: {  	[spmem:s2] =	stream.indirect.scatter.add.f32 [tilespmem:s22], [sflag:$0x3], $0x80, s20, s28, $0xb8;
	[tilespmem:$0x1C880] =	vst v63  }
0x85: {  	_ =	swait.ge [sflag:s1], $0x4000  }
0x86: {  	[sflag:s1] =	ssyncset.done $0x0  }
0x87: {  	s11 =	rddreg [dreg:$0xd];
	[sflag:s1] =	ssyncadd.s32 $0xFFFFC000  }
0x88: {  	[tilespmem:s30], [sflag:$0x2] =	stream.indirect.gather [hbm4b:s4+s28], $0x80, s11, s28, $0xb8;
	[tilespmem:$0x1C880] =	vst v63  }
0x89: {  	_ =	swait.ge [sflag:s31], $0x4000  }
0x8a: {  	[sflag:s31] =	ssyncset.done $0x0  }
0x8b: {  	s12 =	rddreg [dreg:$0xe];
	[sflag:s31] =	ssyncadd.s32 $0xFFFFC000  }
0x8c: {  	[spmem:s2] =	stream.indirect.scatter.add.f32 [tilespmem:s30], [sflag:$0x4], $0x80, s12, s28, $0xb8;
	[tilespmem:$0x1C880] =	vst v63  }
0x8d: {  	_ =	swait.ge [sflag:s23], $0x4000  }
0x8e: {  	[sflag:s23] =	ssyncset.done $0x0  }
0x8f: {  	s20 =	rddreg [dreg:$0xf];
	[sflag:s23] =	ssyncadd.s32 $0xFFFFC000  }
0x90: {  	[tilespmem:s22], [sflag:$0x1] =	stream.indirect.gather [hbm4b:s4+s28], $0x80, s20, s28, $0xb8;
	[tilespmem:$0x1C880] =	vst v63  }
0x91: {  	_ =	swait.ge [sflag:s29], $0x4000  }
0x92: {  	[sflag:s29] =	ssyncset.done $0x0  }
0x93: {  	s11 =	rddreg [dreg:$0x10];
	[sflag:s29] =	ssyncadd.s32 $0xFFFFC000  }
0x94: {  	[spmem:s2] =	stream.indirect.scatter.add.f32 [tilespmem:s22], [sflag:$0x3], $0x80, s11, s28, $0xb8;
	[tilespmem:$0x1C880] =	vst v63  }
0x95: {  	_ =	swait.ge [sflag:s1], $0x4000  }
0x96: {  	[sflag:s1] =	ssyncset.done $0x0  }
0x97: {  	s12 =	rddreg [dreg:$0x11];
	[sflag:s1] =	ssyncadd.s32 $0xFFFFC000  }
0x98: {  	[tilespmem:s30], [sflag:$0x2] =	stream.indirect.gather [hbm4b:s4+s28], $0x80, s12, s28, $0xb8;
	[tilespmem:$0x1C880] =	vst v63  }
0x99: {  	_ =	swait.ge [sflag:s31], $0x4000  }
0x9a: {  	[sflag:s31] =	ssyncset.done $0x0  }
0x9b: {  	s20 =	rddreg [dreg:$0x12];
	[sflag:s31] =	ssyncadd.s32 $0xFFFFC000  }
0x9c: {  	[spmem:s2] =	stream.indirect.scatter.add.f32 [tilespmem:s30], [sflag:$0x4], $0x80, s20, s28, $0xb8;
	[tilespmem:$0x1C880] =	vst v63  }
0x9d: {  	_ =	swait.ge [sflag:s0], $0x400  }
0x9e: {  	[sflag:s0] =	ssyncset.done $0x0  }
0x9f: {  	[sflag:s0] =	ssyncadd.s32 $0xFFFFFC00  }
0xa0: {  	_ =	swait.ge [sflag:s0], $0x400  }
0xa1: {  	[sflag:s0] =	ssyncset.done $0x0  }
0xa2: {  	[sflag:s0] =	ssyncadd.s32 $0xFFFFFC00  }
0xa3: {  	_ =	swait.ge [sflag:s23], $0x4000  }
0xa4: {  	[sflag:s23] =	ssyncset.done $0x0  }
0xa5: {  	[sflag:s23] =	ssyncadd.s32 $0xFFFFC000  }
0xa6: {  	[tilespmem:s22], [sflag:$0x1] =	stream.indirect.gather [hbm4b:s4+s28], $0x80, s25, s28, $0xb8;
	[tilespmem:$0x1C880] =	vst v63  }
0xa7: {  	_ =	swait.ge [sflag:s29], $0x4000  }
0xa8: {  	[sflag:s29] =	ssyncset.done $0x0  }
0xa9: {  	[sflag:s29] =	ssyncadd.s32 $0xFFFFC000  }
0xaa: {  	[spmem:s2] =	stream.indirect.scatter.add.f32 [tilespmem:s22], [sflag:$0x3], $0x80, s26, s28, $0xb8;
	[tilespmem:$0x1C880] =	vst v63  }
0xab: {  	_ =	swait.ge [sflag:s1], $0x4000  }
0xac: {  	[sflag:s1] =	ssyncset.done $0x0  }
0xad: {  	s11 =	rddreg [dreg:$0x13];
	[sflag:s1] =	ssyncadd.s32 $0xFFFFC000  }
0xae: {  	[tilespmem:s30], [sflag:$0x2] =	stream.indirect.gather [hbm4b:s4+s28], $0x80, s11, s28, $0xb8;
	[tilespmem:$0x1C880] =	vst v63  }
0xaf: {  	_ =	swait.ge [sflag:s31], $0x4000  }
0xb0: {  	[sflag:s31] =	ssyncset.done $0x0  }
0xb1: {  	s12 =	rddreg [dreg:$0x14];
	[sflag:s31] =	ssyncadd.s32 $0xFFFFC000  }
0xb2: {  	[spmem:s2] =	stream.indirect.scatter.add.f32 [tilespmem:s30], [sflag:$0x4], $0x80, s12, s28, $0xb8;
	[tilespmem:$0x1C880] =	vst v63  }
0xb3: {  	_ =	swait.ge [sflag:s23], $0x4000  }
0xb4: {  	[sflag:s23] =	ssyncset.done $0x0  }
0xb5: {  	s20 =	rddreg [dreg:$0x15];
	[sflag:s23] =	ssyncadd.s32 $0xFFFFC000  }
0xb6: {  	[tilespmem:s22], [sflag:$0x1] =	stream.indirect.gather [hbm4b:s4+s28], $0x80, s20, s28, $0xb8;
	[tilespmem:$0x1C880] =	vst v63  }
0xb7: {  	_ =	swait.ge [sflag:s29], $0x4000  }
0xb8: {  	[sflag:s29] =	ssyncset.done $0x0  }
0xb9: {  	s11 =	rddreg [dreg:$0x16];
	[sflag:s29] =	ssyncadd.s32 $0xFFFFC000  }
0xba: {  	[spmem:s2] =	stream.indirect.scatter.add.f32 [tilespmem:s22], [sflag:$0x3], $0x80, s11, s28, $0xb8;
	[tilespmem:$0x1C880] =	vst v63  }
0xbb: {  	_ =	swait.ge [sflag:s1], $0x4000  }
0xbc: {  	[sflag:s1] =	ssyncset.done $0x0  }
0xbd: {  	s12 =	rddreg [dreg:$0x17];
	[sflag:s1] =	ssyncadd.s32 $0xFFFFC000  }
0xbe: {  	[tilespmem:s30], [sflag:$0x2] =	stream.indirect.gather [hbm4b:s4+s28], $0x80, s12, s28, $0xb8;
	[tilespmem:$0x1C880] =	vst v63  }
0xbf: {  	_ =	swait.ge [sflag:s31], $0x4000  }
0xc0: {  	[sflag:s31] =	ssyncset.done $0x0  }
0xc1: {  	s20 =	rddreg [dreg:$0x18];
	[sflag:s31] =	ssyncadd.s32 $0xFFFFC000  }
0xc2: {  	[spmem:s2] =	stream.indirect.scatter.add.f32 [tilespmem:s30], [sflag:$0x4], $0x80, s20, s28, $0xb8;
	[tilespmem:$0x1C880] =	vst v63  }
0xc3: {  	_ =	swait.ge [sflag:s23], $0x4000  }
0xc4: {  	[sflag:s23] =	ssyncset.done $0x0  }
0xc5: {  	s11 =	rddreg [dreg:$0x19];
	[sflag:s23] =	ssyncadd.s32 $0xFFFFC000  }
0xc6: {  	[tilespmem:s22], [sflag:$0x1] =	stream.indirect.gather [hbm4b:s4+s28], $0x80, s11, s28, $0xb8;
	[tilespmem:$0x1C880] =	vst v63  }
0xc7: {  	_ =	swait.ge [sflag:s29], $0x4000  }
0xc8: {  	[sflag:s29] =	ssyncset.done $0x0  }
0xc9: {  	s12 =	rddreg [dreg:$0x1a];
	[sflag:s29] =	ssyncadd.s32 $0xFFFFC000  }
0xca: {  	[spmem:s2] =	stream.indirect.scatter.add.f32 [tilespmem:s22], [sflag:$0x3], $0x80, s12, s28, $0xb8;
	[tilespmem:$0x1C880] =	vst v63  }
0xcb: {  	_ =	swait.ge [sflag:s1], $0x4000  }
0xcc: {  	[sflag:s1] =	ssyncset.done $0x0  }
0xcd: {  	s20 =	rddreg [dreg:$0x1b];
	[sflag:s1] =	ssyncadd.s32 $0xFFFFC000  }
0xce: {  	[tilespmem:s30], [sflag:$0x2] =	stream.indirect.gather [hbm4b:s4+s28], $0x80, s20, s28, $0xb8;
	[tilespmem:$0x1C880] =	vst v63  }
0xcf: {  	_ =	swait.ge [sflag:s31], $0x4000  }
0xd0: {  	[sflag:s31] =	ssyncset.done $0x0  }
0xd1: {  	[sflag:s31] =	ssyncadd.s32 $0xFFFFC000  }
0xd2: {  	[spmem:s2] =	stream.indirect.scatter.add.f32 [tilespmem:s30], [sflag:$0x4], $0x80, s8, s28, $0xb8;
	[tilespmem:$0x1C880] =	vst v63  }
0xd3: {  	_ =	swait.ge [sflag:s23], $0x4000  }
0xd4: {  	[sflag:s23] =	ssyncset.done $0x0  }
0xd5: {  	[sflag:s23] =	ssyncadd.s32 $0xFFFFC000  }
0xd6: {  	[tilespmem:s22], [sflag:$0x1] =	stream.indirect.gather [hbm4b:s4+s28], $0x80, s9, s28, $0xb8;
	[tilespmem:$0x1C880] =	vst v63  }
0xd7: {  	_ =	swait.ge [sflag:s29], $0x4000  }
0xd8: {  	[sflag:s29] =	ssyncset.done $0x0  }
0xd9: {  	[sflag:s29] =	ssyncadd.s32 $0xFFFFC000  }
0xda: {  	[spmem:s2] =	stream.indirect.scatter.add.f32 [tilespmem:s22], [sflag:$0x3], $0x80, s15, s28, $0xb8;
	[tilespmem:$0x1C880] =	vst v63  }
0xdb: {  	_ =	swait.ge [sflag:s1], $0x4000  }
0xdc: {  	[sflag:s1] =	ssyncset.done $0x0  }
0xdd: {  	[sflag:s1] =	ssyncadd.s32 $0xFFFFC000  }
0xde: {  	[tilespmem:s30], [sflag:$0x2] =	stream.indirect.gather [hbm4b:s4+s28], $0x80, s16, s28, $0xb8;
	[tilespmem:$0x1C880] =	vst v63  }
0xdf: {  	_ =	swait.ge [sflag:s31], $0x4000  }
0xe0: {  	[sflag:s31] =	ssyncset.done $0x0;
	s11 =	rddreg [dreg:$0x5]  }
0xe1: {  	[sflag:s31] =	ssyncadd.s32 $0xFFFFC000;
	s19 =	sadd.s32 $0x0, s11  }
0xe2: {  	[spmem:s2] =	stream.indirect.scatter.add.f32 [tilespmem:s30], [sflag:$0x4], $0x80, s17, s28, $0xb8;
	[tilespmem:$0x1C880] =	vst v63  }
0xe3: {  	p0 =	seq.s32 s19, $0xA000;
	s19 =	sadd.s32 $0x100, s6  }
0xe4: {  	s19 =	simm.s32 @p0 $0x0  }
0xe5: {  	s12 =	sadd.s32 s5, s19  }
0xe6: {  	[tilespmem:s3], [sflag:$0x5] =	stream.linear.gather [hbm4b:s12+s3], $0x400, $0x38;
	[tilespmem:$0x1C880] =	vst v63  }
0xe7: {  	s19 =	sadd.s32 s7, s19  }
0xe8: {  	[tilespmem:s21], [sflag:$0x5] =	stream.linear.gather [hbm4b:s19+s3], $0x400, $0x38;
	[tilespmem:$0x1C880] =	vst v63  }
0xe9: {  	_ =	swait.ge [sflag:s23], $0x4000  }
0xea: {  	s19 =	simm.s32 $0x100;
	[sflag:s23] =	ssyncset.done $0x0  }
.LBB2_4:
0xeb: {  	[sflag:s23] =	ssyncadd.s32 $0xFFFFC000  }
0xec: {  	_ =	swait.ge [sflag:s1], $0x4000  }
0xed: {  	[sflag:s1] =	ssyncset.done $0x0  }
0xee: {  	[sflag:s1] =	ssyncadd.s32 $0xFFFFC000  }
0xef: {  	_ =	swait.ge [sflag:s24], $0x400  }
0xf0: {  	[sflag:s24] =	ssyncset.done $0x0  }
0xf1: {  	[sflag:s24] =	ssyncadd.s32 $0xFFFFFC00  }
0xf2: {  	_ =	swait.ge [sflag:s24], $0x400  }
0xf3: {  	s20 =	smov.u32 s19;
	s11 =	rddreg [dreg:$0x3];
	[sflag:s24] =	ssyncset.done $0x0  }
0xf4: {  	s12 =	rddreg [dreg:$0x4];
	[sflag:s24] =	ssyncadd.s32 $0xFFFFFC00;
	s11 =	sadd.s32 s20, s11  }
0xf5: {  	[tilespmem:s25], [sflag:$0x6] =	stream.linear.gather [hbm4b:s11+s3], $0x400, $0x38;
	[tilespmem:$0x1C880] =	vst v63  }
0xf6: {  	s12 =	sadd.s32 s20, s12  }
0xf7: {  	[tilespmem:s26], [sflag:$0x6] =	stream.linear.gather [hbm4b:s12+s3], $0x400, $0x38;
	[tilespmem:$0x1C880] =	vst v63  }
0xf8: {  	_ = 	snop  }
0xf9: {  	[tilespmem:s22], [sflag:$0x1] =	stream.indirect.gather [hbm4b:s4+s28], $0x80, s3, s28, $0xb8;
	[tilespmem:$0x1C880] =	vst v63  }
0xfa: {  	_ =	swait.ge [sflag:s29], $0x4000  }
0xfb: {  	[sflag:s29] =	ssyncset.done $0x0  }
0xfc: {  	[sflag:s29] =	ssyncadd.s32 $0xFFFFC000  }
0xfd: {  	[spmem:s2] =	stream.indirect.scatter.add.f32 [tilespmem:s22], [sflag:$0x3], $0x80, s21, s28, $0xb8;
	[tilespmem:$0x1C880] =	vst v63  }
0xfe: {  	_ = 	snop  }
0xff: {  	[tilespmem:s30], [sflag:$0x2] =	stream.indirect.gather [hbm4b:s4+s28], $0x80, s28, s28, $0xb8;
	[tilespmem:$0x1C880] =	vst v63  }
0x100: {  	_ =	swait.ge [sflag:s31], $0x4000  }
0x101: {  	[sflag:s31] =	ssyncset.done $0x0  }
0x102: {  	s12 =	rddreg [dreg:$0x6];
	[sflag:s31] =	ssyncadd.s32 $0xFFFFC000  }
0x103: {  	[spmem:s2] =	stream.indirect.scatter.add.f32 [tilespmem:s30], [sflag:$0x4], $0x80, s12, s28, $0xb8;
	[tilespmem:$0x1C880] =	vst v63  }
0x104: {  	_ =	swait.ge [sflag:s23], $0x4000  }
0x105: {  	[sflag:s23] =	ssyncset.done $0x0  }
0x106: {  	s12 =	rddreg [dreg:$0x7];
	[sflag:s23] =	ssyncadd.s32 $0xFFFFC000  }
0x107: {  	[tilespmem:s22], [sflag:$0x1] =	stream.indirect.gather [hbm4b:s4+s28], $0x80, s12, s28, $0xb8;
	[tilespmem:$0x1C880] =	vst v63  }
0x108: {  	_ =	swait.ge [sflag:s29], $0x4000  }
0x109: {  	[sflag:s29] =	ssyncset.done $0x0  }
0x10a: {  	s12 =	rddreg [dreg:$0x8];
	[sflag:s29] =	ssyncadd.s32 $0xFFFFC000  }
0x10b: {  	[spmem:s2] =	stream.indirect.scatter.add.f32 [tilespmem:s22], [sflag:$0x3], $0x80, s12, s28, $0xb8;
	[tilespmem:$0x1C880] =	vst v63  }
0x10c: {  	_ =	swait.ge [sflag:s1], $0x4000  }
0x10d: {  	[sflag:s1] =	ssyncset.done $0x0  }
0x10e: {  	s12 =	rddreg [dreg:$0x9];
	[sflag:s1] =	ssyncadd.s32 $0xFFFFC000  }
0x10f: {  	[tilespmem:s30], [sflag:$0x2] =	stream.indirect.gather [hbm4b:s4+s28], $0x80, s12, s28, $0xb8;
	[tilespmem:$0x1C880] =	vst v63  }
0x110: {  	_ =	swait.ge [sflag:s31], $0x4000  }
0x111: {  	[sflag:s31] =	ssyncset.done $0x0  }
0x112: {  	s12 =	rddreg [dreg:$0xa];
	[sflag:s31] =	ssyncadd.s32 $0xFFFFC000  }
0x113: {  	[spmem:s2] =	stream.indirect.scatter.add.f32 [tilespmem:s30], [sflag:$0x4], $0x80, s12, s28, $0xb8;
	[tilespmem:$0x1C880] =	vst v63  }
0x114: {  	_ =	swait.ge [sflag:s23], $0x4000  }
0x115: {  	[sflag:s23] =	ssyncset.done $0x0  }
0x116: {  	s12 =	rddreg [dreg:$0xb];
	[sflag:s23] =	ssyncadd.s32 $0xFFFFC000  }
0x117: {  	[tilespmem:s22], [sflag:$0x1] =	stream.indirect.gather [hbm4b:s4+s28], $0x80, s12, s28, $0xb8;
	[tilespmem:$0x1C880] =	vst v63  }
0x118: {  	_ =	swait.ge [sflag:s29], $0x4000  }
0x119: {  	[sflag:s29] =	ssyncset.done $0x0  }
0x11a: {  	s12 =	rddreg [dreg:$0xc];
	[sflag:s29] =	ssyncadd.s32 $0xFFFFC000  }
0x11b: {  	[spmem:s2] =	stream.indirect.scatter.add.f32 [tilespmem:s22], [sflag:$0x3], $0x80, s12, s28, $0xb8;
	[tilespmem:$0x1C880] =	vst v63  }
0x11c: {  	_ =	swait.ge [sflag:s1], $0x4000  }
0x11d: {  	[sflag:s1] =	ssyncset.done $0x0  }
0x11e: {  	s12 =	rddreg [dreg:$0xd];
	[sflag:s1] =	ssyncadd.s32 $0xFFFFC000  }
0x11f: {  	[tilespmem:s30], [sflag:$0x2] =	stream.indirect.gather [hbm4b:s4+s28], $0x80, s12, s28, $0xb8;
	[tilespmem:$0x1C880] =	vst v63  }
0x120: {  	_ =	swait.ge [sflag:s31], $0x4000  }
0x121: {  	[sflag:s31] =	ssyncset.done $0x0  }
0x122: {  	s12 =	rddreg [dreg:$0xe];
	[sflag:s31] =	ssyncadd.s32 $0xFFFFC000  }
0x123: {  	[spmem:s2] =	stream.indirect.scatter.add.f32 [tilespmem:s30], [sflag:$0x4], $0x80, s12, s28, $0xb8;
	[tilespmem:$0x1C880] =	vst v63  }
0x124: {  	_ =	swait.ge [sflag:s23], $0x4000  }
0x125: {  	[sflag:s23] =	ssyncset.done $0x0  }
0x126: {  	s12 =	rddreg [dreg:$0xf];
	[sflag:s23] =	ssyncadd.s32 $0xFFFFC000  }
0x127: {  	[tilespmem:s22], [sflag:$0x1] =	stream.indirect.gather [hbm4b:s4+s28], $0x80, s12, s28, $0xb8;
	[tilespmem:$0x1C880] =	vst v63  }
0x128: {  	_ =	swait.ge [sflag:s29], $0x4000  }
0x129: {  	[sflag:s29] =	ssyncset.done $0x0  }
0x12a: {  	s12 =	rddreg [dreg:$0x10];
	[sflag:s29] =	ssyncadd.s32 $0xFFFFC000  }
0x12b: {  	[spmem:s2] =	stream.indirect.scatter.add.f32 [tilespmem:s22], [sflag:$0x3], $0x80, s12, s28, $0xb8;
	[tilespmem:$0x1C880] =	vst v63  }
0x12c: {  	_ =	swait.ge [sflag:s1], $0x4000  }
0x12d: {  	[sflag:s1] =	ssyncset.done $0x0  }
0x12e: {  	s12 =	rddreg [dreg:$0x11];
	[sflag:s1] =	ssyncadd.s32 $0xFFFFC000  }
0x12f: {  	[tilespmem:s30], [sflag:$0x2] =	stream.indirect.gather [hbm4b:s4+s28], $0x80, s12, s28, $0xb8;
	[tilespmem:$0x1C880] =	vst v63  }
0x130: {  	_ =	swait.ge [sflag:s31], $0x4000  }
0x131: {  	[sflag:s31] =	ssyncset.done $0x0  }
0x132: {  	s12 =	rddreg [dreg:$0x12];
	[sflag:s31] =	ssyncadd.s32 $0xFFFFC000  }
0x133: {  	[spmem:s2] =	stream.indirect.scatter.add.f32 [tilespmem:s30], [sflag:$0x4], $0x80, s12, s28, $0xb8;
	[tilespmem:$0x1C880] =	vst v63  }
0x134: {  	_ =	swait.ge [sflag:s0], $0x400  }
0x135: {  	[sflag:s0] =	ssyncset.done $0x0  }
0x136: {  	[sflag:s0] =	ssyncadd.s32 $0xFFFFFC00  }
0x137: {  	_ =	swait.ge [sflag:s0], $0x400  }
0x138: {  	[sflag:s0] =	ssyncset.done $0x0  }
0x139: {  	[sflag:s0] =	ssyncadd.s32 $0xFFFFFC00  }
0x13a: {  	_ =	swait.ge [sflag:s23], $0x4000  }
0x13b: {  	[sflag:s23] =	ssyncset.done $0x0  }
0x13c: {  	[sflag:s23] =	ssyncadd.s32 $0xFFFFC000  }
0x13d: {  	[tilespmem:s22], [sflag:$0x1] =	stream.indirect.gather [hbm4b:s4+s28], $0x80, s25, s28, $0xb8;
	[tilespmem:$0x1C880] =	vst v63  }
0x13e: {  	_ =	swait.ge [sflag:s29], $0x4000  }
0x13f: {  	[sflag:s29] =	ssyncset.done $0x0  }
0x140: {  	[sflag:s29] =	ssyncadd.s32 $0xFFFFC000  }
0x141: {  	[spmem:s2] =	stream.indirect.scatter.add.f32 [tilespmem:s22], [sflag:$0x3], $0x80, s26, s28, $0xb8;
	[tilespmem:$0x1C880] =	vst v63  }
0x142: {  	_ =	swait.ge [sflag:s1], $0x4000  }
0x143: {  	[sflag:s1] =	ssyncset.done $0x0  }
0x144: {  	s12 =	rddreg [dreg:$0x13];
	[sflag:s1] =	ssyncadd.s32 $0xFFFFC000  }
0x145: {  	[tilespmem:s30], [sflag:$0x2] =	stream.indirect.gather [hbm4b:s4+s28], $0x80, s12, s28, $0xb8;
	[tilespmem:$0x1C880] =	vst v63  }
0x146: {  	_ =	swait.ge [sflag:s31], $0x4000  }
0x147: {  	[sflag:s31] =	ssyncset.done $0x0  }
0x148: {  	s12 =	rddreg [dreg:$0x14];
	[sflag:s31] =	ssyncadd.s32 $0xFFFFC000  }
0x149: {  	[spmem:s2] =	stream.indirect.scatter.add.f32 [tilespmem:s30], [sflag:$0x4], $0x80, s12, s28, $0xb8;
	[tilespmem:$0x1C880] =	vst v63  }
0x14a: {  	_ =	swait.ge [sflag:s23], $0x4000  }
0x14b: {  	[sflag:s23] =	ssyncset.done $0x0  }
0x14c: {  	s12 =	rddreg [dreg:$0x15];
	[sflag:s23] =	ssyncadd.s32 $0xFFFFC000  }
0x14d: {  	[tilespmem:s22], [sflag:$0x1] =	stream.indirect.gather [hbm4b:s4+s28], $0x80, s12, s28, $0xb8;
	[tilespmem:$0x1C880] =	vst v63  }
0x14e: {  	_ =	swait.ge [sflag:s29], $0x4000  }
0x14f: {  	[sflag:s29] =	ssyncset.done $0x0  }
0x150: {  	s12 =	rddreg [dreg:$0x16];
	[sflag:s29] =	ssyncadd.s32 $0xFFFFC000  }
0x151: {  	[spmem:s2] =	stream.indirect.scatter.add.f32 [tilespmem:s22], [sflag:$0x3], $0x80, s12, s28, $0xb8;
	[tilespmem:$0x1C880] =	vst v63  }
0x152: {  	_ =	swait.ge [sflag:s1], $0x4000  }
0x153: {  	[sflag:s1] =	ssyncset.done $0x0  }
0x154: {  	s12 =	rddreg [dreg:$0x17];
	[sflag:s1] =	ssyncadd.s32 $0xFFFFC000  }
0x155: {  	[tilespmem:s30], [sflag:$0x2] =	stream.indirect.gather [hbm4b:s4+s28], $0x80, s12, s28, $0xb8;
	[tilespmem:$0x1C880] =	vst v63  }
0x156: {  	_ =	swait.ge [sflag:s31], $0x4000  }
0x157: {  	[sflag:s31] =	ssyncset.done $0x0  }
0x158: {  	s12 =	rddreg [dreg:$0x18];
	[sflag:s31] =	ssyncadd.s32 $0xFFFFC000  }
0x159: {  	[spmem:s2] =	stream.indirect.scatter.add.f32 [tilespmem:s30], [sflag:$0x4], $0x80, s12, s28, $0xb8;
	[tilespmem:$0x1C880] =	vst v63  }
0x15a: {  	_ =	swait.ge [sflag:s23], $0x4000  }
0x15b: {  	[sflag:s23] =	ssyncset.done $0x0  }
0x15c: {  	s12 =	rddreg [dreg:$0x19];
	[sflag:s23] =	ssyncadd.s32 $0xFFFFC000  }
0x15d: {  	[tilespmem:s22], [sflag:$0x1] =	stream.indirect.gather [hbm4b:s4+s28], $0x80, s12, s28, $0xb8;
	[tilespmem:$0x1C880] =	vst v63  }
0x15e: {  	_ =	swait.ge [sflag:s29], $0x4000  }
0x15f: {  	[sflag:s29] =	ssyncset.done $0x0  }
0x160: {  	s12 =	rddreg [dreg:$0x1a];
	[sflag:s29] =	ssyncadd.s32 $0xFFFFC000  }
0x161: {  	[spmem:s2] =	stream.indirect.scatter.add.f32 [tilespmem:s22], [sflag:$0x3], $0x80, s12, s28, $0xb8;
	[tilespmem:$0x1C880] =	vst v63  }
0x162: {  	_ =	swait.ge [sflag:s1], $0x4000  }
0x163: {  	[sflag:s1] =	ssyncset.done $0x0  }
0x164: {  	s12 =	rddreg [dreg:$0x1b];
	[sflag:s1] =	ssyncadd.s32 $0xFFFFC000  }
0x165: {  	[tilespmem:s30], [sflag:$0x2] =	stream.indirect.gather [hbm4b:s4+s28], $0x80, s12, s28, $0xb8;
	[tilespmem:$0x1C880] =	vst v63  }
0x166: {  	_ =	swait.ge [sflag:s31], $0x4000  }
0x167: {  	[sflag:s31] =	ssyncset.done $0x0  }
0x168: {  	[sflag:s31] =	ssyncadd.s32 $0xFFFFC000  }
0x169: {  	[spmem:s2] =	stream.indirect.scatter.add.f32 [tilespmem:s30], [sflag:$0x4], $0x80, s8, s28, $0xb8;
	[tilespmem:$0x1C880] =	vst v63  }
0x16a: {  	_ =	swait.ge [sflag:s23], $0x4000  }
0x16b: {  	[sflag:s23] =	ssyncset.done $0x0  }
0x16c: {  	[sflag:s23] =	ssyncadd.s32 $0xFFFFC000  }
0x16d: {  	[tilespmem:s22], [sflag:$0x1] =	stream.indirect.gather [hbm4b:s4+s28], $0x80, s9, s28, $0xb8;
	[tilespmem:$0x1C880] =	vst v63  }
0x16e: {  	_ =	swait.ge [sflag:s29], $0x4000  }
0x16f: {  	[sflag:s29] =	ssyncset.done $0x0  }
0x170: {  	[sflag:s29] =	ssyncadd.s32 $0xFFFFC000  }
0x171: {  	[spmem:s2] =	stream.indirect.scatter.add.f32 [tilespmem:s22], [sflag:$0x3], $0x80, s15, s28, $0xb8;
	[tilespmem:$0x1C880] =	vst v63  }
0x172: {  	_ =	swait.ge [sflag:s1], $0x4000  }
0x173: {  	[sflag:s1] =	ssyncset.done $0x0  }
0x174: {  	[sflag:s1] =	ssyncadd.s32 $0xFFFFC000  }
0x175: {  	[tilespmem:s30], [sflag:$0x2] =	stream.indirect.gather [hbm4b:s4+s28], $0x80, s16, s28, $0xb8;
	[tilespmem:$0x1C880] =	vst v63  }
0x176: {  	_ =	swait.ge [sflag:s31], $0x4000  }
0x177: {  	p0 =	sne.s32 s19, $0x400;
	[sflag:s31] =	ssyncset.done $0x0;
	s12 =	rddreg [dreg:$0x5]  }
0x178: {  	s19 =	sadd.s32 $0x100, s19;
	[sflag:s31] =	ssyncadd.s32 $0xFFFFC000;
	s11 =	sadd.s32 s20, s12  }
0x179: {  	[spmem:s2] =	stream.indirect.scatter.add.f32 [tilespmem:s30], [sflag:$0x4], $0x80, s17, s28, $0xb8;
	[tilespmem:$0x1C880] =	vst v63  }
0x17a: {  	p1 =	seq.s32 s11, $0xA000;
	s11 =	sadd.s32 s6, s19  }
0x17b: {  	s11 =	simm.s32 @p1 $0x0  }
0x17c: {  	s20 =	sadd.s32 s5, s11  }
0x17d: {  	[tilespmem:s3], [sflag:$0x5] =	stream.linear.gather [hbm4b:s20+s3], $0x400, $0x38;
	[tilespmem:$0x1C880] =	vst v63  }
.Ltmp1:
0x17e: {  	_ = 	snop;
	(pc) =	sbr.rel @p0 .LBB2_4-.Ltmp1, $4  }
0x17f: {  	s11 =	sadd.s32 s7, s11  }
0x180: {  	[tilespmem:s21], [sflag:$0x5] =	stream.linear.gather [hbm4b:s11+s3], $0x400, $0x38;
	[tilespmem:$0x1C880] =	vst v63  }
0x181: {  	_ =	swait.ge [sflag:s23], $0x4000  }
0x182: {  	[sflag:s23] =	ssyncset.done $0x0  }
0x183: {  	[sflag:s23] =	ssyncadd.s32 $0xFFFFC000  }
0x184: {  	_ =	swait.ge [sflag:s1], $0x4000  }
0x185: {  	[sflag:s1] =	ssyncset.done $0x0  }
0x186: {  	[sflag:s1] =	ssyncadd.s32 $0xFFFFC000  }
0x187: {  	_ =	swait.ge [sflag:s24], $0x400  }
0x188: {  	[sflag:s24] =	ssyncset.done $0x0  }
0x189: {  	[sflag:s24] =	ssyncadd.s32 $0xFFFFFC00  }
0x18a: {  	_ =	swait.ge [sflag:s24], $0x400  }
0x18b: {  	[sflag:s24] =	ssyncset.done $0x0  }
0x18c: {  	[sflag:s24] =	ssyncadd.s32 $0xFFFFFC00  }
0x18d: {  	[bflag:$0x0] =	sbarrier.arrive $0xFFFF  }
0x18e: {  	s11 =	stileid.u32;
	s19 =	sld [smem:$0x7F8]  }
0x18f: {  	s11 =	sshll.u32 s11, $0x6  }
0x190: {  	s12 =	sshrl.u32 s10, $0x3;
	s11 =	sor.u32 $0x1C04, s11  }
0x191: {  	[hbm:s19], [sflag:s11] =	dma.local [spmem:s12], $0x800  }
0x192: {  	s19 =	sld [smem:$0x7F9]  }
0x193: {  	s12 =	rddreg [dreg:$0x1e]  }
0x194: {  	s12 =	sshrl.u32 s12, $0x3  }
0x195: {  	[hbm:s19], [sflag:s11] =	dma.local [spmem:s12], $0x800  }
0x196: {  	s19 =	sld [smem:$0x7FA]  }
0x197: {  	s12 =	rddreg [dreg:$0x1f]  }
0x198: {  	s12 =	sshrl.u32 s12, $0x3  }
0x199: {  	[hbm:s19], [sflag:s11] =	dma.local [spmem:s12], $0x800  }
0x19a: {  	s19 =	sld [smem:$0x7FB];
	_ =	sdelay $0x1  }
0x19b: {  	s20 =	sshrl.u32 s13, $0x3  }
0x19c: {  	[hbm:s19], [sflag:s11] =	dma.local [spmem:s20], $0x800  }
0x19d: {  	s19 =	sld [smem:$0x7FC];
	_ =	sdelay $0x1  }
0x19e: {  	s20 =	sshrl.u32 s14, $0x3  }
0x19f: {  	[hbm:s19], [sflag:s11] =	dma.local [spmem:s20], $0x710  }
0x1a0: {  	_ =	swait.ge [sflag:s1], $0x800  }
0x1a1: {  	[sflag:s1] =	ssyncset.done $0x0  }
0x1a2: {  	[sflag:s1] =	ssyncadd.s32 $0xFFFFF800  }
0x1a3: {  	_ =	swait.ge [sflag:s1], $0x800  }
0x1a4: {  	[sflag:s1] =	ssyncset.done $0x0  }
0x1a5: {  	[sflag:s1] =	ssyncadd.s32 $0xFFFFF800  }
0x1a6: {  	_ =	swait.ge [sflag:s1], $0x800  }
0x1a7: {  	[sflag:s1] =	ssyncset.done $0x0  }
0x1a8: {  	[sflag:s1] =	ssyncadd.s32 $0xFFFFF800  }
0x1a9: {  	_ =	swait.ge [sflag:s1], $0x800  }
0x1aa: {  	[sflag:s1] =	ssyncset.done $0x0  }
0x1ab: {  	[sflag:s1] =	ssyncadd.s32 $0xFFFFF800  }
0x1ac: {  	_ =	swait.ge [sflag:s1], $0x710  }
0x1ad: {  	s20 =	sld [smem:$0x7FD];
	_ =	sdelay $0x1  }
0x1ae: {  	s18 =	sadd.s32 $0x1, s18  }
0x1af: {  	p0 =	sne.s32 s18, s20  }
.Ltmp2:
0x1b0: {  	_ = 	snop;
	(pc) =	sbr.rel @p0 .LBB2_1-.Ltmp2, $3  }
0x1b1: {  	_ =	sdelay $0x1  }
0x1b2: {  	[sflag:s1] =	ssyncset.done $0x0  }
0x1b3: {  	[sflag:s1] =	ssyncadd.s32 $0xFFFFF8F0  }
0x1b4: {  	_ =	sfence.sel $0x180000  }
0x1b5: {  	[bflag:$0x0] =	sbarrier.arrive $0xFFFF  }
0x1b6: {  	_ =	strace $0x9000004D  }
0x1b7: {  	s0 =	stileid.u32;
	[bflag:$0x2] =	sbarrier.arrive $0xFFFF  }
0x1b8: {  	p0 =	sne.s32 s0, $0x0;
	s0 =	rddreg [dreg:$0x2]  }
0x1b9: {  	s0 =	sadd.s32 @!p0 $0x100000, s0  }
0x1ba: {  	[sflag:s0] =	ssyncadd.tile.s32 @!p0 $0x1;
	_ =	shalt  }
.Lfunc_end2:
_tile_overlayer_lowered:
.L_overlay_start_2:
0x1bb: {  	(tag) =	ssettag $0x2  }
0x1bc: {  	s0 =	rddreg [dreg:$0x0];
	s2 =	stileid.u32  }
0x1bd: {  	s1 =	rddreg [dreg:$0x1];
	p0 =	sne.s32 s2, $0x0  }
0x1be: {  	s3 =	rddreg [dreg:$0x2];
	[bflag:$0x3] =	sbarrier.arrive $0xFFFF;
	s2 =	simm.s32 @!p0 $0x1C07  }
0x1bf: {  	[timem:s3], [sflag:s2] =	dma.local @!p0 [hbm:s0], s1  }
0x1c0: {  	s0 =	simm.s32 @!p0 $0x7  }
0x1c1: {  	_ =	swait.ge @!p0 [sflag:s0], s1  }
0x1c2: {  	s1 =	ssub.s32 @!p0 $0x0, s1;
	[sflag:s0] =	ssyncset.done @!p0 $0x0  }
0x1c3: {  	[sflag:s0] =	ssyncadd.s32 @!p0 s1  }
0x1c4: {  	[bflag:$0x3] =	sbarrier.arrive $0xFFFF  }
0x1c5: {  	_ =	shalt  }

// kernel: kernel.8.cloned.1.call-start
scs
__scs_entry_jumppad:
0x0: {  	(pc) =	sbr.rel $0x88, $3  }
0x1: {  	(tag) =	ssettag $0x0;
	lr =	simm.s32 $0x1  }
0x2: {  	[smem:$0x3F8D] =	sst lr;
	_ =	strace $0xD0000000  }
0x3: {  	_ = 	snop  }
0x4: {  	_ = 	snop  }
0x5: {  	_ = 	snop  }
0x6: {  	_ = 	snop  }
0x7: {  	_ = 	snop  }
__scs_overlays_trampoline_lowered:
0x8: {  	[smem:$0x3F9C] =	sst s0  }
0x9: {  	[smem:$0x3F9D] =	sst s1  }
0xa: {  	[smem:$0x3F9E] =	sst s2  }
0xb: {  	[smem:$0x3F9F] =	sst s3  }
0xc: {  	[smem:$0x3FA0] =	sst s4  }
0xd: {  	[smem:$0x3FA1] =	sst s5  }
0xe: {  	[smem:$0x3FA2] =	sst s6  }
0xf: {  	[smem:$0x3FA3] =	sst s7  }
0x10: {  	[smem:$0x3FA4] =	sst s8  }
0x11: {  	[smem:$0x3FA5] =	sst s9;
	s0 =	simm.s32 @!p0 $0x0  }
0x12: {  	s1 =	sld [smem:$0x3F8B];
	s0 =	simm.s32 @p0 $0x1  }
0x13: {  	[smem:$0x3FA6] =	sst s0;
	s0 =	simm.s32 @!p1 $0x0  }
0x14: {  	s2 =	sld [smem:$0x3F8A];
	s0 =	simm.s32 @p1 $0x1  }
0x15: {  	[smem:$0x3FA7] =	sst s0;
	s0 =	simm.s32 @!p2 $0x0  }
0x16: {  	s3 =	sld [smem:$0x3FDB];
	s0 =	simm.s32 @p2 $0x1  }
0x17: {  	s4 =	simm.s32 $0x1BF5;
	[smem:$0x3FA9] =	sst s0  }
0x18: {  	s0 =	sld [smem:$0x3F8C];
	_ =	swait.ge [sflag:s4], $0x0  }
0x19: {  	s7 =	sld [smem:$0x3F8D]  }
0x1a: {  	s8 =	sadd.s32 $0xFFFFE003, lr  }
0x1b: {  	s9 =	sadd.s32 $0xFFFFFEF7, lr;
	s5 =	simm.s32 $0xFFFFFFFF;
	p2 =	slt.u32 s8, $0xFFFFF086  }
0x1c: {  	p1 =	slt.u32 s9, $0xF7A;
	s5 =	simm.s32 @!p2 $0x0  }
0x1d: {  	s5 =	simm.s32 @p1 $0x1;
	p0 =	seq.s32 s7, s2  }
0x1e: {  	s7 =	smul.u32 @!p0 $0xF7A, s2;
	p2 =	seq.s32 @!p0 s5, $0x0  }
0x1f: {  	s9 =	smul.u32 $0xF7A, s1;
	s8 =	simm.s32 @!p0 $0x1BF5;
	p2 =	por !p2, p0  }
0x20: {  	[sflag:s8] =	ssyncset.s32 @!p0 $0xFFFFF086;
	s6 =	sadd.s32 @!p0 s3, s7;
	s7 =	simm.s32 @!p0 $0x108  }
0x21: {  	s3 =	sadd.s32 s3, s9;
	s6 =	sadd.s32 @!p0 $0x88, s6;
	s7 =	simm.s32 @p2 $0x1082  }
0x22: {  	[simem:s7], [sflag:s8] =	dma.local @!p0 [hbm:s6], $0xF7A  }
0x23: {  	s9 =	sor.u32 $0xD0000000, s2;
	s6 =	simm.s32 $0x108;
	_ =	swait.ge @!p0 [sflag:s8], $0x0  }
0x24: {  	s3 =	sadd.s32 $0x88, s3;
	s6 =	simm.s32 @!p1 $0x1082;
	[sflag:s4] =	ssyncset.s32 $0xFFFFF086  }
0x25: {  	[simem:s6], [sflag:s4] =	dma.local [hbm:s3], $0xF7A  }
0x26: {  	[smem:$0x3F8D] =	sst s1;
	(tag) =	ssettag s2;
	_ =	strace s9  }
0x27: {  	s1 =	sld [smem:$0x3F9D]  }
0x28: {  	s2 =	sld [smem:$0x3F9E]  }
0x29: {  	s4 =	sld [smem:$0x3FA0]  }
0x2a: {  	p0 =	seq.s32 s5, $0x0;
	s5 =	sld [smem:$0x3FA1]  }
0x2b: {  	s6 =	sld [smem:$0x3FA2]  }
0x2c: {  	s7 =	sld [smem:$0x3FA3]  }
0x2d: {  	s3 =	simm.s32 $0x108;
	s8 =	sld [smem:$0x3FA4]  }
0x2e: {  	s3 =	simm.s32 @!p0 $0x1082;
	s9 =	sld [smem:$0x3FA5]  }
0x2f: {  	lr =	sadd.s32 s0, s3;
	s0 =	sld [smem:$0x3F9C]  }
0x30: {  	s3 =	sld [smem:$0x3F9F]  }
0x31: {  	[smem:$0x3FA8] =	sst s10  }
0x32: {  	s10 =	sld [smem:$0x3FA6];
	_ =	sdelay $0x3  }
0x33: {  	p0 =	seq.s32 s10, $0x1;
	s10 =	sld [smem:$0x3FA8];
	_ =	sdelay $0x3  }
0x34: {  	[smem:$0x3FA8] =	sst s10  }
0x35: {  	s10 =	sld [smem:$0x3FA7];
	_ =	sdelay $0x3  }
0x36: {  	p1 =	seq.s32 s10, $0x1;
	s10 =	sld [smem:$0x3FA8];
	_ =	sdelay $0x3  }
0x37: {  	[smem:$0x3FA8] =	sst s10  }
0x38: {  	s10 =	sld [smem:$0x3FA9]  }
0x39: {  	_ = 	snop;
	(pc) =	sbr.ind lr, $3  }
0x3a: {  	_ = 	snop  }
0x3b: {  	_ = 	snop  }
0x3c: {  	p2 =	seq.s32 s10, $0x1;
	s10 =	sld [smem:$0x3FA8]  }
0x3d: {  	_ =	shalt  }
0x3e: {  	_ =	shalt  }
0x3f: {  	_ =	shalt  }
0x40: {  	_ =	shalt  }
0x41: {  	_ =	shalt  }
0x42: {  	_ =	shalt  }
0x43: {  	_ =	shalt  }
0x44: {  	_ =	shalt  }
0x45: {  	_ =	shalt  }
0x46: {  	_ =	shalt  }
0x47: {  	_ =	shalt  }
0x48: {  	_ =	shalt  }
0x49: {  	_ =	shalt  }
0x4a: {  	_ =	shalt  }
0x4b: {  	_ =	shalt  }
0x4c: {  	_ =	shalt  }
0x4d: {  	_ =	shalt  }
0x4e: {  	_ =	shalt  }
0x4f: {  	_ =	shalt  }
0x50: {  	_ =	shalt  }
0x51: {  	_ =	shalt  }
0x52: {  	_ =	shalt  }
0x53: {  	_ =	shalt  }
0x54: {  	_ =	shalt  }
0x55: {  	_ =	shalt  }
0x56: {  	_ =	shalt  }
0x57: {  	_ =	shalt  }
0x58: {  	_ =	shalt  }
0x59: {  	_ =	shalt  }
0x5a: {  	_ =	shalt  }
0x5b: {  	_ =	shalt  }
0x5c: {  	_ =	shalt  }
0x5d: {  	_ =	shalt  }
0x5e: {  	_ =	shalt  }
0x5f: {  	_ =	shalt  }
0x60: {  	_ =	shalt  }
0x61: {  	_ =	shalt  }
0x62: {  	_ =	shalt  }
0x63: {  	_ =	shalt  }
0x64: {  	_ =	shalt  }
0x65: {  	_ =	shalt  }
0x66: {  	_ =	shalt  }
0x67: {  	_ =	shalt  }
0x68: {  	_ =	shalt  }
0x69: {  	_ =	shalt  }
0x6a: {  	_ =	shalt  }
0x6b: {  	_ =	shalt  }
0x6c: {  	_ =	shalt  }
0x6d: {  	_ =	shalt  }
0x6e: {  	_ =	shalt  }
0x6f: {  	_ =	shalt  }
0x70: {  	_ =	shalt  }
0x71: {  	_ =	shalt  }
0x72: {  	_ =	shalt  }
0x73: {  	_ =	shalt  }
0x74: {  	_ =	shalt  }
0x75: {  	_ =	shalt  }
0x76: {  	_ =	shalt  }
0x77: {  	_ =	shalt  }
0x78: {  	_ =	shalt  }
0x79: {  	_ =	shalt  }
0x7a: {  	_ =	shalt  }
0x7b: {  	_ =	shalt  }
0x7c: {  	_ =	shalt  }
0x7d: {  	_ =	shalt  }
0x7e: {  	_ =	shalt  }
0x7f: {  	_ =	shalt  }
0x80: {  	_ =	shalt  }
0x81: {  	_ =	shalt  }
0x82: {  	_ =	shalt  }
0x83: {  	_ =	shalt  }
0x84: {  	_ =	shalt  }
0x85: {  	_ =	shalt  }
0x86: {  	_ =	shalt  }
0x87: {  	_ =	shalt  }
.Lfunc_end0:
.L_simem_size_0:
called_computation_lowered:
.L_overlay_start_0:
0x88: {  	s2 =	sld [smem:$0x3FD9]  }
0x89: {  	s3 =	sld [smem:$0x3FFE];
	_ =	sdelay $0x1  }
0x8a: {  	s1 =	srdreg.scid  }
0x8b: {  	s0 =	sand.u32 $0x1, s1  }
0x8c: {  	s16 =	sshll.u32 s0, $0xA;
	s2 =	sadd.s32 s3, s2  }
0x8d: {  	s2 =	sadd.s32 s2, s16  }
0x8e: {  	[smem:$0x3FB4] =	sst s2  }
0x8f: {  	_ = 	snop  }
0x90: {  	(tm) =	ssettm $0x1  }
0x91: {  	s17 =	sld [smem:$0x3FFB];
	_ =	sdelay $0x3  }
0x92: {  	_ =	strace s17  }
0x93: {  	s2 =	sld [smem:$0x3FFC];
	_ =	sdelay $0x3  }
0x94: {  	_ =	strace s2  }
0x95: {  	s2 =	sld [smem:$0x3FFD];
	_ =	sdelay $0x3  }
0x96: {  	_ =	strace s2  }
0x97: {  	_ =	strace $0x8FFFFFFF  }
0x98: {  	s18 =	sld [smem:$0x3FDB];
	_ =	sdelay $0x1  }
0x99: {  	s19 =	simm.s32 $_scs_section_size  }
0x9a: {  	s4 =	simm.s32 $_size__tile_overlayer_lowered;
	s5 =	simm.s32 $_tile_overlayer_lowered  }
0x9b: {  	s22 =	simm.s32 $0x1BFF;
	s21 =	sshll.u32 s5, $0x1;
	s2 =	sadd.s32 s19, s18  }
0x9c: {  	s6 =	simm.s32 $0x0;
	s20 =	sshll.u32 s4, $0x1;
	s4 =	sadd.s32 s21, s2  }
0x9d: {  	[timem:s6], [sflag:s22] =	dma.local [hbm:s4], s20  }
0x9e: {  	_ =	swait.ge [sflag:s22], s20  }
0x9f: {  	s3 =	ssub.s32 $0x0, s20;
	[sflag:s22] =	ssyncset.done $0x0  }
0xa0: {  	[sflag:s22] =	ssyncadd.s32 s3;
	_ =	sdelay $0x1  }
0xa1: {  	s23 =	simm.s32 $0x1B8B  }
0xa2: {  	_ =	swait.ge [sflag:s23], $0x1  }
0xa3: {  	[sflag:s23] =	ssyncset.done $0x0  }
0xa4: {  	s25 =	simm.s32 $0x1B8E;
	s24 =	sld [smem:$0x3FFE];
	[sflag:s23] =	ssyncadd.s32 $0xFFFFFFFF  }
0xa5: {  	s26 =	simm.s32 $execute0_lowered;
	[smem:$0x3FD2] =	sst s25  }
0xa6: {  	s4 =	sshll.u32 s26, $0x1;
	_ =	strace $0x80000046;
	[dreg:$0x1] =	wrdreg $0xFFFFFFFF  }
0xa7: {  	s28 =	simm.s32 $_size_execute0_lowered;
	s2 =	sadd.s32 s2, s4;
	[dreg:$0x0] =	wrdreg $0x0  }
0xa8: {  	s4 =	sshll.u32 s28, $0x1;
	[dreg:$0x2] =	wrdreg s2  }
0xa9: {  	[dreg:$0x3] =	wrdreg s4  }
0xaa: {  	[dreg:$0x4] =	wrdreg $0xC0  }
0xab: {  	_ =	task [dreg:s6], $0x5FFFF  }
0xac: {  	[dreg:$0x1] =	wrdreg $0xFFFFFFFF  }
0xad: {  	[dreg:$0x0] =	wrdreg $0x60  }
0xae: {  	[dreg:$0x2] =	wrdreg s24  }
0xaf: {  	[dreg:$0x3] =	wrdreg $0x88000  }
0xb0: {  	[dreg:$0x4] =	wrdreg $0x1D0800  }
0xb1: {  	[dreg:$0x5] =	wrdreg $0x9  }
0xb2: {  	_ =	task.clear_ibuf [dreg:s6], $0x6FFFF;
	_ =	strace $0x90000046  }
0xb3: {  	s29 =	simm.s32 $0x9;
	_ =	strace $0x80000048  }
0xb4: {  	_ =	swait.ge [sflag:s29], $0x1  }
0xb5: {  	[sflag:s29] =	ssyncadd.s32 $0xFFFFFFFF  }
0xb6: {  	_ =	strace $0x90000048  }
0xb7: {  	_ =	sfence  }
0xb8: {  	s30 =	sld [smem:$0x0];
	_ =	sdelay $0x2  }
0xb9: {  	s31 =	sshll.u32 s1, $0xD;
	s1 =	sshrl.u32 s1, $0x2  }
0xba: {  	s3 =	sand.u32 $0x4000, s31;
	s1 =	sadd.s32 s1, s30  }
0xbb: {  	s0 =	sor.u32 s3, s0;
	s1 =	sshll.u32 s1, $0x11  }
0xbc: {  	s0 =	sor.u32 s1, s0  }
0xbd: {  	s0 =	sadd.s32 $0x8F2B, s0  }
0xbe: {  	[sflag:s0] =	ssyncadd.remote.s32 $0x1  }
0xbf: {  	_ =	sfence.sel $0xFFFF  }
0xc0: {  	[dreg:$0x0] =	wrdreg $0xFFFFFFFF;
	(pc) =	sbr.abs _section_cstart, $3  }
0xc1: {  	[dreg:$0x1] =	wrdreg $0xFFFFFFFF  }
0xc2: {  	_ =	task.clear_ibuf [dreg:s6], $0x2FFFF;
	_ =	strace $0x9FFFFFFF  }
0xc3: {  	(tm) =	ssettm $0x7FFFFFFF  }
tec
execute0_lowered:
.L_overlay_start_1:
0x0: {  	(tag) =	ssettag $0x1  }
0x1: {  	s0 =	rddreg [dreg:$0x0]  }
0x2: {  	s1 =	rddreg [dreg:$0x1]  }
0x3: {  	s3 =	rddreg [dreg:$0x2]  }
0x4: {  	s4 =	simm.s32 $0x0;
	s2 =	srdreg.scid;
	s20 =	stileid.u32  }
0x5: {  	s28 =	simm.s32 $0x7;
	s29 =	simm.s32 $0x0;
	[smem:$0x7FF] =	sst s4  }
0x6: {  	s8 =	sand.u32 $0x1, s2;
	s22 =	sshll.u32 s20, $0x1;
	s23 =	smul.u32 $0x4E200, s20  }
0x7: {  	s5 =	sadd.s32 $0x4E00, s0;
	s6 =	sadd.s32 $0x2C800, s0;
	s16 =	smul.u32 $0xA00, s20  }
0x8: {  	s7 =	sadd.s32 $0x36800, s0;
	s11 =	sadd.s32 $0x4A600, s0;
	s13 =	smul.u32 $0x2710, s8  }
0x9: {  	s2 =	sor.u32 s8, s22;
	s10 =	ssub.s32 $0x2, s8;
	s8 =	smul.u32 $0x500, s8  }
0xa: {  	s14 =	sadd.s32 $0x40800, s0;
	s9 =	smul.u32 $0x500, s2;
	s12 =	sshrl.u32 s10, $0x1  }
0xb: {  	_ =	strace $0x80000047;
	s2 =	smul.u32 $0x271, s20;
	s0 =	ssub.s32 s10, s12  }
0xc: {  	s10 =	sshrl.u32 s23, $0x2;
	s24 =	sadd.s32 s6, s9;
	s9 =	sadd.s32 s7, s9  }
0xd: {  	s25 =	sadd.s32 s2, s13;
	s10 =	sadd.s32 s10, s1;
	[dreg:$0xc] =	wrdreg s24  }
0xe: {  	s0 =	smax.u32 s0, $0x1;
	[dreg:$0xd] =	wrdreg s9;
	s26 =	sshll.u32 s25, $0x4  }
0xf: {  	s13 =	sadd.s32 $0x80, s25;
	s30 =	sshll.u32 s25, $0x1;
	s31 =	sadd.s32 $0x100, s25  }
0x10: {  	s18 =	sadd.s32 $0x180, s25;
	s9 =	sadd.s32 $0x200, s25;
	[dreg:$0x18] =	wrdreg s10  }
0x11: {  	[smem:$0x7FD] =	sst s0;
	s10 =	simm.s32 $0x3;
	s0 =	simm.s32 $0x300  }
0x12: {  	s12 =	sadd.s32 s11, s26;
	s15 =	sshll.u32 s13, $0x4;
	s17 =	sshll.u32 s13, $0x1  }
0x13: {  	s19 =	sshll.u32 s31, $0x4;
	s21 =	sshll.u32 s9, $0x4;
	s24 =	sadd.s32 s14, s30  }
0x14: {  	s26 =	sshll.u32 s31, $0x1;
	s31 =	sshll.u32 s18, $0x1;
	[dreg:$0xe] =	wrdreg s12  }
0x15: {  	s9 =	sshll.u32 s9, $0x1;
	s15 =	sadd.s32 s11, s15;
	[dreg:$0x13] =	wrdreg s24  }
0x16: {  	s13 =	sadd.s32 s11, s19;
	s19 =	sshll.u32 s18, $0x4;
	[dreg:$0xf] =	wrdreg s15  }
0x17: {  	s25 =	sadd.s32 s14, s17;
	s12 =	simm.s32 $0x100;
	[dreg:$0x10] =	wrdreg s13  }
0x18: {  	s9 =	sadd.s32 s14, s9;
	s17 =	simm.s32 $0x500;
	[dreg:$0x14] =	wrdreg s25  }
0x19: {  	s18 =	simm.s32 $0x580;
	s24 =	sadd.s32 $0x180, s2;
	[dreg:$0x17] =	wrdreg s9  }
0x1a: {  	s13 =	sadd.s32 s8, s16;
	s22 =	sadd.s32 s11, s19;
	[dreg:$0x7] =	wrdreg s12  }
0x1b: {  	s8 =	sadd.s32 s11, s21;
	s11 =	sadd.s32 s14, s26;
	[dreg:$0xa] =	wrdreg s17  }
0x1c: {  	s15 =	smul.u32 $0x9C40, s20;
	s16 =	simm.s32 $0x480;
	[dreg:$0xb] =	wrdreg s18  }
0x1d: {  	s19 =	sadd.s32 $0x80, s2;
	s21 =	sadd.s32 $0x100, s2;
	s2 =	sadd.s32 $0x200, s2  }
0x1e: {  	s25 =	sshll.u32 s24, $0x7;
	s26 =	sshll.u32 s24, $0x4;
	s12 =	simm.s32 $0x400  }
0x1f: {  	s17 =	simm.s32 $0x1C080;
	s18 =	simm.s32 $0x4800;
	[dreg:$0x11] =	wrdreg s22  }
0x20: {  	s24 =	simm.s32 $0x680;
	[dreg:$0x12] =	wrdreg s8;
	s23 =	sadd.s32 s6, s13  }
0x21: {  	s30 =	sadd.s32 s7, s13;
	[dreg:$0x15] =	wrdreg s11;
	s11 =	sadd.s32 s14, s31  }
0x22: {  	s14 =	simm.s32 $0x180;
	[dreg:$0x9] =	wrdreg s16;
	s20 =	sshll.u32 s19, $0x7  }
0x23: {  	s22 =	sshll.u32 s21, $0x7;
	s16 =	simm.s32 $0x1;
	[dreg:$0x16] =	wrdreg s11  }
0x24: {  	s8 =	sadd.s32 $0x40, s23;
	s11 =	sor.u32 $0x80, s13;
	[dreg:$0x8] =	wrdreg s14  }
0x25: {  	s9 =	sshrl.u32 s15, $0x2;
	s23 =	sshll.u32 s21, $0x4;
	s14 =	simm.s32 $0x600  }
0x26: {  	s15 =	simm.s32 $0x80;
	s21 =	simm.s32 $0x4;
	[dreg:$0x4] =	wrdreg s8  }
0x27: {  	s8 =	sadd.s32 $0x40, s30;
	[dreg:$0x6] =	wrdreg s11;
	s9 =	sadd.s32 s9, s3  }
0x28: {  	s30 =	sshll.u32 s2, $0x7;
	s2 =	sshll.u32 s2, $0x4;
	[dreg:$0x5] =	wrdreg s8  }
0x29: {  	s11 =	simm.s32 $0x5;
	[dreg:$0x19] =	wrdreg s9;
	s9 =	sadd.s32 s20, s1  }
0x2a: {  	s8 =	sshll.u32 s19, $0x4;
	s31 =	sadd.s32 s30, s1;
	[dreg:$0x1a] =	wrdreg s9  }
0x2b: {  	s2 =	sadd.s32 s2, s3;
	s19 =	simm.s32 $0x2;
	[smem:$0x7FB] =	sst s31  }
0x2c: {  	s20 =	simm.s32 $0x280;
	s8 =	sadd.s32 s8, s3;
	[smem:$0x7FC] =	sst s2  }
0x2d: {  	s2 =	simm.s32 $0x200;
	[dreg:$0x1b] =	wrdreg s8;
	s8 =	sadd.s32 s22, s1  }
0x2e: {  	s22 =	simm.s32 $0x380;
	[dreg:$0x1c] =	wrdreg s8;
	s8 =	sadd.s32 s23, s3  }
0x2f: {  	s23 =	simm.s32 $0x6;
	[dreg:$0x1d] =	wrdreg s8;
	s8 =	sadd.s32 s25, s1  }
0x30: {  	s25 =	simm.s32 $0x700;
	[dreg:$0x1e] =	wrdreg s8;
	s8 =	sadd.s32 s26, s3  }
0x31: {  	v0 =	vimm.f32 $0.0e+00;
	v1 =	vimm.f32 $1.000000000e+00;
	s26 =	simm.s32 $0x780;
	[dreg:$0x1f] =	wrdreg s8;
	s8 =	simm.s32 $0x800  }
.LBB2_1:
0x32: {  	s9 =	rddreg [dreg:$0xc]  }
0x33: {  	[tilespmem:s4], [sflag:$0x5] =	stream.linear.gather [hbm4b:s9+s4], $0x200, $0x38;
	[tilespmem:$0x1F790] =	vst v63  }
0x34: {  	s30 =	simm.s32 $0x0;
	s31 =	simm.s32 $0x200;
	s9 =	rddreg [dreg:$0xd]  }
0x35: {  	[tilespmem:s2], [sflag:$0x5] =	stream.linear.gather [hbm4b:s9+s4], $0x200, $0x38;
	[tilespmem:$0x1F790] =	vst v63  }
.LBB2_2:
0x36: {  	p0 =	sne.s32 s31, $0xFE00;
	[tilespmem:s30+$0x870] =	vst v0  }
0x37: {  	[tilespmem:s30+$0x800] =	vst v0  }
0x38: {  	[tilespmem:s30+$0x810] =	vst v0  }
.Ltmp0:
0x39: {  	[tilespmem:s30+$0x820] =	vst v0;
	(pc) =	sbr.rel @p0 .LBB2_2-.Ltmp0, $4  }
0x3a: {  	[tilespmem:s30+$0x830] =	vst v0  }
0x3b: {  	[tilespmem:s30+$0x840] =	vst v0  }
0x3c: {  	[tilespmem:s30+$0x850] =	vst v0  }
0x3d: {  	[tilespmem:s30+$0x860] =	vst v0;
	s30 =	sshra.s32 s31, $0x2;
	s31 =	sadd.s32 $0x200, s31  }
0x3e: {  	[tilespmem:s30+$0x870] =	vst v0  }
0x3f: {  	[tilespmem:s30+$0x800] =	vst v0  }
0x40: {  	[tilespmem:s30+$0x810] =	vst v0  }
0x41: {  	[tilespmem:s30+$0x820] =	vst v0  }
0x42: {  	[tilespmem:s30+$0x830] =	vst v0  }
0x43: {  	[tilespmem:s30+$0x840] =	vst v0  }
0x44: {  	[tilespmem:s30+$0x850] =	vst v0  }
0x45: {  	[smem:$0x7FA] =	sst s29;
	[tilespmem:s30+$0x860] =	vst v0;
	s30 =	simm.s32 $0x40;
	s31 =	simm.s32 $0x0  }
.LBB2_4:
0x46: {  	p0 =	sne.s32 s30, $0x1FC0;
	[tilespmem:s31+$0x1C080] =	vst v1;
	s9 =	smov.u32 s30;
	s30 =	sadd.s32 $0x40, s30  }
.Ltmp1:
0x47: {  	[tilespmem:s31+$0x1C880] =	vst v0;
	(pc) =	sbr.rel @p0 .LBB2_4-.Ltmp1, $2  }
0x48: {  	_ =	sdelay $0x2  }
0x49: {  	s31 =	sshra.s32 s9, $0x2  }
0x4a: {  	[tilespmem:s31+$0x1C080] =	vst v1  }
0x4b: {  	[tilespmem:s31+$0x1C880] =	vst v0;
	s9 =	rddreg [dreg:$0x18]  }
0x4c: {  	[spmem:s9] =	stream.linear.scatter [tilespmem:s8], [sflag:$0x3], $0x4000, $0x38;
	[tilespmem:$0x1F790] =	vst v63  }
0x4d: {  	s31 =	rddreg [dreg:$0x19];
	s29 =	simm.s32 $0x1C880  }
0x4e: {  	[spmem:s31] =	stream.linear.scatter [tilespmem:s29], [sflag:$0x3], $0x800, $0x38;
	[tilespmem:$0x1F790] =	vst v63  }
0x4f: {  	s31 =	rddreg [dreg:$0x1a]  }
0x50: {  	[spmem:s31] =	stream.linear.scatter [tilespmem:s8], [sflag:$0x3], $0x4000, $0x38;
	[tilespmem:$0x1F790] =	vst v63  }
0x51: {  	s31 =	rddreg [dreg:$0x1b]  }
0x52: {  	[spmem:s31] =	stream.linear.scatter [tilespmem:s29], [sflag:$0x3], $0x800, $0x38;
	[tilespmem:$0x1F790] =	vst v63  }
0x53: {  	s31 =	rddreg [dreg:$0x1c]  }
0x54: {  	[spmem:s31] =	stream.linear.scatter [tilespmem:s8], [sflag:$0x3], $0x4000, $0x38;
	[tilespmem:$0x1F790] =	vst v63  }
0x55: {  	s31 =	rddreg [dreg:$0x1d]  }
0x56: {  	[spmem:s31] =	stream.linear.scatter [tilespmem:s29], [sflag:$0x3], $0x800, $0x38;
	[tilespmem:$0x1F790] =	vst v63  }
0x57: {  	s31 =	rddreg [dreg:$0x1e]  }
0x58: {  	[spmem:s31] =	stream.linear.scatter [tilespmem:s8], [sflag:$0x3], $0x4000, $0x38;
	[tilespmem:$0x1F790] =	vst v63  }
0x59: {  	s31 =	rddreg [dreg:$0x1f]  }
0x5a: {  	[spmem:s31] =	stream.linear.scatter [tilespmem:s29], [sflag:$0x3], $0x800, $0x38;
	[tilespmem:$0x1F790] =	vst v63  }
0x5b: {  	s31 =	sld [smem:$0x7FB];
	_ =	sdelay $0x2  }
0x5c: {  	[spmem:s31] =	stream.linear.scatter [tilespmem:s8], [sflag:$0x3], $0x3880, $0x38;
	[tilespmem:$0x1F790] =	vst v63  }
0x5d: {  	s31 =	sld [smem:$0x7FC];
	_ =	sdelay $0x2  }
0x5e: {  	[spmem:s31] =	stream.linear.scatter [tilespmem:s29], [sflag:$0x3], $0x710, $0x38;
	[tilespmem:$0x1F790] =	vst v63  }
0x5f: {  	_ =	swait.ge [sflag:s10], $0x4000  }
0x60: {  	[sflag:s10] =	ssyncset.done $0x0  }
0x61: {  	[sflag:s10] =	ssyncadd.s32 $0xFFFFC000  }
0x62: {  	_ =	swait.ge [sflag:s10], $0x800  }
0x63: {  	[sflag:s10] =	ssyncset.done $0x0  }
0x64: {  	[sflag:s10] =	ssyncadd.s32 $0xFFFFF800  }
0x65: {  	_ =	swait.ge [sflag:s10], $0x4000  }
0x66: {  	[sflag:s10] =	ssyncset.done $0x0  }
0x67: {  	[sflag:s10] =	ssyncadd.s32 $0xFFFFC000  }
0x68: {  	_ =	swait.ge [sflag:s10], $0x800  }
0x69: {  	[sflag:s10] =	ssyncset.done $0x0  }
0x6a: {  	[sflag:s10] =	ssyncadd.s32 $0xFFFFF800  }
0x6b: {  	_ =	swait.ge [sflag:s10], $0x4000  }
0x6c: {  	[sflag:s10] =	ssyncset.done $0x0  }
0x6d: {  	[sflag:s10] =	ssyncadd.s32 $0xFFFFC000  }
0x6e: {  	_ =	swait.ge [sflag:s10], $0x800  }
0x6f: {  	[sflag:s10] =	ssyncset.done $0x0  }
0x70: {  	[sflag:s10] =	ssyncadd.s32 $0xFFFFF800  }
0x71: {  	_ =	swait.ge [sflag:s10], $0x4000  }
0x72: {  	[sflag:s10] =	ssyncset.done $0x0  }
0x73: {  	[sflag:s10] =	ssyncadd.s32 $0xFFFFC000  }
0x74: {  	_ =	swait.ge [sflag:s10], $0x800  }
0x75: {  	[sflag:s10] =	ssyncset.done $0x0  }
0x76: {  	[sflag:s10] =	ssyncadd.s32 $0xFFFFF800  }
0x77: {  	_ =	swait.ge [sflag:s10], $0x3880  }
0x78: {  	[sflag:s10] =	ssyncset.done $0x0  }
0x79: {  	[sflag:s10] =	ssyncadd.s32 $0xFFFFC780  }
0x7a: {  	_ =	swait.ge [sflag:s10], $0x710  }
0x7b: {  	[sflag:s10] =	ssyncset.done $0x0  }
0x7c: {  	[sflag:s10] =	ssyncadd.s32 $0xFFFFF8F0  }
0x7d: {  	[bflag:$0x0] =	sbarrier.arrive $0xFFFF  }
0x7e: {  	_ =	swait.ge [sflag:s11], $0x200  }
0x7f: {  	[sflag:s11] =	ssyncset.done $0x0  }
0x80: {  	[sflag:s11] =	ssyncadd.s32 $0xFFFFFE00  }
0x81: {  	_ =	swait.ge [sflag:s11], $0x200  }
0x82: {  	s29 =	rddreg [dreg:$0x4];
	[sflag:s11] =	ssyncset.done $0x0  }
0x83: {  	s30 =	rddreg [dreg:$0x5];
	[sflag:s11] =	ssyncadd.s32 $0xFFFFFE00;
	s9 =	sadd.s32 $0x0, s29  }
0x84: {  	[tilespmem:s12], [sflag:$0x6] =	stream.linear.gather [hbm4b:s9+s4], $0x200, $0x38;
	[tilespmem:$0x1F790] =	vst v63  }
0x85: {  	s31 =	sadd.s32 $0x0, s30  }
0x86: {  	[tilespmem:s14], [sflag:$0x6] =	stream.linear.gather [hbm4b:s31+s4], $0x200, $0x38;
	[tilespmem:$0x1F790] =	vst v63  }
0x87: {  	_ = 	snop  }
0x88: {  	[tilespmem:s8], [sflag:$0x1] =	stream.indirect.gather [hbm4b:s5+s15], $0x80, s4, s15, $0xb8;
	[tilespmem:$0x1F790] =	vst v63  }
0x89: {  	_ =	swait.ge [sflag:s16], $0x4000  }
0x8a: {  	[sflag:s16] =	ssyncset.done $0x0  }
0x8b: {  	[sflag:s16] =	ssyncadd.s32 $0xFFFFC000  }
0x8c: {  	[spmem:s1] =	stream.indirect.scatter.add.f32 [tilespmem:s8], [sflag:$0x3], $0x80, s2, s15, $0xb8;
	[tilespmem:$0x1F790] =	vst v63  }
0x8d: {  	_ = 	snop  }
0x8e: {  	[spmem:s3] =	stream.indirect.scatter.add.f32 [tilespmem:s17], [sflag:$0x7], $0x10, s2, s15, $0xb8;
	[tilespmem:$0x1F790] =	vst v63  }
0x8f: {  	_ = 	snop  }
0x90: {  	[tilespmem:s18], [sflag:$0x2] =	stream.indirect.gather [hbm4b:s5+s15], $0x80, s15, s15, $0xb8;
	[tilespmem:$0x1F790] =	vst v63  }
0x91: {  	_ =	swait.ge [sflag:s19], $0x4000  }
0x92: {  	[sflag:s19] =	ssyncset.done $0x0  }
0x93: {  	[sflag:s19] =	ssyncadd.s32 $0xFFFFC000  }
0x94: {  	[spmem:s1] =	stream.indirect.scatter.add.f32 [tilespmem:s18], [sflag:$0x4], $0x80, s20, s15, $0xb8;
	[tilespmem:$0x1F790] =	vst v63  }
0x95: {  	_ = 	snop  }
0x96: {  	[spmem:s3] =	stream.indirect.scatter.add.f32 [tilespmem:s17], [sflag:$0x7], $0x10, s20, s15, $0xb8;
	[tilespmem:$0x1F790] =	vst v63  }
0x97: {  	_ =	swait.ge [sflag:s10], $0x4000  }
0x98: {  	[sflag:s10] =	ssyncset.done $0x0  }
0x99: {  	s29 =	rddreg [dreg:$0x7];
	[sflag:s10] =	ssyncadd.s32 $0xFFFFC000  }
0x9a: {  	[tilespmem:s8], [sflag:$0x1] =	stream.indirect.gather [hbm4b:s5+s15], $0x80, s29, s15, $0xb8;
	[tilespmem:$0x1F790] =	vst v63  }
0x9b: {  	_ =	swait.ge [sflag:s16], $0x4000  }
0x9c: {  	[sflag:s16] =	ssyncset.done $0x0  }
0x9d: {  	[sflag:s16] =	ssyncadd.s32 $0xFFFFC000  }
0x9e: {  	[spmem:s1] =	stream.indirect.scatter.add.f32 [tilespmem:s8], [sflag:$0x3], $0x80, s0, s15, $0xb8;
	[tilespmem:$0x1F790] =	vst v63  }
0x9f: {  	_ = 	snop  }
0xa0: {  	[spmem:s3] =	stream.indirect.scatter.add.f32 [tilespmem:s17], [sflag:$0x7], $0x10, s0, s15, $0xb8;
	[tilespmem:$0x1F790] =	vst v63  }
0xa1: {  	_ =	swait.ge [sflag:s21], $0x4000  }
0xa2: {  	[sflag:s21] =	ssyncset.done $0x0  }
0xa3: {  	s31 =	rddreg [dreg:$0x8];
	[sflag:s21] =	ssyncadd.s32 $0xFFFFC000  }
0xa4: {  	[tilespmem:s18], [sflag:$0x2] =	stream.indirect.gather [hbm4b:s5+s15], $0x80, s31, s15, $0xb8;
	[tilespmem:$0x1F790] =	vst v63  }
0xa5: {  	_ =	swait.ge [sflag:s19], $0x4000  }
0xa6: {  	[sflag:s19] =	ssyncset.done $0x0  }
0xa7: {  	[sflag:s19] =	ssyncadd.s32 $0xFFFFC000  }
0xa8: {  	[spmem:s1] =	stream.indirect.scatter.add.f32 [tilespmem:s18], [sflag:$0x4], $0x80, s22, s15, $0xb8;
	[tilespmem:$0x1F790] =	vst v63  }
0xa9: {  	_ = 	snop  }
0xaa: {  	[spmem:s3] =	stream.indirect.scatter.add.f32 [tilespmem:s17], [sflag:$0x7], $0x10, s22, s15, $0xb8;
	[tilespmem:$0x1F790] =	vst v63  }
0xab: {  	_ =	swait.ge [sflag:s23], $0x200  }
0xac: {  	[sflag:s23] =	ssyncset.done $0x0  }
0xad: {  	[sflag:s23] =	ssyncadd.s32 $0xFFFFFE00  }
0xae: {  	_ =	swait.ge [sflag:s23], $0x200  }
0xaf: {  	[sflag:s23] =	ssyncset.done $0x0  }
0xb0: {  	[sflag:s23] =	ssyncadd.s32 $0xFFFFFE00  }
0xb1: {  	_ =	swait.ge [sflag:s10], $0x4000  }
0xb2: {  	[sflag:s10] =	ssyncset.done $0x0  }
0xb3: {  	[sflag:s10] =	ssyncadd.s32 $0xFFFFC000  }
0xb4: {  	[tilespmem:s8], [sflag:$0x1] =	stream.indirect.gather [hbm4b:s5+s15], $0x80, s12, s15, $0xb8;
	[tilespmem:$0x1F790] =	vst v63  }
0xb5: {  	_ =	swait.ge [sflag:s16], $0x4000  }
0xb6: {  	[sflag:s16] =	ssyncset.done $0x0  }
0xb7: {  	[sflag:s16] =	ssyncadd.s32 $0xFFFFC000  }
0xb8: {  	[spmem:s1] =	stream.indirect.scatter.add.f32 [tilespmem:s8], [sflag:$0x3], $0x80, s14, s15, $0xb8;
	[tilespmem:$0x1F790] =	vst v63  }
0xb9: {  	_ = 	snop  }
0xba: {  	[spmem:s3] =	stream.indirect.scatter.add.f32 [tilespmem:s17], [sflag:$0x7], $0x10, s14, s15, $0xb8;
	[tilespmem:$0x1F790] =	vst v63  }
0xbb: {  	_ =	swait.ge [sflag:s21], $0x4000  }
0xbc: {  	[sflag:s21] =	ssyncset.done $0x0  }
0xbd: {  	s29 =	rddreg [dreg:$0x9];
	[sflag:s21] =	ssyncadd.s32 $0xFFFFC000  }
0xbe: {  	[tilespmem:s18], [sflag:$0x2] =	stream.indirect.gather [hbm4b:s5+s15], $0x80, s29, s15, $0xb8;
	[tilespmem:$0x1F790] =	vst v63  }
0xbf: {  	_ =	swait.ge [sflag:s19], $0x4000  }
0xc0: {  	[sflag:s19] =	ssyncset.done $0x0  }
0xc1: {  	[sflag:s19] =	ssyncadd.s32 $0xFFFFC000  }
0xc2: {  	[spmem:s1] =	stream.indirect.scatter.add.f32 [tilespmem:s18], [sflag:$0x4], $0x80, s24, s15, $0xb8;
	[tilespmem:$0x1F790] =	vst v63  }
0xc3: {  	_ = 	snop  }
0xc4: {  	[spmem:s3] =	stream.indirect.scatter.add.f32 [tilespmem:s17], [sflag:$0x7], $0x10, s24, s15, $0xb8;
	[tilespmem:$0x1F790] =	vst v63  }
0xc5: {  	_ =	swait.ge [sflag:s10], $0x4000  }
0xc6: {  	[sflag:s10] =	ssyncset.done $0x0  }
0xc7: {  	s31 =	rddreg [dreg:$0xa];
	[sflag:s10] =	ssyncadd.s32 $0xFFFFC000  }
0xc8: {  	[tilespmem:s8], [sflag:$0x1] =	stream.indirect.gather [hbm4b:s5+s15], $0x80, s31, s15, $0xb8;
	[tilespmem:$0x1F790] =	vst v63  }
0xc9: {  	_ =	swait.ge [sflag:s16], $0x4000  }
0xca: {  	[sflag:s16] =	ssyncset.done $0x0  }
0xcb: {  	[sflag:s16] =	ssyncadd.s32 $0xFFFFC000  }
0xcc: {  	[spmem:s1] =	stream.indirect.scatter.add.f32 [tilespmem:s8], [sflag:$0x3], $0x80, s25, s15, $0xb8;
	[tilespmem:$0x1F790] =	vst v63  }
0xcd: {  	_ = 	snop  }
0xce: {  	[spmem:s3] =	stream.indirect.scatter.add.f32 [tilespmem:s17], [sflag:$0x7], $0x10, s25, s15, $0xb8;
	[tilespmem:$0x1F790] =	vst v63  }
0xcf: {  	_ =	swait.ge [sflag:s21], $0x4000  }
0xd0: {  	[sflag:s21] =	ssyncset.done $0x0  }
0xd1: {  	s29 =	rddreg [dreg:$0xb];
	[sflag:s21] =	ssyncadd.s32 $0xFFFFC000  }
0xd2: {  	[tilespmem:s18], [sflag:$0x2] =	stream.indirect.gather [hbm4b:s5+s15], $0x80, s29, s15, $0xb8;
	[tilespmem:$0x1F790] =	vst v63  }
0xd3: {  	_ =	swait.ge [sflag:s19], $0x4000  }
0xd4: {  	[sflag:s19] =	ssyncset.done $0x0;
	s31 =	rddreg [dreg:$0x6]  }
0xd5: {  	[sflag:s19] =	ssyncadd.s32 $0xFFFFC000;
	s9 =	sadd.s32 $0x0, s31  }
0xd6: {  	[spmem:s1] =	stream.indirect.scatter.add.f32 [tilespmem:s18], [sflag:$0x4], $0x80, s26, s15, $0xb8;
	[tilespmem:$0x1F790] =	vst v63  }
0xd7: {  	p0 =	seq.s32 s9, $0xA000;
	s9 =	sadd.s32 $0x80, s13  }
0xd8: {  	s9 =	simm.s32 @p0 $0x0  }
0xd9: {  	[spmem:s3] =	stream.indirect.scatter.add.f32 [tilespmem:s17], [sflag:$0x7], $0x10, s26, s15, $0xb8;
	[tilespmem:$0x1F790] =	vst v63  }
0xda: {  	s30 =	sadd.s32 s6, s9  }
0xdb: {  	[tilespmem:s4], [sflag:$0x5] =	stream.linear.gather [hbm4b:s30+s4], $0x200, $0x38;
	[tilespmem:$0x1F790] =	vst v63  }
0xdc: {  	s9 =	sadd.s32 s7, s9  }
0xdd: {  	[tilespmem:s2], [sflag:$0x5] =	stream.linear.gather [hbm4b:s9+s4], $0x200, $0x38;
	[tilespmem:$0x1F790] =	vst v63  }
0xde: {  	_ =	swait.ge [sflag:s10], $0x4000  }
0xdf: {  	[sflag:s10] =	ssyncset.done $0x0  }
0xe0: {  	[sflag:s10] =	ssyncadd.s32 $0xFFFFC000  }
0xe1: {  	_ =	swait.ge [sflag:s21], $0x4000  }
0xe2: {  	[sflag:s21] =	ssyncset.done $0x0  }
0xe3: {  	[sflag:s21] =	ssyncadd.s32 $0xFFFFC000  }
0xe4: {  	_ =	swait.ge [sflag:s28], $0x800  }
0xe5: {  	[sflag:s28] =	ssyncset.done $0x0  }
0xe6: {  	[sflag:s28] =	ssyncadd.s32 $0xFFFFF800  }
0xe7: {  	_ =	swait.ge [sflag:s28], $0x800  }
0xe8: {  	[sflag:s28] =	ssyncset.done $0x0  }
0xe9: {  	[sflag:s28] =	ssyncadd.s32 $0xFFFFF800  }
0xea: {  	_ =	swait.ge [sflag:s28], $0x800  }
0xeb: {  	[sflag:s28] =	ssyncset.done $0x0  }
0xec: {  	[sflag:s28] =	ssyncadd.s32 $0xFFFFF800  }
0xed: {  	_ =	swait.ge [sflag:s28], $0x800  }
0xee: {  	[sflag:s28] =	ssyncset.done $0x0  }
0xef: {  	[sflag:s28] =	ssyncadd.s32 $0xFFFFF800  }
0xf0: {  	_ =	swait.ge [sflag:s28], $0x800  }
0xf1: {  	[sflag:s28] =	ssyncset.done $0x0  }
0xf2: {  	[sflag:s28] =	ssyncadd.s32 $0xFFFFF800  }
0xf3: {  	_ =	swait.ge [sflag:s28], $0x800  }
0xf4: {  	[sflag:s28] =	ssyncset.done $0x0  }
0xf5: {  	[sflag:s28] =	ssyncadd.s32 $0xFFFFF800  }
0xf6: {  	_ =	swait.ge [sflag:s28], $0x800  }
0xf7: {  	[sflag:s28] =	ssyncset.done $0x0  }
0xf8: {  	s30 =	simm.s32 $0x80;
	[sflag:s28] =	ssyncadd.s32 $0xFFFFF800  }
.LBB2_6:
0xf9: {  	_ =	swait.ge [sflag:s28], $0x800  }
0xfa: {  	[sflag:s28] =	ssyncset.done $0x0  }
0xfb: {  	[sflag:s28] =	ssyncadd.s32 $0xFFFFF800  }
0xfc: {  	_ =	swait.ge [sflag:s11], $0x200  }
0xfd: {  	[sflag:s11] =	ssyncset.done $0x0  }
0xfe: {  	[sflag:s11] =	ssyncadd.s32 $0xFFFFFE00  }
0xff: {  	_ =	swait.ge [sflag:s11], $0x200  }
0x100: {  	s31 =	smov.u32 s30;
	s9 =	rddreg [dreg:$0x4];
	[sflag:s11] =	ssyncset.done $0x0  }
0x101: {  	s29 =	rddreg [dreg:$0x5];
	[sflag:s11] =	ssyncadd.s32 $0xFFFFFE00;
	s9 =	sadd.s32 s31, s9  }
0x102: {  	[tilespmem:s12], [sflag:$0x6] =	stream.linear.gather [hbm4b:s9+s4], $0x200, $0x38;
	[tilespmem:$0x1F790] =	vst v63  }
0x103: {  	s29 =	sadd.s32 s31, s29  }
0x104: {  	[tilespmem:s14], [sflag:$0x6] =	stream.linear.gather [hbm4b:s29+s4], $0x200, $0x38;
	[tilespmem:$0x1F790] =	vst v63  }
0x105: {  	_ = 	snop  }
0x106: {  	[tilespmem:s8], [sflag:$0x1] =	stream.indirect.gather [hbm4b:s5+s15], $0x80, s4, s15, $0xb8;
	[tilespmem:$0x1F790] =	vst v63  }
0x107: {  	_ =	swait.ge [sflag:s16], $0x4000  }
0x108: {  	[sflag:s16] =	ssyncset.done $0x0  }
0x109: {  	[sflag:s16] =	ssyncadd.s32 $0xFFFFC000  }
0x10a: {  	[spmem:s1] =	stream.indirect.scatter.add.f32 [tilespmem:s8], [sflag:$0x3], $0x80, s2, s15, $0xb8;
	[tilespmem:$0x1F790] =	vst v63  }
0x10b: {  	_ = 	snop  }
0x10c: {  	[spmem:s3] =	stream.indirect.scatter.add.f32 [tilespmem:s17], [sflag:$0x7], $0x10, s2, s15, $0xb8;
	[tilespmem:$0x1F790] =	vst v63  }
0x10d: {  	_ = 	snop  }
0x10e: {  	[tilespmem:s18], [sflag:$0x2] =	stream.indirect.gather [hbm4b:s5+s15], $0x80, s15, s15, $0xb8;
	[tilespmem:$0x1F790] =	vst v63  }
0x10f: {  	_ =	swait.ge [sflag:s19], $0x4000  }
0x110: {  	[sflag:s19] =	ssyncset.done $0x0  }
0x111: {  	[sflag:s19] =	ssyncadd.s32 $0xFFFFC000  }
0x112: {  	[spmem:s1] =	stream.indirect.scatter.add.f32 [tilespmem:s18], [sflag:$0x4], $0x80, s20, s15, $0xb8;
	[tilespmem:$0x1F790] =	vst v63  }
0x113: {  	_ = 	snop  }
0x114: {  	[spmem:s3] =	stream.indirect.scatter.add.f32 [tilespmem:s17], [sflag:$0x7], $0x10, s20, s15, $0xb8;
	[tilespmem:$0x1F790] =	vst v63  }
0x115: {  	_ =	swait.ge [sflag:s10], $0x4000  }
0x116: {  	[sflag:s10] =	ssyncset.done $0x0  }
0x117: {  	s29 =	rddreg [dreg:$0x7];
	[sflag:s10] =	ssyncadd.s32 $0xFFFFC000  }
0x118: {  	[tilespmem:s8], [sflag:$0x1] =	stream.indirect.gather [hbm4b:s5+s15], $0x80, s29, s15, $0xb8;
	[tilespmem:$0x1F790] =	vst v63  }
0x119: {  	_ =	swait.ge [sflag:s16], $0x4000  }
0x11a: {  	[sflag:s16] =	ssyncset.done $0x0  }
0x11b: {  	[sflag:s16] =	ssyncadd.s32 $0xFFFFC000  }
0x11c: {  	[spmem:s1] =	stream.indirect.scatter.add.f32 [tilespmem:s8], [sflag:$0x3], $0x80, s0, s15, $0xb8;
	[tilespmem:$0x1F790] =	vst v63  }
0x11d: {  	_ = 	snop  }
0x11e: {  	[spmem:s3] =	stream.indirect.scatter.add.f32 [tilespmem:s17], [sflag:$0x7], $0x10, s0, s15, $0xb8;
	[tilespmem:$0x1F790] =	vst v63  }
0x11f: {  	_ =	swait.ge [sflag:s21], $0x4000  }
0x120: {  	[sflag:s21] =	ssyncset.done $0x0  }
0x121: {  	s29 =	rddreg [dreg:$0x8];
	[sflag:s21] =	ssyncadd.s32 $0xFFFFC000  }
0x122: {  	[tilespmem:s18], [sflag:$0x2] =	stream.indirect.gather [hbm4b:s5+s15], $0x80, s29, s15, $0xb8;
	[tilespmem:$0x1F790] =	vst v63  }
0x123: {  	_ =	swait.ge [sflag:s19], $0x4000  }
0x124: {  	[sflag:s19] =	ssyncset.done $0x0  }
0x125: {  	[sflag:s19] =	ssyncadd.s32 $0xFFFFC000  }
0x126: {  	[spmem:s1] =	stream.indirect.scatter.add.f32 [tilespmem:s18], [sflag:$0x4], $0x80, s22, s15, $0xb8;
	[tilespmem:$0x1F790] =	vst v63  }
0x127: {  	_ = 	snop  }
0x128: {  	[spmem:s3] =	stream.indirect.scatter.add.f32 [tilespmem:s17], [sflag:$0x7], $0x10, s22, s15, $0xb8;
	[tilespmem:$0x1F790] =	vst v63  }
0x129: {  	_ =	swait.ge [sflag:s23], $0x200  }
0x12a: {  	[sflag:s23] =	ssyncset.done $0x0  }
0x12b: {  	[sflag:s23] =	ssyncadd.s32 $0xFFFFFE00  }
0x12c: {  	_ =	swait.ge [sflag:s23], $0x200  }
0x12d: {  	[sflag:s23] =	ssyncset.done $0x0  }
0x12e: {  	[sflag:s23] =	ssyncadd.s32 $0xFFFFFE00  }
0x12f: {  	_ =	swait.ge [sflag:s10], $0x4000  }
0x130: {  	[sflag:s10] =	ssyncset.done $0x0  }
0x131: {  	[sflag:s10] =	ssyncadd.s32 $0xFFFFC000  }
0x132: {  	[tilespmem:s8], [sflag:$0x1] =	stream.indirect.gather [hbm4b:s5+s15], $0x80, s12, s15, $0xb8;
	[tilespmem:$0x1F790] =	vst v63  }
0x133: {  	_ =	swait.ge [sflag:s16], $0x4000  }
0x134: {  	[sflag:s16] =	ssyncset.done $0x0  }
0x135: {  	[sflag:s16] =	ssyncadd.s32 $0xFFFFC000  }
0x136: {  	[spmem:s1] =	stream.indirect.scatter.add.f32 [tilespmem:s8], [sflag:$0x3], $0x80, s14, s15, $0xb8;
	[tilespmem:$0x1F790] =	vst v63  }
0x137: {  	_ = 	snop  }
0x138: {  	[spmem:s3] =	stream.indirect.scatter.add.f32 [tilespmem:s17], [sflag:$0x7], $0x10, s14, s15, $0xb8;
	[tilespmem:$0x1F790] =	vst v63  }
0x139: {  	_ =	swait.ge [sflag:s21], $0x4000  }
0x13a: {  	[sflag:s21] =	ssyncset.done $0x0  }
0x13b: {  	s29 =	rddreg [dreg:$0x9];
	[sflag:s21] =	ssyncadd.s32 $0xFFFFC000  }
0x13c: {  	[tilespmem:s18], [sflag:$0x2] =	stream.indirect.gather [hbm4b:s5+s15], $0x80, s29, s15, $0xb8;
	[tilespmem:$0x1F790] =	vst v63  }
0x13d: {  	_ =	swait.ge [sflag:s19], $0x4000  }
0x13e: {  	[sflag:s19] =	ssyncset.done $0x0  }
0x13f: {  	[sflag:s19] =	ssyncadd.s32 $0xFFFFC000  }
0x140: {  	[spmem:s1] =	stream.indirect.scatter.add.f32 [tilespmem:s18], [sflag:$0x4], $0x80, s24, s15, $0xb8;
	[tilespmem:$0x1F790] =	vst v63  }
0x141: {  	_ = 	snop  }
0x142: {  	[spmem:s3] =	stream.indirect.scatter.add.f32 [tilespmem:s17], [sflag:$0x7], $0x10, s24, s15, $0xb8;
	[tilespmem:$0x1F790] =	vst v63  }
0x143: {  	_ =	swait.ge [sflag:s10], $0x4000  }
0x144: {  	[sflag:s10] =	ssyncset.done $0x0  }
0x145: {  	s29 =	rddreg [dreg:$0xa];
	[sflag:s10] =	ssyncadd.s32 $0xFFFFC000  }
0x146: {  	[tilespmem:s8], [sflag:$0x1] =	stream.indirect.gather [hbm4b:s5+s15], $0x80, s29, s15, $0xb8;
	[tilespmem:$0x1F790] =	vst v63  }
0x147: {  	_ =	swait.ge [sflag:s16], $0x4000  }
0x148: {  	[sflag:s16] =	ssyncset.done $0x0  }
0x149: {  	[sflag:s16] =	ssyncadd.s32 $0xFFFFC000  }
0x14a: {  	[spmem:s1] =	stream.indirect.scatter.add.f32 [tilespmem:s8], [sflag:$0x3], $0x80, s25, s15, $0xb8;
	[tilespmem:$0x1F790] =	vst v63  }
0x14b: {  	_ = 	snop  }
0x14c: {  	[spmem:s3] =	stream.indirect.scatter.add.f32 [tilespmem:s17], [sflag:$0x7], $0x10, s25, s15, $0xb8;
	[tilespmem:$0x1F790] =	vst v63  }
0x14d: {  	_ =	swait.ge [sflag:s21], $0x4000  }
0x14e: {  	[sflag:s21] =	ssyncset.done $0x0  }
0x14f: {  	s29 =	rddreg [dreg:$0xb];
	[sflag:s21] =	ssyncadd.s32 $0xFFFFC000  }
0x150: {  	[tilespmem:s18], [sflag:$0x2] =	stream.indirect.gather [hbm4b:s5+s15], $0x80, s29, s15, $0xb8;
	[tilespmem:$0x1F790] =	vst v63  }
0x151: {  	_ =	swait.ge [sflag:s19], $0x4000  }
0x152: {  	p0 =	sne.s32 s30, $0x480;
	[sflag:s19] =	ssyncset.done $0x0;
	s29 =	rddreg [dreg:$0x6]  }
0x153: {  	s30 =	sadd.s32 $0x80, s30;
	[sflag:s19] =	ssyncadd.s32 $0xFFFFC000;
	s9 =	sadd.s32 s31, s29  }
0x154: {  	[spmem:s1] =	stream.indirect.scatter.add.f32 [tilespmem:s18], [sflag:$0x4], $0x80, s26, s15, $0xb8;
	[tilespmem:$0x1F790] =	vst v63  }
0x155: {  	p1 =	seq.s32 s9, $0xA000;
	s9 =	sadd.s32 s13, s30  }
0x156: {  	s9 =	simm.s32 @p1 $0x0  }
0x157: {  	[spmem:s3] =	stream.indirect.scatter.add.f32 [tilespmem:s17], [sflag:$0x7], $0x10, s26, s15, $0xb8;
	[tilespmem:$0x1F790] =	vst v63  }
0x158: {  	s31 =	sadd.s32 s6, s9  }
0x159: {  	[tilespmem:s4], [sflag:$0x5] =	stream.linear.gather [hbm4b:s31+s4], $0x200, $0x38;
	[tilespmem:$0x1F790] =	vst v63  }
0x15a: {  	s9 =	sadd.s32 s7, s9  }
0x15b: {  	[tilespmem:s2], [sflag:$0x5] =	stream.linear.gather [hbm4b:s9+s4], $0x200, $0x38;
	[tilespmem:$0x1F790] =	vst v63  }
0x15c: {  	_ =	swait.ge [sflag:s10], $0x4000  }
0x15d: {  	[sflag:s10] =	ssyncset.done $0x0  }
0x15e: {  	[sflag:s10] =	ssyncadd.s32 $0xFFFFC000  }
0x15f: {  	_ =	swait.ge [sflag:s21], $0x4000  }
0x160: {  	[sflag:s21] =	ssyncset.done $0x0  }
0x161: {  	[sflag:s21] =	ssyncadd.s32 $0xFFFFC000  }
0x162: {  	_ =	swait.ge [sflag:s28], $0x800  }
0x163: {  	[sflag:s28] =	ssyncset.done $0x0  }
0x164: {  	[sflag:s28] =	ssyncadd.s32 $0xFFFFF800  }
0x165: {  	_ =	swait.ge [sflag:s28], $0x800  }
0x166: {  	[sflag:s28] =	ssyncset.done $0x0  }
0x167: {  	[sflag:s28] =	ssyncadd.s32 $0xFFFFF800  }
0x168: {  	_ =	swait.ge [sflag:s28], $0x800  }
0x169: {  	[sflag:s28] =	ssyncset.done $0x0  }
0x16a: {  	[sflag:s28] =	ssyncadd.s32 $0xFFFFF800  }
0x16b: {  	_ =	swait.ge [sflag:s28], $0x800  }
0x16c: {  	[sflag:s28] =	ssyncset.done $0x0  }
0x16d: {  	[sflag:s28] =	ssyncadd.s32 $0xFFFFF800  }
0x16e: {  	_ =	swait.ge [sflag:s28], $0x800  }
0x16f: {  	[sflag:s28] =	ssyncset.done $0x0  }
0x170: {  	[sflag:s28] =	ssyncadd.s32 $0xFFFFF800  }
0x171: {  	_ =	swait.ge [sflag:s28], $0x800  }
.Ltmp2:
0x172: {  	[sflag:s28] =	ssyncset.done $0x0;
	(pc) =	sbr.rel @p0 .LBB2_6-.Ltmp2, $4  }
0x173: {  	[sflag:s28] =	ssyncadd.s32 $0xFFFFF800  }
0x174: {  	_ =	swait.ge [sflag:s28], $0x800  }
0x175: {  	[sflag:s28] =	ssyncset.done $0x0  }
0x176: {  	[sflag:s28] =	ssyncadd.s32 $0xFFFFF800  }
0x177: {  	_ =	swait.ge [sflag:s28], $0x800  }
0x178: {  	[sflag:s28] =	ssyncset.done $0x0  }
0x179: {  	[sflag:s28] =	ssyncadd.s32 $0xFFFFF800  }
0x17a: {  	_ =	swait.ge [sflag:s11], $0x200  }
0x17b: {  	[sflag:s11] =	ssyncset.done $0x0  }
0x17c: {  	[sflag:s11] =	ssyncadd.s32 $0xFFFFFE00  }
0x17d: {  	_ =	swait.ge [sflag:s11], $0x200  }
0x17e: {  	[sflag:s11] =	ssyncset.done $0x0  }
0x17f: {  	[sflag:s11] =	ssyncadd.s32 $0xFFFFFE00  }
0x180: {  	s9 =	stileid.u32;
	[bflag:$0x0] =	sbarrier.arrive $0xFFFF  }
0x181: {  	s9 =	sshll.u32 s9, $0x6;
	s29 =	rddreg [dreg:$0x18]  }
0x182: {  	s9 =	sor.u32 $0x1C04, s9;
	s30 =	rddreg [dreg:$0xe];
	s29 =	sshrl.u32 s29, $0x3  }
0x183: {  	[hbm:s30], [sflag:s9] =	dma.local [spmem:s29], $0x800  }
0x184: {  	s29 =	rddreg [dreg:$0x19]  }
0x185: {  	s30 =	rddreg [dreg:$0x13];
	s29 =	sshrl.u32 s29, $0x3  }
0x186: {  	[hbm:s30], [sflag:s9] =	dma.local [spmem:s29], $0x100  }
0x187: {  	s29 =	rddreg [dreg:$0x1a]  }
0x188: {  	s30 =	rddreg [dreg:$0xf];
	s29 =	sshrl.u32 s29, $0x3  }
0x189: {  	[hbm:s30], [sflag:s9] =	dma.local [spmem:s29], $0x800  }
0x18a: {  	s29 =	rddreg [dreg:$0x1b]  }
0x18b: {  	s30 =	rddreg [dreg:$0x14];
	s29 =	sshrl.u32 s29, $0x3  }
0x18c: {  	[hbm:s30], [sflag:s9] =	dma.local [spmem:s29], $0x100  }
0x18d: {  	s29 =	rddreg [dreg:$0x1c]  }
0x18e: {  	s30 =	rddreg [dreg:$0x10];
	s29 =	sshrl.u32 s29, $0x3  }
0x18f: {  	[hbm:s30], [sflag:s9] =	dma.local [spmem:s29], $0x800  }
0x190: {  	s29 =	rddreg [dreg:$0x1d]  }
0x191: {  	s30 =	rddreg [dreg:$0x15];
	s29 =	sshrl.u32 s29, $0x3  }
0x192: {  	[hbm:s30], [sflag:s9] =	dma.local [spmem:s29], $0x100  }
0x193: {  	s29 =	rddreg [dreg:$0x1e]  }
0x194: {  	s30 =	rddreg [dreg:$0x11];
	s29 =	sshrl.u32 s29, $0x3  }
0x195: {  	[hbm:s30], [sflag:s9] =	dma.local [spmem:s29], $0x800  }
0x196: {  	s29 =	rddreg [dreg:$0x1f]  }
0x197: {  	s30 =	rddreg [dreg:$0x16];
	s29 =	sshrl.u32 s29, $0x3  }
0x198: {  	[hbm:s30], [sflag:s9] =	dma.local [spmem:s29], $0x100  }
0x199: {  	s29 =	sld [smem:$0x7FB];
	_ =	sdelay $0x2  }
0x19a: {  	s30 =	rddreg [dreg:$0x12];
	s29 =	sshrl.u32 s29, $0x3  }
0x19b: {  	[hbm:s30], [sflag:s9] =	dma.local [spmem:s29], $0x710  }
0x19c: {  	s29 =	sld [smem:$0x7FC];
	_ =	sdelay $0x2  }
0x19d: {  	s30 =	rddreg [dreg:$0x17];
	s29 =	sshrl.u32 s29, $0x3  }
0x19e: {  	[hbm:s30], [sflag:s9] =	dma.local [spmem:s29], $0xE2  }
0x19f: {  	_ =	swait.ge [sflag:s21], $0x800  }
0x1a0: {  	[sflag:s21] =	ssyncset.done $0x0  }
0x1a1: {  	[sflag:s21] =	ssyncadd.s32 $0xFFFFF800  }
0x1a2: {  	_ =	swait.ge [sflag:s21], $0x100  }
0x1a3: {  	[sflag:s21] =	ssyncset.done $0x0  }
0x1a4: {  	[sflag:s21] =	ssyncadd.s32 $0xFFFFFF00  }
0x1a5: {  	_ =	swait.ge [sflag:s21], $0x800  }
0x1a6: {  	[sflag:s21] =	ssyncset.done $0x0  }
0x1a7: {  	[sflag:s21] =	ssyncadd.s32 $0xFFFFF800  }
0x1a8: {  	_ =	swait.ge [sflag:s21], $0x100  }
0x1a9: {  	[sflag:s21] =	ssyncset.done $0x0  }
0x1aa: {  	[sflag:s21] =	ssyncadd.s32 $0xFFFFFF00  }
0x1ab: {  	_ =	swait.ge [sflag:s21], $0x800  }
0x1ac: {  	[sflag:s21] =	ssyncset.done $0x0  }
0x1ad: {  	[sflag:s21] =	ssyncadd.s32 $0xFFFFF800  }
0x1ae: {  	_ =	swait.ge [sflag:s21], $0x100  }
0x1af: {  	[sflag:s21] =	ssyncset.done $0x0  }
0x1b0: {  	[sflag:s21] =	ssyncadd.s32 $0xFFFFFF00  }
0x1b1: {  	_ =	swait.ge [sflag:s21], $0x800  }
0x1b2: {  	[sflag:s21] =	ssyncset.done $0x0  }
0x1b3: {  	[sflag:s21] =	ssyncadd.s32 $0xFFFFF800  }
0x1b4: {  	_ =	swait.ge [sflag:s21], $0x100  }
0x1b5: {  	[sflag:s21] =	ssyncset.done $0x0  }
0x1b6: {  	[sflag:s21] =	ssyncadd.s32 $0xFFFFFF00  }
0x1b7: {  	_ =	swait.ge [sflag:s21], $0x710  }
0x1b8: {  	[sflag:s21] =	ssyncset.done $0x0  }
0x1b9: {  	[sflag:s21] =	ssyncadd.s32 $0xFFFFF8F0  }
0x1ba: {  	_ =	swait.ge [sflag:s21], $0xE2  }
0x1bb: {  	s29 =	sld [smem:$0x7FA]  }
0x1bc: {  	s31 =	sld [smem:$0x7FD];
	_ =	sdelay $0x1  }
0x1bd: {  	s29 =	sadd.s32 $0x1, s29  }
0x1be: {  	p0 =	sne.s32 s29, s31  }
.Ltmp3:
0x1bf: {  	_ = 	snop;
	(pc) =	sbr.rel @p0 .LBB2_1-.Ltmp3, $3  }
0x1c0: {  	_ =	sdelay $0x1  }
0x1c1: {  	[sflag:s21] =	ssyncset.done $0x0  }
0x1c2: {  	[sflag:s21] =	ssyncadd.s32 $0xFFFFFF1E  }
0x1c3: {  	_ =	sfence.sel $0x180000  }
0x1c4: {  	[bflag:$0x0] =	sbarrier.arrive $0xFFFF  }
0x1c5: {  	_ =	strace $0x90000047  }
0x1c6: {  	s0 =	stileid.u32;
	[bflag:$0x2] =	sbarrier.arrive $0xFFFF  }
0x1c7: {  	p0 =	sne.s32 s0, $0x0;
	s0 =	rddreg [dreg:$0x3]  }
0x1c8: {  	s0 =	sadd.s32 @!p0 $0x100000, s0  }
0x1c9: {  	[sflag:s0] =	ssyncadd.tile.s32 @!p0 $0x1;
	_ =	shalt  }
.Lfunc_end2:
_tile_overlayer_lowered:
.L_overlay_start_2:
0x1ca: {  	(tag) =	ssettag $0x2  }
0x1cb: {  	s0 =	rddreg [dreg:$0x0];
	s2 =	stileid.u32  }
0x1cc: {  	s1 =	rddreg [dreg:$0x1];
	p0 =	sne.s32 s2, $0x0  }
0x1cd: {  	s3 =	rddreg [dreg:$0x2];
	[bflag:$0x3] =	sbarrier.arrive $0xFFFF;
	s2 =	simm.s32 @!p0 $0x1C08  }
0x1ce: {  	[timem:s3], [sflag:s2] =	dma.local @!p0 [hbm:s0], s1  }
0x1cf: {  	s0 =	simm.s32 @!p0 $0x8  }
0x1d0: {  	_ =	swait.ge @!p0 [sflag:s0], s1  }
0x1d1: {  	s1 =	ssub.s32 @!p0 $0x0, s1;
	[sflag:s0] =	ssyncset.done @!p0 $0x0  }
0x1d2: {  	[sflag:s0] =	ssyncadd.s32 @!p0 s1  }
0x1d3: {  	[bflag:$0x3] =	sbarrier.arrive $0xFFFF  }
0x1d4: {  	_ =	shalt  }

</sc_bundles>
